<compile_context>
chip_gen: v7x
topology: tpu7x:2x2x1
jax: 0.10.2.dev20260603
libtpu: 0.0.44.dev20260713+nightly
codegen_flags: <defaults>
</compile_context>

<pallas_src>
import functools

import jax
import jax.numpy as jnp
from jax import lax
from jax.experimental import pallas as pl
from jax.experimental.pallas import tpu as pltpu
from jax.experimental.pallas import tpu_sc as plsc

NUM_EMB = 1000000
EMB_DIM = 64
BATCH = 16384

_info = plsc.get_sparse_core_info()
_NC, _NS = _info.num_cores, _info.num_subcores
_NW = _NC * _NS
_LT = 128
_TPW = 246
_CH = 256
_CHUNKS = _TPW // 2
_NGRP = BATCH // 16
_PAIR_CAP = BATCH + 16
_SENT = 0x7FFFFFF
_NSLOT = 4
_ISEC = 2048
_ROW_B = EMB_DIM * 4


def _body(idx_hbm, tt_hbm, tail_hbm, out_hbm, idx_v, pr_v, pb_v, cpr_v,
          cpb_v, buf0_v, buf1_v, buf2_v, stage_v, tmpb_v, tmpr_v, sem_t, sem_o):
    wid = lax.axis_index("s") * _NC + lax.axis_index("c")
    lo = wid * (_TPW * _LT)
    hi = jnp.minimum(lo + _TPW * _LT, NUM_EMB)
    lanes = lax.iota(jnp.int32, 16)

    def r0_of(k):
        return pl.multiple_of(lo + k * _CH, _LT)

    def start_copy(k, buf):
        r0 = r0_of(k)
        inrange = k < _CHUNKS
        is_full = inrange & ((r0 + _CH) <= NUM_EMB)
        is_strad = inrange & (r0 < NUM_EMB) & ((r0 + _CH) > NUM_EMB)

        @pl.when(is_full)
        def _():
            pltpu.async_copy(tt_hbm.at[:, pl.ds(r0, _CH)], buf, sem_t)

        @pl.when(is_strad)
        def _():
            pltpu.async_copy(tail_hbm, buf, sem_t)

    start_copy(0, buf0_v)
    start_copy(1, buf1_v)
    start_copy(2, buf2_v)

    M = jnp.int32(0)
    for sec in range(BATCH // _ISEC):
        pltpu.sync_copy(idx_hbm.at[pl.ds(sec * _ISEC, _ISEC)], idx_v)

        def p0(i, off, sec=sec):
            v = idx_v[pl.ds(i * 16, 16)]
            m = (v >= lo) & (v < hi)
            bv = sec * _ISEC + i * 16 + lanes
            pos = off + plsc.cumsum(jnp.where(m, 1, 0)) - 1
            plsc.store_scatter(pr_v, [pos], v, mask=m)
            plsc.store_scatter(pb_v, [pos], bv, mask=m)
            return jnp.max(pos) + 1

        M = lax.fori_loop(0, _ISEC // 16, p0, M)
    plsc.store_scatter(pr_v, [M + lanes], jnp.full((16,), _SENT, jnp.int32))
    ngr = (M + 15) // 16

    def p05_run(s, seg_v, off2):
        seg_v = jnp.where(lanes == s, off2, seg_v)

        def p05(g, off):
            v = pr_v[pl.ds(g * 16, 16)]
            sid = lax.shift_right_logical(v - lo, 11)
            m = sid == s
            bv = pb_v[pl.ds(g * 16, 16)]
            pos = off + plsc.cumsum(jnp.where(m, 1, 0)) - 1
            plsc.store_scatter(cpr_v, [pos], v, mask=m)
            plsc.store_scatter(cpb_v, [pos], bv, mask=m)
            return jnp.max(pos) + 1

        off2 = lax.fori_loop(0, ngr, p05, off2)
        plsc.store_scatter(cpr_v, [off2 + lanes],
                           jnp.full((16,), _SENT, jnp.int32))
        return seg_v, off2

    seg_v, off2 = p05_run(jnp.int32(0), jnp.zeros((16,), jnp.int32),
                          jnp.int32(0))

    def process(k, buf, carry, prefetch_k, pf_buf):
        bc, issued, drained, snap_v, seg_v, off2 = carry
        sc = lax.div(k, 8)
        seg_v, off2 = lax.cond(
            (lax.rem(k, 8) == 0) & (sc < 15),
            lambda sv, o2: p05_run(sc + 1, sv, o2),
            lambda sv, o2: (sv, o2), seg_v, off2)
        r0 = r0_of(k)
        valid = r0 < NUM_EMB
        is_strad = valid & ((r0 + _CH) > NUM_EMB)
        rbase = jnp.where(is_strad, NUM_EMB - _CH, r0)
        rhi = jnp.minimum(r0 + _CH, NUM_EMB)

        @pl.when(valid)
        def _():
            pltpu.make_async_copy(tt_hbm.at[:, pl.ds(0, _CH)], buf,
                                  sem_t).wait()

        gs = jnp.max(jnp.where(lanes == sc, seg_v, 0))
        ge = jnp.where(sc >= 15, off2,
                       jnp.max(jnp.where(lanes == sc + 1, seg_v, 0)))
        g0 = lax.div(gs, 16)
        g1 = lax.div(ge + 15, 16)

        def batch(g, bcarry):
            bc, issued, drained, snap_v = bcarry
            rv = cpr_v[pl.ds(g * 16, 16)]
            m = (rv >= r0) & (rv < rhi)
            bv = cpb_v[pl.ds(g * 16, 16)]
            slot = lax.rem(bc, _NSLOT)
            need = jnp.max(jnp.where(lanes == slot, snap_v, 0))
            ndr = jnp.maximum(need - drained, 0)

            def drain(j, _):
                pltpu.make_async_copy(out_hbm.at[pl.ds(0, EMB_DIM)],
                                      stage_v.at[0], sem_o).wait()
                return _

            lax.fori_loop(0, ndr, drain, jnp.int32(0))
            drained = drained + ndr

            csum = plsc.cumsum(jnp.where(m, 1, 0))
            pos = jnp.where(m, csum - 1, 15)
            hits = jnp.max(csum)
            plsc.store_scatter(tmpr_v, [pos], rv - rbase, mask=m)
            plsc.store_scatter(tmpb_v, [pos], bv, mask=m)
            tr_v = tmpr_v[pl.ds(0, 16)]
            tb_v = tmpb_v[pl.ds(0, 16)]

            def issue(j, _):
                rrj = jnp.max(jnp.where(lanes == j, tr_v, 0))
                b = jnp.max(jnp.where(lanes == j, tb_v, 0))
                row = jnp.full((16,), slot * 16, jnp.int32) + j
                rrs = jnp.full((16,), 0, jnp.int32) + rrj
                for q in range(EMB_DIM // 16):
                    cs = q * 16 + lanes
                    vals = plsc.load_gather(buf, [cs, rrs])
                    plsc.store_scatter(stage_v, [row, cs], vals)
                pltpu.async_copy(
                    stage_v.at[slot * 16 + j],
                    out_hbm.at[pl.ds(pl.multiple_of(b * EMB_DIM, 8),
                                     EMB_DIM)],
                    sem_o)
                return _

            lax.fori_loop(0, hits, issue, jnp.int32(0))
            issued = issued + hits
            snap_v = jnp.where(lanes == slot, issued, snap_v)
            return (bc + 1, issued, drained, snap_v)

        bc, issued, drained, snap_v = lax.fori_loop(
            jnp.where(valid, g0, 0), jnp.where(valid, g1, 0), batch,
            (bc, issued, drained, snap_v))
        if prefetch_k is not None:
            start_copy(prefetch_k, pf_buf)
        return (bc, issued, drained, snap_v, seg_v, off2)

    carry = (jnp.int32(0), jnp.int32(0), jnp.int32(0),
             jnp.zeros((16,), jnp.int32), seg_v, off2)
    def pairloop(g, carry):
        k0 = 3 * g
        carry = process(k0, buf0_v, carry, k0 + 3, buf0_v)
        carry = process(k0 + 1, buf1_v, carry, k0 + 4, buf1_v)
        carry = process(k0 + 2, buf2_v, carry, k0 + 5, buf2_v)
        return carry

    carry = lax.fori_loop(0, _CHUNKS // 3, pairloop, carry)

    _, issued, drained, _, _, _ = carry

    def fdrain(j, _):
        pltpu.make_async_copy(out_hbm.at[pl.ds(0, EMB_DIM)], stage_v.at[0],
                              sem_o).wait()
        return _

    lax.fori_loop(0, issued - drained, fdrain, jnp.int32(0))


@jax.jit
def kernel(indices, rules_weight):
    tt = rules_weight.T
    tail = lax.slice(rules_weight, (NUM_EMB - _CH, 0), (NUM_EMB, EMB_DIM)).T
    mesh = plsc.VectorSubcoreMesh(core_axis_name="c", subcore_axis_name="s")
    k = functools.partial(
        pl.kernel,
        mesh=mesh,
        compiler_params=pltpu.CompilerParams(needs_layout_passes=False),
        out_type=jax.ShapeDtypeStruct((BATCH * EMB_DIM,), jnp.float32),
        scratch_types=[
            pltpu.VMEM((_ISEC,), jnp.int32),
            pltpu.VMEM((_PAIR_CAP,), jnp.int32),
            pltpu.VMEM((_PAIR_CAP,), jnp.int32),
            pltpu.VMEM((_PAIR_CAP,), jnp.int32),
            pltpu.VMEM((_PAIR_CAP,), jnp.int32),
            pltpu.VMEM((EMB_DIM, _CH), jnp.float32),
            pltpu.VMEM((EMB_DIM, _CH), jnp.float32),
            pltpu.VMEM((EMB_DIM, _CH), jnp.float32),
            pltpu.VMEM((16 * _NSLOT, EMB_DIM), jnp.float32),
            pltpu.VMEM((16,), jnp.int32),
            pltpu.VMEM((16,), jnp.int32),
            pltpu.SemaphoreType.DMA,
            pltpu.SemaphoreType.DMA,
        ],
    )(_body)
    out = k(indices, tt, tail)
    return out.reshape(BATCH, EMB_DIM)

# --- scband reference (transcript-rebuilt; emitter-appended) ---
"""Pipeline reference for scband-rule-module-17008070492363 (READ-ONLY COPY).

The authoritative reference and input builder live on the scoring server;
editing this copy changes nothing except your own understanding.
"""

import jax, jax.numpy as jnp
import numpy as np

NUM_EMBEDDINGS = 10000 * 100  # n_tasks * n_rules
EMB_DIM = 64
BATCH = 16384


def setup_inputs(seed: int = 0) -> dict:
    key = jax.random.key(seed)
    k1, k2 = jax.random.split(key)
    indices = jax.random.randint(k1, (BATCH,), 0, NUM_EMBEDDINGS, dtype=jnp.int64 if jax.config.jax_enable_x64 else jnp.int32).astype(jnp.int32)
    rules_weight = jax.random.normal(k2, (NUM_EMBEDDINGS, EMB_DIM), dtype=jnp.float32)
    return {"indices": indices, "rules_weight": rules_weight}


def reference(indices, rules_weight):
    # RuleModule's core concrete computation: embedding lookup of rule embeddings
    # (torch.nn.Embedding(n_tasks * n_rules, rule_emb_size) applied to flat rule indices).
    return jnp.take(rules_weight, indices, axis=0)

if __name__ == "__main__":
    import jax
    _d = setup_inputs()
    print(jax.jit(kernel)(*tuple(_d.values())))

</pallas_src>

<mosaic_0001>
#map = affine_map<(d0, d1) -> (0)>
#map1 = affine_map<(d0, d1) -> (0, 0)>
module attributes {stable_mosaic.version = 14 : i64} {
  func.func @_body(%arg0: i32, %arg1: i32, %arg2: memref<16384xi32, #tpu.memory_space<hbm>>, %arg3: memref<64x1000000xf32, #tpu.memory_space<hbm>>, %arg4: memref<64x256xf32, #tpu.memory_space<hbm>>, %arg5: memref<1048576xf32, #tpu.memory_space<hbm>>, %arg6: memref<2048xi32, #tpu.memory_space<vmem>>, %arg7: memref<16400xi32, #tpu.memory_space<vmem>>, %arg8: memref<16400xi32, #tpu.memory_space<vmem>>, %arg9: memref<16400xi32, #tpu.memory_space<vmem>>, %arg10: memref<16400xi32, #tpu.memory_space<vmem>>, %arg11: memref<64x256xf32, #tpu.memory_space<vmem>>, %arg12: memref<64x256xf32, #tpu.memory_space<vmem>>, %arg13: memref<64x256xf32, #tpu.memory_space<vmem>>, %arg14: memref<64x64xf32, #tpu.memory_space<vmem>>, %arg15: memref<16xi32, #tpu.memory_space<vmem>>, %arg16: memref<16xi32, #tpu.memory_space<vmem>>, %arg17: memref<!tpu.dma_semaphore, #tpu.memory_space<semaphore_mem>>, %arg18: memref<!tpu.dma_semaphore, #tpu.memory_space<semaphore_mem>>) attributes {dimension_semantics = [#tpu.dimension_semantics<core_parallel>, #tpu.dimension_semantics<subcore_parallel>], iteration_bounds = array<i64: 2, 16>, scalar_prefetch = 0 : i64, scratch_operands = 13 : i64, tpu.core_type = #tpu.core_type<sc_vector_subcore>, window_params = [{transform_indices = #map}, {transform_indices = #map1}, {transform_indices = #map1}, {transform_indices = #map}]} {
    %mul3A = arith.constant 2 : i32
    %mul3A_0 = arith.muli %arg1, %mul3A : i32
    %add3A = arith.addi %mul3A_0, %arg0 : i32
    %mul3A_1 = arith.constant 31488 : i32
    %mul3A_2 = arith.muli %add3A, %mul3A_1 : i32
    %add3A_3 = arith.constant 31488 : i32
    %add3A_4 = arith.addi %mul3A_2, %add3A_3 : i32
    %min3A = arith.constant 1000000 : i32
    %min3A_5 = arith.minsi %add3A_4, %min3A : i32
    %iota3A = tpu.iota {dimensions = array<i32: 0>} : vector<16xi32>
    %add3A_6 = arith.constant 0 : i32
    %add3A_7 = arith.addi %mul3A_2, %add3A_6 : i32
    %multiple_of3A = tpu.assume_multiple %add3A_7, 128 : i32
    %add3A_8 = arith.constant 256 : i32
    %add3A_9 = arith.addi %multiple_of3A, %add3A_8 : i32
    %le3A = arith.constant 1000000 : i32
    %le3A_10 = arith.cmpi sle, %add3A_9, %le3A : i32
    %and3A = arith.constant true
    %and3A_11 = arith.andi %and3A, %le3A_10 : i1
    %lt3A = arith.constant 1000000 : i32
    %lt3A_12 = arith.cmpi slt, %multiple_of3A, %lt3A : i32
    %and3A_13 = arith.constant true
    %and3A_14 = arith.andi %and3A_13, %lt3A_12 : i1
    %add3A_15 = arith.constant 256 : i32
    %add3A_16 = arith.addi %multiple_of3A, %add3A_15 : i32
    %gt3A = arith.constant 1000000 : i32
    %gt3A_17 = arith.cmpi sgt, %add3A_16, %gt3A : i32
    %and3A_18 = arith.andi %and3A_14, %gt3A_17 : i1
    %convert_element_type3A = arith.extui %and3A_11 : i1 to i32
    %cond3A = arith.constant 0 : i32
    %cond3A_19 = arith.cmpi ne, %convert_element_type3A, %cond3A : i32
    scf.if %cond3A_19 {
      %dma_start3A = arith.constant 0 : i32
      %dma_start3A_186 = tpu.memref_slice %arg3[%dma_start3A, %multiple_of3A] : memref<64x1000000xf32, #tpu.memory_space<hbm>> -> memref<64x256xf32, #tpu.memory_space<hbm>>
      %dma_start3A_187 = arith.constant 0 : i32
      %dma_start3A_188 = tpu.memref_slice %arg3[%dma_start3A_187, %multiple_of3A] : memref<64x1000000xf32, #tpu.memory_space<hbm>> -> memref<64x256xf32, #tpu.memory_space<hbm>>
      tpu.enqueue_dma source(%dma_start3A_188 : memref<64x256xf32, #tpu.memory_space<hbm>>) target(%arg11 : memref<64x256xf32, #tpu.memory_space<vmem>>) target_semaphore(%arg17 : memref<!tpu.dma_semaphore, #tpu.memory_space<semaphore_mem>>)
    } else {
    }
    %convert_element_type3A_20 = arith.extui %and3A_18 : i1 to i32
    %cond3A_21 = arith.constant 0 : i32
    %cond3A_22 = arith.cmpi ne, %convert_element_type3A_20, %cond3A_21 : i32
    scf.if %cond3A_22 {
      tpu.enqueue_dma source(%arg4 : memref<64x256xf32, #tpu.memory_space<hbm>>) target(%arg11 : memref<64x256xf32, #tpu.memory_space<vmem>>) target_semaphore(%arg17 : memref<!tpu.dma_semaphore, #tpu.memory_space<semaphore_mem>>)
    } else {
    }
    %add3A_23 = arith.constant 256 : i32
    %add3A_24 = arith.addi %mul3A_2, %add3A_23 : i32
    %multiple_of3A_25 = tpu.assume_multiple %add3A_24, 128 : i32
    %add3A_26 = arith.constant 256 : i32
    %add3A_27 = arith.addi %multiple_of3A_25, %add3A_26 : i32
    %le3A_28 = arith.constant 1000000 : i32
    %le3A_29 = arith.cmpi sle, %add3A_27, %le3A_28 : i32
    %and3A_30 = arith.constant true
    %and3A_31 = arith.andi %and3A_30, %le3A_29 : i1
    %lt3A_32 = arith.constant 1000000 : i32
    %lt3A_33 = arith.cmpi slt, %multiple_of3A_25, %lt3A_32 : i32
    %and3A_34 = arith.constant true
    %and3A_35 = arith.andi %and3A_34, %lt3A_33 : i1
    %add3A_36 = arith.constant 256 : i32
    %add3A_37 = arith.addi %multiple_of3A_25, %add3A_36 : i32
    %gt3A_38 = arith.constant 1000000 : i32
    %gt3A_39 = arith.cmpi sgt, %add3A_37, %gt3A_38 : i32
    %and3A_40 = arith.andi %and3A_35, %gt3A_39 : i1
    %convert_element_type3A_41 = arith.extui %and3A_31 : i1 to i32
    %cond3A_42 = arith.constant 0 : i32
    %cond3A_43 = arith.cmpi ne, %convert_element_type3A_41, %cond3A_42 : i32
    scf.if %cond3A_43 {
      %dma_start3A = arith.constant 0 : i32
      %dma_start3A_186 = tpu.memref_slice %arg3[%dma_start3A, %multiple_of3A_25] : memref<64x1000000xf32, #tpu.memory_space<hbm>> -> memref<64x256xf32, #tpu.memory_space<hbm>>
      %dma_start3A_187 = arith.constant 0 : i32
      %dma_start3A_188 = tpu.memref_slice %arg3[%dma_start3A_187, %multiple_of3A_25] : memref<64x1000000xf32, #tpu.memory_space<hbm>> -> memref<64x256xf32, #tpu.memory_space<hbm>>
      tpu.enqueue_dma source(%dma_start3A_188 : memref<64x256xf32, #tpu.memory_space<hbm>>) target(%arg12 : memref<64x256xf32, #tpu.memory_space<vmem>>) target_semaphore(%arg17 : memref<!tpu.dma_semaphore, #tpu.memory_space<semaphore_mem>>)
    } else {
    }
    %convert_element_type3A_44 = arith.extui %and3A_40 : i1 to i32
    %cond3A_45 = arith.constant 0 : i32
    %cond3A_46 = arith.cmpi ne, %convert_element_type3A_44, %cond3A_45 : i32
    scf.if %cond3A_46 {
      tpu.enqueue_dma source(%arg4 : memref<64x256xf32, #tpu.memory_space<hbm>>) target(%arg12 : memref<64x256xf32, #tpu.memory_space<vmem>>) target_semaphore(%arg17 : memref<!tpu.dma_semaphore, #tpu.memory_space<semaphore_mem>>)
    } else {
    }
    %add3A_47 = arith.constant 512 : i32
    %add3A_48 = arith.addi %mul3A_2, %add3A_47 : i32
    %multiple_of3A_49 = tpu.assume_multiple %add3A_48, 128 : i32
    %add3A_50 = arith.constant 256 : i32
    %add3A_51 = arith.addi %multiple_of3A_49, %add3A_50 : i32
    %le3A_52 = arith.constant 1000000 : i32
    %le3A_53 = arith.cmpi sle, %add3A_51, %le3A_52 : i32
    %and3A_54 = arith.constant true
    %and3A_55 = arith.andi %and3A_54, %le3A_53 : i1
    %lt3A_56 = arith.constant 1000000 : i32
    %lt3A_57 = arith.cmpi slt, %multiple_of3A_49, %lt3A_56 : i32
    %and3A_58 = arith.constant true
    %and3A_59 = arith.andi %and3A_58, %lt3A_57 : i1
    %add3A_60 = arith.constant 256 : i32
    %add3A_61 = arith.addi %multiple_of3A_49, %add3A_60 : i32
    %gt3A_62 = arith.constant 1000000 : i32
    %gt3A_63 = arith.cmpi sgt, %add3A_61, %gt3A_62 : i32
    %and3A_64 = arith.andi %and3A_59, %gt3A_63 : i1
    %convert_element_type3A_65 = arith.extui %and3A_55 : i1 to i32
    %cond3A_66 = arith.constant 0 : i32
    %cond3A_67 = arith.cmpi ne, %convert_element_type3A_65, %cond3A_66 : i32
    scf.if %cond3A_67 {
      %dma_start3A = arith.constant 0 : i32
      %dma_start3A_186 = tpu.memref_slice %arg3[%dma_start3A, %multiple_of3A_49] : memref<64x1000000xf32, #tpu.memory_space<hbm>> -> memref<64x256xf32, #tpu.memory_space<hbm>>
      %dma_start3A_187 = arith.constant 0 : i32
      %dma_start3A_188 = tpu.memref_slice %arg3[%dma_start3A_187, %multiple_of3A_49] : memref<64x1000000xf32, #tpu.memory_space<hbm>> -> memref<64x256xf32, #tpu.memory_space<hbm>>
      tpu.enqueue_dma source(%dma_start3A_188 : memref<64x256xf32, #tpu.memory_space<hbm>>) target(%arg13 : memref<64x256xf32, #tpu.memory_space<vmem>>) target_semaphore(%arg17 : memref<!tpu.dma_semaphore, #tpu.memory_space<semaphore_mem>>)
    } else {
    }
    %convert_element_type3A_68 = arith.extui %and3A_64 : i1 to i32
    %cond3A_69 = arith.constant 0 : i32
    %cond3A_70 = arith.cmpi ne, %convert_element_type3A_68, %cond3A_69 : i32
    scf.if %cond3A_70 {
      tpu.enqueue_dma source(%arg4 : memref<64x256xf32, #tpu.memory_space<hbm>>) target(%arg13 : memref<64x256xf32, #tpu.memory_space<vmem>>) target_semaphore(%arg17 : memref<!tpu.dma_semaphore, #tpu.memory_space<semaphore_mem>>)
    } else {
    }
    "tpu.region"() ({
      %run_scoped3A = tpu.sem_alloc : memref<!tpu.dma_semaphore, #tpu.memory_space<semaphore_mem>>
      %dma_start3A = arith.constant 0 : i32
      %dma_start3A_186 = tpu.memref_slice %arg2[%dma_start3A] : memref<16384xi32, #tpu.memory_space<hbm>> -> memref<2048xi32, #tpu.memory_space<hbm>>
      %dma_start3A_187 = arith.constant 0 : i32
      %dma_start3A_188 = tpu.memref_slice %arg2[%dma_start3A_187] : memref<16384xi32, #tpu.memory_space<hbm>> -> memref<2048xi32, #tpu.memory_space<hbm>>
      tpu.enqueue_dma source(%dma_start3A_188 : memref<2048xi32, #tpu.memory_space<hbm>>) target(%arg6 : memref<2048xi32, #tpu.memory_space<vmem>>) target_semaphore(%run_scoped3A : memref<!tpu.dma_semaphore, #tpu.memory_space<semaphore_mem>>)
      %dma_wait3A = arith.constant 0 : i32
      %dma_wait3A_189 = tpu.memref_slice %arg2[%dma_wait3A] : memref<16384xi32, #tpu.memory_space<hbm>> -> memref<2048xi32, #tpu.memory_space<hbm>>
      %dma_wait3A_190 = arith.constant 0 : i32
      %dma_wait3A_191 = tpu.memref_slice %arg2[%dma_wait3A_190] : memref<16384xi32, #tpu.memory_space<hbm>> -> memref<2048xi32, #tpu.memory_space<hbm>>
      tpu.wait_dma2 semaphore(%run_scoped3A : memref<!tpu.dma_semaphore, #tpu.memory_space<semaphore_mem>>) src(%dma_wait3A_191 : memref<2048xi32, #tpu.memory_space<hbm>>) dst(%arg6 : memref<2048xi32, #tpu.memory_space<vmem>>)
      tpu.yield
    }) : () -> ()
    %scan3A = arith.constant 0 : i32
    %scan3A_71 = arith.constant 0 : i32
    %scan3A_72 = arith.constant 128 : i32
    %scan3A_73 = arith.addi %scan3A_71, %scan3A_72 : i32
    %scan3A_74 = arith.constant 1 : i32
    %scan3A_75 = scf.for %scan3A_186 = %scan3A_71 to %scan3A_73 step %scan3A_74 iter_args(%scan3A_187 = %scan3A) -> (i32)  : i32 {
      %mul3A_188 = arith.constant 16 : i32
      %mul3A_189 = arith.muli %scan3A_186, %mul3A_188 : i32
      %get3A = arith.index_cast %mul3A_189 : i32 to index
      %get3A_190 = tpu.vector_load %arg6[%get3A] {strides = array<i32>} : memref<2048xi32, #tpu.memory_space<vmem>>, vector<16xi32>,
      %ge3A = vector.broadcast %mul3A_2 : i32 to vector<16xi32>
      %ge3A_191 = arith.cmpi sge, %get3A_190, %ge3A : vector<16xi32>
      %lt3A_192 = vector.broadcast %min3A_5 : i32 to vector<16xi32>
      %lt3A_193 = arith.cmpi slt, %get3A_190, %lt3A_192 : vector<16xi32>
      %and3A_194 = arith.andi %ge3A_191, %lt3A_193 : vector<16xi1>
      %mul3A_195 = arith.constant 16 : i32
      %mul3A_196 = arith.muli %scan3A_186, %mul3A_195 : i32
      %add3A_197 = arith.constant 0 : i32
      %add3A_198 = arith.addi %add3A_197, %mul3A_196 : i32
      %add3A_199 = vector.broadcast %add3A_198 : i32 to vector<16xi32>
      %add3A_200 = arith.addi %add3A_199, %iota3A : vector<16xi32>
      %jit3A_201 = arith.constant 1 : i32
      %jit3A_202 = arith.constant 0 : i32
      %broadcast_in_dim3A_203 = vector.broadcast %jit3A_201 : i32 to vector<16xi32>
      %broadcast_in_dim3A_204 = vector.broadcast %jit3A_202 : i32 to vector<16xi32>
      %select_n3A_205 = arith.select %and3A_194, %broadcast_in_dim3A_203, %broadcast_in_dim3A_204 : vector<16xi1>, vector<16xi32>
      %broadcast_in_dim3A_206 = arith.constant true
      %broadcast_in_dim3A_207 = vector.broadcast %broadcast_in_dim3A_206 : i1 to vector<16xi1>
      %masked_cumsum3A = tpu.scan <sum>, %select_n3A_205 masked %broadcast_in_dim3A_207 : vector<16xi32>, vector<16xi1> -> vector<16xi32>
      %add3A_208 = vector.broadcast %scan3A_187 : i32 to vector<16xi32>
      %add3A_209 = arith.addi %add3A_208, %masked_cumsum3A : vector<16xi32>
      %sub3A_210 = arith.constant 1 : i32
      %sub3A_211 = vector.broadcast %sub3A_210 : i32 to vector<16xi32>
      %sub3A_212 = arith.subi %add3A_209, %sub3A_211 : vector<16xi32>
      tpu.vector_store_idx %arg7[%sub3A_212], %get3A_190 masked %and3A_194 : memref<16400xi32, #tpu.memory_space<vmem>>[vector<16xi32>], vector<16xi32>, vector<16xi1>
      tpu.vector_store_idx %arg8[%sub3A_212], %add3A_200 masked %and3A_194 : memref<16400xi32, #tpu.memory_space<vmem>>[vector<16xi32>], vector<16xi32>, vector<16xi1>
      %reduce_max3A = arith.constant true
      %reduce_max3A_213 = vector.broadcast %reduce_max3A : i1 to vector<16xi1>
      %reduce_max3A_214 = arith.constant -2147483648 : i32
      %reduce_max3A_215 = vector.broadcast %reduce_max3A_214 : i32 to vector<16xi32>
      %reduce_max3A_216 = arith.xori %sub3A_212, %reduce_max3A_215 : vector<16xi32>
      %reduce_max3A_217 = tpu.scan <max>, %reduce_max3A_216 masked %reduce_max3A_213 : vector<16xi32>, vector<16xi1> -> vector<16xi32>
      %reduce_max3A_218 = arith.xori %reduce_max3A_217, %reduce_max3A_215 : vector<16xi32>
      %reduce_max3A_219 = vector.extract %reduce_max3A_218[15] : i32 from vector<16xi32>
      %add3A_220 = arith.constant 1 : i32
      %add3A_221 = arith.addi %reduce_max3A_219, %add3A_220 : i32
      scf.yield %add3A_221 : i32
    }
    %scan3A_76 = arith.constant 128 : i32
    "tpu.region"() ({
      %run_scoped3A = tpu.sem_alloc : memref<!tpu.dma_semaphore, #tpu.memory_space<semaphore_mem>>
      %dma_start3A = arith.constant 2048 : i32
      %dma_start3A_186 = tpu.memref_slice %arg2[%dma_start3A] : memref<16384xi32, #tpu.memory_space<hbm>> -> memref<2048xi32, #tpu.memory_space<hbm>>
      %dma_start3A_187 = arith.constant 2048 : i32
      %dma_start3A_188 = tpu.memref_slice %arg2[%dma_start3A_187] : memref<16384xi32, #tpu.memory_space<hbm>> -> memref<2048xi32, #tpu.memory_space<hbm>>
      tpu.enqueue_dma source(%dma_start3A_188 : memref<2048xi32, #tpu.memory_space<hbm>>) target(%arg6 : memref<2048xi32, #tpu.memory_space<vmem>>) target_semaphore(%run_scoped3A : memref<!tpu.dma_semaphore, #tpu.memory_space<semaphore_mem>>)
      %dma_wait3A = arith.constant 2048 : i32
      %dma_wait3A_189 = tpu.memref_slice %arg2[%dma_wait3A] : memref<16384xi32, #tpu.memory_space<hbm>> -> memref<2048xi32, #tpu.memory_space<hbm>>
      %dma_wait3A_190 = arith.constant 2048 : i32
      %dma_wait3A_191 = tpu.memref_slice %arg2[%dma_wait3A_190] : memref<16384xi32, #tpu.memory_space<hbm>> -> memref<2048xi32, #tpu.memory_space<hbm>>
      tpu.wait_dma2 semaphore(%run_scoped3A : memref<!tpu.dma_semaphore, #tpu.memory_space<semaphore_mem>>) src(%dma_wait3A_191 : memref<2048xi32, #tpu.memory_space<hbm>>) dst(%arg6 : memref<2048xi32, #tpu.memory_space<vmem>>)
      tpu.yield
    }) : () -> ()
    %scan3A_77 = arith.constant 0 : i32
    %scan3A_78 = arith.constant 128 : i32
    %scan3A_79 = arith.addi %scan3A_77, %scan3A_78 : i32
    %scan3A_80 = arith.constant 1 : i32
    %scan3A_81 = scf.for %scan3A_186 = %scan3A_77 to %scan3A_79 step %scan3A_80 iter_args(%scan3A_187 = %scan3A_75) -> (i32)  : i32 {
      %mul3A_188 = arith.constant 16 : i32
      %mul3A_189 = arith.muli %scan3A_186, %mul3A_188 : i32
      %get3A = arith.index_cast %mul3A_189 : i32 to index
      %get3A_190 = tpu.vector_load %arg6[%get3A] {strides = array<i32>} : memref<2048xi32, #tpu.memory_space<vmem>>, vector<16xi32>,
      %ge3A = vector.broadcast %mul3A_2 : i32 to vector<16xi32>
      %ge3A_191 = arith.cmpi sge, %get3A_190, %ge3A : vector<16xi32>
      %lt3A_192 = vector.broadcast %min3A_5 : i32 to vector<16xi32>
      %lt3A_193 = arith.cmpi slt, %get3A_190, %lt3A_192 : vector<16xi32>
      %and3A_194 = arith.andi %ge3A_191, %lt3A_193 : vector<16xi1>
      %mul3A_195 = arith.constant 16 : i32
      %mul3A_196 = arith.muli %scan3A_186, %mul3A_195 : i32
      %add3A_197 = arith.constant 2048 : i32
      %add3A_198 = arith.addi %add3A_197, %mul3A_196 : i32
      %add3A_199 = vector.broadcast %add3A_198 : i32 to vector<16xi32>
      %add3A_200 = arith.addi %add3A_199, %iota3A : vector<16xi32>
      %jit3A_201 = arith.constant 1 : i32
      %jit3A_202 = arith.constant 0 : i32
      %broadcast_in_dim3A_203 = vector.broadcast %jit3A_201 : i32 to vector<16xi32>
      %broadcast_in_dim3A_204 = vector.broadcast %jit3A_202 : i32 to vector<16xi32>
      %select_n3A_205 = arith.select %and3A_194, %broadcast_in_dim3A_203, %broadcast_in_dim3A_204 : vector<16xi1>, vector<16xi32>
      %broadcast_in_dim3A_206 = arith.constant true
      %broadcast_in_dim3A_207 = vector.broadcast %broadcast_in_dim3A_206 : i1 to vector<16xi1>
      %masked_cumsum3A = tpu.scan <sum>, %select_n3A_205 masked %broadcast_in_dim3A_207 : vector<16xi32>, vector<16xi1> -> vector<16xi32>
      %add3A_208 = vector.broadcast %scan3A_187 : i32 to vector<16xi32>
      %add3A_209 = arith.addi %add3A_208, %masked_cumsum3A : vector<16xi32>
      %sub3A_210 = arith.constant 1 : i32
      %sub3A_211 = vector.broadcast %sub3A_210 : i32 to vector<16xi32>
      %sub3A_212 = arith.subi %add3A_209, %sub3A_211 : vector<16xi32>
      tpu.vector_store_idx %arg7[%sub3A_212], %get3A_190 masked %and3A_194 : memref<16400xi32, #tpu.memory_space<vmem>>[vector<16xi32>], vector<16xi32>, vector<16xi1>
      tpu.vector_store_idx %arg8[%sub3A_212], %add3A_200 masked %and3A_194 : memref<16400xi32, #tpu.memory_space<vmem>>[vector<16xi32>], vector<16xi32>, vector<16xi1>
      %reduce_max3A = arith.constant true
      %reduce_max3A_213 = vector.broadcast %reduce_max3A : i1 to vector<16xi1>
      %reduce_max3A_214 = arith.constant -2147483648 : i32
      %reduce_max3A_215 = vector.broadcast %reduce_max3A_214 : i32 to vector<16xi32>
      %reduce_max3A_216 = arith.xori %sub3A_212, %reduce_max3A_215 : vector<16xi32>
      %reduce_max3A_217 = tpu.scan <max>, %reduce_max3A_216 masked %reduce_max3A_213 : vector<16xi32>, vector<16xi1> -> vector<16xi32>
      %reduce_max3A_218 = arith.xori %reduce_max3A_217, %reduce_max3A_215 : vector<16xi32>
      %reduce_max3A_219 = vector.extract %reduce_max3A_218[15] : i32 from vector<16xi32>
      %add3A_220 = arith.constant 1 : i32
      %add3A_221 = arith.addi %reduce_max3A_219, %add3A_220 : i32
      scf.yield %add3A_221 : i32
    }
    %scan3A_82 = arith.constant 128 : i32
    "tpu.region"() ({
      %run_scoped3A = tpu.sem_alloc : memref<!tpu.dma_semaphore, #tpu.memory_space<semaphore_mem>>
      %dma_start3A = arith.constant 4096 : i32
      %dma_start3A_186 = tpu.memref_slice %arg2[%dma_start3A] : memref<16384xi32, #tpu.memory_space<hbm>> -> memref<2048xi32, #tpu.memory_space<hbm>>
      %dma_start3A_187 = arith.constant 4096 : i32
      %dma_start3A_188 = tpu.memref_slice %arg2[%dma_start3A_187] : memref<16384xi32, #tpu.memory_space<hbm>> -> memref<2048xi32, #tpu.memory_space<hbm>>
      tpu.enqueue_dma source(%dma_start3A_188 : memref<2048xi32, #tpu.memory_space<hbm>>) target(%arg6 : memref<2048xi32, #tpu.memory_space<vmem>>) target_semaphore(%run_scoped3A : memref<!tpu.dma_semaphore, #tpu.memory_space<semaphore_mem>>)
      %dma_wait3A = arith.constant 4096 : i32
      %dma_wait3A_189 = tpu.memref_slice %arg2[%dma_wait3A] : memref<16384xi32, #tpu.memory_space<hbm>> -> memref<2048xi32, #tpu.memory_space<hbm>>
      %dma_wait3A_190 = arith.constant 4096 : i32
      %dma_wait3A_191 = tpu.memref_slice %arg2[%dma_wait3A_190] : memref<16384xi32, #tpu.memory_space<hbm>> -> memref<2048xi32, #tpu.memory_space<hbm>>
      tpu.wait_dma2 semaphore(%run_scoped3A : memref<!tpu.dma_semaphore, #tpu.memory_space<semaphore_mem>>) src(%dma_wait3A_191 : memref<2048xi32, #tpu.memory_space<hbm>>) dst(%arg6 : memref<2048xi32, #tpu.memory_space<vmem>>)
      tpu.yield
    }) : () -> ()
    %scan3A_83 = arith.constant 0 : i32
    %scan3A_84 = arith.constant 128 : i32
    %scan3A_85 = arith.addi %scan3A_83, %scan3A_84 : i32
    %scan3A_86 = arith.constant 1 : i32
    %scan3A_87 = scf.for %scan3A_186 = %scan3A_83 to %scan3A_85 step %scan3A_86 iter_args(%scan3A_187 = %scan3A_81) -> (i32)  : i32 {
      %mul3A_188 = arith.constant 16 : i32
      %mul3A_189 = arith.muli %scan3A_186, %mul3A_188 : i32
      %get3A = arith.index_cast %mul3A_189 : i32 to index
      %get3A_190 = tpu.vector_load %arg6[%get3A] {strides = array<i32>} : memref<2048xi32, #tpu.memory_space<vmem>>, vector<16xi32>,
      %ge3A = vector.broadcast %mul3A_2 : i32 to vector<16xi32>
      %ge3A_191 = arith.cmpi sge, %get3A_190, %ge3A : vector<16xi32>
      %lt3A_192 = vector.broadcast %min3A_5 : i32 to vector<16xi32>
      %lt3A_193 = arith.cmpi slt, %get3A_190, %lt3A_192 : vector<16xi32>
      %and3A_194 = arith.andi %ge3A_191, %lt3A_193 : vector<16xi1>
      %mul3A_195 = arith.constant 16 : i32
      %mul3A_196 = arith.muli %scan3A_186, %mul3A_195 : i32
      %add3A_197 = arith.constant 4096 : i32
      %add3A_198 = arith.addi %add3A_197, %mul3A_196 : i32
      %add3A_199 = vector.broadcast %add3A_198 : i32 to vector<16xi32>
      %add3A_200 = arith.addi %add3A_199, %iota3A : vector<16xi32>
      %jit3A_201 = arith.constant 1 : i32
      %jit3A_202 = arith.constant 0 : i32
      %broadcast_in_dim3A_203 = vector.broadcast %jit3A_201 : i32 to vector<16xi32>
      %broadcast_in_dim3A_204 = vector.broadcast %jit3A_202 : i32 to vector<16xi32>
      %select_n3A_205 = arith.select %and3A_194, %broadcast_in_dim3A_203, %broadcast_in_dim3A_204 : vector<16xi1>, vector<16xi32>
      %broadcast_in_dim3A_206 = arith.constant true
      %broadcast_in_dim3A_207 = vector.broadcast %broadcast_in_dim3A_206 : i1 to vector<16xi1>
      %masked_cumsum3A = tpu.scan <sum>, %select_n3A_205 masked %broadcast_in_dim3A_207 : vector<16xi32>, vector<16xi1> -> vector<16xi32>
      %add3A_208 = vector.broadcast %scan3A_187 : i32 to vector<16xi32>
      %add3A_209 = arith.addi %add3A_208, %masked_cumsum3A : vector<16xi32>
      %sub3A_210 = arith.constant 1 : i32
      %sub3A_211 = vector.broadcast %sub3A_210 : i32 to vector<16xi32>
      %sub3A_212 = arith.subi %add3A_209, %sub3A_211 : vector<16xi32>
      tpu.vector_store_idx %arg7[%sub3A_212], %get3A_190 masked %and3A_194 : memref<16400xi32, #tpu.memory_space<vmem>>[vector<16xi32>], vector<16xi32>, vector<16xi1>
      tpu.vector_store_idx %arg8[%sub3A_212], %add3A_200 masked %and3A_194 : memref<16400xi32, #tpu.memory_space<vmem>>[vector<16xi32>], vector<16xi32>, vector<16xi1>
      %reduce_max3A = arith.constant true
      %reduce_max3A_213 = vector.broadcast %reduce_max3A : i1 to vector<16xi1>
      %reduce_max3A_214 = arith.constant -2147483648 : i32
      %reduce_max3A_215 = vector.broadcast %reduce_max3A_214 : i32 to vector<16xi32>
      %reduce_max3A_216 = arith.xori %sub3A_212, %reduce_max3A_215 : vector<16xi32>
      %reduce_max3A_217 = tpu.scan <max>, %reduce_max3A_216 masked %reduce_max3A_213 : vector<16xi32>, vector<16xi1> -> vector<16xi32>
      %reduce_max3A_218 = arith.xori %reduce_max3A_217, %reduce_max3A_215 : vector<16xi32>
      %reduce_max3A_219 = vector.extract %reduce_max3A_218[15] : i32 from vector<16xi32>
      %add3A_220 = arith.constant 1 : i32
      %add3A_221 = arith.addi %reduce_max3A_219, %add3A_220 : i32
      scf.yield %add3A_221 : i32
    }
    %scan3A_88 = arith.constant 128 : i32
    "tpu.region"() ({
      %run_scoped3A = tpu.sem_alloc : memref<!tpu.dma_semaphore, #tpu.memory_space<semaphore_mem>>
      %dma_start3A = arith.constant 6144 : i32
      %dma_start3A_186 = tpu.memref_slice %arg2[%dma_start3A] : memref<16384xi32, #tpu.memory_space<hbm>> -> memref<2048xi32, #tpu.memory_space<hbm>>
      %dma_start3A_187 = arith.constant 6144 : i32
      %dma_start3A_188 = tpu.memref_slice %arg2[%dma_start3A_187] : memref<16384xi32, #tpu.memory_space<hbm>> -> memref<2048xi32, #tpu.memory_space<hbm>>
      tpu.enqueue_dma source(%dma_start3A_188 : memref<2048xi32, #tpu.memory_space<hbm>>) target(%arg6 : memref<2048xi32, #tpu.memory_space<vmem>>) target_semaphore(%run_scoped3A : memref<!tpu.dma_semaphore, #tpu.memory_space<semaphore_mem>>)
      %dma_wait3A = arith.constant 6144 : i32
      %dma_wait3A_189 = tpu.memref_slice %arg2[%dma_wait3A] : memref<16384xi32, #tpu.memory_space<hbm>> -> memref<2048xi32, #tpu.memory_space<hbm>>
      %dma_wait3A_190 = arith.constant 6144 : i32
      %dma_wait3A_191 = tpu.memref_slice %arg2[%dma_wait3A_190] : memref<16384xi32, #tpu.memory_space<hbm>> -> memref<2048xi32, #tpu.memory_space<hbm>>
      tpu.wait_dma2 semaphore(%run_scoped3A : memref<!tpu.dma_semaphore, #tpu.memory_space<semaphore_mem>>) src(%dma_wait3A_191 : memref<2048xi32, #tpu.memory_space<hbm>>) dst(%arg6 : memref<2048xi32, #tpu.memory_space<vmem>>)
      tpu.yield
    }) : () -> ()
    %scan3A_89 = arith.constant 0 : i32
    %scan3A_90 = arith.constant 128 : i32
    %scan3A_91 = arith.addi %scan3A_89, %scan3A_90 : i32
    %scan3A_92 = arith.constant 1 : i32
    %scan3A_93 = scf.for %scan3A_186 = %scan3A_89 to %scan3A_91 step %scan3A_92 iter_args(%scan3A_187 = %scan3A_87) -> (i32)  : i32 {
      %mul3A_188 = arith.constant 16 : i32
      %mul3A_189 = arith.muli %scan3A_186, %mul3A_188 : i32
      %get3A = arith.index_cast %mul3A_189 : i32 to index
      %get3A_190 = tpu.vector_load %arg6[%get3A] {strides = array<i32>} : memref<2048xi32, #tpu.memory_space<vmem>>, vector<16xi32>,
      %ge3A = vector.broadcast %mul3A_2 : i32 to vector<16xi32>
      %ge3A_191 = arith.cmpi sge, %get3A_190, %ge3A : vector<16xi32>
      %lt3A_192 = vector.broadcast %min3A_5 : i32 to vector<16xi32>
      %lt3A_193 = arith.cmpi slt, %get3A_190, %lt3A_192 : vector<16xi32>
      %and3A_194 = arith.andi %ge3A_191, %lt3A_193 : vector<16xi1>
      %mul3A_195 = arith.constant 16 : i32
      %mul3A_196 = arith.muli %scan3A_186, %mul3A_195 : i32
      %add3A_197 = arith.constant 6144 : i32
      %add3A_198 = arith.addi %add3A_197, %mul3A_196 : i32
      %add3A_199 = vector.broadcast %add3A_198 : i32 to vector<16xi32>
      %add3A_200 = arith.addi %add3A_199, %iota3A : vector<16xi32>
      %jit3A_201 = arith.constant 1 : i32
      %jit3A_202 = arith.constant 0 : i32
      %broadcast_in_dim3A_203 = vector.broadcast %jit3A_201 : i32 to vector<16xi32>
      %broadcast_in_dim3A_204 = vector.broadcast %jit3A_202 : i32 to vector<16xi32>
      %select_n3A_205 = arith.select %and3A_194, %broadcast_in_dim3A_203, %broadcast_in_dim3A_204 : vector<16xi1>, vector<16xi32>
      %broadcast_in_dim3A_206 = arith.constant true
      %broadcast_in_dim3A_207 = vector.broadcast %broadcast_in_dim3A_206 : i1 to vector<16xi1>
      %masked_cumsum3A = tpu.scan <sum>, %select_n3A_205 masked %broadcast_in_dim3A_207 : vector<16xi32>, vector<16xi1> -> vector<16xi32>
      %add3A_208 = vector.broadcast %scan3A_187 : i32 to vector<16xi32>
      %add3A_209 = arith.addi %add3A_208, %masked_cumsum3A : vector<16xi32>
      %sub3A_210 = arith.constant 1 : i32
      %sub3A_211 = vector.broadcast %sub3A_210 : i32 to vector<16xi32>
      %sub3A_212 = arith.subi %add3A_209, %sub3A_211 : vector<16xi32>
      tpu.vector_store_idx %arg7[%sub3A_212], %get3A_190 masked %and3A_194 : memref<16400xi32, #tpu.memory_space<vmem>>[vector<16xi32>], vector<16xi32>, vector<16xi1>
      tpu.vector_store_idx %arg8[%sub3A_212], %add3A_200 masked %and3A_194 : memref<16400xi32, #tpu.memory_space<vmem>>[vector<16xi32>], vector<16xi32>, vector<16xi1>
      %reduce_max3A = arith.constant true
      %reduce_max3A_213 = vector.broadcast %reduce_max3A : i1 to vector<16xi1>
      %reduce_max3A_214 = arith.constant -2147483648 : i32
      %reduce_max3A_215 = vector.broadcast %reduce_max3A_214 : i32 to vector<16xi32>
      %reduce_max3A_216 = arith.xori %sub3A_212, %reduce_max3A_215 : vector<16xi32>
      %reduce_max3A_217 = tpu.scan <max>, %reduce_max3A_216 masked %reduce_max3A_213 : vector<16xi32>, vector<16xi1> -> vector<16xi32>
      %reduce_max3A_218 = arith.xori %reduce_max3A_217, %reduce_max3A_215 : vector<16xi32>
      %reduce_max3A_219 = vector.extract %reduce_max3A_218[15] : i32 from vector<16xi32>
      %add3A_220 = arith.constant 1 : i32
      %add3A_221 = arith.addi %reduce_max3A_219, %add3A_220 : i32
      scf.yield %add3A_221 : i32
    }
    %scan3A_94 = arith.constant 128 : i32
    "tpu.region"() ({
      %run_scoped3A = tpu.sem_alloc : memref<!tpu.dma_semaphore, #tpu.memory_space<semaphore_mem>>
      %dma_start3A = arith.constant 8192 : i32
      %dma_start3A_186 = tpu.memref_slice %arg2[%dma_start3A] : memref<16384xi32, #tpu.memory_space<hbm>> -> memref<2048xi32, #tpu.memory_space<hbm>>
      %dma_start3A_187 = arith.constant 8192 : i32
      %dma_start3A_188 = tpu.memref_slice %arg2[%dma_start3A_187] : memref<16384xi32, #tpu.memory_space<hbm>> -> memref<2048xi32, #tpu.memory_space<hbm>>
      tpu.enqueue_dma source(%dma_start3A_188 : memref<2048xi32, #tpu.memory_space<hbm>>) target(%arg6 : memref<2048xi32, #tpu.memory_space<vmem>>) target_semaphore(%run_scoped3A : memref<!tpu.dma_semaphore, #tpu.memory_space<semaphore_mem>>)
      %dma_wait3A = arith.constant 8192 : i32
      %dma_wait3A_189 = tpu.memref_slice %arg2[%dma_wait3A] : memref<16384xi32, #tpu.memory_space<hbm>> -> memref<2048xi32, #tpu.memory_space<hbm>>
      %dma_wait3A_190 = arith.constant 8192 : i32
      %dma_wait3A_191 = tpu.memref_slice %arg2[%dma_wait3A_190] : memref<16384xi32, #tpu.memory_space<hbm>> -> memref<2048xi32, #tpu.memory_space<hbm>>
      tpu.wait_dma2 semaphore(%run_scoped3A : memref<!tpu.dma_semaphore, #tpu.memory_space<semaphore_mem>>) src(%dma_wait3A_191 : memref<2048xi32, #tpu.memory_space<hbm>>) dst(%arg6 : memref<2048xi32, #tpu.memory_space<vmem>>)
      tpu.yield
    }) : () -> ()
    %scan3A_95 = arith.constant 0 : i32
    %scan3A_96 = arith.constant 128 : i32
    %scan3A_97 = arith.addi %scan3A_95, %scan3A_96 : i32
    %scan3A_98 = arith.constant 1 : i32
    %scan3A_99 = scf.for %scan3A_186 = %scan3A_95 to %scan3A_97 step %scan3A_98 iter_args(%scan3A_187 = %scan3A_93) -> (i32)  : i32 {
      %mul3A_188 = arith.constant 16 : i32
      %mul3A_189 = arith.muli %scan3A_186, %mul3A_188 : i32
      %get3A = arith.index_cast %mul3A_189 : i32 to index
      %get3A_190 = tpu.vector_load %arg6[%get3A] {strides = array<i32>} : memref<2048xi32, #tpu.memory_space<vmem>>, vector<16xi32>,
      %ge3A = vector.broadcast %mul3A_2 : i32 to vector<16xi32>
      %ge3A_191 = arith.cmpi sge, %get3A_190, %ge3A : vector<16xi32>
      %lt3A_192 = vector.broadcast %min3A_5 : i32 to vector<16xi32>
      %lt3A_193 = arith.cmpi slt, %get3A_190, %lt3A_192 : vector<16xi32>
      %and3A_194 = arith.andi %ge3A_191, %lt3A_193 : vector<16xi1>
      %mul3A_195 = arith.constant 16 : i32
      %mul3A_196 = arith.muli %scan3A_186, %mul3A_195 : i32
      %add3A_197 = arith.constant 8192 : i32
      %add3A_198 = arith.addi %add3A_197, %mul3A_196 : i32
      %add3A_199 = vector.broadcast %add3A_198 : i32 to vector<16xi32>
      %add3A_200 = arith.addi %add3A_199, %iota3A : vector<16xi32>
      %jit3A_201 = arith.constant 1 : i32
      %jit3A_202 = arith.constant 0 : i32
      %broadcast_in_dim3A_203 = vector.broadcast %jit3A_201 : i32 to vector<16xi32>
      %broadcast_in_dim3A_204 = vector.broadcast %jit3A_202 : i32 to vector<16xi32>
      %select_n3A_205 = arith.select %and3A_194, %broadcast_in_dim3A_203, %broadcast_in_dim3A_204 : vector<16xi1>, vector<16xi32>
      %broadcast_in_dim3A_206 = arith.constant true
      %broadcast_in_dim3A_207 = vector.broadcast %broadcast_in_dim3A_206 : i1 to vector<16xi1>
      %masked_cumsum3A = tpu.scan <sum>, %select_n3A_205 masked %broadcast_in_dim3A_207 : vector<16xi32>, vector<16xi1> -> vector<16xi32>
      %add3A_208 = vector.broadcast %scan3A_187 : i32 to vector<16xi32>
      %add3A_209 = arith.addi %add3A_208, %masked_cumsum3A : vector<16xi32>
      %sub3A_210 = arith.constant 1 : i32
      %sub3A_211 = vector.broadcast %sub3A_210 : i32 to vector<16xi32>
      %sub3A_212 = arith.subi %add3A_209, %sub3A_211 : vector<16xi32>
      tpu.vector_store_idx %arg7[%sub3A_212], %get3A_190 masked %and3A_194 : memref<16400xi32, #tpu.memory_space<vmem>>[vector<16xi32>], vector<16xi32>, vector<16xi1>
      tpu.vector_store_idx %arg8[%sub3A_212], %add3A_200 masked %and3A_194 : memref<16400xi32, #tpu.memory_space<vmem>>[vector<16xi32>], vector<16xi32>, vector<16xi1>
      %reduce_max3A = arith.constant true
      %reduce_max3A_213 = vector.broadcast %reduce_max3A : i1 to vector<16xi1>
      %reduce_max3A_214 = arith.constant -2147483648 : i32
      %reduce_max3A_215 = vector.broadcast %reduce_max3A_214 : i32 to vector<16xi32>
      %reduce_max3A_216 = arith.xori %sub3A_212, %reduce_max3A_215 : vector<16xi32>
      %reduce_max3A_217 = tpu.scan <max>, %reduce_max3A_216 masked %reduce_max3A_213 : vector<16xi32>, vector<16xi1> -> vector<16xi32>
      %reduce_max3A_218 = arith.xori %reduce_max3A_217, %reduce_max3A_215 : vector<16xi32>
      %reduce_max3A_219 = vector.extract %reduce_max3A_218[15] : i32 from vector<16xi32>
      %add3A_220 = arith.constant 1 : i32
      %add3A_221 = arith.addi %reduce_max3A_219, %add3A_220 : i32
      scf.yield %add3A_221 : i32
    }
    %scan3A_100 = arith.constant 128 : i32
    "tpu.region"() ({
      %run_scoped3A = tpu.sem_alloc : memref<!tpu.dma_semaphore, #tpu.memory_space<semaphore_mem>>
      %dma_start3A = arith.constant 10240 : i32
      %dma_start3A_186 = tpu.memref_slice %arg2[%dma_start3A] : memref<16384xi32, #tpu.memory_space<hbm>> -> memref<2048xi32, #tpu.memory_space<hbm>>
      %dma_start3A_187 = arith.constant 10240 : i32
      %dma_start3A_188 = tpu.memref_slice %arg2[%dma_start3A_187] : memref<16384xi32, #tpu.memory_space<hbm>> -> memref<2048xi32, #tpu.memory_space<hbm>>
      tpu.enqueue_dma source(%dma_start3A_188 : memref<2048xi32, #tpu.memory_space<hbm>>) target(%arg6 : memref<2048xi32, #tpu.memory_space<vmem>>) target_semaphore(%run_scoped3A : memref<!tpu.dma_semaphore, #tpu.memory_space<semaphore_mem>>)
      %dma_wait3A = arith.constant 10240 : i32
      %dma_wait3A_189 = tpu.memref_slice %arg2[%dma_wait3A] : memref<16384xi32, #tpu.memory_space<hbm>> -> memref<2048xi32, #tpu.memory_space<hbm>>
      %dma_wait3A_190 = arith.constant 10240 : i32
      %dma_wait3A_191 = tpu.memref_slice %arg2[%dma_wait3A_190] : memref<16384xi32, #tpu.memory_space<hbm>> -> memref<2048xi32, #tpu.memory_space<hbm>>
      tpu.wait_dma2 semaphore(%run_scoped3A : memref<!tpu.dma_semaphore, #tpu.memory_space<semaphore_mem>>) src(%dma_wait3A_191 : memref<2048xi32, #tpu.memory_space<hbm>>) dst(%arg6 : memref<2048xi32, #tpu.memory_space<vmem>>)
      tpu.yield
    }) : () -> ()
    %scan3A_101 = arith.constant 0 : i32
    %scan3A_102 = arith.constant 128 : i32
    %scan3A_103 = arith.addi %scan3A_101, %scan3A_102 : i32
    %scan3A_104 = arith.constant 1 : i32
    %scan3A_105 = scf.for %scan3A_186 = %scan3A_101 to %scan3A_103 step %scan3A_104 iter_args(%scan3A_187 = %scan3A_99) -> (i32)  : i32 {
      %mul3A_188 = arith.constant 16 : i32
      %mul3A_189 = arith.muli %scan3A_186, %mul3A_188 : i32
      %get3A = arith.index_cast %mul3A_189 : i32 to index
      %get3A_190 = tpu.vector_load %arg6[%get3A] {strides = array<i32>} : memref<2048xi32, #tpu.memory_space<vmem>>, vector<16xi32>,
      %ge3A = vector.broadcast %mul3A_2 : i32 to vector<16xi32>
      %ge3A_191 = arith.cmpi sge, %get3A_190, %ge3A : vector<16xi32>
      %lt3A_192 = vector.broadcast %min3A_5 : i32 to vector<16xi32>
      %lt3A_193 = arith.cmpi slt, %get3A_190, %lt3A_192 : vector<16xi32>
      %and3A_194 = arith.andi %ge3A_191, %lt3A_193 : vector<16xi1>
      %mul3A_195 = arith.constant 16 : i32
      %mul3A_196 = arith.muli %scan3A_186, %mul3A_195 : i32
      %add3A_197 = arith.constant 10240 : i32
      %add3A_198 = arith.addi %add3A_197, %mul3A_196 : i32
      %add3A_199 = vector.broadcast %add3A_198 : i32 to vector<16xi32>
      %add3A_200 = arith.addi %add3A_199, %iota3A : vector<16xi32>
      %jit3A_201 = arith.constant 1 : i32
      %jit3A_202 = arith.constant 0 : i32
      %broadcast_in_dim3A_203 = vector.broadcast %jit3A_201 : i32 to vector<16xi32>
      %broadcast_in_dim3A_204 = vector.broadcast %jit3A_202 : i32 to vector<16xi32>
      %select_n3A_205 = arith.select %and3A_194, %broadcast_in_dim3A_203, %broadcast_in_dim3A_204 : vector<16xi1>, vector<16xi32>
      %broadcast_in_dim3A_206 = arith.constant true
      %broadcast_in_dim3A_207 = vector.broadcast %broadcast_in_dim3A_206 : i1 to vector<16xi1>
      %masked_cumsum3A = tpu.scan <sum>, %select_n3A_205 masked %broadcast_in_dim3A_207 : vector<16xi32>, vector<16xi1> -> vector<16xi32>
      %add3A_208 = vector.broadcast %scan3A_187 : i32 to vector<16xi32>
      %add3A_209 = arith.addi %add3A_208, %masked_cumsum3A : vector<16xi32>
      %sub3A_210 = arith.constant 1 : i32
      %sub3A_211 = vector.broadcast %sub3A_210 : i32 to vector<16xi32>
      %sub3A_212 = arith.subi %add3A_209, %sub3A_211 : vector<16xi32>
      tpu.vector_store_idx %arg7[%sub3A_212], %get3A_190 masked %and3A_194 : memref<16400xi32, #tpu.memory_space<vmem>>[vector<16xi32>], vector<16xi32>, vector<16xi1>
      tpu.vector_store_idx %arg8[%sub3A_212], %add3A_200 masked %and3A_194 : memref<16400xi32, #tpu.memory_space<vmem>>[vector<16xi32>], vector<16xi32>, vector<16xi1>
      %reduce_max3A = arith.constant true
      %reduce_max3A_213 = vector.broadcast %reduce_max3A : i1 to vector<16xi1>
      %reduce_max3A_214 = arith.constant -2147483648 : i32
      %reduce_max3A_215 = vector.broadcast %reduce_max3A_214 : i32 to vector<16xi32>
      %reduce_max3A_216 = arith.xori %sub3A_212, %reduce_max3A_215 : vector<16xi32>
      %reduce_max3A_217 = tpu.scan <max>, %reduce_max3A_216 masked %reduce_max3A_213 : vector<16xi32>, vector<16xi1> -> vector<16xi32>
      %reduce_max3A_218 = arith.xori %reduce_max3A_217, %reduce_max3A_215 : vector<16xi32>
      %reduce_max3A_219 = vector.extract %reduce_max3A_218[15] : i32 from vector<16xi32>
      %add3A_220 = arith.constant 1 : i32
      %add3A_221 = arith.addi %reduce_max3A_219, %add3A_220 : i32
      scf.yield %add3A_221 : i32
    }
    %scan3A_106 = arith.constant 128 : i32
    "tpu.region"() ({
      %run_scoped3A = tpu.sem_alloc : memref<!tpu.dma_semaphore, #tpu.memory_space<semaphore_mem>>
      %dma_start3A = arith.constant 12288 : i32
      %dma_start3A_186 = tpu.memref_slice %arg2[%dma_start3A] : memref<16384xi32, #tpu.memory_space<hbm>> -> memref<2048xi32, #tpu.memory_space<hbm>>
      %dma_start3A_187 = arith.constant 12288 : i32
      %dma_start3A_188 = tpu.memref_slice %arg2[%dma_start3A_187] : memref<16384xi32, #tpu.memory_space<hbm>> -> memref<2048xi32, #tpu.memory_space<hbm>>
      tpu.enqueue_dma source(%dma_start3A_188 : memref<2048xi32, #tpu.memory_space<hbm>>) target(%arg6 : memref<2048xi32, #tpu.memory_space<vmem>>) target_semaphore(%run_scoped3A : memref<!tpu.dma_semaphore, #tpu.memory_space<semaphore_mem>>)
      %dma_wait3A = arith.constant 12288 : i32
      %dma_wait3A_189 = tpu.memref_slice %arg2[%dma_wait3A] : memref<16384xi32, #tpu.memory_space<hbm>> -> memref<2048xi32, #tpu.memory_space<hbm>>
      %dma_wait3A_190 = arith.constant 12288 : i32
      %dma_wait3A_191 = tpu.memref_slice %arg2[%dma_wait3A_190] : memref<16384xi32, #tpu.memory_space<hbm>> -> memref<2048xi32, #tpu.memory_space<hbm>>
      tpu.wait_dma2 semaphore(%run_scoped3A : memref<!tpu.dma_semaphore, #tpu.memory_space<semaphore_mem>>) src(%dma_wait3A_191 : memref<2048xi32, #tpu.memory_space<hbm>>) dst(%arg6 : memref<2048xi32, #tpu.memory_space<vmem>>)
      tpu.yield
    }) : () -> ()
    %scan3A_107 = arith.constant 0 : i32
    %scan3A_108 = arith.constant 128 : i32
    %scan3A_109 = arith.addi %scan3A_107, %scan3A_108 : i32
    %scan3A_110 = arith.constant 1 : i32
    %scan3A_111 = scf.for %scan3A_186 = %scan3A_107 to %scan3A_109 step %scan3A_110 iter_args(%scan3A_187 = %scan3A_105) -> (i32)  : i32 {
      %mul3A_188 = arith.constant 16 : i32
      %mul3A_189 = arith.muli %scan3A_186, %mul3A_188 : i32
      %get3A = arith.index_cast %mul3A_189 : i32 to index
      %get3A_190 = tpu.vector_load %arg6[%get3A] {strides = array<i32>} : memref<2048xi32, #tpu.memory_space<vmem>>, vector<16xi32>,
      %ge3A = vector.broadcast %mul3A_2 : i32 to vector<16xi32>
      %ge3A_191 = arith.cmpi sge, %get3A_190, %ge3A : vector<16xi32>
      %lt3A_192 = vector.broadcast %min3A_5 : i32 to vector<16xi32>
      %lt3A_193 = arith.cmpi slt, %get3A_190, %lt3A_192 : vector<16xi32>
      %and3A_194 = arith.andi %ge3A_191, %lt3A_193 : vector<16xi1>
      %mul3A_195 = arith.constant 16 : i32
      %mul3A_196 = arith.muli %scan3A_186, %mul3A_195 : i32
      %add3A_197 = arith.constant 12288 : i32
      %add3A_198 = arith.addi %add3A_197, %mul3A_196 : i32
      %add3A_199 = vector.broadcast %add3A_198 : i32 to vector<16xi32>
      %add3A_200 = arith.addi %add3A_199, %iota3A : vector<16xi32>
      %jit3A_201 = arith.constant 1 : i32
      %jit3A_202 = arith.constant 0 : i32
      %broadcast_in_dim3A_203 = vector.broadcast %jit3A_201 : i32 to vector<16xi32>
      %broadcast_in_dim3A_204 = vector.broadcast %jit3A_202 : i32 to vector<16xi32>
      %select_n3A_205 = arith.select %and3A_194, %broadcast_in_dim3A_203, %broadcast_in_dim3A_204 : vector<16xi1>, vector<16xi32>
      %broadcast_in_dim3A_206 = arith.constant true
      %broadcast_in_dim3A_207 = vector.broadcast %broadcast_in_dim3A_206 : i1 to vector<16xi1>
      %masked_cumsum3A = tpu.scan <sum>, %select_n3A_205 masked %broadcast_in_dim3A_207 : vector<16xi32>, vector<16xi1> -> vector<16xi32>
      %add3A_208 = vector.broadcast %scan3A_187 : i32 to vector<16xi32>
      %add3A_209 = arith.addi %add3A_208, %masked_cumsum3A : vector<16xi32>
      %sub3A_210 = arith.constant 1 : i32
      %sub3A_211 = vector.broadcast %sub3A_210 : i32 to vector<16xi32>
      %sub3A_212 = arith.subi %add3A_209, %sub3A_211 : vector<16xi32>
      tpu.vector_store_idx %arg7[%sub3A_212], %get3A_190 masked %and3A_194 : memref<16400xi32, #tpu.memory_space<vmem>>[vector<16xi32>], vector<16xi32>, vector<16xi1>
      tpu.vector_store_idx %arg8[%sub3A_212], %add3A_200 masked %and3A_194 : memref<16400xi32, #tpu.memory_space<vmem>>[vector<16xi32>], vector<16xi32>, vector<16xi1>
      %reduce_max3A = arith.constant true
      %reduce_max3A_213 = vector.broadcast %reduce_max3A : i1 to vector<16xi1>
      %reduce_max3A_214 = arith.constant -2147483648 : i32
      %reduce_max3A_215 = vector.broadcast %reduce_max3A_214 : i32 to vector<16xi32>
      %reduce_max3A_216 = arith.xori %sub3A_212, %reduce_max3A_215 : vector<16xi32>
      %reduce_max3A_217 = tpu.scan <max>, %reduce_max3A_216 masked %reduce_max3A_213 : vector<16xi32>, vector<16xi1> -> vector<16xi32>
      %reduce_max3A_218 = arith.xori %reduce_max3A_217, %reduce_max3A_215 : vector<16xi32>
      %reduce_max3A_219 = vector.extract %reduce_max3A_218[15] : i32 from vector<16xi32>
      %add3A_220 = arith.constant 1 : i32
      %add3A_221 = arith.addi %reduce_max3A_219, %add3A_220 : i32
      scf.yield %add3A_221 : i32
    }
    %scan3A_112 = arith.constant 128 : i32
    "tpu.region"() ({
      %run_scoped3A = tpu.sem_alloc : memref<!tpu.dma_semaphore, #tpu.memory_space<semaphore_mem>>
      %dma_start3A = arith.constant 14336 : i32
      %dma_start3A_186 = tpu.memref_slice %arg2[%dma_start3A] : memref<16384xi32, #tpu.memory_space<hbm>> -> memref<2048xi32, #tpu.memory_space<hbm>>
      %dma_start3A_187 = arith.constant 14336 : i32
      %dma_start3A_188 = tpu.memref_slice %arg2[%dma_start3A_187] : memref<16384xi32, #tpu.memory_space<hbm>> -> memref<2048xi32, #tpu.memory_space<hbm>>
      tpu.enqueue_dma source(%dma_start3A_188 : memref<2048xi32, #tpu.memory_space<hbm>>) target(%arg6 : memref<2048xi32, #tpu.memory_space<vmem>>) target_semaphore(%run_scoped3A : memref<!tpu.dma_semaphore, #tpu.memory_space<semaphore_mem>>)
      %dma_wait3A = arith.constant 14336 : i32
      %dma_wait3A_189 = tpu.memref_slice %arg2[%dma_wait3A] : memref<16384xi32, #tpu.memory_space<hbm>> -> memref<2048xi32, #tpu.memory_space<hbm>>
      %dma_wait3A_190 = arith.constant 14336 : i32
      %dma_wait3A_191 = tpu.memref_slice %arg2[%dma_wait3A_190] : memref<16384xi32, #tpu.memory_space<hbm>> -> memref<2048xi32, #tpu.memory_space<hbm>>
      tpu.wait_dma2 semaphore(%run_scoped3A : memref<!tpu.dma_semaphore, #tpu.memory_space<semaphore_mem>>) src(%dma_wait3A_191 : memref<2048xi32, #tpu.memory_space<hbm>>) dst(%arg6 : memref<2048xi32, #tpu.memory_space<vmem>>)
      tpu.yield
    }) : () -> ()
    %scan3A_113 = arith.constant 0 : i32
    %scan3A_114 = arith.constant 128 : i32
    %scan3A_115 = arith.addi %scan3A_113, %scan3A_114 : i32
    %scan3A_116 = arith.constant 1 : i32
    %scan3A_117 = scf.for %scan3A_186 = %scan3A_113 to %scan3A_115 step %scan3A_116 iter_args(%scan3A_187 = %scan3A_111) -> (i32)  : i32 {
      %mul3A_188 = arith.constant 16 : i32
      %mul3A_189 = arith.muli %scan3A_186, %mul3A_188 : i32
      %get3A = arith.index_cast %mul3A_189 : i32 to index
      %get3A_190 = tpu.vector_load %arg6[%get3A] {strides = array<i32>} : memref<2048xi32, #tpu.memory_space<vmem>>, vector<16xi32>,
      %ge3A = vector.broadcast %mul3A_2 : i32 to vector<16xi32>
      %ge3A_191 = arith.cmpi sge, %get3A_190, %ge3A : vector<16xi32>
      %lt3A_192 = vector.broadcast %min3A_5 : i32 to vector<16xi32>
      %lt3A_193 = arith.cmpi slt, %get3A_190, %lt3A_192 : vector<16xi32>
      %and3A_194 = arith.andi %ge3A_191, %lt3A_193 : vector<16xi1>
      %mul3A_195 = arith.constant 16 : i32
      %mul3A_196 = arith.muli %scan3A_186, %mul3A_195 : i32
      %add3A_197 = arith.constant 14336 : i32
      %add3A_198 = arith.addi %add3A_197, %mul3A_196 : i32
      %add3A_199 = vector.broadcast %add3A_198 : i32 to vector<16xi32>
      %add3A_200 = arith.addi %add3A_199, %iota3A : vector<16xi32>
      %jit3A_201 = arith.constant 1 : i32
      %jit3A_202 = arith.constant 0 : i32
      %broadcast_in_dim3A_203 = vector.broadcast %jit3A_201 : i32 to vector<16xi32>
      %broadcast_in_dim3A_204 = vector.broadcast %jit3A_202 : i32 to vector<16xi32>
      %select_n3A_205 = arith.select %and3A_194, %broadcast_in_dim3A_203, %broadcast_in_dim3A_204 : vector<16xi1>, vector<16xi32>
      %broadcast_in_dim3A_206 = arith.constant true
      %broadcast_in_dim3A_207 = vector.broadcast %broadcast_in_dim3A_206 : i1 to vector<16xi1>
      %masked_cumsum3A = tpu.scan <sum>, %select_n3A_205 masked %broadcast_in_dim3A_207 : vector<16xi32>, vector<16xi1> -> vector<16xi32>
      %add3A_208 = vector.broadcast %scan3A_187 : i32 to vector<16xi32>
      %add3A_209 = arith.addi %add3A_208, %masked_cumsum3A : vector<16xi32>
      %sub3A_210 = arith.constant 1 : i32
      %sub3A_211 = vector.broadcast %sub3A_210 : i32 to vector<16xi32>
      %sub3A_212 = arith.subi %add3A_209, %sub3A_211 : vector<16xi32>
      tpu.vector_store_idx %arg7[%sub3A_212], %get3A_190 masked %and3A_194 : memref<16400xi32, #tpu.memory_space<vmem>>[vector<16xi32>], vector<16xi32>, vector<16xi1>
      tpu.vector_store_idx %arg8[%sub3A_212], %add3A_200 masked %and3A_194 : memref<16400xi32, #tpu.memory_space<vmem>>[vector<16xi32>], vector<16xi32>, vector<16xi1>
      %reduce_max3A = arith.constant true
      %reduce_max3A_213 = vector.broadcast %reduce_max3A : i1 to vector<16xi1>
      %reduce_max3A_214 = arith.constant -2147483648 : i32
      %reduce_max3A_215 = vector.broadcast %reduce_max3A_214 : i32 to vector<16xi32>
      %reduce_max3A_216 = arith.xori %sub3A_212, %reduce_max3A_215 : vector<16xi32>
      %reduce_max3A_217 = tpu.scan <max>, %reduce_max3A_216 masked %reduce_max3A_213 : vector<16xi32>, vector<16xi1> -> vector<16xi32>
      %reduce_max3A_218 = arith.xori %reduce_max3A_217, %reduce_max3A_215 : vector<16xi32>
      %reduce_max3A_219 = vector.extract %reduce_max3A_218[15] : i32 from vector<16xi32>
      %add3A_220 = arith.constant 1 : i32
      %add3A_221 = arith.addi %reduce_max3A_219, %add3A_220 : i32
      scf.yield %add3A_221 : i32
    }
    %scan3A_118 = arith.constant 128 : i32
    %add3A_119 = vector.broadcast %scan3A_117 : i32 to vector<16xi32>
    %add3A_120 = arith.addi %add3A_119, %iota3A : vector<16xi32>
    %broadcast_in_dim3A = arith.constant 134217727 : i32
    %broadcast_in_dim3A_121 = vector.broadcast %broadcast_in_dim3A : i32 to vector<16xi32>
    tpu.vector_store_idx %arg7[%add3A_120], %broadcast_in_dim3A_121 : memref<16400xi32, #tpu.memory_space<vmem>>[vector<16xi32>], vector<16xi32>,
    %add3A_122 = arith.constant 15 : i32
    %add3A_123 = arith.addi %scan3A_117, %add3A_122 : i32
    %jit3A = arith.constant 16 : i32
    %div3A = arith.divsi %add3A_123, %jit3A : i32
    %sign3A = arith.constant 0 : i32
    %sign3A_124 = arith.cmpi sgt, %add3A_123, %sign3A : i32
    %sign3A_125 = arith.extui %sign3A_124 : i1 to i32
    %sign3A_126 = arith.constant 0 : i32
    %sign3A_127 = arith.cmpi slt, %add3A_123, %sign3A_126 : i32
    %sign3A_128 = arith.extui %sign3A_127 : i1 to i32
    %sign3A_129 = arith.subi %sign3A_125, %sign3A_128 : i32
    %sign3A_130 = arith.constant 0 : i32
    %sign3A_131 = arith.cmpi sgt, %jit3A, %sign3A_130 : i32
    %sign3A_132 = arith.extui %sign3A_131 : i1 to i32
    %sign3A_133 = arith.constant 0 : i32
    %sign3A_134 = arith.cmpi slt, %jit3A, %sign3A_133 : i32
    %sign3A_135 = arith.extui %sign3A_134 : i1 to i32
    %sign3A_136 = arith.subi %sign3A_132, %sign3A_135 : i32
    %ne3A = arith.cmpi ne, %sign3A_129, %sign3A_136 : i32
    %rem3A = arith.remsi %add3A_123, %jit3A : i32
    %ne3A_137 = arith.constant 0 : i32
    %ne3A_138 = arith.cmpi ne, %rem3A, %ne3A_137 : i32
    %and3A_139 = arith.andi %ne3A, %ne3A_138 : i1
    %sub3A = arith.constant 1 : i32
    %sub3A_140 = arith.subi %div3A, %sub3A : i32
    %select_n3A = arith.select %and3A_139, %sub3A_140, %div3A : i32
    %broadcast_in_dim3A_141 = arith.constant 0 : i32
    %broadcast_in_dim3A_142 = vector.broadcast %broadcast_in_dim3A_141 : i32 to vector<16xi32>
    %eq3A = arith.constant 0 : i32
    %eq3A_143 = vector.broadcast %eq3A : i32 to vector<16xi32>
    %eq3A_144 = arith.cmpi eq, %iota3A, %eq3A_143 : vector<16xi32>
    %jit3A_145 = arith.constant 0 : i32
    %broadcast_in_dim3A_146 = vector.broadcast %jit3A_145 : i32 to vector<16xi32>
    %select_n3A_147 = arith.select %eq3A_144, %broadcast_in_dim3A_146, %broadcast_in_dim3A_142 : vector<16xi1>, vector<16xi32>
    %while3A = arith.constant 0 : i32
    %while3A_148 = arith.constant 0 : i32
    %while3A_149 = arith.constant 0 : i32
    %while3A_150 = arith.subi %select_n3A, %while3A_148 : i32
    %while3A_151 = arith.addi %while3A_148, %while3A_150 : i32
    %while3A_152 = arith.constant 1 : i32
    %while3A_153 = arith.divsi %while3A_150, %while3A_152 : i32
    %while3A_154 = arith.muli %while3A_153, %while3A_152 : i32
    %while3A_155 = arith.addi %while3A_148, %while3A_154 : i32
    %while3A_156 = arith.constant 1 : i32
    %while3A_157 = scf.for %while3A_186 = %while3A_148 to %while3A_155 step %while3A_156 iter_args(%while3A_187 = %while3A_149) -> (i32)  : i32 {
      %mul3A_188 = arith.constant 16 : i32
      %mul3A_189 = arith.muli %while3A_186, %mul3A_188 : i32
      %get3A = arith.index_cast %mul3A_189 : i32 to index
      %get3A_190 = tpu.vector_load %arg7[%get3A] {strides = array<i32>} : memref<16400xi32, #tpu.memory_space<vmem>>, vector<16xi32>,
      %sub3A_191 = vector.broadcast %mul3A_2 : i32 to vector<16xi32>
      %sub3A_192 = arith.subi %get3A_190, %sub3A_191 : vector<16xi32>
      %shift_right_logical3A = arith.constant 11 : i32
      %shift_right_logical3A_193 = vector.broadcast %shift_right_logical3A : i32 to vector<16xi32>
      %shift_right_logical3A_194 = arith.shrui %sub3A_192, %shift_right_logical3A_193 : vector<16xi32>
      %eq3A_195 = vector.broadcast %while3A : i32 to vector<16xi32>
      %eq3A_196 = arith.cmpi eq, %shift_right_logical3A_194, %eq3A_195 : vector<16xi32>
      %mul3A_197 = arith.constant 16 : i32
      %mul3A_198 = arith.muli %while3A_186, %mul3A_197 : i32
      %get3A_199 = arith.index_cast %mul3A_198 : i32 to index
      %get3A_200 = tpu.vector_load %arg8[%get3A_199] {strides = array<i32>} : memref<16400xi32, #tpu.memory_space<vmem>>, vector<16xi32>,
      %jit3A_201 = arith.constant 1 : i32
      %jit3A_202 = arith.constant 0 : i32
      %broadcast_in_dim3A_203 = vector.broadcast %jit3A_201 : i32 to vector<16xi32>
      %broadcast_in_dim3A_204 = vector.broadcast %jit3A_202 : i32 to vector<16xi32>
      %select_n3A_205 = arith.select %eq3A_196, %broadcast_in_dim3A_203, %broadcast_in_dim3A_204 : vector<16xi1>, vector<16xi32>
      %broadcast_in_dim3A_206 = arith.constant true
      %broadcast_in_dim3A_207 = vector.broadcast %broadcast_in_dim3A_206 : i1 to vector<16xi1>
      %masked_cumsum3A = tpu.scan <sum>, %select_n3A_205 masked %broadcast_in_dim3A_207 : vector<16xi32>, vector<16xi1> -> vector<16xi32>
      %add3A_208 = vector.broadcast %while3A_187 : i32 to vector<16xi32>
      %add3A_209 = arith.addi %add3A_208, %masked_cumsum3A : vector<16xi32>
      %sub3A_210 = arith.constant 1 : i32
      %sub3A_211 = vector.broadcast %sub3A_210 : i32 to vector<16xi32>
      %sub3A_212 = arith.subi %add3A_209, %sub3A_211 : vector<16xi32>
      tpu.vector_store_idx %arg9[%sub3A_212], %get3A_190 masked %eq3A_196 : memref<16400xi32, #tpu.memory_space<vmem>>[vector<16xi32>], vector<16xi32>, vector<16xi1>
      tpu.vector_store_idx %arg10[%sub3A_212], %get3A_200 masked %eq3A_196 : memref<16400xi32, #tpu.memory_space<vmem>>[vector<16xi32>], vector<16xi32>, vector<16xi1>
      %reduce_max3A = arith.constant true
      %reduce_max3A_213 = vector.broadcast %reduce_max3A : i1 to vector<16xi1>
      %reduce_max3A_214 = arith.constant -2147483648 : i32
      %reduce_max3A_215 = vector.broadcast %reduce_max3A_214 : i32 to vector<16xi32>
      %reduce_max3A_216 = arith.xori %sub3A_212, %reduce_max3A_215 : vector<16xi32>
      %reduce_max3A_217 = tpu.scan <max>, %reduce_max3A_216 masked %reduce_max3A_213 : vector<16xi32>, vector<16xi1> -> vector<16xi32>
      %reduce_max3A_218 = arith.xori %reduce_max3A_217, %reduce_max3A_215 : vector<16xi32>
      %reduce_max3A_219 = vector.extract %reduce_max3A_218[15] : i32 from vector<16xi32>
      %add3A_220 = arith.constant 1 : i32
      %add3A_221 = arith.addi %reduce_max3A_219, %add3A_220 : i32
      scf.yield %add3A_221 : i32
    }
    %while3A_158 = arith.constant 1 : i32
    %while3A_159 = scf.for %while3A_186 = %while3A_155 to %while3A_151 step %while3A_158 iter_args(%while3A_187 = %while3A_157) -> (i32)  : i32 {
      %mul3A_188 = arith.constant 16 : i32
      %mul3A_189 = arith.muli %while3A_186, %mul3A_188 : i32
      %get3A = arith.index_cast %mul3A_189 : i32 to index
      %get3A_190 = tpu.vector_load %arg7[%get3A] {strides = array<i32>} : memref<16400xi32, #tpu.memory_space<vmem>>, vector<16xi32>,
      %sub3A_191 = vector.broadcast %mul3A_2 : i32 to vector<16xi32>
      %sub3A_192 = arith.subi %get3A_190, %sub3A_191 : vector<16xi32>
      %shift_right_logical3A = arith.constant 11 : i32
      %shift_right_logical3A_193 = vector.broadcast %shift_right_logical3A : i32 to vector<16xi32>
      %shift_right_logical3A_194 = arith.shrui %sub3A_192, %shift_right_logical3A_193 : vector<16xi32>
      %eq3A_195 = vector.broadcast %while3A : i32 to vector<16xi32>
      %eq3A_196 = arith.cmpi eq, %shift_right_logical3A_194, %eq3A_195 : vector<16xi32>
      %mul3A_197 = arith.constant 16 : i32
      %mul3A_198 = arith.muli %while3A_186, %mul3A_197 : i32
      %get3A_199 = arith.index_cast %mul3A_198 : i32 to index
      %get3A_200 = tpu.vector_load %arg8[%get3A_199] {strides = array<i32>} : memref<16400xi32, #tpu.memory_space<vmem>>, vector<16xi32>,
      %jit3A_201 = arith.constant 1 : i32
      %jit3A_202 = arith.constant 0 : i32
      %broadcast_in_dim3A_203 = vector.broadcast %jit3A_201 : i32 to vector<16xi32>
      %broadcast_in_dim3A_204 = vector.broadcast %jit3A_202 : i32 to vector<16xi32>
      %select_n3A_205 = arith.select %eq3A_196, %broadcast_in_dim3A_203, %broadcast_in_dim3A_204 : vector<16xi1>, vector<16xi32>
      %broadcast_in_dim3A_206 = arith.constant true
      %broadcast_in_dim3A_207 = vector.broadcast %broadcast_in_dim3A_206 : i1 to vector<16xi1>
      %masked_cumsum3A = tpu.scan <sum>, %select_n3A_205 masked %broadcast_in_dim3A_207 : vector<16xi32>, vector<16xi1> -> vector<16xi32>
      %add3A_208 = vector.broadcast %while3A_187 : i32 to vector<16xi32>
      %add3A_209 = arith.addi %add3A_208, %masked_cumsum3A : vector<16xi32>
      %sub3A_210 = arith.constant 1 : i32
      %sub3A_211 = vector.broadcast %sub3A_210 : i32 to vector<16xi32>
      %sub3A_212 = arith.subi %add3A_209, %sub3A_211 : vector<16xi32>
      tpu.vector_store_idx %arg9[%sub3A_212], %get3A_190 masked %eq3A_196 : memref<16400xi32, #tpu.memory_space<vmem>>[vector<16xi32>], vector<16xi32>, vector<16xi1>
      tpu.vector_store_idx %arg10[%sub3A_212], %get3A_200 masked %eq3A_196 : memref<16400xi32, #tpu.memory_space<vmem>>[vector<16xi32>], vector<16xi32>, vector<16xi1>
      %reduce_max3A = arith.constant true
      %reduce_max3A_213 = vector.broadcast %reduce_max3A : i1 to vector<16xi1>
      %reduce_max3A_214 = arith.constant -2147483648 : i32
      %reduce_max3A_215 = vector.broadcast %reduce_max3A_214 : i32 to vector<16xi32>
      %reduce_max3A_216 = arith.xori %sub3A_212, %reduce_max3A_215 : vector<16xi32>
      %reduce_max3A_217 = tpu.scan <max>, %reduce_max3A_216 masked %reduce_max3A_213 : vector<16xi32>, vector<16xi1> -> vector<16xi32>
      %reduce_max3A_218 = arith.xori %reduce_max3A_217, %reduce_max3A_215 : vector<16xi32>
      %reduce_max3A_219 = vector.extract %reduce_max3A_218[15] : i32 from vector<16xi32>
      %add3A_220 = arith.constant 1 : i32
      %add3A_221 = arith.addi %reduce_max3A_219, %add3A_220 : i32
      scf.yield %add3A_221 : i32
    }
    %add3A_160 = vector.broadcast %while3A_159 : i32 to vector<16xi32>
    %add3A_161 = arith.addi %add3A_160, %iota3A : vector<16xi32>
    %broadcast_in_dim3A_162 = arith.constant 134217727 : i32
    %broadcast_in_dim3A_163 = vector.broadcast %broadcast_in_dim3A_162 : i32 to vector<16xi32>
    tpu.vector_store_idx %arg9[%add3A_161], %broadcast_in_dim3A_163 : memref<16400xi32, #tpu.memory_space<vmem>>[vector<16xi32>], vector<16xi32>,
    %broadcast_in_dim3A_164 = arith.constant 0 : i32
    %broadcast_in_dim3A_165 = vector.broadcast %broadcast_in_dim3A_164 : i32 to vector<16xi32>
    %scan3A_166 = arith.constant 0 : i32
    %scan3A_167 = arith.constant 0 : i32
    %scan3A_168 = arith.constant 0 : i32
    %scan3A_169 = arith.constant 0 : i32
    %scan3A_170 = arith.constant 41 : i32
    %scan3A_171 = arith.addi %scan3A_169, %scan3A_170 : i32
    %scan3A_172 = arith.constant 1 : i32
    %scan3A_173:6 = scf.for %scan3A_186 = %scan3A_169 to %scan3A_171 step %scan3A_172 iter_args(%scan3A_187 = %scan3A_166, %scan3A_188 = %scan3A_167, %scan3A_189 = %scan3A_168, %scan3A_190 = %broadcast_in_dim3A_165, %scan3A_191 = %select_n3A_147, %scan3A_192 = %while3A_159) -> (i32, i32, i32, vector<16xi32>, vector<16xi32>, i32)  : i32 {
      %mul3A_193 = arith.constant 3 : i32
      %mul3A_194 = arith.muli %mul3A_193, %scan3A_186 : i32
      %add3A_195 = arith.constant 3 : i32
      %add3A_196 = arith.addi %mul3A_194, %add3A_195 : i32
      %div3A_197 = arith.constant 8 : i32
      %div3A_198 = arith.divsi %mul3A_194, %div3A_197 : i32
      %rem3A_199 = arith.constant 8 : i32
      %rem3A_200 = arith.remsi %mul3A_194, %rem3A_199 : i32
      %eq3A_201 = arith.constant 0 : i32
      %eq3A_202 = arith.cmpi eq, %rem3A_200, %eq3A_201 : i32
      %lt3A_203 = arith.constant 15 : i32
      %lt3A_204 = arith.cmpi slt, %div3A_198, %lt3A_203 : i32
      %and3A_205 = arith.andi %eq3A_202, %lt3A_204 : i1
      %convert_element_type3A_206 = arith.extui %and3A_205 : i1 to i32
      %cond3A_207 = arith.constant 0 : i32
      %cond3A_208 = arith.cmpi ne, %convert_element_type3A_206, %cond3A_207 : i32
      %cond3A_209:2 = scf.if %cond3A_208 -> (vector<16xi32>, i32) {
        %add3A_530 = arith.constant 1 : i32
        %add3A_531 = arith.addi %div3A_198, %add3A_530 : i32
        %eq3A_532 = vector.broadcast %add3A_531 : i32 to vector<16xi32>
        %eq3A_533 = arith.cmpi eq, %iota3A, %eq3A_532 : vector<16xi32>
        %broadcast_in_dim3A_534 = vector.broadcast %scan3A_192 : i32 to vector<16xi32>
        %select_n3A_535 = arith.select %eq3A_533, %broadcast_in_dim3A_534, %scan3A_191 : vector<16xi1>, vector<16xi32>
        %while3A_536 = arith.constant 0 : i32
        %while3A_537 = arith.subi %select_n3A, %while3A_536 : i32
        %while3A_538 = arith.addi %while3A_536, %while3A_537 : i32
        %while3A_539 = arith.constant 1 : i32
        %while3A_540 = arith.divsi %while3A_537, %while3A_539 : i32
        %while3A_541 = arith.muli %while3A_540, %while3A_539 : i32
        %while3A_542 = arith.addi %while3A_536, %while3A_541 : i32
        %while3A_543 = arith.constant 1 : i32
        %while3A_544 = scf.for %while3A_551 = %while3A_536 to %while3A_542 step %while3A_543 iter_args(%while3A_552 = %scan3A_192) -> (i32)  : i32 {
          %mul3A_553 = arith.constant 16 : i32
          %mul3A_554 = arith.muli %while3A_551, %mul3A_553 : i32
          %get3A = arith.index_cast %mul3A_554 : i32 to index
          %get3A_555 = tpu.vector_load %arg7[%get3A] {strides = array<i32>} : memref<16400xi32, #tpu.memory_space<vmem>>, vector<16xi32>,
          %sub3A_556 = vector.broadcast %mul3A_2 : i32 to vector<16xi32>
          %sub3A_557 = arith.subi %get3A_555, %sub3A_556 : vector<16xi32>
          %shift_right_logical3A = arith.constant 11 : i32
          %shift_right_logical3A_558 = vector.broadcast %shift_right_logical3A : i32 to vector<16xi32>
          %shift_right_logical3A_559 = arith.shrui %sub3A_557, %shift_right_logical3A_558 : vector<16xi32>
          %eq3A_560 = vector.broadcast %add3A_531 : i32 to vector<16xi32>
          %eq3A_561 = arith.cmpi eq, %shift_right_logical3A_559, %eq3A_560 : vector<16xi32>
          %mul3A_562 = arith.constant 16 : i32
          %mul3A_563 = arith.muli %while3A_551, %mul3A_562 : i32
          %get3A_564 = arith.index_cast %mul3A_563 : i32 to index
          %get3A_565 = tpu.vector_load %arg8[%get3A_564] {strides = array<i32>} : memref<16400xi32, #tpu.memory_space<vmem>>, vector<16xi32>,
          %jit3A_566 = arith.constant 1 : i32
          %jit3A_567 = arith.constant 0 : i32
          %broadcast_in_dim3A_568 = vector.broadcast %jit3A_566 : i32 to vector<16xi32>
          %broadcast_in_dim3A_569 = vector.broadcast %jit3A_567 : i32 to vector<16xi32>
          %select_n3A_570 = arith.select %eq3A_561, %broadcast_in_dim3A_568, %broadcast_in_dim3A_569 : vector<16xi1>, vector<16xi32>
          %broadcast_in_dim3A_571 = arith.constant true
          %broadcast_in_dim3A_572 = vector.broadcast %broadcast_in_dim3A_571 : i1 to vector<16xi1>
          %masked_cumsum3A = tpu.scan <sum>, %select_n3A_570 masked %broadcast_in_dim3A_572 : vector<16xi32>, vector<16xi1> -> vector<16xi32>
          %add3A_573 = vector.broadcast %while3A_552 : i32 to vector<16xi32>
          %add3A_574 = arith.addi %add3A_573, %masked_cumsum3A : vector<16xi32>
          %sub3A_575 = arith.constant 1 : i32
          %sub3A_576 = vector.broadcast %sub3A_575 : i32 to vector<16xi32>
          %sub3A_577 = arith.subi %add3A_574, %sub3A_576 : vector<16xi32>
          tpu.vector_store_idx %arg9[%sub3A_577], %get3A_555 masked %eq3A_561 : memref<16400xi32, #tpu.memory_space<vmem>>[vector<16xi32>], vector<16xi32>, vector<16xi1>
          tpu.vector_store_idx %arg10[%sub3A_577], %get3A_565 masked %eq3A_561 : memref<16400xi32, #tpu.memory_space<vmem>>[vector<16xi32>], vector<16xi32>, vector<16xi1>
          %reduce_max3A_578 = arith.constant true
          %reduce_max3A_579 = vector.broadcast %reduce_max3A_578 : i1 to vector<16xi1>
          %reduce_max3A_580 = arith.constant -2147483648 : i32
          %reduce_max3A_581 = vector.broadcast %reduce_max3A_580 : i32 to vector<16xi32>
          %reduce_max3A_582 = arith.xori %sub3A_577, %reduce_max3A_581 : vector<16xi32>
          %reduce_max3A_583 = tpu.scan <max>, %reduce_max3A_582 masked %reduce_max3A_579 : vector<16xi32>, vector<16xi1> -> vector<16xi32>
          %reduce_max3A_584 = arith.xori %reduce_max3A_583, %reduce_max3A_581 : vector<16xi32>
          %reduce_max3A_585 = vector.extract %reduce_max3A_584[15] : i32 from vector<16xi32>
          %add3A_586 = arith.constant 1 : i32
          %add3A_587 = arith.addi %reduce_max3A_585, %add3A_586 : i32
          scf.yield %add3A_587 : i32
        }
        %while3A_545 = arith.constant 1 : i32
        %while3A_546 = scf.for %while3A_551 = %while3A_542 to %while3A_538 step %while3A_545 iter_args(%while3A_552 = %while3A_544) -> (i32)  : i32 {
          %mul3A_553 = arith.constant 16 : i32
          %mul3A_554 = arith.muli %while3A_551, %mul3A_553 : i32
          %get3A = arith.index_cast %mul3A_554 : i32 to index
          %get3A_555 = tpu.vector_load %arg7[%get3A] {strides = array<i32>} : memref<16400xi32, #tpu.memory_space<vmem>>, vector<16xi32>,
          %sub3A_556 = vector.broadcast %mul3A_2 : i32 to vector<16xi32>
          %sub3A_557 = arith.subi %get3A_555, %sub3A_556 : vector<16xi32>
          %shift_right_logical3A = arith.constant 11 : i32
          %shift_right_logical3A_558 = vector.broadcast %shift_right_logical3A : i32 to vector<16xi32>
          %shift_right_logical3A_559 = arith.shrui %sub3A_557, %shift_right_logical3A_558 : vector<16xi32>
          %eq3A_560 = vector.broadcast %add3A_531 : i32 to vector<16xi32>
          %eq3A_561 = arith.cmpi eq, %shift_right_logical3A_559, %eq3A_560 : vector<16xi32>
          %mul3A_562 = arith.constant 16 : i32
          %mul3A_563 = arith.muli %while3A_551, %mul3A_562 : i32
          %get3A_564 = arith.index_cast %mul3A_563 : i32 to index
          %get3A_565 = tpu.vector_load %arg8[%get3A_564] {strides = array<i32>} : memref<16400xi32, #tpu.memory_space<vmem>>, vector<16xi32>,
          %jit3A_566 = arith.constant 1 : i32
          %jit3A_567 = arith.constant 0 : i32
          %broadcast_in_dim3A_568 = vector.broadcast %jit3A_566 : i32 to vector<16xi32>
          %broadcast_in_dim3A_569 = vector.broadcast %jit3A_567 : i32 to vector<16xi32>
          %select_n3A_570 = arith.select %eq3A_561, %broadcast_in_dim3A_568, %broadcast_in_dim3A_569 : vector<16xi1>, vector<16xi32>
          %broadcast_in_dim3A_571 = arith.constant true
          %broadcast_in_dim3A_572 = vector.broadcast %broadcast_in_dim3A_571 : i1 to vector<16xi1>
          %masked_cumsum3A = tpu.scan <sum>, %select_n3A_570 masked %broadcast_in_dim3A_572 : vector<16xi32>, vector<16xi1> -> vector<16xi32>
          %add3A_573 = vector.broadcast %while3A_552 : i32 to vector<16xi32>
          %add3A_574 = arith.addi %add3A_573, %masked_cumsum3A : vector<16xi32>
          %sub3A_575 = arith.constant 1 : i32
          %sub3A_576 = vector.broadcast %sub3A_575 : i32 to vector<16xi32>
          %sub3A_577 = arith.subi %add3A_574, %sub3A_576 : vector<16xi32>
          tpu.vector_store_idx %arg9[%sub3A_577], %get3A_555 masked %eq3A_561 : memref<16400xi32, #tpu.memory_space<vmem>>[vector<16xi32>], vector<16xi32>, vector<16xi1>
          tpu.vector_store_idx %arg10[%sub3A_577], %get3A_565 masked %eq3A_561 : memref<16400xi32, #tpu.memory_space<vmem>>[vector<16xi32>], vector<16xi32>, vector<16xi1>
          %reduce_max3A_578 = arith.constant true
          %reduce_max3A_579 = vector.broadcast %reduce_max3A_578 : i1 to vector<16xi1>
          %reduce_max3A_580 = arith.constant -2147483648 : i32
          %reduce_max3A_581 = vector.broadcast %reduce_max3A_580 : i32 to vector<16xi32>
          %reduce_max3A_582 = arith.xori %sub3A_577, %reduce_max3A_581 : vector<16xi32>
          %reduce_max3A_583 = tpu.scan <max>, %reduce_max3A_582 masked %reduce_max3A_579 : vector<16xi32>, vector<16xi1> -> vector<16xi32>
          %reduce_max3A_584 = arith.xori %reduce_max3A_583, %reduce_max3A_581 : vector<16xi32>
          %reduce_max3A_585 = vector.extract %reduce_max3A_584[15] : i32 from vector<16xi32>
          %add3A_586 = arith.constant 1 : i32
          %add3A_587 = arith.addi %reduce_max3A_585, %add3A_586 : i32
          scf.yield %add3A_587 : i32
        }
        %add3A_547 = vector.broadcast %while3A_546 : i32 to vector<16xi32>
        %add3A_548 = arith.addi %add3A_547, %iota3A : vector<16xi32>
        %broadcast_in_dim3A_549 = arith.constant 134217727 : i32
        %broadcast_in_dim3A_550 = vector.broadcast %broadcast_in_dim3A_549 : i32 to vector<16xi32>
        tpu.vector_store_idx %arg9[%add3A_548], %broadcast_in_dim3A_550 : memref<16400xi32, #tpu.memory_space<vmem>>[vector<16xi32>], vector<16xi32>,
        scf.yield %select_n3A_535, %while3A_546 : vector<16xi32>, i32
      } else {
        scf.yield %scan3A_191, %scan3A_192 : vector<16xi32>, i32
      }
      %mul3A_210 = arith.constant 256 : i32
      %mul3A_211 = arith.muli %mul3A_194, %mul3A_210 : i32
      %add3A_212 = arith.addi %mul3A_2, %mul3A_211 : i32
      %multiple_of3A_213 = tpu.assume_multiple %add3A_212, 128 : i32
      %lt3A_214 = arith.constant 1000000 : i32
      %lt3A_215 = arith.cmpi slt, %multiple_of3A_213, %lt3A_214 : i32
      %add3A_216 = arith.constant 256 : i32
      %add3A_217 = arith.addi %multiple_of3A_213, %add3A_216 : i32
      %gt3A_218 = arith.constant 1000000 : i32
      %gt3A_219 = arith.cmpi sgt, %add3A_217, %gt3A_218 : i32
      %and3A_220 = arith.andi %lt3A_215, %gt3A_219 : i1
      %jit3A_221 = arith.constant 999744 : i32
      %select_n3A_222 = arith.select %and3A_220, %jit3A_221, %multiple_of3A_213 : i32
      %add3A_223 = arith.constant 256 : i32
      %add3A_224 = arith.addi %multiple_of3A_213, %add3A_223 : i32
      %min3A_225 = arith.constant 1000000 : i32
      %min3A_226 = arith.minsi %add3A_224, %min3A_225 : i32
      %convert_element_type3A_227 = arith.extui %lt3A_215 : i1 to i32
      %cond3A_228 = arith.constant 0 : i32
      %cond3A_229 = arith.cmpi ne, %convert_element_type3A_227, %cond3A_228 : i32
      scf.if %cond3A_229 {
        %dma_wait3A = arith.constant 0 : i32
        %dma_wait3A_530 = arith.constant 0 : i32
        %dma_wait3A_531 = tpu.memref_slice %arg3[%dma_wait3A, %dma_wait3A_530] : memref<64x1000000xf32, #tpu.memory_space<hbm>> -> memref<64x256xf32, #tpu.memory_space<hbm>>
        %dma_wait3A_532 = arith.constant 0 : i32
        %dma_wait3A_533 = arith.constant 0 : i32
        %dma_wait3A_534 = tpu.memref_slice %arg3[%dma_wait3A_532, %dma_wait3A_533] : memref<64x1000000xf32, #tpu.memory_space<hbm>> -> memref<64x256xf32, #tpu.memory_space<hbm>>
        tpu.wait_dma2 semaphore(%arg17 : memref<!tpu.dma_semaphore, #tpu.memory_space<semaphore_mem>>) src(%dma_wait3A_534 : memref<64x256xf32, #tpu.memory_space<hbm>>) dst(%arg11 : memref<64x256xf32, #tpu.memory_space<vmem>>)
      } else {
      }
      %eq3A_230 = vector.broadcast %div3A_198 : i32 to vector<16xi32>
      %eq3A_231 = arith.cmpi eq, %iota3A, %eq3A_230 : vector<16xi32>
      %jit3A_232 = arith.constant 0 : i32
      %broadcast_in_dim3A_233 = vector.broadcast %jit3A_232 : i32 to vector<16xi32>
      %select_n3A_234 = arith.select %eq3A_231, %cond3A_209#0, %broadcast_in_dim3A_233 : vector<16xi1>, vector<16xi32>
      %reduce_max3A = arith.constant true
      %reduce_max3A_235 = vector.broadcast %reduce_max3A : i1 to vector<16xi1>
      %reduce_max3A_236 = arith.constant -2147483648 : i32
      %reduce_max3A_237 = vector.broadcast %reduce_max3A_236 : i32 to vector<16xi32>
      %reduce_max3A_238 = arith.xori %select_n3A_234, %reduce_max3A_237 : vector<16xi32>
      %reduce_max3A_239 = tpu.scan <max>, %reduce_max3A_238 masked %reduce_max3A_235 : vector<16xi32>, vector<16xi1> -> vector<16xi32>
      %reduce_max3A_240 = arith.xori %reduce_max3A_239, %reduce_max3A_237 : vector<16xi32>
      %reduce_max3A_241 = vector.extract %reduce_max3A_240[15] : i32 from vector<16xi32>
      %ge3A = arith.constant 15 : i32
      %ge3A_242 = arith.cmpi sge, %div3A_198, %ge3A : i32
      %add3A_243 = arith.constant 1 : i32
      %add3A_244 = arith.addi %div3A_198, %add3A_243 : i32
      %eq3A_245 = vector.broadcast %add3A_244 : i32 to vector<16xi32>
      %eq3A_246 = arith.cmpi eq, %iota3A, %eq3A_245 : vector<16xi32>
      %jit3A_247 = arith.constant 0 : i32
      %broadcast_in_dim3A_248 = vector.broadcast %jit3A_247 : i32 to vector<16xi32>
      %select_n3A_249 = arith.select %eq3A_246, %cond3A_209#0, %broadcast_in_dim3A_248 : vector<16xi1>, vector<16xi32>
      %reduce_max3A_250 = arith.constant true
      %reduce_max3A_251 = vector.broadcast %reduce_max3A_250 : i1 to vector<16xi1>
      %reduce_max3A_252 = arith.constant -2147483648 : i32
      %reduce_max3A_253 = vector.broadcast %reduce_max3A_252 : i32 to vector<16xi32>
      %reduce_max3A_254 = arith.xori %select_n3A_249, %reduce_max3A_253 : vector<16xi32>
      %reduce_max3A_255 = tpu.scan <max>, %reduce_max3A_254 masked %reduce_max3A_251 : vector<16xi32>, vector<16xi1> -> vector<16xi32>
      %reduce_max3A_256 = arith.xori %reduce_max3A_255, %reduce_max3A_253 : vector<16xi32>
      %reduce_max3A_257 = vector.extract %reduce_max3A_256[15] : i32 from vector<16xi32>
      %select_n3A_258 = arith.select %ge3A_242, %cond3A_209#1, %reduce_max3A_257 : i32
      %div3A_259 = arith.constant 16 : i32
      %div3A_260 = arith.divsi %reduce_max3A_241, %div3A_259 : i32
      %add3A_261 = arith.constant 15 : i32
      %add3A_262 = arith.addi %select_n3A_258, %add3A_261 : i32
      %div3A_263 = arith.constant 16 : i32
      %div3A_264 = arith.divsi %add3A_262, %div3A_263 : i32
      %jit3A_265 = arith.constant 0 : i32
      %select_n3A_266 = arith.select %lt3A_215, %div3A_260, %jit3A_265 : i32
      %jit3A_267 = arith.constant 0 : i32
      %select_n3A_268 = arith.select %lt3A_215, %div3A_264, %jit3A_267 : i32
      %while3A_269 = arith.subi %select_n3A_268, %select_n3A_266 : i32
      %while3A_270 = arith.addi %select_n3A_266, %while3A_269 : i32
      %while3A_271 = arith.constant 1 : i32
      %while3A_272 = arith.divsi %while3A_269, %while3A_271 : i32
      %while3A_273 = arith.muli %while3A_272, %while3A_271 : i32
      %while3A_274 = arith.addi %select_n3A_266, %while3A_273 : i32
      %while3A_275 = arith.constant 1 : i32
      %while3A_276:4 = scf.for %while3A_530 = %select_n3A_266 to %while3A_274 step %while3A_275 iter_args(%while3A_531 = %scan3A_187, %while3A_532 = %scan3A_188, %while3A_533 = %scan3A_189, %while3A_534 = %scan3A_190) -> (i32, i32, i32, vector<16xi32>)  : i32 {
        %mul3A_535 = arith.constant 16 : i32
        %mul3A_536 = arith.muli %while3A_530, %mul3A_535 : i32
        %get3A = arith.index_cast %mul3A_536 : i32 to index
        %get3A_537 = tpu.vector_load %arg9[%get3A] {strides = array<i32>} : memref<16400xi32, #tpu.memory_space<vmem>>, vector<16xi32>,
        %ge3A_538 = vector.broadcast %multiple_of3A_213 : i32 to vector<16xi32>
        %ge3A_539 = arith.cmpi sge, %get3A_537, %ge3A_538 : vector<16xi32>
        %lt3A_540 = vector.broadcast %min3A_226 : i32 to vector<16xi32>
        %lt3A_541 = arith.cmpi slt, %get3A_537, %lt3A_540 : vector<16xi32>
        %and3A_542 = arith.andi %ge3A_539, %lt3A_541 : vector<16xi1>
        %mul3A_543 = arith.constant 16 : i32
        %mul3A_544 = arith.muli %while3A_530, %mul3A_543 : i32
        %get3A_545 = arith.index_cast %mul3A_544 : i32 to index
        %get3A_546 = tpu.vector_load %arg10[%get3A_545] {strides = array<i32>} : memref<16400xi32, #tpu.memory_space<vmem>>, vector<16xi32>,
        %rem3A_547 = arith.constant 4 : i32
        %rem3A_548 = arith.remsi %while3A_531, %rem3A_547 : i32
        %eq3A_549 = vector.broadcast %rem3A_548 : i32 to vector<16xi32>
        %eq3A_550 = arith.cmpi eq, %iota3A, %eq3A_549 : vector<16xi32>
        %jit3A_551 = arith.constant 0 : i32
        %broadcast_in_dim3A_552 = vector.broadcast %jit3A_551 : i32 to vector<16xi32>
        %select_n3A_553 = arith.select %eq3A_550, %while3A_534, %broadcast_in_dim3A_552 : vector<16xi1>, vector<16xi32>
        %reduce_max3A_554 = arith.constant true
        %reduce_max3A_555 = vector.broadcast %reduce_max3A_554 : i1 to vector<16xi1>
        %reduce_max3A_556 = arith.constant -2147483648 : i32
        %reduce_max3A_557 = vector.broadcast %reduce_max3A_556 : i32 to vector<16xi32>
        %reduce_max3A_558 = arith.xori %select_n3A_553, %reduce_max3A_557 : vector<16xi32>
        %reduce_max3A_559 = tpu.scan <max>, %reduce_max3A_558 masked %reduce_max3A_555 : vector<16xi32>, vector<16xi1> -> vector<16xi32>
        %reduce_max3A_560 = arith.xori %reduce_max3A_559, %reduce_max3A_557 : vector<16xi32>
        %reduce_max3A_561 = vector.extract %reduce_max3A_560[15] : i32 from vector<16xi32>
        %sub3A_562 = arith.subi %reduce_max3A_561, %while3A_533 : i32
        %max3A = arith.constant 0 : i32
        %max3A_563 = arith.maxsi %sub3A_562, %max3A : i32
        %while3A_564 = arith.constant 0 : i32
        %while3A_565 = arith.constant 0 : i32
        %while3A_566 = arith.subi %max3A_563, %while3A_565 : i32
        %while3A_567 = arith.addi %while3A_565, %while3A_566 : i32
        %while3A_568 = arith.constant 1 : i32
        %while3A_569 = arith.divsi %while3A_566, %while3A_568 : i32
        %while3A_570 = arith.muli %while3A_569, %while3A_568 : i32
        %while3A_571 = arith.addi %while3A_565, %while3A_570 : i32
        %while3A_572 = arith.constant 1 : i32
        scf.for %while3A_619 = %while3A_565 to %while3A_571 step %while3A_572  : i32 {
          %dma_wait3A = arith.constant 0 : i32
          %dma_wait3A_620 = arith.constant 0 : i32
          %dma_wait3A_621 = tpu.memref_slice %arg14[%dma_wait3A, %dma_wait3A_620] : memref<64x64xf32, #tpu.memory_space<vmem>> -> memref<1x64xf32, #tpu.memory_space<vmem>>
          %dma_wait3A_622 = tpu.memref_squeeze %dma_wait3A_621 : memref<1x64xf32, #tpu.memory_space<vmem>> -> memref<64xf32, #tpu.memory_space<vmem>>
          %dma_wait3A_623 = arith.constant 0 : i32
          %dma_wait3A_624 = tpu.memref_slice %arg5[%dma_wait3A_623] : memref<1048576xf32, #tpu.memory_space<hbm>> -> memref<64xf32, #tpu.memory_space<hbm>>
          %dma_wait3A_625 = arith.constant 0 : i32
          %dma_wait3A_626 = tpu.memref_slice %arg14[%dma_wait3A, %dma_wait3A_625] : memref<64x64xf32, #tpu.memory_space<vmem>> -> memref<1x64xf32, #tpu.memory_space<vmem>>
          %dma_wait3A_627 = tpu.memref_squeeze %dma_wait3A_626 : memref<1x64xf32, #tpu.memory_space<vmem>> -> memref<64xf32, #tpu.memory_space<vmem>>
          %dma_wait3A_628 = arith.constant 0 : i32
          %dma_wait3A_629 = tpu.memref_slice %arg5[%dma_wait3A_628] : memref<1048576xf32, #tpu.memory_space<hbm>> -> memref<64xf32, #tpu.memory_space<hbm>>
          tpu.wait_dma2 semaphore(%arg18 : memref<!tpu.dma_semaphore, #tpu.memory_space<semaphore_mem>>) src(%dma_wait3A_629 : memref<64xf32, #tpu.memory_space<hbm>>) dst(%dma_wait3A_627 : memref<64xf32, #tpu.memory_space<vmem>>)
        }
        %while3A_573 = arith.constant 1 : i32
        scf.for %while3A_619 = %while3A_571 to %while3A_567 step %while3A_573  : i32 {
          %dma_wait3A = arith.constant 0 : i32
          %dma_wait3A_620 = arith.constant 0 : i32
          %dma_wait3A_621 = tpu.memref_slice %arg14[%dma_wait3A, %dma_wait3A_620] : memref<64x64xf32, #tpu.memory_space<vmem>> -> memref<1x64xf32, #tpu.memory_space<vmem>>
          %dma_wait3A_622 = tpu.memref_squeeze %dma_wait3A_621 : memref<1x64xf32, #tpu.memory_space<vmem>> -> memref<64xf32, #tpu.memory_space<vmem>>
          %dma_wait3A_623 = arith.constant 0 : i32
          %dma_wait3A_624 = tpu.memref_slice %arg5[%dma_wait3A_623] : memref<1048576xf32, #tpu.memory_space<hbm>> -> memref<64xf32, #tpu.memory_space<hbm>>
          %dma_wait3A_625 = arith.constant 0 : i32
          %dma_wait3A_626 = tpu.memref_slice %arg14[%dma_wait3A, %dma_wait3A_625] : memref<64x64xf32, #tpu.memory_space<vmem>> -> memref<1x64xf32, #tpu.memory_space<vmem>>
          %dma_wait3A_627 = tpu.memref_squeeze %dma_wait3A_626 : memref<1x64xf32, #tpu.memory_space<vmem>> -> memref<64xf32, #tpu.memory_space<vmem>>
          %dma_wait3A_628 = arith.constant 0 : i32
          %dma_wait3A_629 = tpu.memref_slice %arg5[%dma_wait3A_628] : memref<1048576xf32, #tpu.memory_space<hbm>> -> memref<64xf32, #tpu.memory_space<hbm>>
          tpu.wait_dma2 semaphore(%arg18 : memref<!tpu.dma_semaphore, #tpu.memory_space<semaphore_mem>>) src(%dma_wait3A_629 : memref<64xf32, #tpu.memory_space<hbm>>) dst(%dma_wait3A_627 : memref<64xf32, #tpu.memory_space<vmem>>)
        }
        %add3A_574 = arith.addi %while3A_533, %max3A_563 : i32
        %jit3A_575 = arith.constant 1 : i32
        %jit3A_576 = arith.constant 0 : i32
        %broadcast_in_dim3A_577 = vector.broadcast %jit3A_575 : i32 to vector<16xi32>
        %broadcast_in_dim3A_578 = vector.broadcast %jit3A_576 : i32 to vector<16xi32>
        %select_n3A_579 = arith.select %and3A_542, %broadcast_in_dim3A_577, %broadcast_in_dim3A_578 : vector<16xi1>, vector<16xi32>
        %broadcast_in_dim3A_580 = arith.constant true
        %broadcast_in_dim3A_581 = vector.broadcast %broadcast_in_dim3A_580 : i1 to vector<16xi1>
        %masked_cumsum3A = tpu.scan <sum>, %select_n3A_579 masked %broadcast_in_dim3A_581 : vector<16xi32>, vector<16xi1> -> vector<16xi32>
        %sub3A_582 = arith.constant 1 : i32
        %sub3A_583 = vector.broadcast %sub3A_582 : i32 to vector<16xi32>
        %sub3A_584 = arith.subi %masked_cumsum3A, %sub3A_583 : vector<16xi32>
        %jit3A_585 = arith.constant 15 : i32
        %broadcast_in_dim3A_586 = vector.broadcast %jit3A_585 : i32 to vector<16xi32>
        %select_n3A_587 = arith.select %and3A_542, %sub3A_584, %broadcast_in_dim3A_586 : vector<16xi1>, vector<16xi32>
        %reduce_max3A_588 = arith.constant true
        %reduce_max3A_589 = vector.broadcast %reduce_max3A_588 : i1 to vector<16xi1>
        %reduce_max3A_590 = arith.constant -2147483648 : i32
        %reduce_max3A_591 = vector.broadcast %reduce_max3A_590 : i32 to vector<16xi32>
        %reduce_max3A_592 = arith.xori %masked_cumsum3A, %reduce_max3A_591 : vector<16xi32>
        %reduce_max3A_593 = tpu.scan <max>, %reduce_max3A_592 masked %reduce_max3A_589 : vector<16xi32>, vector<16xi1> -> vector<16xi32>
        %reduce_max3A_594 = arith.xori %reduce_max3A_593, %reduce_max3A_591 : vector<16xi32>
        %reduce_max3A_595 = vector.extract %reduce_max3A_594[15] : i32 from vector<16xi32>
        %sub3A_596 = vector.broadcast %select_n3A_222 : i32 to vector<16xi32>
        %sub3A_597 = arith.subi %get3A_537, %sub3A_596 : vector<16xi32>
        tpu.vector_store_idx %arg16[%select_n3A_587], %sub3A_597 masked %and3A_542 : memref<16xi32, #tpu.memory_space<vmem>>[vector<16xi32>], vector<16xi32>, vector<16xi1>
        tpu.vector_store_idx %arg15[%select_n3A_587], %get3A_546 masked %and3A_542 : memref<16xi32, #tpu.memory_space<vmem>>[vector<16xi32>], vector<16xi32>, vector<16xi1>
        %get3A_598 = arith.constant 0 : index
        %get3A_599 = tpu.vector_load %arg16[%get3A_598] {strides = array<i32>} : memref<16xi32, #tpu.memory_space<vmem>>, vector<16xi32>,
        %get3A_600 = arith.constant 0 : index
        %get3A_601 = tpu.vector_load %arg15[%get3A_600] {strides = array<i32>} : memref<16xi32, #tpu.memory_space<vmem>>, vector<16xi32>,
        %while3A_602 = arith.constant 0 : i32
        %while3A_603 = arith.constant 0 : i32
        %while3A_604 = arith.subi %reduce_max3A_595, %while3A_603 : i32
        %while3A_605 = arith.addi %while3A_603, %while3A_604 : i32
        %while3A_606 = arith.constant 1 : i32
        %while3A_607 = arith.divsi %while3A_604, %while3A_606 : i32
        %while3A_608 = arith.muli %while3A_607, %while3A_606 : i32
        %while3A_609 = arith.addi %while3A_603, %while3A_608 : i32
        %while3A_610 = arith.constant 1 : i32
        scf.for %while3A_619 = %while3A_603 to %while3A_609 step %while3A_610  : i32 {
          %eq3A_620 = vector.broadcast %while3A_619 : i32 to vector<16xi32>
          %eq3A_621 = arith.cmpi eq, %iota3A, %eq3A_620 : vector<16xi32>
          %jit3A_622 = arith.constant 0 : i32
          %broadcast_in_dim3A_623 = vector.broadcast %jit3A_622 : i32 to vector<16xi32>
          %select_n3A_624 = arith.select %eq3A_621, %get3A_599, %broadcast_in_dim3A_623 : vector<16xi1>, vector<16xi32>
          %reduce_max3A_625 = arith.constant true
          %reduce_max3A_626 = vector.broadcast %reduce_max3A_625 : i1 to vector<16xi1>
          %reduce_max3A_627 = arith.constant -2147483648 : i32
          %reduce_max3A_628 = vector.broadcast %reduce_max3A_627 : i32 to vector<16xi32>
          %reduce_max3A_629 = arith.xori %select_n3A_624, %reduce_max3A_628 : vector<16xi32>
          %reduce_max3A_630 = tpu.scan <max>, %reduce_max3A_629 masked %reduce_max3A_626 : vector<16xi32>, vector<16xi1> -> vector<16xi32>
          %reduce_max3A_631 = arith.xori %reduce_max3A_630, %reduce_max3A_628 : vector<16xi32>
          %reduce_max3A_632 = vector.extract %reduce_max3A_631[15] : i32 from vector<16xi32>
          %eq3A_633 = vector.broadcast %while3A_619 : i32 to vector<16xi32>
          %eq3A_634 = arith.cmpi eq, %iota3A, %eq3A_633 : vector<16xi32>
          %jit3A_635 = arith.constant 0 : i32
          %broadcast_in_dim3A_636 = vector.broadcast %jit3A_635 : i32 to vector<16xi32>
          %select_n3A_637 = arith.select %eq3A_634, %get3A_601, %broadcast_in_dim3A_636 : vector<16xi1>, vector<16xi32>
          %reduce_max3A_638 = arith.constant true
          %reduce_max3A_639 = vector.broadcast %reduce_max3A_638 : i1 to vector<16xi1>
          %reduce_max3A_640 = arith.constant -2147483648 : i32
          %reduce_max3A_641 = vector.broadcast %reduce_max3A_640 : i32 to vector<16xi32>
          %reduce_max3A_642 = arith.xori %select_n3A_637, %reduce_max3A_641 : vector<16xi32>
          %reduce_max3A_643 = tpu.scan <max>, %reduce_max3A_642 masked %reduce_max3A_639 : vector<16xi32>, vector<16xi1> -> vector<16xi32>
          %reduce_max3A_644 = arith.xori %reduce_max3A_643, %reduce_max3A_641 : vector<16xi32>
          %reduce_max3A_645 = vector.extract %reduce_max3A_644[15] : i32 from vector<16xi32>
          %mul3A_646 = arith.constant 16 : i32
          %mul3A_647 = arith.muli %rem3A_548, %mul3A_646 : i32
          %broadcast_in_dim3A_648 = vector.broadcast %mul3A_647 : i32 to vector<16xi32>
          %add3A_649 = vector.broadcast %while3A_619 : i32 to vector<16xi32>
          %add3A_650 = arith.addi %broadcast_in_dim3A_648, %add3A_649 : vector<16xi32>
          %broadcast_in_dim3A_651 = arith.constant 0 : i32
          %broadcast_in_dim3A_652 = vector.broadcast %broadcast_in_dim3A_651 : i32 to vector<16xi32>
          %add3A_653 = vector.broadcast %reduce_max3A_632 : i32 to vector<16xi32>
          %add3A_654 = arith.addi %broadcast_in_dim3A_652, %add3A_653 : vector<16xi32>
          %add3A_655 = arith.constant 0 : i32
          %add3A_656 = vector.broadcast %add3A_655 : i32 to vector<16xi32>
          %add3A_657 = arith.addi %add3A_656, %iota3A : vector<16xi32>
          %gather3A = tpu.vector_load_idx %arg11[%add3A_657, %add3A_654] : memref<64x256xf32, #tpu.memory_space<vmem>>[vector<16xi32>, vector<16xi32>], vector<16xf32>,
          tpu.vector_store_idx %arg14[%add3A_650, %add3A_657], %gather3A : memref<64x64xf32, #tpu.memory_space<vmem>>[vector<16xi32>, vector<16xi32>], vector<16xf32>,
          %add3A_658 = arith.constant 16 : i32
          %add3A_659 = vector.broadcast %add3A_658 : i32 to vector<16xi32>
          %add3A_660 = arith.addi %add3A_659, %iota3A : vector<16xi32>
          %gather3A_661 = tpu.vector_load_idx %arg11[%add3A_660, %add3A_654] : memref<64x256xf32, #tpu.memory_space<vmem>>[vector<16xi32>, vector<16xi32>], vector<16xf32>,
          tpu.vector_store_idx %arg14[%add3A_650, %add3A_660], %gather3A_661 : memref<64x64xf32, #tpu.memory_space<vmem>>[vector<16xi32>, vector<16xi32>], vector<16xf32>,
          %add3A_662 = arith.constant 32 : i32
          %add3A_663 = vector.broadcast %add3A_662 : i32 to vector<16xi32>
          %add3A_664 = arith.addi %add3A_663, %iota3A : vector<16xi32>
          %gather3A_665 = tpu.vector_load_idx %arg11[%add3A_664, %add3A_654] : memref<64x256xf32, #tpu.memory_space<vmem>>[vector<16xi32>, vector<16xi32>], vector<16xf32>,
          tpu.vector_store_idx %arg14[%add3A_650, %add3A_664], %gather3A_665 : memref<64x64xf32, #tpu.memory_space<vmem>>[vector<16xi32>, vector<16xi32>], vector<16xf32>,
          %add3A_666 = arith.constant 48 : i32
          %add3A_667 = vector.broadcast %add3A_666 : i32 to vector<16xi32>
          %add3A_668 = arith.addi %add3A_667, %iota3A : vector<16xi32>
          %gather3A_669 = tpu.vector_load_idx %arg11[%add3A_668, %add3A_654] : memref<64x256xf32, #tpu.memory_space<vmem>>[vector<16xi32>, vector<16xi32>], vector<16xf32>,
          tpu.vector_store_idx %arg14[%add3A_650, %add3A_668], %gather3A_669 : memref<64x64xf32, #tpu.memory_space<vmem>>[vector<16xi32>, vector<16xi32>], vector<16xf32>,
          %mul3A_670 = arith.constant 16 : i32
          %mul3A_671 = arith.muli %rem3A_548, %mul3A_670 : i32
          %add3A_672 = arith.addi %mul3A_671, %while3A_619 : i32
          %mul3A_673 = arith.constant 64 : i32
          %mul3A_674 = arith.muli %reduce_max3A_645, %mul3A_673 : i32
          %multiple_of3A_675 = tpu.assume_multiple %mul3A_674, 8 : i32
          %dma_start3A = arith.constant 0 : i32
          %dma_start3A_676 = tpu.memref_slice %arg14[%add3A_672, %dma_start3A] : memref<64x64xf32, #tpu.memory_space<vmem>> -> memref<1x64xf32, #tpu.memory_space<vmem>>
          %dma_start3A_677 = tpu.memref_squeeze %dma_start3A_676 : memref<1x64xf32, #tpu.memory_space<vmem>> -> memref<64xf32, #tpu.memory_space<vmem>>
          %dma_start3A_678 = tpu.memref_slice %arg5[%multiple_of3A_675] : memref<1048576xf32, #tpu.memory_space<hbm>> -> memref<64xf32, #tpu.memory_space<hbm>>
          %dma_start3A_679 = tpu.memref_slice %arg5[%multiple_of3A_675] : memref<1048576xf32, #tpu.memory_space<hbm>> -> memref<64xf32, #tpu.memory_space<hbm>>
          %dma_start3A_680 = arith.constant 0 : i32
          %dma_start3A_681 = tpu.memref_slice %arg14[%add3A_672, %dma_start3A_680] : memref<64x64xf32, #tpu.memory_space<vmem>> -> memref<1x64xf32, #tpu.memory_space<vmem>>
          %dma_start3A_682 = tpu.memref_squeeze %dma_start3A_681 : memref<1x64xf32, #tpu.memory_space<vmem>> -> memref<64xf32, #tpu.memory_space<vmem>>
          tpu.enqueue_dma source(%dma_start3A_682 : memref<64xf32, #tpu.memory_space<vmem>>) target(%dma_start3A_679 : memref<64xf32, #tpu.memory_space<hbm>>) target_semaphore(%arg18 : memref<!tpu.dma_semaphore, #tpu.memory_space<semaphore_mem>>)
        }
        %while3A_611 = arith.constant 1 : i32
        scf.for %while3A_619 = %while3A_609 to %while3A_605 step %while3A_611  : i32 {
          %eq3A_620 = vector.broadcast %while3A_619 : i32 to vector<16xi32>
          %eq3A_621 = arith.cmpi eq, %iota3A, %eq3A_620 : vector<16xi32>
          %jit3A_622 = arith.constant 0 : i32
          %broadcast_in_dim3A_623 = vector.broadcast %jit3A_622 : i32 to vector<16xi32>
          %select_n3A_624 = arith.select %eq3A_621, %get3A_599, %broadcast_in_dim3A_623 : vector<16xi1>, vector<16xi32>
          %reduce_max3A_625 = arith.constant true
          %reduce_max3A_626 = vector.broadcast %reduce_max3A_625 : i1 to vector<16xi1>
          %reduce_max3A_627 = arith.constant -2147483648 : i32
          %reduce_max3A_628 = vector.broadcast %reduce_max3A_627 : i32 to vector<16xi32>
          %reduce_max3A_629 = arith.xori %select_n3A_624, %reduce_max3A_628 : vector<16xi32>
          %reduce_max3A_630 = tpu.scan <max>, %reduce_max3A_629 masked %reduce_max3A_626 : vector<16xi32>, vector<16xi1> -> vector<16xi32>
          %reduce_max3A_631 = arith.xori %reduce_max3A_630, %reduce_max3A_628 : vector<16xi32>
          %reduce_max3A_632 = vector.extract %reduce_max3A_631[15] : i32 from vector<16xi32>
          %eq3A_633 = vector.broadcast %while3A_619 : i32 to vector<16xi32>
          %eq3A_634 = arith.cmpi eq, %iota3A, %eq3A_633 : vector<16xi32>
          %jit3A_635 = arith.constant 0 : i32
          %broadcast_in_dim3A_636 = vector.broadcast %jit3A_635 : i32 to vector<16xi32>
          %select_n3A_637 = arith.select %eq3A_634, %get3A_601, %broadcast_in_dim3A_636 : vector<16xi1>, vector<16xi32>
          %reduce_max3A_638 = arith.constant true
          %reduce_max3A_639 = vector.broadcast %reduce_max3A_638 : i1 to vector<16xi1>
          %reduce_max3A_640 = arith.constant -2147483648 : i32
          %reduce_max3A_641 = vector.broadcast %reduce_max3A_640 : i32 to vector<16xi32>
          %reduce_max3A_642 = arith.xori %select_n3A_637, %reduce_max3A_641 : vector<16xi32>
          %reduce_max3A_643 = tpu.scan <max>, %reduce_max3A_642 masked %reduce_max3A_639 : vector<16xi32>, vector<16xi1> -> vector<16xi32>
          %reduce_max3A_644 = arith.xori %reduce_max3A_643, %reduce_max3A_641 : vector<16xi32>
          %reduce_max3A_645 = vector.extract %reduce_max3A_644[15] : i32 from vector<16xi32>
          %mul3A_646 = arith.constant 16 : i32
          %mul3A_647 = arith.muli %rem3A_548, %mul3A_646 : i32
          %broadcast_in_dim3A_648 = vector.broadcast %mul3A_647 : i32 to vector<16xi32>
          %add3A_649 = vector.broadcast %while3A_619 : i32 to vector<16xi32>
          %add3A_650 = arith.addi %broadcast_in_dim3A_648, %add3A_649 : vector<16xi32>
          %broadcast_in_dim3A_651 = arith.constant 0 : i32
          %broadcast_in_dim3A_652 = vector.broadcast %broadcast_in_dim3A_651 : i32 to vector<16xi32>
          %add3A_653 = vector.broadcast %reduce_max3A_632 : i32 to vector<16xi32>
          %add3A_654 = arith.addi %broadcast_in_dim3A_652, %add3A_653 : vector<16xi32>
          %add3A_655 = arith.constant 0 : i32
          %add3A_656 = vector.broadcast %add3A_655 : i32 to vector<16xi32>
          %add3A_657 = arith.addi %add3A_656, %iota3A : vector<16xi32>
          %gather3A = tpu.vector_load_idx %arg11[%add3A_657, %add3A_654] : memref<64x256xf32, #tpu.memory_space<vmem>>[vector<16xi32>, vector<16xi32>], vector<16xf32>,
          tpu.vector_store_idx %arg14[%add3A_650, %add3A_657], %gather3A : memref<64x64xf32, #tpu.memory_space<vmem>>[vector<16xi32>, vector<16xi32>], vector<16xf32>,
          %add3A_658 = arith.constant 16 : i32
          %add3A_659 = vector.broadcast %add3A_658 : i32 to vector<16xi32>
          %add3A_660 = arith.addi %add3A_659, %iota3A : vector<16xi32>
          %gather3A_661 = tpu.vector_load_idx %arg11[%add3A_660, %add3A_654] : memref<64x256xf32, #tpu.memory_space<vmem>>[vector<16xi32>, vector<16xi32>], vector<16xf32>,
          tpu.vector_store_idx %arg14[%add3A_650, %add3A_660], %gather3A_661 : memref<64x64xf32, #tpu.memory_space<vmem>>[vector<16xi32>, vector<16xi32>], vector<16xf32>,
          %add3A_662 = arith.constant 32 : i32
          %add3A_663 = vector.broadcast %add3A_662 : i32 to vector<16xi32>
          %add3A_664 = arith.addi %add3A_663, %iota3A : vector<16xi32>
          %gather3A_665 = tpu.vector_load_idx %arg11[%add3A_664, %add3A_654] : memref<64x256xf32, #tpu.memory_space<vmem>>[vector<16xi32>, vector<16xi32>], vector<16xf32>,
          tpu.vector_store_idx %arg14[%add3A_650, %add3A_664], %gather3A_665 : memref<64x64xf32, #tpu.memory_space<vmem>>[vector<16xi32>, vector<16xi32>], vector<16xf32>,
          %add3A_666 = arith.constant 48 : i32
          %add3A_667 = vector.broadcast %add3A_666 : i32 to vector<16xi32>
          %add3A_668 = arith.addi %add3A_667, %iota3A : vector<16xi32>
          %gather3A_669 = tpu.vector_load_idx %arg11[%add3A_668, %add3A_654] : memref<64x256xf32, #tpu.memory_space<vmem>>[vector<16xi32>, vector<16xi32>], vector<16xf32>,
          tpu.vector_store_idx %arg14[%add3A_650, %add3A_668], %gather3A_669 : memref<64x64xf32, #tpu.memory_space<vmem>>[vector<16xi32>, vector<16xi32>], vector<16xf32>,
          %mul3A_670 = arith.constant 16 : i32
          %mul3A_671 = arith.muli %rem3A_548, %mul3A_670 : i32
          %add3A_672 = arith.addi %mul3A_671, %while3A_619 : i32
          %mul3A_673 = arith.constant 64 : i32
          %mul3A_674 = arith.muli %reduce_max3A_645, %mul3A_673 : i32
          %multiple_of3A_675 = tpu.assume_multiple %mul3A_674, 8 : i32
          %dma_start3A = arith.constant 0 : i32
          %dma_start3A_676 = tpu.memref_slice %arg14[%add3A_672, %dma_start3A] : memref<64x64xf32, #tpu.memory_space<vmem>> -> memref<1x64xf32, #tpu.memory_space<vmem>>
          %dma_start3A_677 = tpu.memref_squeeze %dma_start3A_676 : memref<1x64xf32, #tpu.memory_space<vmem>> -> memref<64xf32, #tpu.memory_space<vmem>>
          %dma_start3A_678 = tpu.memref_slice %arg5[%multiple_of3A_675] : memref<1048576xf32, #tpu.memory_space<hbm>> -> memref<64xf32, #tpu.memory_space<hbm>>
          %dma_start3A_679 = tpu.memref_slice %arg5[%multiple_of3A_675] : memref<1048576xf32, #tpu.memory_space<hbm>> -> memref<64xf32, #tpu.memory_space<hbm>>
          %dma_start3A_680 = arith.constant 0 : i32
          %dma_start3A_681 = tpu.memref_slice %arg14[%add3A_672, %dma_start3A_680] : memref<64x64xf32, #tpu.memory_space<vmem>> -> memref<1x64xf32, #tpu.memory_space<vmem>>
          %dma_start3A_682 = tpu.memref_squeeze %dma_start3A_681 : memref<1x64xf32, #tpu.memory_space<vmem>> -> memref<64xf32, #tpu.memory_space<vmem>>
          tpu.enqueue_dma source(%dma_start3A_682 : memref<64xf32, #tpu.memory_space<vmem>>) target(%dma_start3A_679 : memref<64xf32, #tpu.memory_space<hbm>>) target_semaphore(%arg18 : memref<!tpu.dma_semaphore, #tpu.memory_space<semaphore_mem>>)
        }
        %add3A_612 = arith.addi %while3A_532, %reduce_max3A_595 : i32
        %eq3A_613 = vector.broadcast %rem3A_548 : i32 to vector<16xi32>
        %eq3A_614 = arith.cmpi eq, %iota3A, %eq3A_613 : vector<16xi32>
        %broadcast_in_dim3A_615 = vector.broadcast %add3A_612 : i32 to vector<16xi32>
        %select_n3A_616 = arith.select %eq3A_614, %broadcast_in_dim3A_615, %while3A_534 : vector<16xi1>, vector<16xi32>
        %add3A_617 = arith.constant 1 : i32
        %add3A_618 = arith.addi %while3A_531, %add3A_617 : i32
        scf.yield %add3A_618, %add3A_612, %add3A_574, %select_n3A_616 : i32, i32, i32, vector<16xi32>
      }
      %while3A_277 = arith.constant 1 : i32
      %while3A_278:4 = scf.for %while3A_530 = %while3A_274 to %while3A_270 step %while3A_277 iter_args(%while3A_531 = %while3A_276#0, %while3A_532 = %while3A_276#1, %while3A_533 = %while3A_276#2, %while3A_534 = %while3A_276#3) -> (i32, i32, i32, vector<16xi32>)  : i32 {
        %mul3A_535 = arith.constant 16 : i32
        %mul3A_536 = arith.muli %while3A_530, %mul3A_535 : i32
        %get3A = arith.index_cast %mul3A_536 : i32 to index
        %get3A_537 = tpu.vector_load %arg9[%get3A] {strides = array<i32>} : memref<16400xi32, #tpu.memory_space<vmem>>, vector<16xi32>,
        %ge3A_538 = vector.broadcast %multiple_of3A_213 : i32 to vector<16xi32>
        %ge3A_539 = arith.cmpi sge, %get3A_537, %ge3A_538 : vector<16xi32>
        %lt3A_540 = vector.broadcast %min3A_226 : i32 to vector<16xi32>
        %lt3A_541 = arith.cmpi slt, %get3A_537, %lt3A_540 : vector<16xi32>
        %and3A_542 = arith.andi %ge3A_539, %lt3A_541 : vector<16xi1>
        %mul3A_543 = arith.constant 16 : i32
        %mul3A_544 = arith.muli %while3A_530, %mul3A_543 : i32
        %get3A_545 = arith.index_cast %mul3A_544 : i32 to index
        %get3A_546 = tpu.vector_load %arg10[%get3A_545] {strides = array<i32>} : memref<16400xi32, #tpu.memory_space<vmem>>, vector<16xi32>,
        %rem3A_547 = arith.constant 4 : i32
        %rem3A_548 = arith.remsi %while3A_531, %rem3A_547 : i32
        %eq3A_549 = vector.broadcast %rem3A_548 : i32 to vector<16xi32>
        %eq3A_550 = arith.cmpi eq, %iota3A, %eq3A_549 : vector<16xi32>
        %jit3A_551 = arith.constant 0 : i32
        %broadcast_in_dim3A_552 = vector.broadcast %jit3A_551 : i32 to vector<16xi32>
        %select_n3A_553 = arith.select %eq3A_550, %while3A_534, %broadcast_in_dim3A_552 : vector<16xi1>, vector<16xi32>
        %reduce_max3A_554 = arith.constant true
        %reduce_max3A_555 = vector.broadcast %reduce_max3A_554 : i1 to vector<16xi1>
        %reduce_max3A_556 = arith.constant -2147483648 : i32
        %reduce_max3A_557 = vector.broadcast %reduce_max3A_556 : i32 to vector<16xi32>
        %reduce_max3A_558 = arith.xori %select_n3A_553, %reduce_max3A_557 : vector<16xi32>
        %reduce_max3A_559 = tpu.scan <max>, %reduce_max3A_558 masked %reduce_max3A_555 : vector<16xi32>, vector<16xi1> -> vector<16xi32>
        %reduce_max3A_560 = arith.xori %reduce_max3A_559, %reduce_max3A_557 : vector<16xi32>
        %reduce_max3A_561 = vector.extract %reduce_max3A_560[15] : i32 from vector<16xi32>
        %sub3A_562 = arith.subi %reduce_max3A_561, %while3A_533 : i32
        %max3A = arith.constant 0 : i32
        %max3A_563 = arith.maxsi %sub3A_562, %max3A : i32
        %while3A_564 = arith.constant 0 : i32
        %while3A_565 = arith.constant 0 : i32
        %while3A_566 = arith.subi %max3A_563, %while3A_565 : i32
        %while3A_567 = arith.addi %while3A_565, %while3A_566 : i32
        %while3A_568 = arith.constant 1 : i32
        %while3A_569 = arith.divsi %while3A_566, %while3A_568 : i32
        %while3A_570 = arith.muli %while3A_569, %while3A_568 : i32
        %while3A_571 = arith.addi %while3A_565, %while3A_570 : i32
        %while3A_572 = arith.constant 1 : i32
        scf.for %while3A_619 = %while3A_565 to %while3A_571 step %while3A_572  : i32 {
          %dma_wait3A = arith.constant 0 : i32
          %dma_wait3A_620 = arith.constant 0 : i32
          %dma_wait3A_621 = tpu.memref_slice %arg14[%dma_wait3A, %dma_wait3A_620] : memref<64x64xf32, #tpu.memory_space<vmem>> -> memref<1x64xf32, #tpu.memory_space<vmem>>
          %dma_wait3A_622 = tpu.memref_squeeze %dma_wait3A_621 : memref<1x64xf32, #tpu.memory_space<vmem>> -> memref<64xf32, #tpu.memory_space<vmem>>
          %dma_wait3A_623 = arith.constant 0 : i32
          %dma_wait3A_624 = tpu.memref_slice %arg5[%dma_wait3A_623] : memref<1048576xf32, #tpu.memory_space<hbm>> -> memref<64xf32, #tpu.memory_space<hbm>>
          %dma_wait3A_625 = arith.constant 0 : i32
          %dma_wait3A_626 = tpu.memref_slice %arg14[%dma_wait3A, %dma_wait3A_625] : memref<64x64xf32, #tpu.memory_space<vmem>> -> memref<1x64xf32, #tpu.memory_space<vmem>>
          %dma_wait3A_627 = tpu.memref_squeeze %dma_wait3A_626 : memref<1x64xf32, #tpu.memory_space<vmem>> -> memref<64xf32, #tpu.memory_space<vmem>>
          %dma_wait3A_628 = arith.constant 0 : i32
          %dma_wait3A_629 = tpu.memref_slice %arg5[%dma_wait3A_628] : memref<1048576xf32, #tpu.memory_space<hbm>> -> memref<64xf32, #tpu.memory_space<hbm>>
          tpu.wait_dma2 semaphore(%arg18 : memref<!tpu.dma_semaphore, #tpu.memory_space<semaphore_mem>>) src(%dma_wait3A_629 : memref<64xf32, #tpu.memory_space<hbm>>) dst(%dma_wait3A_627 : memref<64xf32, #tpu.memory_space<vmem>>)
        }
        %while3A_573 = arith.constant 1 : i32
        scf.for %while3A_619 = %while3A_571 to %while3A_567 step %while3A_573  : i32 {
          %dma_wait3A = arith.constant 0 : i32
          %dma_wait3A_620 = arith.constant 0 : i32
          %dma_wait3A_621 = tpu.memref_slice %arg14[%dma_wait3A, %dma_wait3A_620] : memref<64x64xf32, #tpu.memory_space<vmem>> -> memref<1x64xf32, #tpu.memory_space<vmem>>
          %dma_wait3A_622 = tpu.memref_squeeze %dma_wait3A_621 : memref<1x64xf32, #tpu.memory_space<vmem>> -> memref<64xf32, #tpu.memory_space<vmem>>
          %dma_wait3A_623 = arith.constant 0 : i32
          %dma_wait3A_624 = tpu.memref_slice %arg5[%dma_wait3A_623] : memref<1048576xf32, #tpu.memory_space<hbm>> -> memref<64xf32, #tpu.memory_space<hbm>>
          %dma_wait3A_625 = arith.constant 0 : i32
          %dma_wait3A_626 = tpu.memref_slice %arg14[%dma_wait3A, %dma_wait3A_625] : memref<64x64xf32, #tpu.memory_space<vmem>> -> memref<1x64xf32, #tpu.memory_space<vmem>>
          %dma_wait3A_627 = tpu.memref_squeeze %dma_wait3A_626 : memref<1x64xf32, #tpu.memory_space<vmem>> -> memref<64xf32, #tpu.memory_space<vmem>>
          %dma_wait3A_628 = arith.constant 0 : i32
          %dma_wait3A_629 = tpu.memref_slice %arg5[%dma_wait3A_628] : memref<1048576xf32, #tpu.memory_space<hbm>> -> memref<64xf32, #tpu.memory_space<hbm>>
          tpu.wait_dma2 semaphore(%arg18 : memref<!tpu.dma_semaphore, #tpu.memory_space<semaphore_mem>>) src(%dma_wait3A_629 : memref<64xf32, #tpu.memory_space<hbm>>) dst(%dma_wait3A_627 : memref<64xf32, #tpu.memory_space<vmem>>)
        }
        %add3A_574 = arith.addi %while3A_533, %max3A_563 : i32
        %jit3A_575 = arith.constant 1 : i32
        %jit3A_576 = arith.constant 0 : i32
        %broadcast_in_dim3A_577 = vector.broadcast %jit3A_575 : i32 to vector<16xi32>
        %broadcast_in_dim3A_578 = vector.broadcast %jit3A_576 : i32 to vector<16xi32>
        %select_n3A_579 = arith.select %and3A_542, %broadcast_in_dim3A_577, %broadcast_in_dim3A_578 : vector<16xi1>, vector<16xi32>
        %broadcast_in_dim3A_580 = arith.constant true
        %broadcast_in_dim3A_581 = vector.broadcast %broadcast_in_dim3A_580 : i1 to vector<16xi1>
        %masked_cumsum3A = tpu.scan <sum>, %select_n3A_579 masked %broadcast_in_dim3A_581 : vector<16xi32>, vector<16xi1> -> vector<16xi32>
        %sub3A_582 = arith.constant 1 : i32
        %sub3A_583 = vector.broadcast %sub3A_582 : i32 to vector<16xi32>
        %sub3A_584 = arith.subi %masked_cumsum3A, %sub3A_583 : vector<16xi32>
        %jit3A_585 = arith.constant 15 : i32
        %broadcast_in_dim3A_586 = vector.broadcast %jit3A_585 : i32 to vector<16xi32>
        %select_n3A_587 = arith.select %and3A_542, %sub3A_584, %broadcast_in_dim3A_586 : vector<16xi1>, vector<16xi32>
        %reduce_max3A_588 = arith.constant true
        %reduce_max3A_589 = vector.broadcast %reduce_max3A_588 : i1 to vector<16xi1>
        %reduce_max3A_590 = arith.constant -2147483648 : i32
        %reduce_max3A_591 = vector.broadcast %reduce_max3A_590 : i32 to vector<16xi32>
        %reduce_max3A_592 = arith.xori %masked_cumsum3A, %reduce_max3A_591 : vector<16xi32>
        %reduce_max3A_593 = tpu.scan <max>, %reduce_max3A_592 masked %reduce_max3A_589 : vector<16xi32>, vector<16xi1> -> vector<16xi32>
        %reduce_max3A_594 = arith.xori %reduce_max3A_593, %reduce_max3A_591 : vector<16xi32>
        %reduce_max3A_595 = vector.extract %reduce_max3A_594[15] : i32 from vector<16xi32>
        %sub3A_596 = vector.broadcast %select_n3A_222 : i32 to vector<16xi32>
        %sub3A_597 = arith.subi %get3A_537, %sub3A_596 : vector<16xi32>
        tpu.vector_store_idx %arg16[%select_n3A_587], %sub3A_597 masked %and3A_542 : memref<16xi32, #tpu.memory_space<vmem>>[vector<16xi32>], vector<16xi32>, vector<16xi1>
        tpu.vector_store_idx %arg15[%select_n3A_587], %get3A_546 masked %and3A_542 : memref<16xi32, #tpu.memory_space<vmem>>[vector<16xi32>], vector<16xi32>, vector<16xi1>
        %get3A_598 = arith.constant 0 : index
        %get3A_599 = tpu.vector_load %arg16[%get3A_598] {strides = array<i32>} : memref<16xi32, #tpu.memory_space<vmem>>, vector<16xi32>,
        %get3A_600 = arith.constant 0 : index
        %get3A_601 = tpu.vector_load %arg15[%get3A_600] {strides = array<i32>} : memref<16xi32, #tpu.memory_space<vmem>>, vector<16xi32>,
        %while3A_602 = arith.constant 0 : i32
        %while3A_603 = arith.constant 0 : i32
        %while3A_604 = arith.subi %reduce_max3A_595, %while3A_603 : i32
        %while3A_605 = arith.addi %while3A_603, %while3A_604 : i32
        %while3A_606 = arith.constant 1 : i32
        %while3A_607 = arith.divsi %while3A_604, %while3A_606 : i32
        %while3A_608 = arith.muli %while3A_607, %while3A_606 : i32
        %while3A_609 = arith.addi %while3A_603, %while3A_608 : i32
        %while3A_610 = arith.constant 1 : i32
        scf.for %while3A_619 = %while3A_603 to %while3A_609 step %while3A_610  : i32 {
          %eq3A_620 = vector.broadcast %while3A_619 : i32 to vector<16xi32>
          %eq3A_621 = arith.cmpi eq, %iota3A, %eq3A_620 : vector<16xi32>
          %jit3A_622 = arith.constant 0 : i32
          %broadcast_in_dim3A_623 = vector.broadcast %jit3A_622 : i32 to vector<16xi32>
          %select_n3A_624 = arith.select %eq3A_621, %get3A_599, %broadcast_in_dim3A_623 : vector<16xi1>, vector<16xi32>
          %reduce_max3A_625 = arith.constant true
          %reduce_max3A_626 = vector.broadcast %reduce_max3A_625 : i1 to vector<16xi1>
          %reduce_max3A_627 = arith.constant -2147483648 : i32
          %reduce_max3A_628 = vector.broadcast %reduce_max3A_627 : i32 to vector<16xi32>
          %reduce_max3A_629 = arith.xori %select_n3A_624, %reduce_max3A_628 : vector<16xi32>
          %reduce_max3A_630 = tpu.scan <max>, %reduce_max3A_629 masked %reduce_max3A_626 : vector<16xi32>, vector<16xi1> -> vector<16xi32>
          %reduce_max3A_631 = arith.xori %reduce_max3A_630, %reduce_max3A_628 : vector<16xi32>
          %reduce_max3A_632 = vector.extract %reduce_max3A_631[15] : i32 from vector<16xi32>
          %eq3A_633 = vector.broadcast %while3A_619 : i32 to vector<16xi32>
          %eq3A_634 = arith.cmpi eq, %iota3A, %eq3A_633 : vector<16xi32>
          %jit3A_635 = arith.constant 0 : i32
          %broadcast_in_dim3A_636 = vector.broadcast %jit3A_635 : i32 to vector<16xi32>
          %select_n3A_637 = arith.select %eq3A_634, %get3A_601, %broadcast_in_dim3A_636 : vector<16xi1>, vector<16xi32>
          %reduce_max3A_638 = arith.constant true
          %reduce_max3A_639 = vector.broadcast %reduce_max3A_638 : i1 to vector<16xi1>
          %reduce_max3A_640 = arith.constant -2147483648 : i32
          %reduce_max3A_641 = vector.broadcast %reduce_max3A_640 : i32 to vector<16xi32>
          %reduce_max3A_642 = arith.xori %select_n3A_637, %reduce_max3A_641 : vector<16xi32>
          %reduce_max3A_643 = tpu.scan <max>, %reduce_max3A_642 masked %reduce_max3A_639 : vector<16xi32>, vector<16xi1> -> vector<16xi32>
          %reduce_max3A_644 = arith.xori %reduce_max3A_643, %reduce_max3A_641 : vector<16xi32>
          %reduce_max3A_645 = vector.extract %reduce_max3A_644[15] : i32 from vector<16xi32>
          %mul3A_646 = arith.constant 16 : i32
          %mul3A_647 = arith.muli %rem3A_548, %mul3A_646 : i32
          %broadcast_in_dim3A_648 = vector.broadcast %mul3A_647 : i32 to vector<16xi32>
          %add3A_649 = vector.broadcast %while3A_619 : i32 to vector<16xi32>
          %add3A_650 = arith.addi %broadcast_in_dim3A_648, %add3A_649 : vector<16xi32>
          %broadcast_in_dim3A_651 = arith.constant 0 : i32
          %broadcast_in_dim3A_652 = vector.broadcast %broadcast_in_dim3A_651 : i32 to vector<16xi32>
          %add3A_653 = vector.broadcast %reduce_max3A_632 : i32 to vector<16xi32>
          %add3A_654 = arith.addi %broadcast_in_dim3A_652, %add3A_653 : vector<16xi32>
          %add3A_655 = arith.constant 0 : i32
          %add3A_656 = vector.broadcast %add3A_655 : i32 to vector<16xi32>
          %add3A_657 = arith.addi %add3A_656, %iota3A : vector<16xi32>
          %gather3A = tpu.vector_load_idx %arg11[%add3A_657, %add3A_654] : memref<64x256xf32, #tpu.memory_space<vmem>>[vector<16xi32>, vector<16xi32>], vector<16xf32>,
          tpu.vector_store_idx %arg14[%add3A_650, %add3A_657], %gather3A : memref<64x64xf32, #tpu.memory_space<vmem>>[vector<16xi32>, vector<16xi32>], vector<16xf32>,
          %add3A_658 = arith.constant 16 : i32
          %add3A_659 = vector.broadcast %add3A_658 : i32 to vector<16xi32>
          %add3A_660 = arith.addi %add3A_659, %iota3A : vector<16xi32>
          %gather3A_661 = tpu.vector_load_idx %arg11[%add3A_660, %add3A_654] : memref<64x256xf32, #tpu.memory_space<vmem>>[vector<16xi32>, vector<16xi32>], vector<16xf32>,
          tpu.vector_store_idx %arg14[%add3A_650, %add3A_660], %gather3A_661 : memref<64x64xf32, #tpu.memory_space<vmem>>[vector<16xi32>, vector<16xi32>], vector<16xf32>,
          %add3A_662 = arith.constant 32 : i32
          %add3A_663 = vector.broadcast %add3A_662 : i32 to vector<16xi32>
          %add3A_664 = arith.addi %add3A_663, %iota3A : vector<16xi32>
          %gather3A_665 = tpu.vector_load_idx %arg11[%add3A_664, %add3A_654] : memref<64x256xf32, #tpu.memory_space<vmem>>[vector<16xi32>, vector<16xi32>], vector<16xf32>,
          tpu.vector_store_idx %arg14[%add3A_650, %add3A_664], %gather3A_665 : memref<64x64xf32, #tpu.memory_space<vmem>>[vector<16xi32>, vector<16xi32>], vector<16xf32>,
          %add3A_666 = arith.constant 48 : i32
          %add3A_667 = vector.broadcast %add3A_666 : i32 to vector<16xi32>
          %add3A_668 = arith.addi %add3A_667, %iota3A : vector<16xi32>
          %gather3A_669 = tpu.vector_load_idx %arg11[%add3A_668, %add3A_654] : memref<64x256xf32, #tpu.memory_space<vmem>>[vector<16xi32>, vector<16xi32>], vector<16xf32>,
          tpu.vector_store_idx %arg14[%add3A_650, %add3A_668], %gather3A_669 : memref<64x64xf32, #tpu.memory_space<vmem>>[vector<16xi32>, vector<16xi32>], vector<16xf32>,
          %mul3A_670 = arith.constant 16 : i32
          %mul3A_671 = arith.muli %rem3A_548, %mul3A_670 : i32
          %add3A_672 = arith.addi %mul3A_671, %while3A_619 : i32
          %mul3A_673 = arith.constant 64 : i32
          %mul3A_674 = arith.muli %reduce_max3A_645, %mul3A_673 : i32
          %multiple_of3A_675 = tpu.assume_multiple %mul3A_674, 8 : i32
          %dma_start3A = arith.constant 0 : i32
          %dma_start3A_676 = tpu.memref_slice %arg14[%add3A_672, %dma_start3A] : memref<64x64xf32, #tpu.memory_space<vmem>> -> memref<1x64xf32, #tpu.memory_space<vmem>>
          %dma_start3A_677 = tpu.memref_squeeze %dma_start3A_676 : memref<1x64xf32, #tpu.memory_space<vmem>> -> memref<64xf32, #tpu.memory_space<vmem>>
          %dma_start3A_678 = tpu.memref_slice %arg5[%multiple_of3A_675] : memref<1048576xf32, #tpu.memory_space<hbm>> -> memref<64xf32, #tpu.memory_space<hbm>>
          %dma_start3A_679 = tpu.memref_slice %arg5[%multiple_of3A_675] : memref<1048576xf32, #tpu.memory_space<hbm>> -> memref<64xf32, #tpu.memory_space<hbm>>
          %dma_start3A_680 = arith.constant 0 : i32
          %dma_start3A_681 = tpu.memref_slice %arg14[%add3A_672, %dma_start3A_680] : memref<64x64xf32, #tpu.memory_space<vmem>> -> memref<1x64xf32, #tpu.memory_space<vmem>>
          %dma_start3A_682 = tpu.memref_squeeze %dma_start3A_681 : memref<1x64xf32, #tpu.memory_space<vmem>> -> memref<64xf32, #tpu.memory_space<vmem>>
          tpu.enqueue_dma source(%dma_start3A_682 : memref<64xf32, #tpu.memory_space<vmem>>) target(%dma_start3A_679 : memref<64xf32, #tpu.memory_space<hbm>>) target_semaphore(%arg18 : memref<!tpu.dma_semaphore, #tpu.memory_space<semaphore_mem>>)
        }
        %while3A_611 = arith.constant 1 : i32
        scf.for %while3A_619 = %while3A_609 to %while3A_605 step %while3A_611  : i32 {
          %eq3A_620 = vector.broadcast %while3A_619 : i32 to vector<16xi32>
          %eq3A_621 = arith.cmpi eq, %iota3A, %eq3A_620 : vector<16xi32>
          %jit3A_622 = arith.constant 0 : i32
          %broadcast_in_dim3A_623 = vector.broadcast %jit3A_622 : i32 to vector<16xi32>
          %select_n3A_624 = arith.select %eq3A_621, %get3A_599, %broadcast_in_dim3A_623 : vector<16xi1>, vector<16xi32>
          %reduce_max3A_625 = arith.constant true
          %reduce_max3A_626 = vector.broadcast %reduce_max3A_625 : i1 to vector<16xi1>
          %reduce_max3A_627 = arith.constant -2147483648 : i32
          %reduce_max3A_628 = vector.broadcast %reduce_max3A_627 : i32 to vector<16xi32>
          %reduce_max3A_629 = arith.xori %select_n3A_624, %reduce_max3A_628 : vector<16xi32>
          %reduce_max3A_630 = tpu.scan <max>, %reduce_max3A_629 masked %reduce_max3A_626 : vector<16xi32>, vector<16xi1> -> vector<16xi32>
          %reduce_max3A_631 = arith.xori %reduce_max3A_630, %reduce_max3A_628 : vector<16xi32>
          %reduce_max3A_632 = vector.extract %reduce_max3A_631[15] : i32 from vector<16xi32>
          %eq3A_633 = vector.broadcast %while3A_619 : i32 to vector<16xi32>
          %eq3A_634 = arith.cmpi eq, %iota3A, %eq3A_633 : vector<16xi32>
          %jit3A_635 = arith.constant 0 : i32
          %broadcast_in_dim3A_636 = vector.broadcast %jit3A_635 : i32 to vector<16xi32>
          %select_n3A_637 = arith.select %eq3A_634, %get3A_601, %broadcast_in_dim3A_636 : vector<16xi1>, vector<16xi32>
          %reduce_max3A_638 = arith.constant true
          %reduce_max3A_639 = vector.broadcast %reduce_max3A_638 : i1 to vector<16xi1>
          %reduce_max3A_640 = arith.constant -2147483648 : i32
          %reduce_max3A_641 = vector.broadcast %reduce_max3A_640 : i32 to vector<16xi32>
          %reduce_max3A_642 = arith.xori %select_n3A_637, %reduce_max3A_641 : vector<16xi32>
          %reduce_max3A_643 = tpu.scan <max>, %reduce_max3A_642 masked %reduce_max3A_639 : vector<16xi32>, vector<16xi1> -> vector<16xi32>
          %reduce_max3A_644 = arith.xori %reduce_max3A_643, %reduce_max3A_641 : vector<16xi32>
          %reduce_max3A_645 = vector.extract %reduce_max3A_644[15] : i32 from vector<16xi32>
          %mul3A_646 = arith.constant 16 : i32
          %mul3A_647 = arith.muli %rem3A_548, %mul3A_646 : i32
          %broadcast_in_dim3A_648 = vector.broadcast %mul3A_647 : i32 to vector<16xi32>
          %add3A_649 = vector.broadcast %while3A_619 : i32 to vector<16xi32>
          %add3A_650 = arith.addi %broadcast_in_dim3A_648, %add3A_649 : vector<16xi32>
          %broadcast_in_dim3A_651 = arith.constant 0 : i32
          %broadcast_in_dim3A_652 = vector.broadcast %broadcast_in_dim3A_651 : i32 to vector<16xi32>
          %add3A_653 = vector.broadcast %reduce_max3A_632 : i32 to vector<16xi32>
          %add3A_654 = arith.addi %broadcast_in_dim3A_652, %add3A_653 : vector<16xi32>
          %add3A_655 = arith.constant 0 : i32
          %add3A_656 = vector.broadcast %add3A_655 : i32 to vector<16xi32>
          %add3A_657 = arith.addi %add3A_656, %iota3A : vector<16xi32>
          %gather3A = tpu.vector_load_idx %arg11[%add3A_657, %add3A_654] : memref<64x256xf32, #tpu.memory_space<vmem>>[vector<16xi32>, vector<16xi32>], vector<16xf32>,
          tpu.vector_store_idx %arg14[%add3A_650, %add3A_657], %gather3A : memref<64x64xf32, #tpu.memory_space<vmem>>[vector<16xi32>, vector<16xi32>], vector<16xf32>,
          %add3A_658 = arith.constant 16 : i32
          %add3A_659 = vector.broadcast %add3A_658 : i32 to vector<16xi32>
          %add3A_660 = arith.addi %add3A_659, %iota3A : vector<16xi32>
          %gather3A_661 = tpu.vector_load_idx %arg11[%add3A_660, %add3A_654] : memref<64x256xf32, #tpu.memory_space<vmem>>[vector<16xi32>, vector<16xi32>], vector<16xf32>,
          tpu.vector_store_idx %arg14[%add3A_650, %add3A_660], %gather3A_661 : memref<64x64xf32, #tpu.memory_space<vmem>>[vector<16xi32>, vector<16xi32>], vector<16xf32>,
          %add3A_662 = arith.constant 32 : i32
          %add3A_663 = vector.broadcast %add3A_662 : i32 to vector<16xi32>
          %add3A_664 = arith.addi %add3A_663, %iota3A : vector<16xi32>
          %gather3A_665 = tpu.vector_load_idx %arg11[%add3A_664, %add3A_654] : memref<64x256xf32, #tpu.memory_space<vmem>>[vector<16xi32>, vector<16xi32>], vector<16xf32>,
          tpu.vector_store_idx %arg14[%add3A_650, %add3A_664], %gather3A_665 : memref<64x64xf32, #tpu.memory_space<vmem>>[vector<16xi32>, vector<16xi32>], vector<16xf32>,
          %add3A_666 = arith.constant 48 : i32
          %add3A_667 = vector.broadcast %add3A_666 : i32 to vector<16xi32>
          %add3A_668 = arith.addi %add3A_667, %iota3A : vector<16xi32>
          %gather3A_669 = tpu.vector_load_idx %arg11[%add3A_668, %add3A_654] : memref<64x256xf32, #tpu.memory_space<vmem>>[vector<16xi32>, vector<16xi32>], vector<16xf32>,
          tpu.vector_store_idx %arg14[%add3A_650, %add3A_668], %gather3A_669 : memref<64x64xf32, #tpu.memory_space<vmem>>[vector<16xi32>, vector<16xi32>], vector<16xf32>,
          %mul3A_670 = arith.constant 16 : i32
          %mul3A_671 = arith.muli %rem3A_548, %mul3A_670 : i32
          %add3A_672 = arith.addi %mul3A_671, %while3A_619 : i32
          %mul3A_673 = arith.constant 64 : i32
          %mul3A_674 = arith.muli %reduce_max3A_645, %mul3A_673 : i32
          %multiple_of3A_675 = tpu.assume_multiple %mul3A_674, 8 : i32
          %dma_start3A = arith.constant 0 : i32
          %dma_start3A_676 = tpu.memref_slice %arg14[%add3A_672, %dma_start3A] : memref<64x64xf32, #tpu.memory_space<vmem>> -> memref<1x64xf32, #tpu.memory_space<vmem>>
          %dma_start3A_677 = tpu.memref_squeeze %dma_start3A_676 : memref<1x64xf32, #tpu.memory_space<vmem>> -> memref<64xf32, #tpu.memory_space<vmem>>
          %dma_start3A_678 = tpu.memref_slice %arg5[%multiple_of3A_675] : memref<1048576xf32, #tpu.memory_space<hbm>> -> memref<64xf32, #tpu.memory_space<hbm>>
          %dma_start3A_679 = tpu.memref_slice %arg5[%multiple_of3A_675] : memref<1048576xf32, #tpu.memory_space<hbm>> -> memref<64xf32, #tpu.memory_space<hbm>>
          %dma_start3A_680 = arith.constant 0 : i32
          %dma_start3A_681 = tpu.memref_slice %arg14[%add3A_672, %dma_start3A_680] : memref<64x64xf32, #tpu.memory_space<vmem>> -> memref<1x64xf32, #tpu.memory_space<vmem>>
          %dma_start3A_682 = tpu.memref_squeeze %dma_start3A_681 : memref<1x64xf32, #tpu.memory_space<vmem>> -> memref<64xf32, #tpu.memory_space<vmem>>
          tpu.enqueue_dma source(%dma_start3A_682 : memref<64xf32, #tpu.memory_space<vmem>>) target(%dma_start3A_679 : memref<64xf32, #tpu.memory_space<hbm>>) target_semaphore(%arg18 : memref<!tpu.dma_semaphore, #tpu.memory_space<semaphore_mem>>)
        }
        %add3A_612 = arith.addi %while3A_532, %reduce_max3A_595 : i32
        %eq3A_613 = vector.broadcast %rem3A_548 : i32 to vector<16xi32>
        %eq3A_614 = arith.cmpi eq, %iota3A, %eq3A_613 : vector<16xi32>
        %broadcast_in_dim3A_615 = vector.broadcast %add3A_612 : i32 to vector<16xi32>
        %select_n3A_616 = arith.select %eq3A_614, %broadcast_in_dim3A_615, %while3A_534 : vector<16xi1>, vector<16xi32>
        %add3A_617 = arith.constant 1 : i32
        %add3A_618 = arith.addi %while3A_531, %add3A_617 : i32
        scf.yield %add3A_618, %add3A_612, %add3A_574, %select_n3A_616 : i32, i32, i32, vector<16xi32>
      }
      %mul3A_279 = arith.constant 256 : i32
      %mul3A_280 = arith.muli %add3A_196, %mul3A_279 : i32
      %add3A_281 = arith.addi %mul3A_2, %mul3A_280 : i32
      %multiple_of3A_282 = tpu.assume_multiple %add3A_281, 128 : i32
      %lt3A_283 = arith.constant 123 : i32
      %lt3A_284 = arith.cmpi slt, %add3A_196, %lt3A_283 : i32
      %add3A_285 = arith.constant 256 : i32
      %add3A_286 = arith.addi %multiple_of3A_282, %add3A_285 : i32
      %le3A_287 = arith.constant 1000000 : i32
      %le3A_288 = arith.cmpi sle, %add3A_286, %le3A_287 : i32
      %and3A_289 = arith.andi %lt3A_284, %le3A_288 : i1
      %lt3A_290 = arith.constant 1000000 : i32
      %lt3A_291 = arith.cmpi slt, %multiple_of3A_282, %lt3A_290 : i32
      %and3A_292 = arith.andi %lt3A_284, %lt3A_291 : i1
      %add3A_293 = arith.constant 256 : i32
      %add3A_294 = arith.addi %multiple_of3A_282, %add3A_293 : i32
      %gt3A_295 = arith.constant 1000000 : i32
      %gt3A_296 = arith.cmpi sgt, %add3A_294, %gt3A_295 : i32
      %and3A_297 = arith.andi %and3A_292, %gt3A_296 : i1
      %convert_element_type3A_298 = arith.extui %and3A_289 : i1 to i32
      %cond3A_299 = arith.constant 0 : i32
      %cond3A_300 = arith.cmpi ne, %convert_element_type3A_298, %cond3A_299 : i32
      scf.if %cond3A_300 {
        %dma_start3A = arith.constant 0 : i32
        %dma_start3A_530 = tpu.memref_slice %arg3[%dma_start3A, %multiple_of3A_282] : memref<64x1000000xf32, #tpu.memory_space<hbm>> -> memref<64x256xf32, #tpu.memory_space<hbm>>
        %dma_start3A_531 = arith.constant 0 : i32
        %dma_start3A_532 = tpu.memref_slice %arg3[%dma_start3A_531, %multiple_of3A_282] : memref<64x1000000xf32, #tpu.memory_space<hbm>> -> memref<64x256xf32, #tpu.memory_space<hbm>>
        tpu.enqueue_dma source(%dma_start3A_532 : memref<64x256xf32, #tpu.memory_space<hbm>>) target(%arg11 : memref<64x256xf32, #tpu.memory_space<vmem>>) target_semaphore(%arg17 : memref<!tpu.dma_semaphore, #tpu.memory_space<semaphore_mem>>)
      } else {
      }
      %convert_element_type3A_301 = arith.extui %and3A_297 : i1 to i32
      %cond3A_302 = arith.constant 0 : i32
      %cond3A_303 = arith.cmpi ne, %convert_element_type3A_301, %cond3A_302 : i32
      scf.if %cond3A_303 {
        tpu.enqueue_dma source(%arg4 : memref<64x256xf32, #tpu.memory_space<hbm>>) target(%arg11 : memref<64x256xf32, #tpu.memory_space<vmem>>) target_semaphore(%arg17 : memref<!tpu.dma_semaphore, #tpu.memory_space<semaphore_mem>>)
      } else {
      }
      %add3A_304 = arith.constant 1 : i32
      %add3A_305 = arith.addi %mul3A_194, %add3A_304 : i32
      %add3A_306 = arith.constant 4 : i32
      %add3A_307 = arith.addi %mul3A_194, %add3A_306 : i32
      %div3A_308 = arith.constant 8 : i32
      %div3A_309 = arith.divsi %add3A_305, %div3A_308 : i32
      %rem3A_310 = arith.constant 8 : i32
      %rem3A_311 = arith.remsi %add3A_305, %rem3A_310 : i32
      %eq3A_312 = arith.constant 0 : i32
      %eq3A_313 = arith.cmpi eq, %rem3A_311, %eq3A_312 : i32
      %lt3A_314 = arith.constant 15 : i32
      %lt3A_315 = arith.cmpi slt, %div3A_309, %lt3A_314 : i32
      %and3A_316 = arith.andi %eq3A_313, %lt3A_315 : i1
      %convert_element_type3A_317 = arith.extui %and3A_316 : i1 to i32
      %cond3A_318 = arith.constant 0 : i32
      %cond3A_319 = arith.cmpi ne, %convert_element_type3A_317, %cond3A_318 : i32
      %cond3A_320:2 = scf.if %cond3A_319 -> (vector<16xi32>, i32) {
        %add3A_530 = arith.constant 1 : i32
        %add3A_531 = arith.addi %div3A_309, %add3A_530 : i32
        %eq3A_532 = vector.broadcast %add3A_531 : i32 to vector<16xi32>
        %eq3A_533 = arith.cmpi eq, %iota3A, %eq3A_532 : vector<16xi32>
        %broadcast_in_dim3A_534 = vector.broadcast %cond3A_209#1 : i32 to vector<16xi32>
        %select_n3A_535 = arith.select %eq3A_533, %broadcast_in_dim3A_534, %cond3A_209#0 : vector<16xi1>, vector<16xi32>
        %while3A_536 = arith.constant 0 : i32
        %while3A_537 = arith.subi %select_n3A, %while3A_536 : i32
        %while3A_538 = arith.addi %while3A_536, %while3A_537 : i32
        %while3A_539 = arith.constant 1 : i32
        %while3A_540 = arith.divsi %while3A_537, %while3A_539 : i32
        %while3A_541 = arith.muli %while3A_540, %while3A_539 : i32
        %while3A_542 = arith.addi %while3A_536, %while3A_541 : i32
        %while3A_543 = arith.constant 1 : i32
        %while3A_544 = scf.for %while3A_551 = %while3A_536 to %while3A_542 step %while3A_543 iter_args(%while3A_552 = %cond3A_209#1) -> (i32)  : i32 {
          %mul3A_553 = arith.constant 16 : i32
          %mul3A_554 = arith.muli %while3A_551, %mul3A_553 : i32
          %get3A = arith.index_cast %mul3A_554 : i32 to index
          %get3A_555 = tpu.vector_load %arg7[%get3A] {strides = array<i32>} : memref<16400xi32, #tpu.memory_space<vmem>>, vector<16xi32>,
          %sub3A_556 = vector.broadcast %mul3A_2 : i32 to vector<16xi32>
          %sub3A_557 = arith.subi %get3A_555, %sub3A_556 : vector<16xi32>
          %shift_right_logical3A = arith.constant 11 : i32
          %shift_right_logical3A_558 = vector.broadcast %shift_right_logical3A : i32 to vector<16xi32>
          %shift_right_logical3A_559 = arith.shrui %sub3A_557, %shift_right_logical3A_558 : vector<16xi32>
          %eq3A_560 = vector.broadcast %add3A_531 : i32 to vector<16xi32>
          %eq3A_561 = arith.cmpi eq, %shift_right_logical3A_559, %eq3A_560 : vector<16xi32>
          %mul3A_562 = arith.constant 16 : i32
          %mul3A_563 = arith.muli %while3A_551, %mul3A_562 : i32
          %get3A_564 = arith.index_cast %mul3A_563 : i32 to index
          %get3A_565 = tpu.vector_load %arg8[%get3A_564] {strides = array<i32>} : memref<16400xi32, #tpu.memory_space<vmem>>, vector<16xi32>,
          %jit3A_566 = arith.constant 1 : i32
          %jit3A_567 = arith.constant 0 : i32
          %broadcast_in_dim3A_568 = vector.broadcast %jit3A_566 : i32 to vector<16xi32>
          %broadcast_in_dim3A_569 = vector.broadcast %jit3A_567 : i32 to vector<16xi32>
          %select_n3A_570 = arith.select %eq3A_561, %broadcast_in_dim3A_568, %broadcast_in_dim3A_569 : vector<16xi1>, vector<16xi32>
          %broadcast_in_dim3A_571 = arith.constant true
          %broadcast_in_dim3A_572 = vector.broadcast %broadcast_in_dim3A_571 : i1 to vector<16xi1>
          %masked_cumsum3A = tpu.scan <sum>, %select_n3A_570 masked %broadcast_in_dim3A_572 : vector<16xi32>, vector<16xi1> -> vector<16xi32>
          %add3A_573 = vector.broadcast %while3A_552 : i32 to vector<16xi32>
          %add3A_574 = arith.addi %add3A_573, %masked_cumsum3A : vector<16xi32>
          %sub3A_575 = arith.constant 1 : i32
          %sub3A_576 = vector.broadcast %sub3A_575 : i32 to vector<16xi32>
          %sub3A_577 = arith.subi %add3A_574, %sub3A_576 : vector<16xi32>
          tpu.vector_store_idx %arg9[%sub3A_577], %get3A_555 masked %eq3A_561 : memref<16400xi32, #tpu.memory_space<vmem>>[vector<16xi32>], vector<16xi32>, vector<16xi1>
          tpu.vector_store_idx %arg10[%sub3A_577], %get3A_565 masked %eq3A_561 : memref<16400xi32, #tpu.memory_space<vmem>>[vector<16xi32>], vector<16xi32>, vector<16xi1>
          %reduce_max3A_578 = arith.constant true
          %reduce_max3A_579 = vector.broadcast %reduce_max3A_578 : i1 to vector<16xi1>
          %reduce_max3A_580 = arith.constant -2147483648 : i32
          %reduce_max3A_581 = vector.broadcast %reduce_max3A_580 : i32 to vector<16xi32>
          %reduce_max3A_582 = arith.xori %sub3A_577, %reduce_max3A_581 : vector<16xi32>
          %reduce_max3A_583 = tpu.scan <max>, %reduce_max3A_582 masked %reduce_max3A_579 : vector<16xi32>, vector<16xi1> -> vector<16xi32>
          %reduce_max3A_584 = arith.xori %reduce_max3A_583, %reduce_max3A_581 : vector<16xi32>
          %reduce_max3A_585 = vector.extract %reduce_max3A_584[15] : i32 from vector<16xi32>
          %add3A_586 = arith.constant 1 : i32
          %add3A_587 = arith.addi %reduce_max3A_585, %add3A_586 : i32
          scf.yield %add3A_587 : i32
        }
        %while3A_545 = arith.constant 1 : i32
        %while3A_546 = scf.for %while3A_551 = %while3A_542 to %while3A_538 step %while3A_545 iter_args(%while3A_552 = %while3A_544) -> (i32)  : i32 {
          %mul3A_553 = arith.constant 16 : i32
          %mul3A_554 = arith.muli %while3A_551, %mul3A_553 : i32
          %get3A = arith.index_cast %mul3A_554 : i32 to index
          %get3A_555 = tpu.vector_load %arg7[%get3A] {strides = array<i32>} : memref<16400xi32, #tpu.memory_space<vmem>>, vector<16xi32>,
          %sub3A_556 = vector.broadcast %mul3A_2 : i32 to vector<16xi32>
          %sub3A_557 = arith.subi %get3A_555, %sub3A_556 : vector<16xi32>
          %shift_right_logical3A = arith.constant 11 : i32
          %shift_right_logical3A_558 = vector.broadcast %shift_right_logical3A : i32 to vector<16xi32>
          %shift_right_logical3A_559 = arith.shrui %sub3A_557, %shift_right_logical3A_558 : vector<16xi32>
          %eq3A_560 = vector.broadcast %add3A_531 : i32 to vector<16xi32>
          %eq3A_561 = arith.cmpi eq, %shift_right_logical3A_559, %eq3A_560 : vector<16xi32>
          %mul3A_562 = arith.constant 16 : i32
          %mul3A_563 = arith.muli %while3A_551, %mul3A_562 : i32
          %get3A_564 = arith.index_cast %mul3A_563 : i32 to index
          %get3A_565 = tpu.vector_load %arg8[%get3A_564] {strides = array<i32>} : memref<16400xi32, #tpu.memory_space<vmem>>, vector<16xi32>,
          %jit3A_566 = arith.constant 1 : i32
          %jit3A_567 = arith.constant 0 : i32
          %broadcast_in_dim3A_568 = vector.broadcast %jit3A_566 : i32 to vector<16xi32>
          %broadcast_in_dim3A_569 = vector.broadcast %jit3A_567 : i32 to vector<16xi32>
          %select_n3A_570 = arith.select %eq3A_561, %broadcast_in_dim3A_568, %broadcast_in_dim3A_569 : vector<16xi1>, vector<16xi32>
          %broadcast_in_dim3A_571 = arith.constant true
          %broadcast_in_dim3A_572 = vector.broadcast %broadcast_in_dim3A_571 : i1 to vector<16xi1>
          %masked_cumsum3A = tpu.scan <sum>, %select_n3A_570 masked %broadcast_in_dim3A_572 : vector<16xi32>, vector<16xi1> -> vector<16xi32>
          %add3A_573 = vector.broadcast %while3A_552 : i32 to vector<16xi32>
          %add3A_574 = arith.addi %add3A_573, %masked_cumsum3A : vector<16xi32>
          %sub3A_575 = arith.constant 1 : i32
          %sub3A_576 = vector.broadcast %sub3A_575 : i32 to vector<16xi32>
          %sub3A_577 = arith.subi %add3A_574, %sub3A_576 : vector<16xi32>
          tpu.vector_store_idx %arg9[%sub3A_577], %get3A_555 masked %eq3A_561 : memref<16400xi32, #tpu.memory_space<vmem>>[vector<16xi32>], vector<16xi32>, vector<16xi1>
          tpu.vector_store_idx %arg10[%sub3A_577], %get3A_565 masked %eq3A_561 : memref<16400xi32, #tpu.memory_space<vmem>>[vector<16xi32>], vector<16xi32>, vector<16xi1>
          %reduce_max3A_578 = arith.constant true
          %reduce_max3A_579 = vector.broadcast %reduce_max3A_578 : i1 to vector<16xi1>
          %reduce_max3A_580 = arith.constant -2147483648 : i32
          %reduce_max3A_581 = vector.broadcast %reduce_max3A_580 : i32 to vector<16xi32>
          %reduce_max3A_582 = arith.xori %sub3A_577, %reduce_max3A_581 : vector<16xi32>
          %reduce_max3A_583 = tpu.scan <max>, %reduce_max3A_582 masked %reduce_max3A_579 : vector<16xi32>, vector<16xi1> -> vector<16xi32>
          %reduce_max3A_584 = arith.xori %reduce_max3A_583, %reduce_max3A_581 : vector<16xi32>
          %reduce_max3A_585 = vector.extract %reduce_max3A_584[15] : i32 from vector<16xi32>
          %add3A_586 = arith.constant 1 : i32
          %add3A_587 = arith.addi %reduce_max3A_585, %add3A_586 : i32
          scf.yield %add3A_587 : i32
        }
        %add3A_547 = vector.broadcast %while3A_546 : i32 to vector<16xi32>
        %add3A_548 = arith.addi %add3A_547, %iota3A : vector<16xi32>
        %broadcast_in_dim3A_549 = arith.constant 134217727 : i32
        %broadcast_in_dim3A_550 = vector.broadcast %broadcast_in_dim3A_549 : i32 to vector<16xi32>
        tpu.vector_store_idx %arg9[%add3A_548], %broadcast_in_dim3A_550 : memref<16400xi32, #tpu.memory_space<vmem>>[vector<16xi32>], vector<16xi32>,
        scf.yield %select_n3A_535, %while3A_546 : vector<16xi32>, i32
      } else {
        scf.yield %cond3A_209#0, %cond3A_209#1 : vector<16xi32>, i32
      }
      %mul3A_321 = arith.constant 256 : i32
      %mul3A_322 = arith.muli %add3A_305, %mul3A_321 : i32
      %add3A_323 = arith.addi %mul3A_2, %mul3A_322 : i32
      %multiple_of3A_324 = tpu.assume_multiple %add3A_323, 128 : i32
      %lt3A_325 = arith.constant 1000000 : i32
      %lt3A_326 = arith.cmpi slt, %multiple_of3A_324, %lt3A_325 : i32
      %add3A_327 = arith.constant 256 : i32
      %add3A_328 = arith.addi %multiple_of3A_324, %add3A_327 : i32
      %gt3A_329 = arith.constant 1000000 : i32
      %gt3A_330 = arith.cmpi sgt, %add3A_328, %gt3A_329 : i32
      %and3A_331 = arith.andi %lt3A_326, %gt3A_330 : i1
      %jit3A_332 = arith.constant 999744 : i32
      %select_n3A_333 = arith.select %and3A_331, %jit3A_332, %multiple_of3A_324 : i32
      %add3A_334 = arith.constant 256 : i32
      %add3A_335 = arith.addi %multiple_of3A_324, %add3A_334 : i32
      %min3A_336 = arith.constant 1000000 : i32
      %min3A_337 = arith.minsi %add3A_335, %min3A_336 : i32
      %convert_element_type3A_338 = arith.extui %lt3A_326 : i1 to i32
      %cond3A_339 = arith.constant 0 : i32
      %cond3A_340 = arith.cmpi ne, %convert_element_type3A_338, %cond3A_339 : i32
      scf.if %cond3A_340 {
        %dma_wait3A = arith.constant 0 : i32
        %dma_wait3A_530 = arith.constant 0 : i32
        %dma_wait3A_531 = tpu.memref_slice %arg3[%dma_wait3A, %dma_wait3A_530] : memref<64x1000000xf32, #tpu.memory_space<hbm>> -> memref<64x256xf32, #tpu.memory_space<hbm>>
        %dma_wait3A_532 = arith.constant 0 : i32
        %dma_wait3A_533 = arith.constant 0 : i32
        %dma_wait3A_534 = tpu.memref_slice %arg3[%dma_wait3A_532, %dma_wait3A_533] : memref<64x1000000xf32, #tpu.memory_space<hbm>> -> memref<64x256xf32, #tpu.memory_space<hbm>>
        tpu.wait_dma2 semaphore(%arg17 : memref<!tpu.dma_semaphore, #tpu.memory_space<semaphore_mem>>) src(%dma_wait3A_534 : memref<64x256xf32, #tpu.memory_space<hbm>>) dst(%arg12 : memref<64x256xf32, #tpu.memory_space<vmem>>)
      } else {
      }
      %eq3A_341 = vector.broadcast %div3A_309 : i32 to vector<16xi32>
      %eq3A_342 = arith.cmpi eq, %iota3A, %eq3A_341 : vector<16xi32>
      %jit3A_343 = arith.constant 0 : i32
      %broadcast_in_dim3A_344 = vector.broadcast %jit3A_343 : i32 to vector<16xi32>
      %select_n3A_345 = arith.select %eq3A_342, %cond3A_320#0, %broadcast_in_dim3A_344 : vector<16xi1>, vector<16xi32>
      %reduce_max3A_346 = arith.constant true
      %reduce_max3A_347 = vector.broadcast %reduce_max3A_346 : i1 to vector<16xi1>
      %reduce_max3A_348 = arith.constant -2147483648 : i32
      %reduce_max3A_349 = vector.broadcast %reduce_max3A_348 : i32 to vector<16xi32>
      %reduce_max3A_350 = arith.xori %select_n3A_345, %reduce_max3A_349 : vector<16xi32>
      %reduce_max3A_351 = tpu.scan <max>, %reduce_max3A_350 masked %reduce_max3A_347 : vector<16xi32>, vector<16xi1> -> vector<16xi32>
      %reduce_max3A_352 = arith.xori %reduce_max3A_351, %reduce_max3A_349 : vector<16xi32>
      %reduce_max3A_353 = vector.extract %reduce_max3A_352[15] : i32 from vector<16xi32>
      %ge3A_354 = arith.constant 15 : i32
      %ge3A_355 = arith.cmpi sge, %div3A_309, %ge3A_354 : i32
      %add3A_356 = arith.constant 1 : i32
      %add3A_357 = arith.addi %div3A_309, %add3A_356 : i32
      %eq3A_358 = vector.broadcast %add3A_357 : i32 to vector<16xi32>
      %eq3A_359 = arith.cmpi eq, %iota3A, %eq3A_358 : vector<16xi32>
      %jit3A_360 = arith.constant 0 : i32
      %broadcast_in_dim3A_361 = vector.broadcast %jit3A_360 : i32 to vector<16xi32>
      %select_n3A_362 = arith.select %eq3A_359, %cond3A_320#0, %broadcast_in_dim3A_361 : vector<16xi1>, vector<16xi32>
      %reduce_max3A_363 = arith.constant true
      %reduce_max3A_364 = vector.broadcast %reduce_max3A_363 : i1 to vector<16xi1>
      %reduce_max3A_365 = arith.constant -2147483648 : i32
      %reduce_max3A_366 = vector.broadcast %reduce_max3A_365 : i32 to vector<16xi32>
      %reduce_max3A_367 = arith.xori %select_n3A_362, %reduce_max3A_366 : vector<16xi32>
      %reduce_max3A_368 = tpu.scan <max>, %reduce_max3A_367 masked %reduce_max3A_364 : vector<16xi32>, vector<16xi1> -> vector<16xi32>
      %reduce_max3A_369 = arith.xori %reduce_max3A_368, %reduce_max3A_366 : vector<16xi32>
      %reduce_max3A_370 = vector.extract %reduce_max3A_369[15] : i32 from vector<16xi32>
      %select_n3A_371 = arith.select %ge3A_355, %cond3A_320#1, %reduce_max3A_370 : i32
      %div3A_372 = arith.constant 16 : i32
      %div3A_373 = arith.divsi %reduce_max3A_353, %div3A_372 : i32
      %add3A_374 = arith.constant 15 : i32
      %add3A_375 = arith.addi %select_n3A_371, %add3A_374 : i32
      %div3A_376 = arith.constant 16 : i32
      %div3A_377 = arith.divsi %add3A_375, %div3A_376 : i32
      %jit3A_378 = arith.constant 0 : i32
      %select_n3A_379 = arith.select %lt3A_326, %div3A_373, %jit3A_378 : i32
      %jit3A_380 = arith.constant 0 : i32
      %select_n3A_381 = arith.select %lt3A_326, %div3A_377, %jit3A_380 : i32
      %while3A_382 = arith.subi %select_n3A_381, %select_n3A_379 : i32
      %while3A_383 = arith.addi %select_n3A_379, %while3A_382 : i32
      %while3A_384 = arith.constant 1 : i32
      %while3A_385 = arith.divsi %while3A_382, %while3A_384 : i32
      %while3A_386 = arith.muli %while3A_385, %while3A_384 : i32
      %while3A_387 = arith.addi %select_n3A_379, %while3A_386 : i32
      %while3A_388 = arith.constant 1 : i32
      %while3A_389:4 = scf.for %while3A_530 = %select_n3A_379 to %while3A_387 step %while3A_388 iter_args(%while3A_531 = %while3A_278#0, %while3A_532 = %while3A_278#1, %while3A_533 = %while3A_278#2, %while3A_534 = %while3A_278#3) -> (i32, i32, i32, vector<16xi32>)  : i32 {
        %mul3A_535 = arith.constant 16 : i32
        %mul3A_536 = arith.muli %while3A_530, %mul3A_535 : i32
        %get3A = arith.index_cast %mul3A_536 : i32 to index
        %get3A_537 = tpu.vector_load %arg9[%get3A] {strides = array<i32>} : memref<16400xi32, #tpu.memory_space<vmem>>, vector<16xi32>,
        %ge3A_538 = vector.broadcast %multiple_of3A_324 : i32 to vector<16xi32>
        %ge3A_539 = arith.cmpi sge, %get3A_537, %ge3A_538 : vector<16xi32>
        %lt3A_540 = vector.broadcast %min3A_337 : i32 to vector<16xi32>
        %lt3A_541 = arith.cmpi slt, %get3A_537, %lt3A_540 : vector<16xi32>
        %and3A_542 = arith.andi %ge3A_539, %lt3A_541 : vector<16xi1>
        %mul3A_543 = arith.constant 16 : i32
        %mul3A_544 = arith.muli %while3A_530, %mul3A_543 : i32
        %get3A_545 = arith.index_cast %mul3A_544 : i32 to index
        %get3A_546 = tpu.vector_load %arg10[%get3A_545] {strides = array<i32>} : memref<16400xi32, #tpu.memory_space<vmem>>, vector<16xi32>,
        %rem3A_547 = arith.constant 4 : i32
        %rem3A_548 = arith.remsi %while3A_531, %rem3A_547 : i32
        %eq3A_549 = vector.broadcast %rem3A_548 : i32 to vector<16xi32>
        %eq3A_550 = arith.cmpi eq, %iota3A, %eq3A_549 : vector<16xi32>
        %jit3A_551 = arith.constant 0 : i32
        %broadcast_in_dim3A_552 = vector.broadcast %jit3A_551 : i32 to vector<16xi32>
        %select_n3A_553 = arith.select %eq3A_550, %while3A_534, %broadcast_in_dim3A_552 : vector<16xi1>, vector<16xi32>
        %reduce_max3A_554 = arith.constant true
        %reduce_max3A_555 = vector.broadcast %reduce_max3A_554 : i1 to vector<16xi1>
        %reduce_max3A_556 = arith.constant -2147483648 : i32
        %reduce_max3A_557 = vector.broadcast %reduce_max3A_556 : i32 to vector<16xi32>
        %reduce_max3A_558 = arith.xori %select_n3A_553, %reduce_max3A_557 : vector<16xi32>
        %reduce_max3A_559 = tpu.scan <max>, %reduce_max3A_558 masked %reduce_max3A_555 : vector<16xi32>, vector<16xi1> -> vector<16xi32>
        %reduce_max3A_560 = arith.xori %reduce_max3A_559, %reduce_max3A_557 : vector<16xi32>
        %reduce_max3A_561 = vector.extract %reduce_max3A_560[15] : i32 from vector<16xi32>
        %sub3A_562 = arith.subi %reduce_max3A_561, %while3A_533 : i32
        %max3A = arith.constant 0 : i32
        %max3A_563 = arith.maxsi %sub3A_562, %max3A : i32
        %while3A_564 = arith.constant 0 : i32
        %while3A_565 = arith.constant 0 : i32
        %while3A_566 = arith.subi %max3A_563, %while3A_565 : i32
        %while3A_567 = arith.addi %while3A_565, %while3A_566 : i32
        %while3A_568 = arith.constant 1 : i32
        %while3A_569 = arith.divsi %while3A_566, %while3A_568 : i32
        %while3A_570 = arith.muli %while3A_569, %while3A_568 : i32
        %while3A_571 = arith.addi %while3A_565, %while3A_570 : i32
        %while3A_572 = arith.constant 1 : i32
        scf.for %while3A_619 = %while3A_565 to %while3A_571 step %while3A_572  : i32 {
          %dma_wait3A = arith.constant 0 : i32
          %dma_wait3A_620 = arith.constant 0 : i32
          %dma_wait3A_621 = tpu.memref_slice %arg14[%dma_wait3A, %dma_wait3A_620] : memref<64x64xf32, #tpu.memory_space<vmem>> -> memref<1x64xf32, #tpu.memory_space<vmem>>
          %dma_wait3A_622 = tpu.memref_squeeze %dma_wait3A_621 : memref<1x64xf32, #tpu.memory_space<vmem>> -> memref<64xf32, #tpu.memory_space<vmem>>
          %dma_wait3A_623 = arith.constant 0 : i32
          %dma_wait3A_624 = tpu.memref_slice %arg5[%dma_wait3A_623] : memref<1048576xf32, #tpu.memory_space<hbm>> -> memref<64xf32, #tpu.memory_space<hbm>>
          %dma_wait3A_625 = arith.constant 0 : i32
          %dma_wait3A_626 = tpu.memref_slice %arg14[%dma_wait3A, %dma_wait3A_625] : memref<64x64xf32, #tpu.memory_space<vmem>> -> memref<1x64xf32, #tpu.memory_space<vmem>>
          %dma_wait3A_627 = tpu.memref_squeeze %dma_wait3A_626 : memref<1x64xf32, #tpu.memory_space<vmem>> -> memref<64xf32, #tpu.memory_space<vmem>>
          %dma_wait3A_628 = arith.constant 0 : i32
          %dma_wait3A_629 = tpu.memref_slice %arg5[%dma_wait3A_628] : memref<1048576xf32, #tpu.memory_space<hbm>> -> memref<64xf32, #tpu.memory_space<hbm>>
          tpu.wait_dma2 semaphore(%arg18 : memref<!tpu.dma_semaphore, #tpu.memory_space<semaphore_mem>>) src(%dma_wait3A_629 : memref<64xf32, #tpu.memory_space<hbm>>) dst(%dma_wait3A_627 : memref<64xf32, #tpu.memory_space<vmem>>)
        }
        %while3A_573 = arith.constant 1 : i32
        scf.for %while3A_619 = %while3A_571 to %while3A_567 step %while3A_573  : i32 {
          %dma_wait3A = arith.constant 0 : i32
          %dma_wait3A_620 = arith.constant 0 : i32
          %dma_wait3A_621 = tpu.memref_slice %arg14[%dma_wait3A, %dma_wait3A_620] : memref<64x64xf32, #tpu.memory_space<vmem>> -> memref<1x64xf32, #tpu.memory_space<vmem>>
          %dma_wait3A_622 = tpu.memref_squeeze %dma_wait3A_621 : memref<1x64xf32, #tpu.memory_space<vmem>> -> memref<64xf32, #tpu.memory_space<vmem>>
          %dma_wait3A_623 = arith.constant 0 : i32
          %dma_wait3A_624 = tpu.memref_slice %arg5[%dma_wait3A_623] : memref<1048576xf32, #tpu.memory_space<hbm>> -> memref<64xf32, #tpu.memory_space<hbm>>
          %dma_wait3A_625 = arith.constant 0 : i32
          %dma_wait3A_626 = tpu.memref_slice %arg14[%dma_wait3A, %dma_wait3A_625] : memref<64x64xf32, #tpu.memory_space<vmem>> -> memref<1x64xf32, #tpu.memory_space<vmem>>
          %dma_wait3A_627 = tpu.memref_squeeze %dma_wait3A_626 : memref<1x64xf32, #tpu.memory_space<vmem>> -> memref<64xf32, #tpu.memory_space<vmem>>
          %dma_wait3A_628 = arith.constant 0 : i32
          %dma_wait3A_629 = tpu.memref_slice %arg5[%dma_wait3A_628] : memref<1048576xf32, #tpu.memory_space<hbm>> -> memref<64xf32, #tpu.memory_space<hbm>>
          tpu.wait_dma2 semaphore(%arg18 : memref<!tpu.dma_semaphore, #tpu.memory_space<semaphore_mem>>) src(%dma_wait3A_629 : memref<64xf32, #tpu.memory_space<hbm>>) dst(%dma_wait3A_627 : memref<64xf32, #tpu.memory_space<vmem>>)
        }
        %add3A_574 = arith.addi %while3A_533, %max3A_563 : i32
        %jit3A_575 = arith.constant 1 : i32
        %jit3A_576 = arith.constant 0 : i32
        %broadcast_in_dim3A_577 = vector.broadcast %jit3A_575 : i32 to vector<16xi32>
        %broadcast_in_dim3A_578 = vector.broadcast %jit3A_576 : i32 to vector<16xi32>
        %select_n3A_579 = arith.select %and3A_542, %broadcast_in_dim3A_577, %broadcast_in_dim3A_578 : vector<16xi1>, vector<16xi32>
        %broadcast_in_dim3A_580 = arith.constant true
        %broadcast_in_dim3A_581 = vector.broadcast %broadcast_in_dim3A_580 : i1 to vector<16xi1>
        %masked_cumsum3A = tpu.scan <sum>, %select_n3A_579 masked %broadcast_in_dim3A_581 : vector<16xi32>, vector<16xi1> -> vector<16xi32>
        %sub3A_582 = arith.constant 1 : i32
        %sub3A_583 = vector.broadcast %sub3A_582 : i32 to vector<16xi32>
        %sub3A_584 = arith.subi %masked_cumsum3A, %sub3A_583 : vector<16xi32>
        %jit3A_585 = arith.constant 15 : i32
        %broadcast_in_dim3A_586 = vector.broadcast %jit3A_585 : i32 to vector<16xi32>
        %select_n3A_587 = arith.select %and3A_542, %sub3A_584, %broadcast_in_dim3A_586 : vector<16xi1>, vector<16xi32>
        %reduce_max3A_588 = arith.constant true
        %reduce_max3A_589 = vector.broadcast %reduce_max3A_588 : i1 to vector<16xi1>
        %reduce_max3A_590 = arith.constant -2147483648 : i32
        %reduce_max3A_591 = vector.broadcast %reduce_max3A_590 : i32 to vector<16xi32>
        %reduce_max3A_592 = arith.xori %masked_cumsum3A, %reduce_max3A_591 : vector<16xi32>
        %reduce_max3A_593 = tpu.scan <max>, %reduce_max3A_592 masked %reduce_max3A_589 : vector<16xi32>, vector<16xi1> -> vector<16xi32>
        %reduce_max3A_594 = arith.xori %reduce_max3A_593, %reduce_max3A_591 : vector<16xi32>
        %reduce_max3A_595 = vector.extract %reduce_max3A_594[15] : i32 from vector<16xi32>
        %sub3A_596 = vector.broadcast %select_n3A_333 : i32 to vector<16xi32>
        %sub3A_597 = arith.subi %get3A_537, %sub3A_596 : vector<16xi32>
        tpu.vector_store_idx %arg16[%select_n3A_587], %sub3A_597 masked %and3A_542 : memref<16xi32, #tpu.memory_space<vmem>>[vector<16xi32>], vector<16xi32>, vector<16xi1>
        tpu.vector_store_idx %arg15[%select_n3A_587], %get3A_546 masked %and3A_542 : memref<16xi32, #tpu.memory_space<vmem>>[vector<16xi32>], vector<16xi32>, vector<16xi1>
        %get3A_598 = arith.constant 0 : index
        %get3A_599 = tpu.vector_load %arg16[%get3A_598] {strides = array<i32>} : memref<16xi32, #tpu.memory_space<vmem>>, vector<16xi32>,
        %get3A_600 = arith.constant 0 : index
        %get3A_601 = tpu.vector_load %arg15[%get3A_600] {strides = array<i32>} : memref<16xi32, #tpu.memory_space<vmem>>, vector<16xi32>,
        %while3A_602 = arith.constant 0 : i32
        %while3A_603 = arith.constant 0 : i32
        %while3A_604 = arith.subi %reduce_max3A_595, %while3A_603 : i32
        %while3A_605 = arith.addi %while3A_603, %while3A_604 : i32
        %while3A_606 = arith.constant 1 : i32
        %while3A_607 = arith.divsi %while3A_604, %while3A_606 : i32
        %while3A_608 = arith.muli %while3A_607, %while3A_606 : i32
        %while3A_609 = arith.addi %while3A_603, %while3A_608 : i32
        %while3A_610 = arith.constant 1 : i32
        scf.for %while3A_619 = %while3A_603 to %while3A_609 step %while3A_610  : i32 {
          %eq3A_620 = vector.broadcast %while3A_619 : i32 to vector<16xi32>
          %eq3A_621 = arith.cmpi eq, %iota3A, %eq3A_620 : vector<16xi32>
          %jit3A_622 = arith.constant 0 : i32
          %broadcast_in_dim3A_623 = vector.broadcast %jit3A_622 : i32 to vector<16xi32>
          %select_n3A_624 = arith.select %eq3A_621, %get3A_599, %broadcast_in_dim3A_623 : vector<16xi1>, vector<16xi32>
          %reduce_max3A_625 = arith.constant true
          %reduce_max3A_626 = vector.broadcast %reduce_max3A_625 : i1 to vector<16xi1>
          %reduce_max3A_627 = arith.constant -2147483648 : i32
          %reduce_max3A_628 = vector.broadcast %reduce_max3A_627 : i32 to vector<16xi32>
          %reduce_max3A_629 = arith.xori %select_n3A_624, %reduce_max3A_628 : vector<16xi32>
          %reduce_max3A_630 = tpu.scan <max>, %reduce_max3A_629 masked %reduce_max3A_626 : vector<16xi32>, vector<16xi1> -> vector<16xi32>
          %reduce_max3A_631 = arith.xori %reduce_max3A_630, %reduce_max3A_628 : vector<16xi32>
          %reduce_max3A_632 = vector.extract %reduce_max3A_631[15] : i32 from vector<16xi32>
          %eq3A_633 = vector.broadcast %while3A_619 : i32 to vector<16xi32>
          %eq3A_634 = arith.cmpi eq, %iota3A, %eq3A_633 : vector<16xi32>
          %jit3A_635 = arith.constant 0 : i32
          %broadcast_in_dim3A_636 = vector.broadcast %jit3A_635 : i32 to vector<16xi32>
          %select_n3A_637 = arith.select %eq3A_634, %get3A_601, %broadcast_in_dim3A_636 : vector<16xi1>, vector<16xi32>
          %reduce_max3A_638 = arith.constant true
          %reduce_max3A_639 = vector.broadcast %reduce_max3A_638 : i1 to vector<16xi1>
          %reduce_max3A_640 = arith.constant -2147483648 : i32
          %reduce_max3A_641 = vector.broadcast %reduce_max3A_640 : i32 to vector<16xi32>
          %reduce_max3A_642 = arith.xori %select_n3A_637, %reduce_max3A_641 : vector<16xi32>
          %reduce_max3A_643 = tpu.scan <max>, %reduce_max3A_642 masked %reduce_max3A_639 : vector<16xi32>, vector<16xi1> -> vector<16xi32>
          %reduce_max3A_644 = arith.xori %reduce_max3A_643, %reduce_max3A_641 : vector<16xi32>
          %reduce_max3A_645 = vector.extract %reduce_max3A_644[15] : i32 from vector<16xi32>
          %mul3A_646 = arith.constant 16 : i32
          %mul3A_647 = arith.muli %rem3A_548, %mul3A_646 : i32
          %broadcast_in_dim3A_648 = vector.broadcast %mul3A_647 : i32 to vector<16xi32>
          %add3A_649 = vector.broadcast %while3A_619 : i32 to vector<16xi32>
          %add3A_650 = arith.addi %broadcast_in_dim3A_648, %add3A_649 : vector<16xi32>
          %broadcast_in_dim3A_651 = arith.constant 0 : i32
          %broadcast_in_dim3A_652 = vector.broadcast %broadcast_in_dim3A_651 : i32 to vector<16xi32>
          %add3A_653 = vector.broadcast %reduce_max3A_632 : i32 to vector<16xi32>
          %add3A_654 = arith.addi %broadcast_in_dim3A_652, %add3A_653 : vector<16xi32>
          %add3A_655 = arith.constant 0 : i32
          %add3A_656 = vector.broadcast %add3A_655 : i32 to vector<16xi32>
          %add3A_657 = arith.addi %add3A_656, %iota3A : vector<16xi32>
          %gather3A = tpu.vector_load_idx %arg12[%add3A_657, %add3A_654] : memref<64x256xf32, #tpu.memory_space<vmem>>[vector<16xi32>, vector<16xi32>], vector<16xf32>,
          tpu.vector_store_idx %arg14[%add3A_650, %add3A_657], %gather3A : memref<64x64xf32, #tpu.memory_space<vmem>>[vector<16xi32>, vector<16xi32>], vector<16xf32>,
          %add3A_658 = arith.constant 16 : i32
          %add3A_659 = vector.broadcast %add3A_658 : i32 to vector<16xi32>
          %add3A_660 = arith.addi %add3A_659, %iota3A : vector<16xi32>
          %gather3A_661 = tpu.vector_load_idx %arg12[%add3A_660, %add3A_654] : memref<64x256xf32, #tpu.memory_space<vmem>>[vector<16xi32>, vector<16xi32>], vector<16xf32>,
          tpu.vector_store_idx %arg14[%add3A_650, %add3A_660], %gather3A_661 : memref<64x64xf32, #tpu.memory_space<vmem>>[vector<16xi32>, vector<16xi32>], vector<16xf32>,
          %add3A_662 = arith.constant 32 : i32
          %add3A_663 = vector.broadcast %add3A_662 : i32 to vector<16xi32>
          %add3A_664 = arith.addi %add3A_663, %iota3A : vector<16xi32>
          %gather3A_665 = tpu.vector_load_idx %arg12[%add3A_664, %add3A_654] : memref<64x256xf32, #tpu.memory_space<vmem>>[vector<16xi32>, vector<16xi32>], vector<16xf32>,
          tpu.vector_store_idx %arg14[%add3A_650, %add3A_664], %gather3A_665 : memref<64x64xf32, #tpu.memory_space<vmem>>[vector<16xi32>, vector<16xi32>], vector<16xf32>,
          %add3A_666 = arith.constant 48 : i32
          %add3A_667 = vector.broadcast %add3A_666 : i32 to vector<16xi32>
          %add3A_668 = arith.addi %add3A_667, %iota3A : vector<16xi32>
          %gather3A_669 = tpu.vector_load_idx %arg12[%add3A_668, %add3A_654] : memref<64x256xf32, #tpu.memory_space<vmem>>[vector<16xi32>, vector<16xi32>], vector<16xf32>,
          tpu.vector_store_idx %arg14[%add3A_650, %add3A_668], %gather3A_669 : memref<64x64xf32, #tpu.memory_space<vmem>>[vector<16xi32>, vector<16xi32>], vector<16xf32>,
          %mul3A_670 = arith.constant 16 : i32
          %mul3A_671 = arith.muli %rem3A_548, %mul3A_670 : i32
          %add3A_672 = arith.addi %mul3A_671, %while3A_619 : i32
          %mul3A_673 = arith.constant 64 : i32
          %mul3A_674 = arith.muli %reduce_max3A_645, %mul3A_673 : i32
          %multiple_of3A_675 = tpu.assume_multiple %mul3A_674, 8 : i32
          %dma_start3A = arith.constant 0 : i32
          %dma_start3A_676 = tpu.memref_slice %arg14[%add3A_672, %dma_start3A] : memref<64x64xf32, #tpu.memory_space<vmem>> -> memref<1x64xf32, #tpu.memory_space<vmem>>
          %dma_start3A_677 = tpu.memref_squeeze %dma_start3A_676 : memref<1x64xf32, #tpu.memory_space<vmem>> -> memref<64xf32, #tpu.memory_space<vmem>>
          %dma_start3A_678 = tpu.memref_slice %arg5[%multiple_of3A_675] : memref<1048576xf32, #tpu.memory_space<hbm>> -> memref<64xf32, #tpu.memory_space<hbm>>
          %dma_start3A_679 = tpu.memref_slice %arg5[%multiple_of3A_675] : memref<1048576xf32, #tpu.memory_space<hbm>> -> memref<64xf32, #tpu.memory_space<hbm>>
          %dma_start3A_680 = arith.constant 0 : i32
          %dma_start3A_681 = tpu.memref_slice %arg14[%add3A_672, %dma_start3A_680] : memref<64x64xf32, #tpu.memory_space<vmem>> -> memref<1x64xf32, #tpu.memory_space<vmem>>
          %dma_start3A_682 = tpu.memref_squeeze %dma_start3A_681 : memref<1x64xf32, #tpu.memory_space<vmem>> -> memref<64xf32, #tpu.memory_space<vmem>>
          tpu.enqueue_dma source(%dma_start3A_682 : memref<64xf32, #tpu.memory_space<vmem>>) target(%dma_start3A_679 : memref<64xf32, #tpu.memory_space<hbm>>) target_semaphore(%arg18 : memref<!tpu.dma_semaphore, #tpu.memory_space<semaphore_mem>>)
        }
        %while3A_611 = arith.constant 1 : i32
        scf.for %while3A_619 = %while3A_609 to %while3A_605 step %while3A_611  : i32 {
          %eq3A_620 = vector.broadcast %while3A_619 : i32 to vector<16xi32>
          %eq3A_621 = arith.cmpi eq, %iota3A, %eq3A_620 : vector<16xi32>
          %jit3A_622 = arith.constant 0 : i32
          %broadcast_in_dim3A_623 = vector.broadcast %jit3A_622 : i32 to vector<16xi32>
          %select_n3A_624 = arith.select %eq3A_621, %get3A_599, %broadcast_in_dim3A_623 : vector<16xi1>, vector<16xi32>
          %reduce_max3A_625 = arith.constant true
          %reduce_max3A_626 = vector.broadcast %reduce_max3A_625 : i1 to vector<16xi1>
          %reduce_max3A_627 = arith.constant -2147483648 : i32
          %reduce_max3A_628 = vector.broadcast %reduce_max3A_627 : i32 to vector<16xi32>
          %reduce_max3A_629 = arith.xori %select_n3A_624, %reduce_max3A_628 : vector<16xi32>
          %reduce_max3A_630 = tpu.scan <max>, %reduce_max3A_629 masked %reduce_max3A_626 : vector<16xi32>, vector<16xi1> -> vector<16xi32>
          %reduce_max3A_631 = arith.xori %reduce_max3A_630, %reduce_max3A_628 : vector<16xi32>
          %reduce_max3A_632 = vector.extract %reduce_max3A_631[15] : i32 from vector<16xi32>
          %eq3A_633 = vector.broadcast %while3A_619 : i32 to vector<16xi32>
          %eq3A_634 = arith.cmpi eq, %iota3A, %eq3A_633 : vector<16xi32>
          %jit3A_635 = arith.constant 0 : i32
          %broadcast_in_dim3A_636 = vector.broadcast %jit3A_635 : i32 to vector<16xi32>
          %select_n3A_637 = arith.select %eq3A_634, %get3A_601, %broadcast_in_dim3A_636 : vector<16xi1>, vector<16xi32>
          %reduce_max3A_638 = arith.constant true
          %reduce_max3A_639 = vector.broadcast %reduce_max3A_638 : i1 to vector<16xi1>
          %reduce_max3A_640 = arith.constant -2147483648 : i32
          %reduce_max3A_641 = vector.broadcast %reduce_max3A_640 : i32 to vector<16xi32>
          %reduce_max3A_642 = arith.xori %select_n3A_637, %reduce_max3A_641 : vector<16xi32>
          %reduce_max3A_643 = tpu.scan <max>, %reduce_max3A_642 masked %reduce_max3A_639 : vector<16xi32>, vector<16xi1> -> vector<16xi32>
          %reduce_max3A_644 = arith.xori %reduce_max3A_643, %reduce_max3A_641 : vector<16xi32>
          %reduce_max3A_645 = vector.extract %reduce_max3A_644[15] : i32 from vector<16xi32>
          %mul3A_646 = arith.constant 16 : i32
          %mul3A_647 = arith.muli %rem3A_548, %mul3A_646 : i32
          %broadcast_in_dim3A_648 = vector.broadcast %mul3A_647 : i32 to vector<16xi32>
          %add3A_649 = vector.broadcast %while3A_619 : i32 to vector<16xi32>
          %add3A_650 = arith.addi %broadcast_in_dim3A_648, %add3A_649 : vector<16xi32>
          %broadcast_in_dim3A_651 = arith.constant 0 : i32
          %broadcast_in_dim3A_652 = vector.broadcast %broadcast_in_dim3A_651 : i32 to vector<16xi32>
          %add3A_653 = vector.broadcast %reduce_max3A_632 : i32 to vector<16xi32>
          %add3A_654 = arith.addi %broadcast_in_dim3A_652, %add3A_653 : vector<16xi32>
          %add3A_655 = arith.constant 0 : i32
          %add3A_656 = vector.broadcast %add3A_655 : i32 to vector<16xi32>
          %add3A_657 = arith.addi %add3A_656, %iota3A : vector<16xi32>
          %gather3A = tpu.vector_load_idx %arg12[%add3A_657, %add3A_654] : memref<64x256xf32, #tpu.memory_space<vmem>>[vector<16xi32>, vector<16xi32>], vector<16xf32>,
          tpu.vector_store_idx %arg14[%add3A_650, %add3A_657], %gather3A : memref<64x64xf32, #tpu.memory_space<vmem>>[vector<16xi32>, vector<16xi32>], vector<16xf32>,
          %add3A_658 = arith.constant 16 : i32
          %add3A_659 = vector.broadcast %add3A_658 : i32 to vector<16xi32>
          %add3A_660 = arith.addi %add3A_659, %iota3A : vector<16xi32>
          %gather3A_661 = tpu.vector_load_idx %arg12[%add3A_660, %add3A_654] : memref<64x256xf32, #tpu.memory_space<vmem>>[vector<16xi32>, vector<16xi32>], vector<16xf32>,
          tpu.vector_store_idx %arg14[%add3A_650, %add3A_660], %gather3A_661 : memref<64x64xf32, #tpu.memory_space<vmem>>[vector<16xi32>, vector<16xi32>], vector<16xf32>,
          %add3A_662 = arith.constant 32 : i32
          %add3A_663 = vector.broadcast %add3A_662 : i32 to vector<16xi32>
          %add3A_664 = arith.addi %add3A_663, %iota3A : vector<16xi32>
          %gather3A_665 = tpu.vector_load_idx %arg12[%add3A_664, %add3A_654] : memref<64x256xf32, #tpu.memory_space<vmem>>[vector<16xi32>, vector<16xi32>], vector<16xf32>,
          tpu.vector_store_idx %arg14[%add3A_650, %add3A_664], %gather3A_665 : memref<64x64xf32, #tpu.memory_space<vmem>>[vector<16xi32>, vector<16xi32>], vector<16xf32>,
          %add3A_666 = arith.constant 48 : i32
          %add3A_667 = vector.broadcast %add3A_666 : i32 to vector<16xi32>
          %add3A_668 = arith.addi %add3A_667, %iota3A : vector<16xi32>
          %gather3A_669 = tpu.vector_load_idx %arg12[%add3A_668, %add3A_654] : memref<64x256xf32, #tpu.memory_space<vmem>>[vector<16xi32>, vector<16xi32>], vector<16xf32>,
          tpu.vector_store_idx %arg14[%add3A_650, %add3A_668], %gather3A_669 : memref<64x64xf32, #tpu.memory_space<vmem>>[vector<16xi32>, vector<16xi32>], vector<16xf32>,
          %mul3A_670 = arith.constant 16 : i32
          %mul3A_671 = arith.muli %rem3A_548, %mul3A_670 : i32
          %add3A_672 = arith.addi %mul3A_671, %while3A_619 : i32
          %mul3A_673 = arith.constant 64 : i32
          %mul3A_674 = arith.muli %reduce_max3A_645, %mul3A_673 : i32
          %multiple_of3A_675 = tpu.assume_multiple %mul3A_674, 8 : i32
          %dma_start3A = arith.constant 0 : i32
          %dma_start3A_676 = tpu.memref_slice %arg14[%add3A_672, %dma_start3A] : memref<64x64xf32, #tpu.memory_space<vmem>> -> memref<1x64xf32, #tpu.memory_space<vmem>>
          %dma_start3A_677 = tpu.memref_squeeze %dma_start3A_676 : memref<1x64xf32, #tpu.memory_space<vmem>> -> memref<64xf32, #tpu.memory_space<vmem>>
          %dma_start3A_678 = tpu.memref_slice %arg5[%multiple_of3A_675] : memref<1048576xf32, #tpu.memory_space<hbm>> -> memref<64xf32, #tpu.memory_space<hbm>>
          %dma_start3A_679 = tpu.memref_slice %arg5[%multiple_of3A_675] : memref<1048576xf32, #tpu.memory_space<hbm>> -> memref<64xf32, #tpu.memory_space<hbm>>
          %dma_start3A_680 = arith.constant 0 : i32
          %dma_start3A_681 = tpu.memref_slice %arg14[%add3A_672, %dma_start3A_680] : memref<64x64xf32, #tpu.memory_space<vmem>> -> memref<1x64xf32, #tpu.memory_space<vmem>>
          %dma_start3A_682 = tpu.memref_squeeze %dma_start3A_681 : memref<1x64xf32, #tpu.memory_space<vmem>> -> memref<64xf32, #tpu.memory_space<vmem>>
          tpu.enqueue_dma source(%dma_start3A_682 : memref<64xf32, #tpu.memory_space<vmem>>) target(%dma_start3A_679 : memref<64xf32, #tpu.memory_space<hbm>>) target_semaphore(%arg18 : memref<!tpu.dma_semaphore, #tpu.memory_space<semaphore_mem>>)
        }
        %add3A_612 = arith.addi %while3A_532, %reduce_max3A_595 : i32
        %eq3A_613 = vector.broadcast %rem3A_548 : i32 to vector<16xi32>
        %eq3A_614 = arith.cmpi eq, %iota3A, %eq3A_613 : vector<16xi32>
        %broadcast_in_dim3A_615 = vector.broadcast %add3A_612 : i32 to vector<16xi32>
        %select_n3A_616 = arith.select %eq3A_614, %broadcast_in_dim3A_615, %while3A_534 : vector<16xi1>, vector<16xi32>
        %add3A_617 = arith.constant 1 : i32
        %add3A_618 = arith.addi %while3A_531, %add3A_617 : i32
        scf.yield %add3A_618, %add3A_612, %add3A_574, %select_n3A_616 : i32, i32, i32, vector<16xi32>
      }
      %while3A_390 = arith.constant 1 : i32
      %while3A_391:4 = scf.for %while3A_530 = %while3A_387 to %while3A_383 step %while3A_390 iter_args(%while3A_531 = %while3A_389#0, %while3A_532 = %while3A_389#1, %while3A_533 = %while3A_389#2, %while3A_534 = %while3A_389#3) -> (i32, i32, i32, vector<16xi32>)  : i32 {
        %mul3A_535 = arith.constant 16 : i32
        %mul3A_536 = arith.muli %while3A_530, %mul3A_535 : i32
        %get3A = arith.index_cast %mul3A_536 : i32 to index
        %get3A_537 = tpu.vector_load %arg9[%get3A] {strides = array<i32>} : memref<16400xi32, #tpu.memory_space<vmem>>, vector<16xi32>,
        %ge3A_538 = vector.broadcast %multiple_of3A_324 : i32 to vector<16xi32>
        %ge3A_539 = arith.cmpi sge, %get3A_537, %ge3A_538 : vector<16xi32>
        %lt3A_540 = vector.broadcast %min3A_337 : i32 to vector<16xi32>
        %lt3A_541 = arith.cmpi slt, %get3A_537, %lt3A_540 : vector<16xi32>
        %and3A_542 = arith.andi %ge3A_539, %lt3A_541 : vector<16xi1>
        %mul3A_543 = arith.constant 16 : i32
        %mul3A_544 = arith.muli %while3A_530, %mul3A_543 : i32
        %get3A_545 = arith.index_cast %mul3A_544 : i32 to index
        %get3A_546 = tpu.vector_load %arg10[%get3A_545] {strides = array<i32>} : memref<16400xi32, #tpu.memory_space<vmem>>, vector<16xi32>,
        %rem3A_547 = arith.constant 4 : i32
        %rem3A_548 = arith.remsi %while3A_531, %rem3A_547 : i32
        %eq3A_549 = vector.broadcast %rem3A_548 : i32 to vector<16xi32>
        %eq3A_550 = arith.cmpi eq, %iota3A, %eq3A_549 : vector<16xi32>
        %jit3A_551 = arith.constant 0 : i32
        %broadcast_in_dim3A_552 = vector.broadcast %jit3A_551 : i32 to vector<16xi32>
        %select_n3A_553 = arith.select %eq3A_550, %while3A_534, %broadcast_in_dim3A_552 : vector<16xi1>, vector<16xi32>
        %reduce_max3A_554 = arith.constant true
        %reduce_max3A_555 = vector.broadcast %reduce_max3A_554 : i1 to vector<16xi1>
        %reduce_max3A_556 = arith.constant -2147483648 : i32
        %reduce_max3A_557 = vector.broadcast %reduce_max3A_556 : i32 to vector<16xi32>
        %reduce_max3A_558 = arith.xori %select_n3A_553, %reduce_max3A_557 : vector<16xi32>
        %reduce_max3A_559 = tpu.scan <max>, %reduce_max3A_558 masked %reduce_max3A_555 : vector<16xi32>, vector<16xi1> -> vector<16xi32>
        %reduce_max3A_560 = arith.xori %reduce_max3A_559, %reduce_max3A_557 : vector<16xi32>
        %reduce_max3A_561 = vector.extract %reduce_max3A_560[15] : i32 from vector<16xi32>
        %sub3A_562 = arith.subi %reduce_max3A_561, %while3A_533 : i32
        %max3A = arith.constant 0 : i32
        %max3A_563 = arith.maxsi %sub3A_562, %max3A : i32
        %while3A_564 = arith.constant 0 : i32
        %while3A_565 = arith.constant 0 : i32
        %while3A_566 = arith.subi %max3A_563, %while3A_565 : i32
        %while3A_567 = arith.addi %while3A_565, %while3A_566 : i32
        %while3A_568 = arith.constant 1 : i32
        %while3A_569 = arith.divsi %while3A_566, %while3A_568 : i32
        %while3A_570 = arith.muli %while3A_569, %while3A_568 : i32
        %while3A_571 = arith.addi %while3A_565, %while3A_570 : i32
        %while3A_572 = arith.constant 1 : i32
        scf.for %while3A_619 = %while3A_565 to %while3A_571 step %while3A_572  : i32 {
          %dma_wait3A = arith.constant 0 : i32
          %dma_wait3A_620 = arith.constant 0 : i32
          %dma_wait3A_621 = tpu.memref_slice %arg14[%dma_wait3A, %dma_wait3A_620] : memref<64x64xf32, #tpu.memory_space<vmem>> -> memref<1x64xf32, #tpu.memory_space<vmem>>
          %dma_wait3A_622 = tpu.memref_squeeze %dma_wait3A_621 : memref<1x64xf32, #tpu.memory_space<vmem>> -> memref<64xf32, #tpu.memory_space<vmem>>
          %dma_wait3A_623 = arith.constant 0 : i32
          %dma_wait3A_624 = tpu.memref_slice %arg5[%dma_wait3A_623] : memref<1048576xf32, #tpu.memory_space<hbm>> -> memref<64xf32, #tpu.memory_space<hbm>>
          %dma_wait3A_625 = arith.constant 0 : i32
          %dma_wait3A_626 = tpu.memref_slice %arg14[%dma_wait3A, %dma_wait3A_625] : memref<64x64xf32, #tpu.memory_space<vmem>> -> memref<1x64xf32, #tpu.memory_space<vmem>>
          %dma_wait3A_627 = tpu.memref_squeeze %dma_wait3A_626 : memref<1x64xf32, #tpu.memory_space<vmem>> -> memref<64xf32, #tpu.memory_space<vmem>>
          %dma_wait3A_628 = arith.constant 0 : i32
          %dma_wait3A_629 = tpu.memref_slice %arg5[%dma_wait3A_628] : memref<1048576xf32, #tpu.memory_space<hbm>> -> memref<64xf32, #tpu.memory_space<hbm>>
          tpu.wait_dma2 semaphore(%arg18 : memref<!tpu.dma_semaphore, #tpu.memory_space<semaphore_mem>>) src(%dma_wait3A_629 : memref<64xf32, #tpu.memory_space<hbm>>) dst(%dma_wait3A_627 : memref<64xf32, #tpu.memory_space<vmem>>)
        }
        %while3A_573 = arith.constant 1 : i32
        scf.for %while3A_619 = %while3A_571 to %while3A_567 step %while3A_573  : i32 {
          %dma_wait3A = arith.constant 0 : i32
          %dma_wait3A_620 = arith.constant 0 : i32
          %dma_wait3A_621 = tpu.memref_slice %arg14[%dma_wait3A, %dma_wait3A_620] : memref<64x64xf32, #tpu.memory_space<vmem>> -> memref<1x64xf32, #tpu.memory_space<vmem>>
          %dma_wait3A_622 = tpu.memref_squeeze %dma_wait3A_621 : memref<1x64xf32, #tpu.memory_space<vmem>> -> memref<64xf32, #tpu.memory_space<vmem>>
          %dma_wait3A_623 = arith.constant 0 : i32
          %dma_wait3A_624 = tpu.memref_slice %arg5[%dma_wait3A_623] : memref<1048576xf32, #tpu.memory_space<hbm>> -> memref<64xf32, #tpu.memory_space<hbm>>
          %dma_wait3A_625 = arith.constant 0 : i32
          %dma_wait3A_626 = tpu.memref_slice %arg14[%dma_wait3A, %dma_wait3A_625] : memref<64x64xf32, #tpu.memory_space<vmem>> -> memref<1x64xf32, #tpu.memory_space<vmem>>
          %dma_wait3A_627 = tpu.memref_squeeze %dma_wait3A_626 : memref<1x64xf32, #tpu.memory_space<vmem>> -> memref<64xf32, #tpu.memory_space<vmem>>
          %dma_wait3A_628 = arith.constant 0 : i32
          %dma_wait3A_629 = tpu.memref_slice %arg5[%dma_wait3A_628] : memref<1048576xf32, #tpu.memory_space<hbm>> -> memref<64xf32, #tpu.memory_space<hbm>>
          tpu.wait_dma2 semaphore(%arg18 : memref<!tpu.dma_semaphore, #tpu.memory_space<semaphore_mem>>) src(%dma_wait3A_629 : memref<64xf32, #tpu.memory_space<hbm>>) dst(%dma_wait3A_627 : memref<64xf32, #tpu.memory_space<vmem>>)
        }
        %add3A_574 = arith.addi %while3A_533, %max3A_563 : i32
        %jit3A_575 = arith.constant 1 : i32
        %jit3A_576 = arith.constant 0 : i32
        %broadcast_in_dim3A_577 = vector.broadcast %jit3A_575 : i32 to vector<16xi32>
        %broadcast_in_dim3A_578 = vector.broadcast %jit3A_576 : i32 to vector<16xi32>
        %select_n3A_579 = arith.select %and3A_542, %broadcast_in_dim3A_577, %broadcast_in_dim3A_578 : vector<16xi1>, vector<16xi32>
        %broadcast_in_dim3A_580 = arith.constant true
        %broadcast_in_dim3A_581 = vector.broadcast %broadcast_in_dim3A_580 : i1 to vector<16xi1>
        %masked_cumsum3A = tpu.scan <sum>, %select_n3A_579 masked %broadcast_in_dim3A_581 : vector<16xi32>, vector<16xi1> -> vector<16xi32>
        %sub3A_582 = arith.constant 1 : i32
        %sub3A_583 = vector.broadcast %sub3A_582 : i32 to vector<16xi32>
        %sub3A_584 = arith.subi %masked_cumsum3A, %sub3A_583 : vector<16xi32>
        %jit3A_585 = arith.constant 15 : i32
        %broadcast_in_dim3A_586 = vector.broadcast %jit3A_585 : i32 to vector<16xi32>
        %select_n3A_587 = arith.select %and3A_542, %sub3A_584, %broadcast_in_dim3A_586 : vector<16xi1>, vector<16xi32>
        %reduce_max3A_588 = arith.constant true
        %reduce_max3A_589 = vector.broadcast %reduce_max3A_588 : i1 to vector<16xi1>
        %reduce_max3A_590 = arith.constant -2147483648 : i32
        %reduce_max3A_591 = vector.broadcast %reduce_max3A_590 : i32 to vector<16xi32>
        %reduce_max3A_592 = arith.xori %masked_cumsum3A, %reduce_max3A_591 : vector<16xi32>
        %reduce_max3A_593 = tpu.scan <max>, %reduce_max3A_592 masked %reduce_max3A_589 : vector<16xi32>, vector<16xi1> -> vector<16xi32>
        %reduce_max3A_594 = arith.xori %reduce_max3A_593, %reduce_max3A_591 : vector<16xi32>
        %reduce_max3A_595 = vector.extract %reduce_max3A_594[15] : i32 from vector<16xi32>
        %sub3A_596 = vector.broadcast %select_n3A_333 : i32 to vector<16xi32>
        %sub3A_597 = arith.subi %get3A_537, %sub3A_596 : vector<16xi32>
        tpu.vector_store_idx %arg16[%select_n3A_587], %sub3A_597 masked %and3A_542 : memref<16xi32, #tpu.memory_space<vmem>>[vector<16xi32>], vector<16xi32>, vector<16xi1>
        tpu.vector_store_idx %arg15[%select_n3A_587], %get3A_546 masked %and3A_542 : memref<16xi32, #tpu.memory_space<vmem>>[vector<16xi32>], vector<16xi32>, vector<16xi1>
        %get3A_598 = arith.constant 0 : index
        %get3A_599 = tpu.vector_load %arg16[%get3A_598] {strides = array<i32>} : memref<16xi32, #tpu.memory_space<vmem>>, vector<16xi32>,
        %get3A_600 = arith.constant 0 : index
        %get3A_601 = tpu.vector_load %arg15[%get3A_600] {strides = array<i32>} : memref<16xi32, #tpu.memory_space<vmem>>, vector<16xi32>,
        %while3A_602 = arith.constant 0 : i32
        %while3A_603 = arith.constant 0 : i32
        %while3A_604 = arith.subi %reduce_max3A_595, %while3A_603 : i32
        %while3A_605 = arith.addi %while3A_603, %while3A_604 : i32
        %while3A_606 = arith.constant 1 : i32
        %while3A_607 = arith.divsi %while3A_604, %while3A_606 : i32
        %while3A_608 = arith.muli %while3A_607, %while3A_606 : i32
        %while3A_609 = arith.addi %while3A_603, %while3A_608 : i32
        %while3A_610 = arith.constant 1 : i32
        scf.for %while3A_619 = %while3A_603 to %while3A_609 step %while3A_610  : i32 {
          %eq3A_620 = vector.broadcast %while3A_619 : i32 to vector<16xi32>
          %eq3A_621 = arith.cmpi eq, %iota3A, %eq3A_620 : vector<16xi32>
          %jit3A_622 = arith.constant 0 : i32
          %broadcast_in_dim3A_623 = vector.broadcast %jit3A_622 : i32 to vector<16xi32>
          %select_n3A_624 = arith.select %eq3A_621, %get3A_599, %broadcast_in_dim3A_623 : vector<16xi1>, vector<16xi32>
          %reduce_max3A_625 = arith.constant true
          %reduce_max3A_626 = vector.broadcast %reduce_max3A_625 : i1 to vector<16xi1>
          %reduce_max3A_627 = arith.constant -2147483648 : i32
          %reduce_max3A_628 = vector.broadcast %reduce_max3A_627 : i32 to vector<16xi32>
          %reduce_max3A_629 = arith.xori %select_n3A_624, %reduce_max3A_628 : vector<16xi32>
          %reduce_max3A_630 = tpu.scan <max>, %reduce_max3A_629 masked %reduce_max3A_626 : vector<16xi32>, vector<16xi1> -> vector<16xi32>
          %reduce_max3A_631 = arith.xori %reduce_max3A_630, %reduce_max3A_628 : vector<16xi32>
          %reduce_max3A_632 = vector.extract %reduce_max3A_631[15] : i32 from vector<16xi32>
          %eq3A_633 = vector.broadcast %while3A_619 : i32 to vector<16xi32>
          %eq3A_634 = arith.cmpi eq, %iota3A, %eq3A_633 : vector<16xi32>
          %jit3A_635 = arith.constant 0 : i32
          %broadcast_in_dim3A_636 = vector.broadcast %jit3A_635 : i32 to vector<16xi32>
          %select_n3A_637 = arith.select %eq3A_634, %get3A_601, %broadcast_in_dim3A_636 : vector<16xi1>, vector<16xi32>
          %reduce_max3A_638 = arith.constant true
          %reduce_max3A_639 = vector.broadcast %reduce_max3A_638 : i1 to vector<16xi1>
          %reduce_max3A_640 = arith.constant -2147483648 : i32
          %reduce_max3A_641 = vector.broadcast %reduce_max3A_640 : i32 to vector<16xi32>
          %reduce_max3A_642 = arith.xori %select_n3A_637, %reduce_max3A_641 : vector<16xi32>
          %reduce_max3A_643 = tpu.scan <max>, %reduce_max3A_642 masked %reduce_max3A_639 : vector<16xi32>, vector<16xi1> -> vector<16xi32>
          %reduce_max3A_644 = arith.xori %reduce_max3A_643, %reduce_max3A_641 : vector<16xi32>
          %reduce_max3A_645 = vector.extract %reduce_max3A_644[15] : i32 from vector<16xi32>
          %mul3A_646 = arith.constant 16 : i32
          %mul3A_647 = arith.muli %rem3A_548, %mul3A_646 : i32
          %broadcast_in_dim3A_648 = vector.broadcast %mul3A_647 : i32 to vector<16xi32>
          %add3A_649 = vector.broadcast %while3A_619 : i32 to vector<16xi32>
          %add3A_650 = arith.addi %broadcast_in_dim3A_648, %add3A_649 : vector<16xi32>
          %broadcast_in_dim3A_651 = arith.constant 0 : i32
          %broadcast_in_dim3A_652 = vector.broadcast %broadcast_in_dim3A_651 : i32 to vector<16xi32>
          %add3A_653 = vector.broadcast %reduce_max3A_632 : i32 to vector<16xi32>
          %add3A_654 = arith.addi %broadcast_in_dim3A_652, %add3A_653 : vector<16xi32>
          %add3A_655 = arith.constant 0 : i32
          %add3A_656 = vector.broadcast %add3A_655 : i32 to vector<16xi32>
          %add3A_657 = arith.addi %add3A_656, %iota3A : vector<16xi32>
          %gather3A = tpu.vector_load_idx %arg12[%add3A_657, %add3A_654] : memref<64x256xf32, #tpu.memory_space<vmem>>[vector<16xi32>, vector<16xi32>], vector<16xf32>,
          tpu.vector_store_idx %arg14[%add3A_650, %add3A_657], %gather3A : memref<64x64xf32, #tpu.memory_space<vmem>>[vector<16xi32>, vector<16xi32>], vector<16xf32>,
          %add3A_658 = arith.constant 16 : i32
          %add3A_659 = vector.broadcast %add3A_658 : i32 to vector<16xi32>
          %add3A_660 = arith.addi %add3A_659, %iota3A : vector<16xi32>
          %gather3A_661 = tpu.vector_load_idx %arg12[%add3A_660, %add3A_654] : memref<64x256xf32, #tpu.memory_space<vmem>>[vector<16xi32>, vector<16xi32>], vector<16xf32>,
          tpu.vector_store_idx %arg14[%add3A_650, %add3A_660], %gather3A_661 : memref<64x64xf32, #tpu.memory_space<vmem>>[vector<16xi32>, vector<16xi32>], vector<16xf32>,
          %add3A_662 = arith.constant 32 : i32
          %add3A_663 = vector.broadcast %add3A_662 : i32 to vector<16xi32>
          %add3A_664 = arith.addi %add3A_663, %iota3A : vector<16xi32>
          %gather3A_665 = tpu.vector_load_idx %arg12[%add3A_664, %add3A_654] : memref<64x256xf32, #tpu.memory_space<vmem>>[vector<16xi32>, vector<16xi32>], vector<16xf32>,
          tpu.vector_store_idx %arg14[%add3A_650, %add3A_664], %gather3A_665 : memref<64x64xf32, #tpu.memory_space<vmem>>[vector<16xi32>, vector<16xi32>], vector<16xf32>,
          %add3A_666 = arith.constant 48 : i32
          %add3A_667 = vector.broadcast %add3A_666 : i32 to vector<16xi32>
          %add3A_668 = arith.addi %add3A_667, %iota3A : vector<16xi32>
          %gather3A_669 = tpu.vector_load_idx %arg12[%add3A_668, %add3A_654] : memref<64x256xf32, #tpu.memory_space<vmem>>[vector<16xi32>, vector<16xi32>], vector<16xf32>,
          tpu.vector_store_idx %arg14[%add3A_650, %add3A_668], %gather3A_669 : memref<64x64xf32, #tpu.memory_space<vmem>>[vector<16xi32>, vector<16xi32>], vector<16xf32>,
          %mul3A_670 = arith.constant 16 : i32
          %mul3A_671 = arith.muli %rem3A_548, %mul3A_670 : i32
          %add3A_672 = arith.addi %mul3A_671, %while3A_619 : i32
          %mul3A_673 = arith.constant 64 : i32
          %mul3A_674 = arith.muli %reduce_max3A_645, %mul3A_673 : i32
          %multiple_of3A_675 = tpu.assume_multiple %mul3A_674, 8 : i32
          %dma_start3A = arith.constant 0 : i32
          %dma_start3A_676 = tpu.memref_slice %arg14[%add3A_672, %dma_start3A] : memref<64x64xf32, #tpu.memory_space<vmem>> -> memref<1x64xf32, #tpu.memory_space<vmem>>
          %dma_start3A_677 = tpu.memref_squeeze %dma_start3A_676 : memref<1x64xf32, #tpu.memory_space<vmem>> -> memref<64xf32, #tpu.memory_space<vmem>>
          %dma_start3A_678 = tpu.memref_slice %arg5[%multiple_of3A_675] : memref<1048576xf32, #tpu.memory_space<hbm>> -> memref<64xf32, #tpu.memory_space<hbm>>
          %dma_start3A_679 = tpu.memref_slice %arg5[%multiple_of3A_675] : memref<1048576xf32, #tpu.memory_space<hbm>> -> memref<64xf32, #tpu.memory_space<hbm>>
          %dma_start3A_680 = arith.constant 0 : i32
          %dma_start3A_681 = tpu.memref_slice %arg14[%add3A_672, %dma_start3A_680] : memref<64x64xf32, #tpu.memory_space<vmem>> -> memref<1x64xf32, #tpu.memory_space<vmem>>
          %dma_start3A_682 = tpu.memref_squeeze %dma_start3A_681 : memref<1x64xf32, #tpu.memory_space<vmem>> -> memref<64xf32, #tpu.memory_space<vmem>>
          tpu.enqueue_dma source(%dma_start3A_682 : memref<64xf32, #tpu.memory_space<vmem>>) target(%dma_start3A_679 : memref<64xf32, #tpu.memory_space<hbm>>) target_semaphore(%arg18 : memref<!tpu.dma_semaphore, #tpu.memory_space<semaphore_mem>>)
        }
        %while3A_611 = arith.constant 1 : i32
        scf.for %while3A_619 = %while3A_609 to %while3A_605 step %while3A_611  : i32 {
          %eq3A_620 = vector.broadcast %while3A_619 : i32 to vector<16xi32>
          %eq3A_621 = arith.cmpi eq, %iota3A, %eq3A_620 : vector<16xi32>
          %jit3A_622 = arith.constant 0 : i32
          %broadcast_in_dim3A_623 = vector.broadcast %jit3A_622 : i32 to vector<16xi32>
          %select_n3A_624 = arith.select %eq3A_621, %get3A_599, %broadcast_in_dim3A_623 : vector<16xi1>, vector<16xi32>
          %reduce_max3A_625 = arith.constant true
          %reduce_max3A_626 = vector.broadcast %reduce_max3A_625 : i1 to vector<16xi1>
          %reduce_max3A_627 = arith.constant -2147483648 : i32
          %reduce_max3A_628 = vector.broadcast %reduce_max3A_627 : i32 to vector<16xi32>
          %reduce_max3A_629 = arith.xori %select_n3A_624, %reduce_max3A_628 : vector<16xi32>
          %reduce_max3A_630 = tpu.scan <max>, %reduce_max3A_629 masked %reduce_max3A_626 : vector<16xi32>, vector<16xi1> -> vector<16xi32>
          %reduce_max3A_631 = arith.xori %reduce_max3A_630, %reduce_max3A_628 : vector<16xi32>
          %reduce_max3A_632 = vector.extract %reduce_max3A_631[15] : i32 from vector<16xi32>
          %eq3A_633 = vector.broadcast %while3A_619 : i32 to vector<16xi32>
          %eq3A_634 = arith.cmpi eq, %iota3A, %eq3A_633 : vector<16xi32>
          %jit3A_635 = arith.constant 0 : i32
          %broadcast_in_dim3A_636 = vector.broadcast %jit3A_635 : i32 to vector<16xi32>
          %select_n3A_637 = arith.select %eq3A_634, %get3A_601, %broadcast_in_dim3A_636 : vector<16xi1>, vector<16xi32>
          %reduce_max3A_638 = arith.constant true
          %reduce_max3A_639 = vector.broadcast %reduce_max3A_638 : i1 to vector<16xi1>
          %reduce_max3A_640 = arith.constant -2147483648 : i32
          %reduce_max3A_641 = vector.broadcast %reduce_max3A_640 : i32 to vector<16xi32>
          %reduce_max3A_642 = arith.xori %select_n3A_637, %reduce_max3A_641 : vector<16xi32>
          %reduce_max3A_643 = tpu.scan <max>, %reduce_max3A_642 masked %reduce_max3A_639 : vector<16xi32>, vector<16xi1> -> vector<16xi32>
          %reduce_max3A_644 = arith.xori %reduce_max3A_643, %reduce_max3A_641 : vector<16xi32>
          %reduce_max3A_645 = vector.extract %reduce_max3A_644[15] : i32 from vector<16xi32>
          %mul3A_646 = arith.constant 16 : i32
          %mul3A_647 = arith.muli %rem3A_548, %mul3A_646 : i32
          %broadcast_in_dim3A_648 = vector.broadcast %mul3A_647 : i32 to vector<16xi32>
          %add3A_649 = vector.broadcast %while3A_619 : i32 to vector<16xi32>
          %add3A_650 = arith.addi %broadcast_in_dim3A_648, %add3A_649 : vector<16xi32>
          %broadcast_in_dim3A_651 = arith.constant 0 : i32
          %broadcast_in_dim3A_652 = vector.broadcast %broadcast_in_dim3A_651 : i32 to vector<16xi32>
          %add3A_653 = vector.broadcast %reduce_max3A_632 : i32 to vector<16xi32>
          %add3A_654 = arith.addi %broadcast_in_dim3A_652, %add3A_653 : vector<16xi32>
          %add3A_655 = arith.constant 0 : i32
          %add3A_656 = vector.broadcast %add3A_655 : i32 to vector<16xi32>
          %add3A_657 = arith.addi %add3A_656, %iota3A : vector<16xi32>
          %gather3A = tpu.vector_load_idx %arg12[%add3A_657, %add3A_654] : memref<64x256xf32, #tpu.memory_space<vmem>>[vector<16xi32>, vector<16xi32>], vector<16xf32>,
          tpu.vector_store_idx %arg14[%add3A_650, %add3A_657], %gather3A : memref<64x64xf32, #tpu.memory_space<vmem>>[vector<16xi32>, vector<16xi32>], vector<16xf32>,
          %add3A_658 = arith.constant 16 : i32
          %add3A_659 = vector.broadcast %add3A_658 : i32 to vector<16xi32>
          %add3A_660 = arith.addi %add3A_659, %iota3A : vector<16xi32>
          %gather3A_661 = tpu.vector_load_idx %arg12[%add3A_660, %add3A_654] : memref<64x256xf32, #tpu.memory_space<vmem>>[vector<16xi32>, vector<16xi32>], vector<16xf32>,
          tpu.vector_store_idx %arg14[%add3A_650, %add3A_660], %gather3A_661 : memref<64x64xf32, #tpu.memory_space<vmem>>[vector<16xi32>, vector<16xi32>], vector<16xf32>,
          %add3A_662 = arith.constant 32 : i32
          %add3A_663 = vector.broadcast %add3A_662 : i32 to vector<16xi32>
          %add3A_664 = arith.addi %add3A_663, %iota3A : vector<16xi32>
          %gather3A_665 = tpu.vector_load_idx %arg12[%add3A_664, %add3A_654] : memref<64x256xf32, #tpu.memory_space<vmem>>[vector<16xi32>, vector<16xi32>], vector<16xf32>,
          tpu.vector_store_idx %arg14[%add3A_650, %add3A_664], %gather3A_665 : memref<64x64xf32, #tpu.memory_space<vmem>>[vector<16xi32>, vector<16xi32>], vector<16xf32>,
          %add3A_666 = arith.constant 48 : i32
          %add3A_667 = vector.broadcast %add3A_666 : i32 to vector<16xi32>
          %add3A_668 = arith.addi %add3A_667, %iota3A : vector<16xi32>
          %gather3A_669 = tpu.vector_load_idx %arg12[%add3A_668, %add3A_654] : memref<64x256xf32, #tpu.memory_space<vmem>>[vector<16xi32>, vector<16xi32>], vector<16xf32>,
          tpu.vector_store_idx %arg14[%add3A_650, %add3A_668], %gather3A_669 : memref<64x64xf32, #tpu.memory_space<vmem>>[vector<16xi32>, vector<16xi32>], vector<16xf32>,
          %mul3A_670 = arith.constant 16 : i32
          %mul3A_671 = arith.muli %rem3A_548, %mul3A_670 : i32
          %add3A_672 = arith.addi %mul3A_671, %while3A_619 : i32
          %mul3A_673 = arith.constant 64 : i32
          %mul3A_674 = arith.muli %reduce_max3A_645, %mul3A_673 : i32
          %multiple_of3A_675 = tpu.assume_multiple %mul3A_674, 8 : i32
          %dma_start3A = arith.constant 0 : i32
          %dma_start3A_676 = tpu.memref_slice %arg14[%add3A_672, %dma_start3A] : memref<64x64xf32, #tpu.memory_space<vmem>> -> memref<1x64xf32, #tpu.memory_space<vmem>>
          %dma_start3A_677 = tpu.memref_squeeze %dma_start3A_676 : memref<1x64xf32, #tpu.memory_space<vmem>> -> memref<64xf32, #tpu.memory_space<vmem>>
          %dma_start3A_678 = tpu.memref_slice %arg5[%multiple_of3A_675] : memref<1048576xf32, #tpu.memory_space<hbm>> -> memref<64xf32, #tpu.memory_space<hbm>>
          %dma_start3A_679 = tpu.memref_slice %arg5[%multiple_of3A_675] : memref<1048576xf32, #tpu.memory_space<hbm>> -> memref<64xf32, #tpu.memory_space<hbm>>
          %dma_start3A_680 = arith.constant 0 : i32
          %dma_start3A_681 = tpu.memref_slice %arg14[%add3A_672, %dma_start3A_680] : memref<64x64xf32, #tpu.memory_space<vmem>> -> memref<1x64xf32, #tpu.memory_space<vmem>>
          %dma_start3A_682 = tpu.memref_squeeze %dma_start3A_681 : memref<1x64xf32, #tpu.memory_space<vmem>> -> memref<64xf32, #tpu.memory_space<vmem>>
          tpu.enqueue_dma source(%dma_start3A_682 : memref<64xf32, #tpu.memory_space<vmem>>) target(%dma_start3A_679 : memref<64xf32, #tpu.memory_space<hbm>>) target_semaphore(%arg18 : memref<!tpu.dma_semaphore, #tpu.memory_space<semaphore_mem>>)
        }
        %add3A_612 = arith.addi %while3A_532, %reduce_max3A_595 : i32
        %eq3A_613 = vector.broadcast %rem3A_548 : i32 to vector<16xi32>
        %eq3A_614 = arith.cmpi eq, %iota3A, %eq3A_613 : vector<16xi32>
        %broadcast_in_dim3A_615 = vector.broadcast %add3A_612 : i32 to vector<16xi32>
        %select_n3A_616 = arith.select %eq3A_614, %broadcast_in_dim3A_615, %while3A_534 : vector<16xi1>, vector<16xi32>
        %add3A_617 = arith.constant 1 : i32
        %add3A_618 = arith.addi %while3A_531, %add3A_617 : i32
        scf.yield %add3A_618, %add3A_612, %add3A_574, %select_n3A_616 : i32, i32, i32, vector<16xi32>
      }
      %mul3A_392 = arith.constant 256 : i32
      %mul3A_393 = arith.muli %add3A_307, %mul3A_392 : i32
      %add3A_394 = arith.addi %mul3A_2, %mul3A_393 : i32
      %multiple_of3A_395 = tpu.assume_multiple %add3A_394, 128 : i32
      %lt3A_396 = arith.constant 123 : i32
      %lt3A_397 = arith.cmpi slt, %add3A_307, %lt3A_396 : i32
      %add3A_398 = arith.constant 256 : i32
      %add3A_399 = arith.addi %multiple_of3A_395, %add3A_398 : i32
      %le3A_400 = arith.constant 1000000 : i32
      %le3A_401 = arith.cmpi sle, %add3A_399, %le3A_400 : i32
      %and3A_402 = arith.andi %lt3A_397, %le3A_401 : i1
      %lt3A_403 = arith.constant 1000000 : i32
      %lt3A_404 = arith.cmpi slt, %multiple_of3A_395, %lt3A_403 : i32
      %and3A_405 = arith.andi %lt3A_397, %lt3A_404 : i1
      %add3A_406 = arith.constant 256 : i32
      %add3A_407 = arith.addi %multiple_of3A_395, %add3A_406 : i32
      %gt3A_408 = arith.constant 1000000 : i32
      %gt3A_409 = arith.cmpi sgt, %add3A_407, %gt3A_408 : i32
      %and3A_410 = arith.andi %and3A_405, %gt3A_409 : i1
      %convert_element_type3A_411 = arith.extui %and3A_402 : i1 to i32
      %cond3A_412 = arith.constant 0 : i32
      %cond3A_413 = arith.cmpi ne, %convert_element_type3A_411, %cond3A_412 : i32
      scf.if %cond3A_413 {
        %dma_start3A = arith.constant 0 : i32
        %dma_start3A_530 = tpu.memref_slice %arg3[%dma_start3A, %multiple_of3A_395] : memref<64x1000000xf32, #tpu.memory_space<hbm>> -> memref<64x256xf32, #tpu.memory_space<hbm>>
        %dma_start3A_531 = arith.constant 0 : i32
        %dma_start3A_532 = tpu.memref_slice %arg3[%dma_start3A_531, %multiple_of3A_395] : memref<64x1000000xf32, #tpu.memory_space<hbm>> -> memref<64x256xf32, #tpu.memory_space<hbm>>
        tpu.enqueue_dma source(%dma_start3A_532 : memref<64x256xf32, #tpu.memory_space<hbm>>) target(%arg12 : memref<64x256xf32, #tpu.memory_space<vmem>>) target_semaphore(%arg17 : memref<!tpu.dma_semaphore, #tpu.memory_space<semaphore_mem>>)
      } else {
      }
      %convert_element_type3A_414 = arith.extui %and3A_410 : i1 to i32
      %cond3A_415 = arith.constant 0 : i32
      %cond3A_416 = arith.cmpi ne, %convert_element_type3A_414, %cond3A_415 : i32
      scf.if %cond3A_416 {
        tpu.enqueue_dma source(%arg4 : memref<64x256xf32, #tpu.memory_space<hbm>>) target(%arg12 : memref<64x256xf32, #tpu.memory_space<vmem>>) target_semaphore(%arg17 : memref<!tpu.dma_semaphore, #tpu.memory_space<semaphore_mem>>)
      } else {
      }
      %add3A_417 = arith.constant 2 : i32
      %add3A_418 = arith.addi %mul3A_194, %add3A_417 : i32
      %add3A_419 = arith.constant 5 : i32
      %add3A_420 = arith.addi %mul3A_194, %add3A_419 : i32
      %div3A_421 = arith.constant 8 : i32
      %div3A_422 = arith.divsi %add3A_418, %div3A_421 : i32
      %rem3A_423 = arith.constant 8 : i32
      %rem3A_424 = arith.remsi %add3A_418, %rem3A_423 : i32
      %eq3A_425 = arith.constant 0 : i32
      %eq3A_426 = arith.cmpi eq, %rem3A_424, %eq3A_425 : i32
      %lt3A_427 = arith.constant 15 : i32
      %lt3A_428 = arith.cmpi slt, %div3A_422, %lt3A_427 : i32
      %and3A_429 = arith.andi %eq3A_426, %lt3A_428 : i1
      %convert_element_type3A_430 = arith.extui %and3A_429 : i1 to i32
      %cond3A_431 = arith.constant 0 : i32
      %cond3A_432 = arith.cmpi ne, %convert_element_type3A_430, %cond3A_431 : i32
      %cond3A_433:2 = scf.if %cond3A_432 -> (vector<16xi32>, i32) {
        %add3A_530 = arith.constant 1 : i32
        %add3A_531 = arith.addi %div3A_422, %add3A_530 : i32
        %eq3A_532 = vector.broadcast %add3A_531 : i32 to vector<16xi32>
        %eq3A_533 = arith.cmpi eq, %iota3A, %eq3A_532 : vector<16xi32>
        %broadcast_in_dim3A_534 = vector.broadcast %cond3A_320#1 : i32 to vector<16xi32>
        %select_n3A_535 = arith.select %eq3A_533, %broadcast_in_dim3A_534, %cond3A_320#0 : vector<16xi1>, vector<16xi32>
        %while3A_536 = arith.constant 0 : i32
        %while3A_537 = arith.subi %select_n3A, %while3A_536 : i32
        %while3A_538 = arith.addi %while3A_536, %while3A_537 : i32
        %while3A_539 = arith.constant 1 : i32
        %while3A_540 = arith.divsi %while3A_537, %while3A_539 : i32
        %while3A_541 = arith.muli %while3A_540, %while3A_539 : i32
        %while3A_542 = arith.addi %while3A_536, %while3A_541 : i32
        %while3A_543 = arith.constant 1 : i32
        %while3A_544 = scf.for %while3A_551 = %while3A_536 to %while3A_542 step %while3A_543 iter_args(%while3A_552 = %cond3A_320#1) -> (i32)  : i32 {
          %mul3A_553 = arith.constant 16 : i32
          %mul3A_554 = arith.muli %while3A_551, %mul3A_553 : i32
          %get3A = arith.index_cast %mul3A_554 : i32 to index
          %get3A_555 = tpu.vector_load %arg7[%get3A] {strides = array<i32>} : memref<16400xi32, #tpu.memory_space<vmem>>, vector<16xi32>,
          %sub3A_556 = vector.broadcast %mul3A_2 : i32 to vector<16xi32>
          %sub3A_557 = arith.subi %get3A_555, %sub3A_556 : vector<16xi32>
          %shift_right_logical3A = arith.constant 11 : i32
          %shift_right_logical3A_558 = vector.broadcast %shift_right_logical3A : i32 to vector<16xi32>
          %shift_right_logical3A_559 = arith.shrui %sub3A_557, %shift_right_logical3A_558 : vector<16xi32>
          %eq3A_560 = vector.broadcast %add3A_531 : i32 to vector<16xi32>
          %eq3A_561 = arith.cmpi eq, %shift_right_logical3A_559, %eq3A_560 : vector<16xi32>
          %mul3A_562 = arith.constant 16 : i32
          %mul3A_563 = arith.muli %while3A_551, %mul3A_562 : i32
          %get3A_564 = arith.index_cast %mul3A_563 : i32 to index
          %get3A_565 = tpu.vector_load %arg8[%get3A_564] {strides = array<i32>} : memref<16400xi32, #tpu.memory_space<vmem>>, vector<16xi32>,
          %jit3A_566 = arith.constant 1 : i32
          %jit3A_567 = arith.constant 0 : i32
          %broadcast_in_dim3A_568 = vector.broadcast %jit3A_566 : i32 to vector<16xi32>
          %broadcast_in_dim3A_569 = vector.broadcast %jit3A_567 : i32 to vector<16xi32>
          %select_n3A_570 = arith.select %eq3A_561, %broadcast_in_dim3A_568, %broadcast_in_dim3A_569 : vector<16xi1>, vector<16xi32>
          %broadcast_in_dim3A_571 = arith.constant true
          %broadcast_in_dim3A_572 = vector.broadcast %broadcast_in_dim3A_571 : i1 to vector<16xi1>
          %masked_cumsum3A = tpu.scan <sum>, %select_n3A_570 masked %broadcast_in_dim3A_572 : vector<16xi32>, vector<16xi1> -> vector<16xi32>
          %add3A_573 = vector.broadcast %while3A_552 : i32 to vector<16xi32>
          %add3A_574 = arith.addi %add3A_573, %masked_cumsum3A : vector<16xi32>
          %sub3A_575 = arith.constant 1 : i32
          %sub3A_576 = vector.broadcast %sub3A_575 : i32 to vector<16xi32>
          %sub3A_577 = arith.subi %add3A_574, %sub3A_576 : vector<16xi32>
          tpu.vector_store_idx %arg9[%sub3A_577], %get3A_555 masked %eq3A_561 : memref<16400xi32, #tpu.memory_space<vmem>>[vector<16xi32>], vector<16xi32>, vector<16xi1>
          tpu.vector_store_idx %arg10[%sub3A_577], %get3A_565 masked %eq3A_561 : memref<16400xi32, #tpu.memory_space<vmem>>[vector<16xi32>], vector<16xi32>, vector<16xi1>
          %reduce_max3A_578 = arith.constant true
          %reduce_max3A_579 = vector.broadcast %reduce_max3A_578 : i1 to vector<16xi1>
          %reduce_max3A_580 = arith.constant -2147483648 : i32
          %reduce_max3A_581 = vector.broadcast %reduce_max3A_580 : i32 to vector<16xi32>
          %reduce_max3A_582 = arith.xori %sub3A_577, %reduce_max3A_581 : vector<16xi32>
          %reduce_max3A_583 = tpu.scan <max>, %reduce_max3A_582 masked %reduce_max3A_579 : vector<16xi32>, vector<16xi1> -> vector<16xi32>
          %reduce_max3A_584 = arith.xori %reduce_max3A_583, %reduce_max3A_581 : vector<16xi32>
          %reduce_max3A_585 = vector.extract %reduce_max3A_584[15] : i32 from vector<16xi32>
          %add3A_586 = arith.constant 1 : i32
          %add3A_587 = arith.addi %reduce_max3A_585, %add3A_586 : i32
          scf.yield %add3A_587 : i32
        }
        %while3A_545 = arith.constant 1 : i32
        %while3A_546 = scf.for %while3A_551 = %while3A_542 to %while3A_538 step %while3A_545 iter_args(%while3A_552 = %while3A_544) -> (i32)  : i32 {
          %mul3A_553 = arith.constant 16 : i32
          %mul3A_554 = arith.muli %while3A_551, %mul3A_553 : i32
          %get3A = arith.index_cast %mul3A_554 : i32 to index
          %get3A_555 = tpu.vector_load %arg7[%get3A] {strides = array<i32>} : memref<16400xi32, #tpu.memory_space<vmem>>, vector<16xi32>,
          %sub3A_556 = vector.broadcast %mul3A_2 : i32 to vector<16xi32>
          %sub3A_557 = arith.subi %get3A_555, %sub3A_556 : vector<16xi32>
          %shift_right_logical3A = arith.constant 11 : i32
          %shift_right_logical3A_558 = vector.broadcast %shift_right_logical3A : i32 to vector<16xi32>
          %shift_right_logical3A_559 = arith.shrui %sub3A_557, %shift_right_logical3A_558 : vector<16xi32>
          %eq3A_560 = vector.broadcast %add3A_531 : i32 to vector<16xi32>
          %eq3A_561 = arith.cmpi eq, %shift_right_logical3A_559, %eq3A_560 : vector<16xi32>
          %mul3A_562 = arith.constant 16 : i32
          %mul3A_563 = arith.muli %while3A_551, %mul3A_562 : i32
          %get3A_564 = arith.index_cast %mul3A_563 : i32 to index
          %get3A_565 = tpu.vector_load %arg8[%get3A_564] {strides = array<i32>} : memref<16400xi32, #tpu.memory_space<vmem>>, vector<16xi32>,
          %jit3A_566 = arith.constant 1 : i32
          %jit3A_567 = arith.constant 0 : i32
          %broadcast_in_dim3A_568 = vector.broadcast %jit3A_566 : i32 to vector<16xi32>
          %broadcast_in_dim3A_569 = vector.broadcast %jit3A_567 : i32 to vector<16xi32>
          %select_n3A_570 = arith.select %eq3A_561, %broadcast_in_dim3A_568, %broadcast_in_dim3A_569 : vector<16xi1>, vector<16xi32>
          %broadcast_in_dim3A_571 = arith.constant true
          %broadcast_in_dim3A_572 = vector.broadcast %broadcast_in_dim3A_571 : i1 to vector<16xi1>
          %masked_cumsum3A = tpu.scan <sum>, %select_n3A_570 masked %broadcast_in_dim3A_572 : vector<16xi32>, vector<16xi1> -> vector<16xi32>
          %add3A_573 = vector.broadcast %while3A_552 : i32 to vector<16xi32>
          %add3A_574 = arith.addi %add3A_573, %masked_cumsum3A : vector<16xi32>
          %sub3A_575 = arith.constant 1 : i32
          %sub3A_576 = vector.broadcast %sub3A_575 : i32 to vector<16xi32>
          %sub3A_577 = arith.subi %add3A_574, %sub3A_576 : vector<16xi32>
          tpu.vector_store_idx %arg9[%sub3A_577], %get3A_555 masked %eq3A_561 : memref<16400xi32, #tpu.memory_space<vmem>>[vector<16xi32>], vector<16xi32>, vector<16xi1>
          tpu.vector_store_idx %arg10[%sub3A_577], %get3A_565 masked %eq3A_561 : memref<16400xi32, #tpu.memory_space<vmem>>[vector<16xi32>], vector<16xi32>, vector<16xi1>
          %reduce_max3A_578 = arith.constant true
          %reduce_max3A_579 = vector.broadcast %reduce_max3A_578 : i1 to vector<16xi1>
          %reduce_max3A_580 = arith.constant -2147483648 : i32
          %reduce_max3A_581 = vector.broadcast %reduce_max3A_580 : i32 to vector<16xi32>
          %reduce_max3A_582 = arith.xori %sub3A_577, %reduce_max3A_581 : vector<16xi32>
          %reduce_max3A_583 = tpu.scan <max>, %reduce_max3A_582 masked %reduce_max3A_579 : vector<16xi32>, vector<16xi1> -> vector<16xi32>
          %reduce_max3A_584 = arith.xori %reduce_max3A_583, %reduce_max3A_581 : vector<16xi32>
          %reduce_max3A_585 = vector.extract %reduce_max3A_584[15] : i32 from vector<16xi32>
          %add3A_586 = arith.constant 1 : i32
          %add3A_587 = arith.addi %reduce_max3A_585, %add3A_586 : i32
          scf.yield %add3A_587 : i32
        }
        %add3A_547 = vector.broadcast %while3A_546 : i32 to vector<16xi32>
        %add3A_548 = arith.addi %add3A_547, %iota3A : vector<16xi32>
        %broadcast_in_dim3A_549 = arith.constant 134217727 : i32
        %broadcast_in_dim3A_550 = vector.broadcast %broadcast_in_dim3A_549 : i32 to vector<16xi32>
        tpu.vector_store_idx %arg9[%add3A_548], %broadcast_in_dim3A_550 : memref<16400xi32, #tpu.memory_space<vmem>>[vector<16xi32>], vector<16xi32>,
        scf.yield %select_n3A_535, %while3A_546 : vector<16xi32>, i32
      } else {
        scf.yield %cond3A_320#0, %cond3A_320#1 : vector<16xi32>, i32
      }
      %mul3A_434 = arith.constant 256 : i32
      %mul3A_435 = arith.muli %add3A_418, %mul3A_434 : i32
      %add3A_436 = arith.addi %mul3A_2, %mul3A_435 : i32
      %multiple_of3A_437 = tpu.assume_multiple %add3A_436, 128 : i32
      %lt3A_438 = arith.constant 1000000 : i32
      %lt3A_439 = arith.cmpi slt, %multiple_of3A_437, %lt3A_438 : i32
      %add3A_440 = arith.constant 256 : i32
      %add3A_441 = arith.addi %multiple_of3A_437, %add3A_440 : i32
      %gt3A_442 = arith.constant 1000000 : i32
      %gt3A_443 = arith.cmpi sgt, %add3A_441, %gt3A_442 : i32
      %and3A_444 = arith.andi %lt3A_439, %gt3A_443 : i1
      %jit3A_445 = arith.constant 999744 : i32
      %select_n3A_446 = arith.select %and3A_444, %jit3A_445, %multiple_of3A_437 : i32
      %add3A_447 = arith.constant 256 : i32
      %add3A_448 = arith.addi %multiple_of3A_437, %add3A_447 : i32
      %min3A_449 = arith.constant 1000000 : i32
      %min3A_450 = arith.minsi %add3A_448, %min3A_449 : i32
      %convert_element_type3A_451 = arith.extui %lt3A_439 : i1 to i32
      %cond3A_452 = arith.constant 0 : i32
      %cond3A_453 = arith.cmpi ne, %convert_element_type3A_451, %cond3A_452 : i32
      scf.if %cond3A_453 {
        %dma_wait3A = arith.constant 0 : i32
        %dma_wait3A_530 = arith.constant 0 : i32
        %dma_wait3A_531 = tpu.memref_slice %arg3[%dma_wait3A, %dma_wait3A_530] : memref<64x1000000xf32, #tpu.memory_space<hbm>> -> memref<64x256xf32, #tpu.memory_space<hbm>>
        %dma_wait3A_532 = arith.constant 0 : i32
        %dma_wait3A_533 = arith.constant 0 : i32
        %dma_wait3A_534 = tpu.memref_slice %arg3[%dma_wait3A_532, %dma_wait3A_533] : memref<64x1000000xf32, #tpu.memory_space<hbm>> -> memref<64x256xf32, #tpu.memory_space<hbm>>
        tpu.wait_dma2 semaphore(%arg17 : memref<!tpu.dma_semaphore, #tpu.memory_space<semaphore_mem>>) src(%dma_wait3A_534 : memref<64x256xf32, #tpu.memory_space<hbm>>) dst(%arg13 : memref<64x256xf32, #tpu.memory_space<vmem>>)
      } else {
      }
      %eq3A_454 = vector.broadcast %div3A_422 : i32 to vector<16xi32>
      %eq3A_455 = arith.cmpi eq, %iota3A, %eq3A_454 : vector<16xi32>
      %jit3A_456 = arith.constant 0 : i32
      %broadcast_in_dim3A_457 = vector.broadcast %jit3A_456 : i32 to vector<16xi32>
      %select_n3A_458 = arith.select %eq3A_455, %cond3A_433#0, %broadcast_in_dim3A_457 : vector<16xi1>, vector<16xi32>
      %reduce_max3A_459 = arith.constant true
      %reduce_max3A_460 = vector.broadcast %reduce_max3A_459 : i1 to vector<16xi1>
      %reduce_max3A_461 = arith.constant -2147483648 : i32
      %reduce_max3A_462 = vector.broadcast %reduce_max3A_461 : i32 to vector<16xi32>
      %reduce_max3A_463 = arith.xori %select_n3A_458, %reduce_max3A_462 : vector<16xi32>
      %reduce_max3A_464 = tpu.scan <max>, %reduce_max3A_463 masked %reduce_max3A_460 : vector<16xi32>, vector<16xi1> -> vector<16xi32>
      %reduce_max3A_465 = arith.xori %reduce_max3A_464, %reduce_max3A_462 : vector<16xi32>
      %reduce_max3A_466 = vector.extract %reduce_max3A_465[15] : i32 from vector<16xi32>
      %ge3A_467 = arith.constant 15 : i32
      %ge3A_468 = arith.cmpi sge, %div3A_422, %ge3A_467 : i32
      %add3A_469 = arith.constant 1 : i32
      %add3A_470 = arith.addi %div3A_422, %add3A_469 : i32
      %eq3A_471 = vector.broadcast %add3A_470 : i32 to vector<16xi32>
      %eq3A_472 = arith.cmpi eq, %iota3A, %eq3A_471 : vector<16xi32>
      %jit3A_473 = arith.constant 0 : i32
      %broadcast_in_dim3A_474 = vector.broadcast %jit3A_473 : i32 to vector<16xi32>
      %select_n3A_475 = arith.select %eq3A_472, %cond3A_433#0, %broadcast_in_dim3A_474 : vector<16xi1>, vector<16xi32>
      %reduce_max3A_476 = arith.constant true
      %reduce_max3A_477 = vector.broadcast %reduce_max3A_476 : i1 to vector<16xi1>
      %reduce_max3A_478 = arith.constant -2147483648 : i32
      %reduce_max3A_479 = vector.broadcast %reduce_max3A_478 : i32 to vector<16xi32>
      %reduce_max3A_480 = arith.xori %select_n3A_475, %reduce_max3A_479 : vector<16xi32>
      %reduce_max3A_481 = tpu.scan <max>, %reduce_max3A_480 masked %reduce_max3A_477 : vector<16xi32>, vector<16xi1> -> vector<16xi32>
      %reduce_max3A_482 = arith.xori %reduce_max3A_481, %reduce_max3A_479 : vector<16xi32>
      %reduce_max3A_483 = vector.extract %reduce_max3A_482[15] : i32 from vector<16xi32>
      %select_n3A_484 = arith.select %ge3A_468, %cond3A_433#1, %reduce_max3A_483 : i32
      %div3A_485 = arith.constant 16 : i32
      %div3A_486 = arith.divsi %reduce_max3A_466, %div3A_485 : i32
      %add3A_487 = arith.constant 15 : i32
      %add3A_488 = arith.addi %select_n3A_484, %add3A_487 : i32
      %div3A_489 = arith.constant 16 : i32
      %div3A_490 = arith.divsi %add3A_488, %div3A_489 : i32
      %jit3A_491 = arith.constant 0 : i32
      %select_n3A_492 = arith.select %lt3A_439, %div3A_486, %jit3A_491 : i32
      %jit3A_493 = arith.constant 0 : i32
      %select_n3A_494 = arith.select %lt3A_439, %div3A_490, %jit3A_493 : i32
      %while3A_495 = arith.subi %select_n3A_494, %select_n3A_492 : i32
      %while3A_496 = arith.addi %select_n3A_492, %while3A_495 : i32
      %while3A_497 = arith.constant 1 : i32
      %while3A_498 = arith.divsi %while3A_495, %while3A_497 : i32
      %while3A_499 = arith.muli %while3A_498, %while3A_497 : i32
      %while3A_500 = arith.addi %select_n3A_492, %while3A_499 : i32
      %while3A_501 = arith.constant 1 : i32
      %while3A_502:4 = scf.for %while3A_530 = %select_n3A_492 to %while3A_500 step %while3A_501 iter_args(%while3A_531 = %while3A_391#0, %while3A_532 = %while3A_391#1, %while3A_533 = %while3A_391#2, %while3A_534 = %while3A_391#3) -> (i32, i32, i32, vector<16xi32>)  : i32 {
        %mul3A_535 = arith.constant 16 : i32
        %mul3A_536 = arith.muli %while3A_530, %mul3A_535 : i32
        %get3A = arith.index_cast %mul3A_536 : i32 to index
        %get3A_537 = tpu.vector_load %arg9[%get3A] {strides = array<i32>} : memref<16400xi32, #tpu.memory_space<vmem>>, vector<16xi32>,
        %ge3A_538 = vector.broadcast %multiple_of3A_437 : i32 to vector<16xi32>
        %ge3A_539 = arith.cmpi sge, %get3A_537, %ge3A_538 : vector<16xi32>
        %lt3A_540 = vector.broadcast %min3A_450 : i32 to vector<16xi32>
        %lt3A_541 = arith.cmpi slt, %get3A_537, %lt3A_540 : vector<16xi32>
        %and3A_542 = arith.andi %ge3A_539, %lt3A_541 : vector<16xi1>
        %mul3A_543 = arith.constant 16 : i32
        %mul3A_544 = arith.muli %while3A_530, %mul3A_543 : i32
        %get3A_545 = arith.index_cast %mul3A_544 : i32 to index
        %get3A_546 = tpu.vector_load %arg10[%get3A_545] {strides = array<i32>} : memref<16400xi32, #tpu.memory_space<vmem>>, vector<16xi32>,
        %rem3A_547 = arith.constant 4 : i32
        %rem3A_548 = arith.remsi %while3A_531, %rem3A_547 : i32
        %eq3A_549 = vector.broadcast %rem3A_548 : i32 to vector<16xi32>
        %eq3A_550 = arith.cmpi eq, %iota3A, %eq3A_549 : vector<16xi32>
        %jit3A_551 = arith.constant 0 : i32
        %broadcast_in_dim3A_552 = vector.broadcast %jit3A_551 : i32 to vector<16xi32>
        %select_n3A_553 = arith.select %eq3A_550, %while3A_534, %broadcast_in_dim3A_552 : vector<16xi1>, vector<16xi32>
        %reduce_max3A_554 = arith.constant true
        %reduce_max3A_555 = vector.broadcast %reduce_max3A_554 : i1 to vector<16xi1>
        %reduce_max3A_556 = arith.constant -2147483648 : i32
        %reduce_max3A_557 = vector.broadcast %reduce_max3A_556 : i32 to vector<16xi32>
        %reduce_max3A_558 = arith.xori %select_n3A_553, %reduce_max3A_557 : vector<16xi32>
        %reduce_max3A_559 = tpu.scan <max>, %reduce_max3A_558 masked %reduce_max3A_555 : vector<16xi32>, vector<16xi1> -> vector<16xi32>
        %reduce_max3A_560 = arith.xori %reduce_max3A_559, %reduce_max3A_557 : vector<16xi32>
        %reduce_max3A_561 = vector.extract %reduce_max3A_560[15] : i32 from vector<16xi32>
        %sub3A_562 = arith.subi %reduce_max3A_561, %while3A_533 : i32
        %max3A = arith.constant 0 : i32
        %max3A_563 = arith.maxsi %sub3A_562, %max3A : i32
        %while3A_564 = arith.constant 0 : i32
        %while3A_565 = arith.constant 0 : i32
        %while3A_566 = arith.subi %max3A_563, %while3A_565 : i32
        %while3A_567 = arith.addi %while3A_565, %while3A_566 : i32
        %while3A_568 = arith.constant 1 : i32
        %while3A_569 = arith.divsi %while3A_566, %while3A_568 : i32
        %while3A_570 = arith.muli %while3A_569, %while3A_568 : i32
        %while3A_571 = arith.addi %while3A_565, %while3A_570 : i32
        %while3A_572 = arith.constant 1 : i32
        scf.for %while3A_619 = %while3A_565 to %while3A_571 step %while3A_572  : i32 {
          %dma_wait3A = arith.constant 0 : i32
          %dma_wait3A_620 = arith.constant 0 : i32
          %dma_wait3A_621 = tpu.memref_slice %arg14[%dma_wait3A, %dma_wait3A_620] : memref<64x64xf32, #tpu.memory_space<vmem>> -> memref<1x64xf32, #tpu.memory_space<vmem>>
          %dma_wait3A_622 = tpu.memref_squeeze %dma_wait3A_621 : memref<1x64xf32, #tpu.memory_space<vmem>> -> memref<64xf32, #tpu.memory_space<vmem>>
          %dma_wait3A_623 = arith.constant 0 : i32
          %dma_wait3A_624 = tpu.memref_slice %arg5[%dma_wait3A_623] : memref<1048576xf32, #tpu.memory_space<hbm>> -> memref<64xf32, #tpu.memory_space<hbm>>
          %dma_wait3A_625 = arith.constant 0 : i32
          %dma_wait3A_626 = tpu.memref_slice %arg14[%dma_wait3A, %dma_wait3A_625] : memref<64x64xf32, #tpu.memory_space<vmem>> -> memref<1x64xf32, #tpu.memory_space<vmem>>
          %dma_wait3A_627 = tpu.memref_squeeze %dma_wait3A_626 : memref<1x64xf32, #tpu.memory_space<vmem>> -> memref<64xf32, #tpu.memory_space<vmem>>
          %dma_wait3A_628 = arith.constant 0 : i32
          %dma_wait3A_629 = tpu.memref_slice %arg5[%dma_wait3A_628] : memref<1048576xf32, #tpu.memory_space<hbm>> -> memref<64xf32, #tpu.memory_space<hbm>>
          tpu.wait_dma2 semaphore(%arg18 : memref<!tpu.dma_semaphore, #tpu.memory_space<semaphore_mem>>) src(%dma_wait3A_629 : memref<64xf32, #tpu.memory_space<hbm>>) dst(%dma_wait3A_627 : memref<64xf32, #tpu.memory_space<vmem>>)
        }
        %while3A_573 = arith.constant 1 : i32
        scf.for %while3A_619 = %while3A_571 to %while3A_567 step %while3A_573  : i32 {
          %dma_wait3A = arith.constant 0 : i32
          %dma_wait3A_620 = arith.constant 0 : i32
          %dma_wait3A_621 = tpu.memref_slice %arg14[%dma_wait3A, %dma_wait3A_620] : memref<64x64xf32, #tpu.memory_space<vmem>> -> memref<1x64xf32, #tpu.memory_space<vmem>>
          %dma_wait3A_622 = tpu.memref_squeeze %dma_wait3A_621 : memref<1x64xf32, #tpu.memory_space<vmem>> -> memref<64xf32, #tpu.memory_space<vmem>>
          %dma_wait3A_623 = arith.constant 0 : i32
          %dma_wait3A_624 = tpu.memref_slice %arg5[%dma_wait3A_623] : memref<1048576xf32, #tpu.memory_space<hbm>> -> memref<64xf32, #tpu.memory_space<hbm>>
          %dma_wait3A_625 = arith.constant 0 : i32
          %dma_wait3A_626 = tpu.memref_slice %arg14[%dma_wait3A, %dma_wait3A_625] : memref<64x64xf32, #tpu.memory_space<vmem>> -> memref<1x64xf32, #tpu.memory_space<vmem>>
          %dma_wait3A_627 = tpu.memref_squeeze %dma_wait3A_626 : memref<1x64xf32, #tpu.memory_space<vmem>> -> memref<64xf32, #tpu.memory_space<vmem>>
          %dma_wait3A_628 = arith.constant 0 : i32
          %dma_wait3A_629 = tpu.memref_slice %arg5[%dma_wait3A_628] : memref<1048576xf32, #tpu.memory_space<hbm>> -> memref<64xf32, #tpu.memory_space<hbm>>
          tpu.wait_dma2 semaphore(%arg18 : memref<!tpu.dma_semaphore, #tpu.memory_space<semaphore_mem>>) src(%dma_wait3A_629 : memref<64xf32, #tpu.memory_space<hbm>>) dst(%dma_wait3A_627 : memref<64xf32, #tpu.memory_space<vmem>>)
        }
        %add3A_574 = arith.addi %while3A_533, %max3A_563 : i32
        %jit3A_575 = arith.constant 1 : i32
        %jit3A_576 = arith.constant 0 : i32
        %broadcast_in_dim3A_577 = vector.broadcast %jit3A_575 : i32 to vector<16xi32>
        %broadcast_in_dim3A_578 = vector.broadcast %jit3A_576 : i32 to vector<16xi32>
        %select_n3A_579 = arith.select %and3A_542, %broadcast_in_dim3A_577, %broadcast_in_dim3A_578 : vector<16xi1>, vector<16xi32>
        %broadcast_in_dim3A_580 = arith.constant true
        %broadcast_in_dim3A_581 = vector.broadcast %broadcast_in_dim3A_580 : i1 to vector<16xi1>
        %masked_cumsum3A = tpu.scan <sum>, %select_n3A_579 masked %broadcast_in_dim3A_581 : vector<16xi32>, vector<16xi1> -> vector<16xi32>
        %sub3A_582 = arith.constant 1 : i32
        %sub3A_583 = vector.broadcast %sub3A_582 : i32 to vector<16xi32>
        %sub3A_584 = arith.subi %masked_cumsum3A, %sub3A_583 : vector<16xi32>
        %jit3A_585 = arith.constant 15 : i32
        %broadcast_in_dim3A_586 = vector.broadcast %jit3A_585 : i32 to vector<16xi32>
        %select_n3A_587 = arith.select %and3A_542, %sub3A_584, %broadcast_in_dim3A_586 : vector<16xi1>, vector<16xi32>
        %reduce_max3A_588 = arith.constant true
        %reduce_max3A_589 = vector.broadcast %reduce_max3A_588 : i1 to vector<16xi1>
        %reduce_max3A_590 = arith.constant -2147483648 : i32
        %reduce_max3A_591 = vector.broadcast %reduce_max3A_590 : i32 to vector<16xi32>
        %reduce_max3A_592 = arith.xori %masked_cumsum3A, %reduce_max3A_591 : vector<16xi32>
        %reduce_max3A_593 = tpu.scan <max>, %reduce_max3A_592 masked %reduce_max3A_589 : vector<16xi32>, vector<16xi1> -> vector<16xi32>
        %reduce_max3A_594 = arith.xori %reduce_max3A_593, %reduce_max3A_591 : vector<16xi32>
        %reduce_max3A_595 = vector.extract %reduce_max3A_594[15] : i32 from vector<16xi32>
        %sub3A_596 = vector.broadcast %select_n3A_446 : i32 to vector<16xi32>
        %sub3A_597 = arith.subi %get3A_537, %sub3A_596 : vector<16xi32>
        tpu.vector_store_idx %arg16[%select_n3A_587], %sub3A_597 masked %and3A_542 : memref<16xi32, #tpu.memory_space<vmem>>[vector<16xi32>], vector<16xi32>, vector<16xi1>
        tpu.vector_store_idx %arg15[%select_n3A_587], %get3A_546 masked %and3A_542 : memref<16xi32, #tpu.memory_space<vmem>>[vector<16xi32>], vector<16xi32>, vector<16xi1>
        %get3A_598 = arith.constant 0 : index
        %get3A_599 = tpu.vector_load %arg16[%get3A_598] {strides = array<i32>} : memref<16xi32, #tpu.memory_space<vmem>>, vector<16xi32>,
        %get3A_600 = arith.constant 0 : index
        %get3A_601 = tpu.vector_load %arg15[%get3A_600] {strides = array<i32>} : memref<16xi32, #tpu.memory_space<vmem>>, vector<16xi32>,
        %while3A_602 = arith.constant 0 : i32
        %while3A_603 = arith.constant 0 : i32
        %while3A_604 = arith.subi %reduce_max3A_595, %while3A_603 : i32
        %while3A_605 = arith.addi %while3A_603, %while3A_604 : i32
        %while3A_606 = arith.constant 1 : i32
        %while3A_607 = arith.divsi %while3A_604, %while3A_606 : i32
        %while3A_608 = arith.muli %while3A_607, %while3A_606 : i32
        %while3A_609 = arith.addi %while3A_603, %while3A_608 : i32
        %while3A_610 = arith.constant 1 : i32
        scf.for %while3A_619 = %while3A_603 to %while3A_609 step %while3A_610  : i32 {
          %eq3A_620 = vector.broadcast %while3A_619 : i32 to vector<16xi32>
          %eq3A_621 = arith.cmpi eq, %iota3A, %eq3A_620 : vector<16xi32>
          %jit3A_622 = arith.constant 0 : i32
          %broadcast_in_dim3A_623 = vector.broadcast %jit3A_622 : i32 to vector<16xi32>
          %select_n3A_624 = arith.select %eq3A_621, %get3A_599, %broadcast_in_dim3A_623 : vector<16xi1>, vector<16xi32>
          %reduce_max3A_625 = arith.constant true
          %reduce_max3A_626 = vector.broadcast %reduce_max3A_625 : i1 to vector<16xi1>
          %reduce_max3A_627 = arith.constant -2147483648 : i32
          %reduce_max3A_628 = vector.broadcast %reduce_max3A_627 : i32 to vector<16xi32>
          %reduce_max3A_629 = arith.xori %select_n3A_624, %reduce_max3A_628 : vector<16xi32>
          %reduce_max3A_630 = tpu.scan <max>, %reduce_max3A_629 masked %reduce_max3A_626 : vector<16xi32>, vector<16xi1> -> vector<16xi32>
          %reduce_max3A_631 = arith.xori %reduce_max3A_630, %reduce_max3A_628 : vector<16xi32>
          %reduce_max3A_632 = vector.extract %reduce_max3A_631[15] : i32 from vector<16xi32>
          %eq3A_633 = vector.broadcast %while3A_619 : i32 to vector<16xi32>
          %eq3A_634 = arith.cmpi eq, %iota3A, %eq3A_633 : vector<16xi32>
          %jit3A_635 = arith.constant 0 : i32
          %broadcast_in_dim3A_636 = vector.broadcast %jit3A_635 : i32 to vector<16xi32>
          %select_n3A_637 = arith.select %eq3A_634, %get3A_601, %broadcast_in_dim3A_636 : vector<16xi1>, vector<16xi32>
          %reduce_max3A_638 = arith.constant true
          %reduce_max3A_639 = vector.broadcast %reduce_max3A_638 : i1 to vector<16xi1>
          %reduce_max3A_640 = arith.constant -2147483648 : i32
          %reduce_max3A_641 = vector.broadcast %reduce_max3A_640 : i32 to vector<16xi32>
          %reduce_max3A_642 = arith.xori %select_n3A_637, %reduce_max3A_641 : vector<16xi32>
          %reduce_max3A_643 = tpu.scan <max>, %reduce_max3A_642 masked %reduce_max3A_639 : vector<16xi32>, vector<16xi1> -> vector<16xi32>
          %reduce_max3A_644 = arith.xori %reduce_max3A_643, %reduce_max3A_641 : vector<16xi32>
          %reduce_max3A_645 = vector.extract %reduce_max3A_644[15] : i32 from vector<16xi32>
          %mul3A_646 = arith.constant 16 : i32
          %mul3A_647 = arith.muli %rem3A_548, %mul3A_646 : i32
          %broadcast_in_dim3A_648 = vector.broadcast %mul3A_647 : i32 to vector<16xi32>
          %add3A_649 = vector.broadcast %while3A_619 : i32 to vector<16xi32>
          %add3A_650 = arith.addi %broadcast_in_dim3A_648, %add3A_649 : vector<16xi32>
          %broadcast_in_dim3A_651 = arith.constant 0 : i32
          %broadcast_in_dim3A_652 = vector.broadcast %broadcast_in_dim3A_651 : i32 to vector<16xi32>
          %add3A_653 = vector.broadcast %reduce_max3A_632 : i32 to vector<16xi32>
          %add3A_654 = arith.addi %broadcast_in_dim3A_652, %add3A_653 : vector<16xi32>
          %add3A_655 = arith.constant 0 : i32
          %add3A_656 = vector.broadcast %add3A_655 : i32 to vector<16xi32>
          %add3A_657 = arith.addi %add3A_656, %iota3A : vector<16xi32>
          %gather3A = tpu.vector_load_idx %arg13[%add3A_657, %add3A_654] : memref<64x256xf32, #tpu.memory_space<vmem>>[vector<16xi32>, vector<16xi32>], vector<16xf32>,
          tpu.vector_store_idx %arg14[%add3A_650, %add3A_657], %gather3A : memref<64x64xf32, #tpu.memory_space<vmem>>[vector<16xi32>, vector<16xi32>], vector<16xf32>,
          %add3A_658 = arith.constant 16 : i32
          %add3A_659 = vector.broadcast %add3A_658 : i32 to vector<16xi32>
          %add3A_660 = arith.addi %add3A_659, %iota3A : vector<16xi32>
          %gather3A_661 = tpu.vector_load_idx %arg13[%add3A_660, %add3A_654] : memref<64x256xf32, #tpu.memory_space<vmem>>[vector<16xi32>, vector<16xi32>], vector<16xf32>,
          tpu.vector_store_idx %arg14[%add3A_650, %add3A_660], %gather3A_661 : memref<64x64xf32, #tpu.memory_space<vmem>>[vector<16xi32>, vector<16xi32>], vector<16xf32>,
          %add3A_662 = arith.constant 32 : i32
          %add3A_663 = vector.broadcast %add3A_662 : i32 to vector<16xi32>
          %add3A_664 = arith.addi %add3A_663, %iota3A : vector<16xi32>
          %gather3A_665 = tpu.vector_load_idx %arg13[%add3A_664, %add3A_654] : memref<64x256xf32, #tpu.memory_space<vmem>>[vector<16xi32>, vector<16xi32>], vector<16xf32>,
          tpu.vector_store_idx %arg14[%add3A_650, %add3A_664], %gather3A_665 : memref<64x64xf32, #tpu.memory_space<vmem>>[vector<16xi32>, vector<16xi32>], vector<16xf32>,
          %add3A_666 = arith.constant 48 : i32
          %add3A_667 = vector.broadcast %add3A_666 : i32 to vector<16xi32>
          %add3A_668 = arith.addi %add3A_667, %iota3A : vector<16xi32>
          %gather3A_669 = tpu.vector_load_idx %arg13[%add3A_668, %add3A_654] : memref<64x256xf32, #tpu.memory_space<vmem>>[vector<16xi32>, vector<16xi32>], vector<16xf32>,
          tpu.vector_store_idx %arg14[%add3A_650, %add3A_668], %gather3A_669 : memref<64x64xf32, #tpu.memory_space<vmem>>[vector<16xi32>, vector<16xi32>], vector<16xf32>,
          %mul3A_670 = arith.constant 16 : i32
          %mul3A_671 = arith.muli %rem3A_548, %mul3A_670 : i32
          %add3A_672 = arith.addi %mul3A_671, %while3A_619 : i32
          %mul3A_673 = arith.constant 64 : i32
          %mul3A_674 = arith.muli %reduce_max3A_645, %mul3A_673 : i32
          %multiple_of3A_675 = tpu.assume_multiple %mul3A_674, 8 : i32
          %dma_start3A = arith.constant 0 : i32
          %dma_start3A_676 = tpu.memref_slice %arg14[%add3A_672, %dma_start3A] : memref<64x64xf32, #tpu.memory_space<vmem>> -> memref<1x64xf32, #tpu.memory_space<vmem>>
          %dma_start3A_677 = tpu.memref_squeeze %dma_start3A_676 : memref<1x64xf32, #tpu.memory_space<vmem>> -> memref<64xf32, #tpu.memory_space<vmem>>
          %dma_start3A_678 = tpu.memref_slice %arg5[%multiple_of3A_675] : memref<1048576xf32, #tpu.memory_space<hbm>> -> memref<64xf32, #tpu.memory_space<hbm>>
          %dma_start3A_679 = tpu.memref_slice %arg5[%multiple_of3A_675] : memref<1048576xf32, #tpu.memory_space<hbm>> -> memref<64xf32, #tpu.memory_space<hbm>>
          %dma_start3A_680 = arith.constant 0 : i32
          %dma_start3A_681 = tpu.memref_slice %arg14[%add3A_672, %dma_start3A_680] : memref<64x64xf32, #tpu.memory_space<vmem>> -> memref<1x64xf32, #tpu.memory_space<vmem>>
          %dma_start3A_682 = tpu.memref_squeeze %dma_start3A_681 : memref<1x64xf32, #tpu.memory_space<vmem>> -> memref<64xf32, #tpu.memory_space<vmem>>
          tpu.enqueue_dma source(%dma_start3A_682 : memref<64xf32, #tpu.memory_space<vmem>>) target(%dma_start3A_679 : memref<64xf32, #tpu.memory_space<hbm>>) target_semaphore(%arg18 : memref<!tpu.dma_semaphore, #tpu.memory_space<semaphore_mem>>)
        }
        %while3A_611 = arith.constant 1 : i32
        scf.for %while3A_619 = %while3A_609 to %while3A_605 step %while3A_611  : i32 {
          %eq3A_620 = vector.broadcast %while3A_619 : i32 to vector<16xi32>
          %eq3A_621 = arith.cmpi eq, %iota3A, %eq3A_620 : vector<16xi32>
          %jit3A_622 = arith.constant 0 : i32
          %broadcast_in_dim3A_623 = vector.broadcast %jit3A_622 : i32 to vector<16xi32>
          %select_n3A_624 = arith.select %eq3A_621, %get3A_599, %broadcast_in_dim3A_623 : vector<16xi1>, vector<16xi32>
          %reduce_max3A_625 = arith.constant true
          %reduce_max3A_626 = vector.broadcast %reduce_max3A_625 : i1 to vector<16xi1>
          %reduce_max3A_627 = arith.constant -2147483648 : i32
          %reduce_max3A_628 = vector.broadcast %reduce_max3A_627 : i32 to vector<16xi32>
          %reduce_max3A_629 = arith.xori %select_n3A_624, %reduce_max3A_628 : vector<16xi32>
          %reduce_max3A_630 = tpu.scan <max>, %reduce_max3A_629 masked %reduce_max3A_626 : vector<16xi32>, vector<16xi1> -> vector<16xi32>
          %reduce_max3A_631 = arith.xori %reduce_max3A_630, %reduce_max3A_628 : vector<16xi32>
          %reduce_max3A_632 = vector.extract %reduce_max3A_631[15] : i32 from vector<16xi32>
          %eq3A_633 = vector.broadcast %while3A_619 : i32 to vector<16xi32>
          %eq3A_634 = arith.cmpi eq, %iota3A, %eq3A_633 : vector<16xi32>
          %jit3A_635 = arith.constant 0 : i32
          %broadcast_in_dim3A_636 = vector.broadcast %jit3A_635 : i32 to vector<16xi32>
          %select_n3A_637 = arith.select %eq3A_634, %get3A_601, %broadcast_in_dim3A_636 : vector<16xi1>, vector<16xi32>
          %reduce_max3A_638 = arith.constant true
          %reduce_max3A_639 = vector.broadcast %reduce_max3A_638 : i1 to vector<16xi1>
          %reduce_max3A_640 = arith.constant -2147483648 : i32
          %reduce_max3A_641 = vector.broadcast %reduce_max3A_640 : i32 to vector<16xi32>
          %reduce_max3A_642 = arith.xori %select_n3A_637, %reduce_max3A_641 : vector<16xi32>
          %reduce_max3A_643 = tpu.scan <max>, %reduce_max3A_642 masked %reduce_max3A_639 : vector<16xi32>, vector<16xi1> -> vector<16xi32>
          %reduce_max3A_644 = arith.xori %reduce_max3A_643, %reduce_max3A_641 : vector<16xi32>
          %reduce_max3A_645 = vector.extract %reduce_max3A_644[15] : i32 from vector<16xi32>
          %mul3A_646 = arith.constant 16 : i32
          %mul3A_647 = arith.muli %rem3A_548, %mul3A_646 : i32
          %broadcast_in_dim3A_648 = vector.broadcast %mul3A_647 : i32 to vector<16xi32>
          %add3A_649 = vector.broadcast %while3A_619 : i32 to vector<16xi32>
          %add3A_650 = arith.addi %broadcast_in_dim3A_648, %add3A_649 : vector<16xi32>
          %broadcast_in_dim3A_651 = arith.constant 0 : i32
          %broadcast_in_dim3A_652 = vector.broadcast %broadcast_in_dim3A_651 : i32 to vector<16xi32>
          %add3A_653 = vector.broadcast %reduce_max3A_632 : i32 to vector<16xi32>
          %add3A_654 = arith.addi %broadcast_in_dim3A_652, %add3A_653 : vector<16xi32>
          %add3A_655 = arith.constant 0 : i32
          %add3A_656 = vector.broadcast %add3A_655 : i32 to vector<16xi32>
          %add3A_657 = arith.addi %add3A_656, %iota3A : vector<16xi32>
          %gather3A = tpu.vector_load_idx %arg13[%add3A_657, %add3A_654] : memref<64x256xf32, #tpu.memory_space<vmem>>[vector<16xi32>, vector<16xi32>], vector<16xf32>,
          tpu.vector_store_idx %arg14[%add3A_650, %add3A_657], %gather3A : memref<64x64xf32, #tpu.memory_space<vmem>>[vector<16xi32>, vector<16xi32>], vector<16xf32>,
          %add3A_658 = arith.constant 16 : i32
          %add3A_659 = vector.broadcast %add3A_658 : i32 to vector<16xi32>
          %add3A_660 = arith.addi %add3A_659, %iota3A : vector<16xi32>
          %gather3A_661 = tpu.vector_load_idx %arg13[%add3A_660, %add3A_654] : memref<64x256xf32, #tpu.memory_space<vmem>>[vector<16xi32>, vector<16xi32>], vector<16xf32>,
          tpu.vector_store_idx %arg14[%add3A_650, %add3A_660], %gather3A_661 : memref<64x64xf32, #tpu.memory_space<vmem>>[vector<16xi32>, vector<16xi32>], vector<16xf32>,
          %add3A_662 = arith.constant 32 : i32
          %add3A_663 = vector.broadcast %add3A_662 : i32 to vector<16xi32>
          %add3A_664 = arith.addi %add3A_663, %iota3A : vector<16xi32>
          %gather3A_665 = tpu.vector_load_idx %arg13[%add3A_664, %add3A_654] : memref<64x256xf32, #tpu.memory_space<vmem>>[vector<16xi32>, vector<16xi32>], vector<16xf32>,
          tpu.vector_store_idx %arg14[%add3A_650, %add3A_664], %gather3A_665 : memref<64x64xf32, #tpu.memory_space<vmem>>[vector<16xi32>, vector<16xi32>], vector<16xf32>,
          %add3A_666 = arith.constant 48 : i32
          %add3A_667 = vector.broadcast %add3A_666 : i32 to vector<16xi32>
          %add3A_668 = arith.addi %add3A_667, %iota3A : vector<16xi32>
          %gather3A_669 = tpu.vector_load_idx %arg13[%add3A_668, %add3A_654] : memref<64x256xf32, #tpu.memory_space<vmem>>[vector<16xi32>, vector<16xi32>], vector<16xf32>,
          tpu.vector_store_idx %arg14[%add3A_650, %add3A_668], %gather3A_669 : memref<64x64xf32, #tpu.memory_space<vmem>>[vector<16xi32>, vector<16xi32>], vector<16xf32>,
          %mul3A_670 = arith.constant 16 : i32
          %mul3A_671 = arith.muli %rem3A_548, %mul3A_670 : i32
          %add3A_672 = arith.addi %mul3A_671, %while3A_619 : i32
          %mul3A_673 = arith.constant 64 : i32
          %mul3A_674 = arith.muli %reduce_max3A_645, %mul3A_673 : i32
          %multiple_of3A_675 = tpu.assume_multiple %mul3A_674, 8 : i32
          %dma_start3A = arith.constant 0 : i32
          %dma_start3A_676 = tpu.memref_slice %arg14[%add3A_672, %dma_start3A] : memref<64x64xf32, #tpu.memory_space<vmem>> -> memref<1x64xf32, #tpu.memory_space<vmem>>
          %dma_start3A_677 = tpu.memref_squeeze %dma_start3A_676 : memref<1x64xf32, #tpu.memory_space<vmem>> -> memref<64xf32, #tpu.memory_space<vmem>>
          %dma_start3A_678 = tpu.memref_slice %arg5[%multiple_of3A_675] : memref<1048576xf32, #tpu.memory_space<hbm>> -> memref<64xf32, #tpu.memory_space<hbm>>
          %dma_start3A_679 = tpu.memref_slice %arg5[%multiple_of3A_675] : memref<1048576xf32, #tpu.memory_space<hbm>> -> memref<64xf32, #tpu.memory_space<hbm>>
          %dma_start3A_680 = arith.constant 0 : i32
          %dma_start3A_681 = tpu.memref_slice %arg14[%add3A_672, %dma_start3A_680] : memref<64x64xf32, #tpu.memory_space<vmem>> -> memref<1x64xf32, #tpu.memory_space<vmem>>
          %dma_start3A_682 = tpu.memref_squeeze %dma_start3A_681 : memref<1x64xf32, #tpu.memory_space<vmem>> -> memref<64xf32, #tpu.memory_space<vmem>>
          tpu.enqueue_dma source(%dma_start3A_682 : memref<64xf32, #tpu.memory_space<vmem>>) target(%dma_start3A_679 : memref<64xf32, #tpu.memory_space<hbm>>) target_semaphore(%arg18 : memref<!tpu.dma_semaphore, #tpu.memory_space<semaphore_mem>>)
        }
        %add3A_612 = arith.addi %while3A_532, %reduce_max3A_595 : i32
        %eq3A_613 = vector.broadcast %rem3A_548 : i32 to vector<16xi32>
        %eq3A_614 = arith.cmpi eq, %iota3A, %eq3A_613 : vector<16xi32>
        %broadcast_in_dim3A_615 = vector.broadcast %add3A_612 : i32 to vector<16xi32>
        %select_n3A_616 = arith.select %eq3A_614, %broadcast_in_dim3A_615, %while3A_534 : vector<16xi1>, vector<16xi32>
        %add3A_617 = arith.constant 1 : i32
        %add3A_618 = arith.addi %while3A_531, %add3A_617 : i32
        scf.yield %add3A_618, %add3A_612, %add3A_574, %select_n3A_616 : i32, i32, i32, vector<16xi32>
      }
      %while3A_503 = arith.constant 1 : i32
      %while3A_504:4 = scf.for %while3A_530 = %while3A_500 to %while3A_496 step %while3A_503 iter_args(%while3A_531 = %while3A_502#0, %while3A_532 = %while3A_502#1, %while3A_533 = %while3A_502#2, %while3A_534 = %while3A_502#3) -> (i32, i32, i32, vector<16xi32>)  : i32 {
        %mul3A_535 = arith.constant 16 : i32
        %mul3A_536 = arith.muli %while3A_530, %mul3A_535 : i32
        %get3A = arith.index_cast %mul3A_536 : i32 to index
        %get3A_537 = tpu.vector_load %arg9[%get3A] {strides = array<i32>} : memref<16400xi32, #tpu.memory_space<vmem>>, vector<16xi32>,
        %ge3A_538 = vector.broadcast %multiple_of3A_437 : i32 to vector<16xi32>
        %ge3A_539 = arith.cmpi sge, %get3A_537, %ge3A_538 : vector<16xi32>
        %lt3A_540 = vector.broadcast %min3A_450 : i32 to vector<16xi32>
        %lt3A_541 = arith.cmpi slt, %get3A_537, %lt3A_540 : vector<16xi32>
        %and3A_542 = arith.andi %ge3A_539, %lt3A_541 : vector<16xi1>
        %mul3A_543 = arith.constant 16 : i32
        %mul3A_544 = arith.muli %while3A_530, %mul3A_543 : i32
        %get3A_545 = arith.index_cast %mul3A_544 : i32 to index
        %get3A_546 = tpu.vector_load %arg10[%get3A_545] {strides = array<i32>} : memref<16400xi32, #tpu.memory_space<vmem>>, vector<16xi32>,
        %rem3A_547 = arith.constant 4 : i32
        %rem3A_548 = arith.remsi %while3A_531, %rem3A_547 : i32
        %eq3A_549 = vector.broadcast %rem3A_548 : i32 to vector<16xi32>
        %eq3A_550 = arith.cmpi eq, %iota3A, %eq3A_549 : vector<16xi32>
        %jit3A_551 = arith.constant 0 : i32
        %broadcast_in_dim3A_552 = vector.broadcast %jit3A_551 : i32 to vector<16xi32>
        %select_n3A_553 = arith.select %eq3A_550, %while3A_534, %broadcast_in_dim3A_552 : vector<16xi1>, vector<16xi32>
        %reduce_max3A_554 = arith.constant true
        %reduce_max3A_555 = vector.broadcast %reduce_max3A_554 : i1 to vector<16xi1>
        %reduce_max3A_556 = arith.constant -2147483648 : i32
        %reduce_max3A_557 = vector.broadcast %reduce_max3A_556 : i32 to vector<16xi32>
        %reduce_max3A_558 = arith.xori %select_n3A_553, %reduce_max3A_557 : vector<16xi32>
        %reduce_max3A_559 = tpu.scan <max>, %reduce_max3A_558 masked %reduce_max3A_555 : vector<16xi32>, vector<16xi1> -> vector<16xi32>
        %reduce_max3A_560 = arith.xori %reduce_max3A_559, %reduce_max3A_557 : vector<16xi32>
        %reduce_max3A_561 = vector.extract %reduce_max3A_560[15] : i32 from vector<16xi32>
        %sub3A_562 = arith.subi %reduce_max3A_561, %while3A_533 : i32
        %max3A = arith.constant 0 : i32
        %max3A_563 = arith.maxsi %sub3A_562, %max3A : i32
        %while3A_564 = arith.constant 0 : i32
        %while3A_565 = arith.constant 0 : i32
        %while3A_566 = arith.subi %max3A_563, %while3A_565 : i32
        %while3A_567 = arith.addi %while3A_565, %while3A_566 : i32
        %while3A_568 = arith.constant 1 : i32
        %while3A_569 = arith.divsi %while3A_566, %while3A_568 : i32
        %while3A_570 = arith.muli %while3A_569, %while3A_568 : i32
        %while3A_571 = arith.addi %while3A_565, %while3A_570 : i32
        %while3A_572 = arith.constant 1 : i32
        scf.for %while3A_619 = %while3A_565 to %while3A_571 step %while3A_572  : i32 {
          %dma_wait3A = arith.constant 0 : i32
          %dma_wait3A_620 = arith.constant 0 : i32
          %dma_wait3A_621 = tpu.memref_slice %arg14[%dma_wait3A, %dma_wait3A_620] : memref<64x64xf32, #tpu.memory_space<vmem>> -> memref<1x64xf32, #tpu.memory_space<vmem>>
          %dma_wait3A_622 = tpu.memref_squeeze %dma_wait3A_621 : memref<1x64xf32, #tpu.memory_space<vmem>> -> memref<64xf32, #tpu.memory_space<vmem>>
          %dma_wait3A_623 = arith.constant 0 : i32
          %dma_wait3A_624 = tpu.memref_slice %arg5[%dma_wait3A_623] : memref<1048576xf32, #tpu.memory_space<hbm>> -> memref<64xf32, #tpu.memory_space<hbm>>
          %dma_wait3A_625 = arith.constant 0 : i32
          %dma_wait3A_626 = tpu.memref_slice %arg14[%dma_wait3A, %dma_wait3A_625] : memref<64x64xf32, #tpu.memory_space<vmem>> -> memref<1x64xf32, #tpu.memory_space<vmem>>
          %dma_wait3A_627 = tpu.memref_squeeze %dma_wait3A_626 : memref<1x64xf32, #tpu.memory_space<vmem>> -> memref<64xf32, #tpu.memory_space<vmem>>
          %dma_wait3A_628 = arith.constant 0 : i32
          %dma_wait3A_629 = tpu.memref_slice %arg5[%dma_wait3A_628] : memref<1048576xf32, #tpu.memory_space<hbm>> -> memref<64xf32, #tpu.memory_space<hbm>>
          tpu.wait_dma2 semaphore(%arg18 : memref<!tpu.dma_semaphore, #tpu.memory_space<semaphore_mem>>) src(%dma_wait3A_629 : memref<64xf32, #tpu.memory_space<hbm>>) dst(%dma_wait3A_627 : memref<64xf32, #tpu.memory_space<vmem>>)
        }
        %while3A_573 = arith.constant 1 : i32
        scf.for %while3A_619 = %while3A_571 to %while3A_567 step %while3A_573  : i32 {
          %dma_wait3A = arith.constant 0 : i32
          %dma_wait3A_620 = arith.constant 0 : i32
          %dma_wait3A_621 = tpu.memref_slice %arg14[%dma_wait3A, %dma_wait3A_620] : memref<64x64xf32, #tpu.memory_space<vmem>> -> memref<1x64xf32, #tpu.memory_space<vmem>>
          %dma_wait3A_622 = tpu.memref_squeeze %dma_wait3A_621 : memref<1x64xf32, #tpu.memory_space<vmem>> -> memref<64xf32, #tpu.memory_space<vmem>>
          %dma_wait3A_623 = arith.constant 0 : i32
          %dma_wait3A_624 = tpu.memref_slice %arg5[%dma_wait3A_623] : memref<1048576xf32, #tpu.memory_space<hbm>> -> memref<64xf32, #tpu.memory_space<hbm>>
          %dma_wait3A_625 = arith.constant 0 : i32
          %dma_wait3A_626 = tpu.memref_slice %arg14[%dma_wait3A, %dma_wait3A_625] : memref<64x64xf32, #tpu.memory_space<vmem>> -> memref<1x64xf32, #tpu.memory_space<vmem>>
          %dma_wait3A_627 = tpu.memref_squeeze %dma_wait3A_626 : memref<1x64xf32, #tpu.memory_space<vmem>> -> memref<64xf32, #tpu.memory_space<vmem>>
          %dma_wait3A_628 = arith.constant 0 : i32
          %dma_wait3A_629 = tpu.memref_slice %arg5[%dma_wait3A_628] : memref<1048576xf32, #tpu.memory_space<hbm>> -> memref<64xf32, #tpu.memory_space<hbm>>
          tpu.wait_dma2 semaphore(%arg18 : memref<!tpu.dma_semaphore, #tpu.memory_space<semaphore_mem>>) src(%dma_wait3A_629 : memref<64xf32, #tpu.memory_space<hbm>>) dst(%dma_wait3A_627 : memref<64xf32, #tpu.memory_space<vmem>>)
        }
        %add3A_574 = arith.addi %while3A_533, %max3A_563 : i32
        %jit3A_575 = arith.constant 1 : i32
        %jit3A_576 = arith.constant 0 : i32
        %broadcast_in_dim3A_577 = vector.broadcast %jit3A_575 : i32 to vector<16xi32>
        %broadcast_in_dim3A_578 = vector.broadcast %jit3A_576 : i32 to vector<16xi32>
        %select_n3A_579 = arith.select %and3A_542, %broadcast_in_dim3A_577, %broadcast_in_dim3A_578 : vector<16xi1>, vector<16xi32>
        %broadcast_in_dim3A_580 = arith.constant true
        %broadcast_in_dim3A_581 = vector.broadcast %broadcast_in_dim3A_580 : i1 to vector<16xi1>
        %masked_cumsum3A = tpu.scan <sum>, %select_n3A_579 masked %broadcast_in_dim3A_581 : vector<16xi32>, vector<16xi1> -> vector<16xi32>
        %sub3A_582 = arith.constant 1 : i32
        %sub3A_583 = vector.broadcast %sub3A_582 : i32 to vector<16xi32>
        %sub3A_584 = arith.subi %masked_cumsum3A, %sub3A_583 : vector<16xi32>
        %jit3A_585 = arith.constant 15 : i32
        %broadcast_in_dim3A_586 = vector.broadcast %jit3A_585 : i32 to vector<16xi32>
        %select_n3A_587 = arith.select %and3A_542, %sub3A_584, %broadcast_in_dim3A_586 : vector<16xi1>, vector<16xi32>
        %reduce_max3A_588 = arith.constant true
        %reduce_max3A_589 = vector.broadcast %reduce_max3A_588 : i1 to vector<16xi1>
        %reduce_max3A_590 = arith.constant -2147483648 : i32
        %reduce_max3A_591 = vector.broadcast %reduce_max3A_590 : i32 to vector<16xi32>
        %reduce_max3A_592 = arith.xori %masked_cumsum3A, %reduce_max3A_591 : vector<16xi32>
        %reduce_max3A_593 = tpu.scan <max>, %reduce_max3A_592 masked %reduce_max3A_589 : vector<16xi32>, vector<16xi1> -> vector<16xi32>
        %reduce_max3A_594 = arith.xori %reduce_max3A_593, %reduce_max3A_591 : vector<16xi32>
        %reduce_max3A_595 = vector.extract %reduce_max3A_594[15] : i32 from vector<16xi32>
        %sub3A_596 = vector.broadcast %select_n3A_446 : i32 to vector<16xi32>
        %sub3A_597 = arith.subi %get3A_537, %sub3A_596 : vector<16xi32>
        tpu.vector_store_idx %arg16[%select_n3A_587], %sub3A_597 masked %and3A_542 : memref<16xi32, #tpu.memory_space<vmem>>[vector<16xi32>], vector<16xi32>, vector<16xi1>
        tpu.vector_store_idx %arg15[%select_n3A_587], %get3A_546 masked %and3A_542 : memref<16xi32, #tpu.memory_space<vmem>>[vector<16xi32>], vector<16xi32>, vector<16xi1>
        %get3A_598 = arith.constant 0 : index
        %get3A_599 = tpu.vector_load %arg16[%get3A_598] {strides = array<i32>} : memref<16xi32, #tpu.memory_space<vmem>>, vector<16xi32>,
        %get3A_600 = arith.constant 0 : index
        %get3A_601 = tpu.vector_load %arg15[%get3A_600] {strides = array<i32>} : memref<16xi32, #tpu.memory_space<vmem>>, vector<16xi32>,
        %while3A_602 = arith.constant 0 : i32
        %while3A_603 = arith.constant 0 : i32
        %while3A_604 = arith.subi %reduce_max3A_595, %while3A_603 : i32
        %while3A_605 = arith.addi %while3A_603, %while3A_604 : i32
        %while3A_606 = arith.constant 1 : i32
        %while3A_607 = arith.divsi %while3A_604, %while3A_606 : i32
        %while3A_608 = arith.muli %while3A_607, %while3A_606 : i32
        %while3A_609 = arith.addi %while3A_603, %while3A_608 : i32
        %while3A_610 = arith.constant 1 : i32
        scf.for %while3A_619 = %while3A_603 to %while3A_609 step %while3A_610  : i32 {
          %eq3A_620 = vector.broadcast %while3A_619 : i32 to vector<16xi32>
          %eq3A_621 = arith.cmpi eq, %iota3A, %eq3A_620 : vector<16xi32>
          %jit3A_622 = arith.constant 0 : i32
          %broadcast_in_dim3A_623 = vector.broadcast %jit3A_622 : i32 to vector<16xi32>
          %select_n3A_624 = arith.select %eq3A_621, %get3A_599, %broadcast_in_dim3A_623 : vector<16xi1>, vector<16xi32>
          %reduce_max3A_625 = arith.constant true
          %reduce_max3A_626 = vector.broadcast %reduce_max3A_625 : i1 to vector<16xi1>
          %reduce_max3A_627 = arith.constant -2147483648 : i32
          %reduce_max3A_628 = vector.broadcast %reduce_max3A_627 : i32 to vector<16xi32>
          %reduce_max3A_629 = arith.xori %select_n3A_624, %reduce_max3A_628 : vector<16xi32>
          %reduce_max3A_630 = tpu.scan <max>, %reduce_max3A_629 masked %reduce_max3A_626 : vector<16xi32>, vector<16xi1> -> vector<16xi32>
          %reduce_max3A_631 = arith.xori %reduce_max3A_630, %reduce_max3A_628 : vector<16xi32>
          %reduce_max3A_632 = vector.extract %reduce_max3A_631[15] : i32 from vector<16xi32>
          %eq3A_633 = vector.broadcast %while3A_619 : i32 to vector<16xi32>
          %eq3A_634 = arith.cmpi eq, %iota3A, %eq3A_633 : vector<16xi32>
          %jit3A_635 = arith.constant 0 : i32
          %broadcast_in_dim3A_636 = vector.broadcast %jit3A_635 : i32 to vector<16xi32>
          %select_n3A_637 = arith.select %eq3A_634, %get3A_601, %broadcast_in_dim3A_636 : vector<16xi1>, vector<16xi32>
          %reduce_max3A_638 = arith.constant true
          %reduce_max3A_639 = vector.broadcast %reduce_max3A_638 : i1 to vector<16xi1>
          %reduce_max3A_640 = arith.constant -2147483648 : i32
          %reduce_max3A_641 = vector.broadcast %reduce_max3A_640 : i32 to vector<16xi32>
          %reduce_max3A_642 = arith.xori %select_n3A_637, %reduce_max3A_641 : vector<16xi32>
          %reduce_max3A_643 = tpu.scan <max>, %reduce_max3A_642 masked %reduce_max3A_639 : vector<16xi32>, vector<16xi1> -> vector<16xi32>
          %reduce_max3A_644 = arith.xori %reduce_max3A_643, %reduce_max3A_641 : vector<16xi32>
          %reduce_max3A_645 = vector.extract %reduce_max3A_644[15] : i32 from vector<16xi32>
          %mul3A_646 = arith.constant 16 : i32
          %mul3A_647 = arith.muli %rem3A_548, %mul3A_646 : i32
          %broadcast_in_dim3A_648 = vector.broadcast %mul3A_647 : i32 to vector<16xi32>
          %add3A_649 = vector.broadcast %while3A_619 : i32 to vector<16xi32>
          %add3A_650 = arith.addi %broadcast_in_dim3A_648, %add3A_649 : vector<16xi32>
          %broadcast_in_dim3A_651 = arith.constant 0 : i32
          %broadcast_in_dim3A_652 = vector.broadcast %broadcast_in_dim3A_651 : i32 to vector<16xi32>
          %add3A_653 = vector.broadcast %reduce_max3A_632 : i32 to vector<16xi32>
          %add3A_654 = arith.addi %broadcast_in_dim3A_652, %add3A_653 : vector<16xi32>
          %add3A_655 = arith.constant 0 : i32
          %add3A_656 = vector.broadcast %add3A_655 : i32 to vector<16xi32>
          %add3A_657 = arith.addi %add3A_656, %iota3A : vector<16xi32>
          %gather3A = tpu.vector_load_idx %arg13[%add3A_657, %add3A_654] : memref<64x256xf32, #tpu.memory_space<vmem>>[vector<16xi32>, vector<16xi32>], vector<16xf32>,
          tpu.vector_store_idx %arg14[%add3A_650, %add3A_657], %gather3A : memref<64x64xf32, #tpu.memory_space<vmem>>[vector<16xi32>, vector<16xi32>], vector<16xf32>,
          %add3A_658 = arith.constant 16 : i32
          %add3A_659 = vector.broadcast %add3A_658 : i32 to vector<16xi32>
          %add3A_660 = arith.addi %add3A_659, %iota3A : vector<16xi32>
          %gather3A_661 = tpu.vector_load_idx %arg13[%add3A_660, %add3A_654] : memref<64x256xf32, #tpu.memory_space<vmem>>[vector<16xi32>, vector<16xi32>], vector<16xf32>,
          tpu.vector_store_idx %arg14[%add3A_650, %add3A_660], %gather3A_661 : memref<64x64xf32, #tpu.memory_space<vmem>>[vector<16xi32>, vector<16xi32>], vector<16xf32>,
          %add3A_662 = arith.constant 32 : i32
          %add3A_663 = vector.broadcast %add3A_662 : i32 to vector<16xi32>
          %add3A_664 = arith.addi %add3A_663, %iota3A : vector<16xi32>
          %gather3A_665 = tpu.vector_load_idx %arg13[%add3A_664, %add3A_654] : memref<64x256xf32, #tpu.memory_space<vmem>>[vector<16xi32>, vector<16xi32>], vector<16xf32>,
          tpu.vector_store_idx %arg14[%add3A_650, %add3A_664], %gather3A_665 : memref<64x64xf32, #tpu.memory_space<vmem>>[vector<16xi32>, vector<16xi32>], vector<16xf32>,
          %add3A_666 = arith.constant 48 : i32
          %add3A_667 = vector.broadcast %add3A_666 : i32 to vector<16xi32>
          %add3A_668 = arith.addi %add3A_667, %iota3A : vector<16xi32>
          %gather3A_669 = tpu.vector_load_idx %arg13[%add3A_668, %add3A_654] : memref<64x256xf32, #tpu.memory_space<vmem>>[vector<16xi32>, vector<16xi32>], vector<16xf32>,
          tpu.vector_store_idx %arg14[%add3A_650, %add3A_668], %gather3A_669 : memref<64x64xf32, #tpu.memory_space<vmem>>[vector<16xi32>, vector<16xi32>], vector<16xf32>,
          %mul3A_670 = arith.constant 16 : i32
          %mul3A_671 = arith.muli %rem3A_548, %mul3A_670 : i32
          %add3A_672 = arith.addi %mul3A_671, %while3A_619 : i32
          %mul3A_673 = arith.constant 64 : i32
          %mul3A_674 = arith.muli %reduce_max3A_645, %mul3A_673 : i32
          %multiple_of3A_675 = tpu.assume_multiple %mul3A_674, 8 : i32
          %dma_start3A = arith.constant 0 : i32
          %dma_start3A_676 = tpu.memref_slice %arg14[%add3A_672, %dma_start3A] : memref<64x64xf32, #tpu.memory_space<vmem>> -> memref<1x64xf32, #tpu.memory_space<vmem>>
          %dma_start3A_677 = tpu.memref_squeeze %dma_start3A_676 : memref<1x64xf32, #tpu.memory_space<vmem>> -> memref<64xf32, #tpu.memory_space<vmem>>
          %dma_start3A_678 = tpu.memref_slice %arg5[%multiple_of3A_675] : memref<1048576xf32, #tpu.memory_space<hbm>> -> memref<64xf32, #tpu.memory_space<hbm>>
          %dma_start3A_679 = tpu.memref_slice %arg5[%multiple_of3A_675] : memref<1048576xf32, #tpu.memory_space<hbm>> -> memref<64xf32, #tpu.memory_space<hbm>>
          %dma_start3A_680 = arith.constant 0 : i32
          %dma_start3A_681 = tpu.memref_slice %arg14[%add3A_672, %dma_start3A_680] : memref<64x64xf32, #tpu.memory_space<vmem>> -> memref<1x64xf32, #tpu.memory_space<vmem>>
          %dma_start3A_682 = tpu.memref_squeeze %dma_start3A_681 : memref<1x64xf32, #tpu.memory_space<vmem>> -> memref<64xf32, #tpu.memory_space<vmem>>
          tpu.enqueue_dma source(%dma_start3A_682 : memref<64xf32, #tpu.memory_space<vmem>>) target(%dma_start3A_679 : memref<64xf32, #tpu.memory_space<hbm>>) target_semaphore(%arg18 : memref<!tpu.dma_semaphore, #tpu.memory_space<semaphore_mem>>)
        }
        %while3A_611 = arith.constant 1 : i32
        scf.for %while3A_619 = %while3A_609 to %while3A_605 step %while3A_611  : i32 {
          %eq3A_620 = vector.broadcast %while3A_619 : i32 to vector<16xi32>
          %eq3A_621 = arith.cmpi eq, %iota3A, %eq3A_620 : vector<16xi32>
          %jit3A_622 = arith.constant 0 : i32
          %broadcast_in_dim3A_623 = vector.broadcast %jit3A_622 : i32 to vector<16xi32>
          %select_n3A_624 = arith.select %eq3A_621, %get3A_599, %broadcast_in_dim3A_623 : vector<16xi1>, vector<16xi32>
          %reduce_max3A_625 = arith.constant true
          %reduce_max3A_626 = vector.broadcast %reduce_max3A_625 : i1 to vector<16xi1>
          %reduce_max3A_627 = arith.constant -2147483648 : i32
          %reduce_max3A_628 = vector.broadcast %reduce_max3A_627 : i32 to vector<16xi32>
          %reduce_max3A_629 = arith.xori %select_n3A_624, %reduce_max3A_628 : vector<16xi32>
          %reduce_max3A_630 = tpu.scan <max>, %reduce_max3A_629 masked %reduce_max3A_626 : vector<16xi32>, vector<16xi1> -> vector<16xi32>
          %reduce_max3A_631 = arith.xori %reduce_max3A_630, %reduce_max3A_628 : vector<16xi32>
          %reduce_max3A_632 = vector.extract %reduce_max3A_631[15] : i32 from vector<16xi32>
          %eq3A_633 = vector.broadcast %while3A_619 : i32 to vector<16xi32>
          %eq3A_634 = arith.cmpi eq, %iota3A, %eq3A_633 : vector<16xi32>
          %jit3A_635 = arith.constant 0 : i32
          %broadcast_in_dim3A_636 = vector.broadcast %jit3A_635 : i32 to vector<16xi32>
          %select_n3A_637 = arith.select %eq3A_634, %get3A_601, %broadcast_in_dim3A_636 : vector<16xi1>, vector<16xi32>
          %reduce_max3A_638 = arith.constant true
          %reduce_max3A_639 = vector.broadcast %reduce_max3A_638 : i1 to vector<16xi1>
          %reduce_max3A_640 = arith.constant -2147483648 : i32
          %reduce_max3A_641 = vector.broadcast %reduce_max3A_640 : i32 to vector<16xi32>
          %reduce_max3A_642 = arith.xori %select_n3A_637, %reduce_max3A_641 : vector<16xi32>
          %reduce_max3A_643 = tpu.scan <max>, %reduce_max3A_642 masked %reduce_max3A_639 : vector<16xi32>, vector<16xi1> -> vector<16xi32>
          %reduce_max3A_644 = arith.xori %reduce_max3A_643, %reduce_max3A_641 : vector<16xi32>
          %reduce_max3A_645 = vector.extract %reduce_max3A_644[15] : i32 from vector<16xi32>
          %mul3A_646 = arith.constant 16 : i32
          %mul3A_647 = arith.muli %rem3A_548, %mul3A_646 : i32
          %broadcast_in_dim3A_648 = vector.broadcast %mul3A_647 : i32 to vector<16xi32>
          %add3A_649 = vector.broadcast %while3A_619 : i32 to vector<16xi32>
          %add3A_650 = arith.addi %broadcast_in_dim3A_648, %add3A_649 : vector<16xi32>
          %broadcast_in_dim3A_651 = arith.constant 0 : i32
          %broadcast_in_dim3A_652 = vector.broadcast %broadcast_in_dim3A_651 : i32 to vector<16xi32>
          %add3A_653 = vector.broadcast %reduce_max3A_632 : i32 to vector<16xi32>
          %add3A_654 = arith.addi %broadcast_in_dim3A_652, %add3A_653 : vector<16xi32>
          %add3A_655 = arith.constant 0 : i32
          %add3A_656 = vector.broadcast %add3A_655 : i32 to vector<16xi32>
          %add3A_657 = arith.addi %add3A_656, %iota3A : vector<16xi32>
          %gather3A = tpu.vector_load_idx %arg13[%add3A_657, %add3A_654] : memref<64x256xf32, #tpu.memory_space<vmem>>[vector<16xi32>, vector<16xi32>], vector<16xf32>,
          tpu.vector_store_idx %arg14[%add3A_650, %add3A_657], %gather3A : memref<64x64xf32, #tpu.memory_space<vmem>>[vector<16xi32>, vector<16xi32>], vector<16xf32>,
          %add3A_658 = arith.constant 16 : i32
          %add3A_659 = vector.broadcast %add3A_658 : i32 to vector<16xi32>
          %add3A_660 = arith.addi %add3A_659, %iota3A : vector<16xi32>
          %gather3A_661 = tpu.vector_load_idx %arg13[%add3A_660, %add3A_654] : memref<64x256xf32, #tpu.memory_space<vmem>>[vector<16xi32>, vector<16xi32>], vector<16xf32>,
          tpu.vector_store_idx %arg14[%add3A_650, %add3A_660], %gather3A_661 : memref<64x64xf32, #tpu.memory_space<vmem>>[vector<16xi32>, vector<16xi32>], vector<16xf32>,
          %add3A_662 = arith.constant 32 : i32
          %add3A_663 = vector.broadcast %add3A_662 : i32 to vector<16xi32>
          %add3A_664 = arith.addi %add3A_663, %iota3A : vector<16xi32>
          %gather3A_665 = tpu.vector_load_idx %arg13[%add3A_664, %add3A_654] : memref<64x256xf32, #tpu.memory_space<vmem>>[vector<16xi32>, vector<16xi32>], vector<16xf32>,
          tpu.vector_store_idx %arg14[%add3A_650, %add3A_664], %gather3A_665 : memref<64x64xf32, #tpu.memory_space<vmem>>[vector<16xi32>, vector<16xi32>], vector<16xf32>,
          %add3A_666 = arith.constant 48 : i32
          %add3A_667 = vector.broadcast %add3A_666 : i32 to vector<16xi32>
          %add3A_668 = arith.addi %add3A_667, %iota3A : vector<16xi32>
          %gather3A_669 = tpu.vector_load_idx %arg13[%add3A_668, %add3A_654] : memref<64x256xf32, #tpu.memory_space<vmem>>[vector<16xi32>, vector<16xi32>], vector<16xf32>,
          tpu.vector_store_idx %arg14[%add3A_650, %add3A_668], %gather3A_669 : memref<64x64xf32, #tpu.memory_space<vmem>>[vector<16xi32>, vector<16xi32>], vector<16xf32>,
          %mul3A_670 = arith.constant 16 : i32
          %mul3A_671 = arith.muli %rem3A_548, %mul3A_670 : i32
          %add3A_672 = arith.addi %mul3A_671, %while3A_619 : i32
          %mul3A_673 = arith.constant 64 : i32
          %mul3A_674 = arith.muli %reduce_max3A_645, %mul3A_673 : i32
          %multiple_of3A_675 = tpu.assume_multiple %mul3A_674, 8 : i32
          %dma_start3A = arith.constant 0 : i32
          %dma_start3A_676 = tpu.memref_slice %arg14[%add3A_672, %dma_start3A] : memref<64x64xf32, #tpu.memory_space<vmem>> -> memref<1x64xf32, #tpu.memory_space<vmem>>
          %dma_start3A_677 = tpu.memref_squeeze %dma_start3A_676 : memref<1x64xf32, #tpu.memory_space<vmem>> -> memref<64xf32, #tpu.memory_space<vmem>>
          %dma_start3A_678 = tpu.memref_slice %arg5[%multiple_of3A_675] : memref<1048576xf32, #tpu.memory_space<hbm>> -> memref<64xf32, #tpu.memory_space<hbm>>
          %dma_start3A_679 = tpu.memref_slice %arg5[%multiple_of3A_675] : memref<1048576xf32, #tpu.memory_space<hbm>> -> memref<64xf32, #tpu.memory_space<hbm>>
          %dma_start3A_680 = arith.constant 0 : i32
          %dma_start3A_681 = tpu.memref_slice %arg14[%add3A_672, %dma_start3A_680] : memref<64x64xf32, #tpu.memory_space<vmem>> -> memref<1x64xf32, #tpu.memory_space<vmem>>
          %dma_start3A_682 = tpu.memref_squeeze %dma_start3A_681 : memref<1x64xf32, #tpu.memory_space<vmem>> -> memref<64xf32, #tpu.memory_space<vmem>>
          tpu.enqueue_dma source(%dma_start3A_682 : memref<64xf32, #tpu.memory_space<vmem>>) target(%dma_start3A_679 : memref<64xf32, #tpu.memory_space<hbm>>) target_semaphore(%arg18 : memref<!tpu.dma_semaphore, #tpu.memory_space<semaphore_mem>>)
        }
        %add3A_612 = arith.addi %while3A_532, %reduce_max3A_595 : i32
        %eq3A_613 = vector.broadcast %rem3A_548 : i32 to vector<16xi32>
        %eq3A_614 = arith.cmpi eq, %iota3A, %eq3A_613 : vector<16xi32>
        %broadcast_in_dim3A_615 = vector.broadcast %add3A_612 : i32 to vector<16xi32>
        %select_n3A_616 = arith.select %eq3A_614, %broadcast_in_dim3A_615, %while3A_534 : vector<16xi1>, vector<16xi32>
        %add3A_617 = arith.constant 1 : i32
        %add3A_618 = arith.addi %while3A_531, %add3A_617 : i32
        scf.yield %add3A_618, %add3A_612, %add3A_574, %select_n3A_616 : i32, i32, i32, vector<16xi32>
      }
      %mul3A_505 = arith.constant 256 : i32
      %mul3A_506 = arith.muli %add3A_420, %mul3A_505 : i32
      %add3A_507 = arith.addi %mul3A_2, %mul3A_506 : i32
      %multiple_of3A_508 = tpu.assume_multiple %add3A_507, 128 : i32
      %lt3A_509 = arith.constant 123 : i32
      %lt3A_510 = arith.cmpi slt, %add3A_420, %lt3A_509 : i32
      %add3A_511 = arith.constant 256 : i32
      %add3A_512 = arith.addi %multiple_of3A_508, %add3A_511 : i32
      %le3A_513 = arith.constant 1000000 : i32
      %le3A_514 = arith.cmpi sle, %add3A_512, %le3A_513 : i32
      %and3A_515 = arith.andi %lt3A_510, %le3A_514 : i1
      %lt3A_516 = arith.constant 1000000 : i32
      %lt3A_517 = arith.cmpi slt, %multiple_of3A_508, %lt3A_516 : i32
      %and3A_518 = arith.andi %lt3A_510, %lt3A_517 : i1
      %add3A_519 = arith.constant 256 : i32
      %add3A_520 = arith.addi %multiple_of3A_508, %add3A_519 : i32
      %gt3A_521 = arith.constant 1000000 : i32
      %gt3A_522 = arith.cmpi sgt, %add3A_520, %gt3A_521 : i32
      %and3A_523 = arith.andi %and3A_518, %gt3A_522 : i1
      %convert_element_type3A_524 = arith.extui %and3A_515 : i1 to i32
      %cond3A_525 = arith.constant 0 : i32
      %cond3A_526 = arith.cmpi ne, %convert_element_type3A_524, %cond3A_525 : i32
      scf.if %cond3A_526 {
        %dma_start3A = arith.constant 0 : i32
        %dma_start3A_530 = tpu.memref_slice %arg3[%dma_start3A, %multiple_of3A_508] : memref<64x1000000xf32, #tpu.memory_space<hbm>> -> memref<64x256xf32, #tpu.memory_space<hbm>>
        %dma_start3A_531 = arith.constant 0 : i32
        %dma_start3A_532 = tpu.memref_slice %arg3[%dma_start3A_531, %multiple_of3A_508] : memref<64x1000000xf32, #tpu.memory_space<hbm>> -> memref<64x256xf32, #tpu.memory_space<hbm>>
        tpu.enqueue_dma source(%dma_start3A_532 : memref<64x256xf32, #tpu.memory_space<hbm>>) target(%arg13 : memref<64x256xf32, #tpu.memory_space<vmem>>) target_semaphore(%arg17 : memref<!tpu.dma_semaphore, #tpu.memory_space<semaphore_mem>>)
      } else {
      }
      %convert_element_type3A_527 = arith.extui %and3A_523 : i1 to i32
      %cond3A_528 = arith.constant 0 : i32
      %cond3A_529 = arith.cmpi ne, %convert_element_type3A_527, %cond3A_528 : i32
      scf.if %cond3A_529 {
        tpu.enqueue_dma source(%arg4 : memref<64x256xf32, #tpu.memory_space<hbm>>) target(%arg13 : memref<64x256xf32, #tpu.memory_space<vmem>>) target_semaphore(%arg17 : memref<!tpu.dma_semaphore, #tpu.memory_space<semaphore_mem>>)
      } else {
      }
      scf.yield %while3A_504#0, %while3A_504#1, %while3A_504#2, %while3A_504#3, %cond3A_433#0, %cond3A_433#1 : i32, i32, i32, vector<16xi32>, vector<16xi32>, i32
    }
    %scan3A_174 = arith.constant 41 : i32
    %sub3A_175 = arith.subi %scan3A_173#1, %scan3A_173#2 : i32
    %while3A_176 = arith.constant 0 : i32
    %while3A_177 = arith.constant 0 : i32
    %while3A_178 = arith.subi %sub3A_175, %while3A_177 : i32
    %while3A_179 = arith.addi %while3A_177, %while3A_178 : i32
    %while3A_180 = arith.constant 1 : i32
    %while3A_181 = arith.divsi %while3A_178, %while3A_180 : i32
    %while3A_182 = arith.muli %while3A_181, %while3A_180 : i32
    %while3A_183 = arith.addi %while3A_177, %while3A_182 : i32
    %while3A_184 = arith.constant 1 : i32
    scf.for %while3A_186 = %while3A_177 to %while3A_183 step %while3A_184  : i32 {
      %dma_wait3A = arith.constant 0 : i32
      %dma_wait3A_187 = arith.constant 0 : i32
      %dma_wait3A_188 = tpu.memref_slice %arg14[%dma_wait3A, %dma_wait3A_187] : memref<64x64xf32, #tpu.memory_space<vmem>> -> memref<1x64xf32, #tpu.memory_space<vmem>>
      %dma_wait3A_189 = tpu.memref_squeeze %dma_wait3A_188 : memref<1x64xf32, #tpu.memory_space<vmem>> -> memref<64xf32, #tpu.memory_space<vmem>>
      %dma_wait3A_190 = arith.constant 0 : i32
      %dma_wait3A_191 = tpu.memref_slice %arg5[%dma_wait3A_190] : memref<1048576xf32, #tpu.memory_space<hbm>> -> memref<64xf32, #tpu.memory_space<hbm>>
      %dma_wait3A_192 = arith.constant 0 : i32
      %dma_wait3A_193 = tpu.memref_slice %arg14[%dma_wait3A, %dma_wait3A_192] : memref<64x64xf32, #tpu.memory_space<vmem>> -> memref<1x64xf32, #tpu.memory_space<vmem>>
      %dma_wait3A_194 = tpu.memref_squeeze %dma_wait3A_193 : memref<1x64xf32, #tpu.memory_space<vmem>> -> memref<64xf32, #tpu.memory_space<vmem>>
      %dma_wait3A_195 = arith.constant 0 : i32
      %dma_wait3A_196 = tpu.memref_slice %arg5[%dma_wait3A_195] : memref<1048576xf32, #tpu.memory_space<hbm>> -> memref<64xf32, #tpu.memory_space<hbm>>
      tpu.wait_dma2 semaphore(%arg18 : memref<!tpu.dma_semaphore, #tpu.memory_space<semaphore_mem>>) src(%dma_wait3A_196 : memref<64xf32, #tpu.memory_space<hbm>>) dst(%dma_wait3A_194 : memref<64xf32, #tpu.memory_space<vmem>>)
    }
    %while3A_185 = arith.constant 1 : i32
    scf.for %while3A_186 = %while3A_183 to %while3A_179 step %while3A_185  : i32 {
      %dma_wait3A = arith.constant 0 : i32
      %dma_wait3A_187 = arith.constant 0 : i32
      %dma_wait3A_188 = tpu.memref_slice %arg14[%dma_wait3A, %dma_wait3A_187] : memref<64x64xf32, #tpu.memory_space<vmem>> -> memref<1x64xf32, #tpu.memory_space<vmem>>
      %dma_wait3A_189 = tpu.memref_squeeze %dma_wait3A_188 : memref<1x64xf32, #tpu.memory_space<vmem>> -> memref<64xf32, #tpu.memory_space<vmem>>
      %dma_wait3A_190 = arith.constant 0 : i32
      %dma_wait3A_191 = tpu.memref_slice %arg5[%dma_wait3A_190] : memref<1048576xf32, #tpu.memory_space<hbm>> -> memref<64xf32, #tpu.memory_space<hbm>>
      %dma_wait3A_192 = arith.constant 0 : i32
      %dma_wait3A_193 = tpu.memref_slice %arg14[%dma_wait3A, %dma_wait3A_192] : memref<64x64xf32, #tpu.memory_space<vmem>> -> memref<1x64xf32, #tpu.memory_space<vmem>>
      %dma_wait3A_194 = tpu.memref_squeeze %dma_wait3A_193 : memref<1x64xf32, #tpu.memory_space<vmem>> -> memref<64xf32, #tpu.memory_space<vmem>>
      %dma_wait3A_195 = arith.constant 0 : i32
      %dma_wait3A_196 = tpu.memref_slice %arg5[%dma_wait3A_195] : memref<1048576xf32, #tpu.memory_space<hbm>> -> memref<64xf32, #tpu.memory_space<hbm>>
      tpu.wait_dma2 semaphore(%arg18 : memref<!tpu.dma_semaphore, #tpu.memory_space<semaphore_mem>>) src(%dma_wait3A_196 : memref<64xf32, #tpu.memory_space<hbm>>) dst(%dma_wait3A_194 : memref<64xf32, #tpu.memory_space<vmem>>)
    }
    return
  }
}

</mosaic_0001>

<sc_bundles>
// kernel: kernel.3.cloned.1.call-start
scs
__scs_entry_jumppad:
0x0: {  	(pc) =	sbr.rel $0x88, $3  }
0x1: {  	(tag) =	ssettag $0x0;
	lr =	simm.s32 $0x1  }
0x2: {  	[smem:$0x3F9F] =	sst lr;
	_ =	strace $0xD0000000  }
0x3: {  	_ = 	snop  }
0x4: {  	_ = 	snop  }
0x5: {  	_ = 	snop  }
0x6: {  	_ = 	snop  }
0x7: {  	_ = 	snop  }
__scs_overlays_trampoline_lowered:
0x8: {  	[smem:$0x3FAE] =	sst s0  }
0x9: {  	[smem:$0x3FAF] =	sst s1  }
0xa: {  	[smem:$0x3FB0] =	sst s2  }
0xb: {  	[smem:$0x3FB1] =	sst s3  }
0xc: {  	[smem:$0x3FB2] =	sst s4  }
0xd: {  	[smem:$0x3FB3] =	sst s5  }
0xe: {  	[smem:$0x3FB4] =	sst s6  }
0xf: {  	[smem:$0x3FB5] =	sst s7  }
0x10: {  	[smem:$0x3FB6] =	sst s8  }
0x11: {  	[smem:$0x3FB7] =	sst s9;
	s0 =	simm.s32 @!p0 $0x0  }
0x12: {  	s1 =	sld [smem:$0x3F9D];
	s0 =	simm.s32 @p0 $0x1  }
0x13: {  	[smem:$0x3FB8] =	sst s0;
	s0 =	simm.s32 @!p1 $0x0  }
0x14: {  	s2 =	sld [smem:$0x3F9C];
	s0 =	simm.s32 @p1 $0x1  }
0x15: {  	[smem:$0x3FB9] =	sst s0;
	s0 =	simm.s32 @!p2 $0x0  }
0x16: {  	s3 =	sld [smem:$0x3FDB];
	s0 =	simm.s32 @p2 $0x1  }
0x17: {  	s4 =	simm.s32 $0x1BF5;
	[smem:$0x3FBB] =	sst s0  }
0x18: {  	s0 =	sld [smem:$0x3F9E];
	_ =	swait.ge [sflag:s4], $0x0  }
0x19: {  	s7 =	sld [smem:$0x3F9F]  }
0x1a: {  	s8 =	sadd.s32 $0xFFFFE003, lr  }
0x1b: {  	s9 =	sadd.s32 $0xFFFFFEF7, lr;
	s5 =	simm.s32 $0xFFFFFFFF;
	p2 =	slt.u32 s8, $0xFFFFF086  }
0x1c: {  	p1 =	slt.u32 s9, $0xF7A;
	s5 =	simm.s32 @!p2 $0x0  }
0x1d: {  	s5 =	simm.s32 @p1 $0x1;
	p0 =	seq.s32 s7, s2  }
0x1e: {  	s7 =	smul.u32 @!p0 $0xF7A, s2;
	p2 =	seq.s32 @!p0 s5, $0x0  }
0x1f: {  	s9 =	smul.u32 $0xF7A, s1;
	s8 =	simm.s32 @!p0 $0x1BF5;
	p2 =	por !p2, p0  }
0x20: {  	[sflag:s8] =	ssyncset.s32 @!p0 $0xFFFFF086;
	s6 =	sadd.s32 @!p0 s3, s7;
	s7 =	simm.s32 @!p0 $0x108  }
0x21: {  	s3 =	sadd.s32 s3, s9;
	s6 =	sadd.s32 @!p0 $0x88, s6;
	s7 =	simm.s32 @p2 $0x1082  }
0x22: {  	[simem:s7], [sflag:s8] =	dma.local @!p0 [hbm:s6], $0xF7A  }
0x23: {  	s9 =	sor.u32 $0xD0000000, s2;
	s6 =	simm.s32 $0x108;
	_ =	swait.ge @!p0 [sflag:s8], $0x0  }
0x24: {  	s3 =	sadd.s32 $0x88, s3;
	s6 =	simm.s32 @!p1 $0x1082;
	[sflag:s4] =	ssyncset.s32 $0xFFFFF086  }
0x25: {  	[simem:s6], [sflag:s4] =	dma.local [hbm:s3], $0xF7A  }
0x26: {  	[smem:$0x3F9F] =	sst s1;
	(tag) =	ssettag s2;
	_ =	strace s9  }
0x27: {  	s1 =	sld [smem:$0x3FAF]  }
0x28: {  	s2 =	sld [smem:$0x3FB0]  }
0x29: {  	s4 =	sld [smem:$0x3FB2]  }
0x2a: {  	p0 =	seq.s32 s5, $0x0;
	s5 =	sld [smem:$0x3FB3]  }
0x2b: {  	s6 =	sld [smem:$0x3FB4]  }
0x2c: {  	s7 =	sld [smem:$0x3FB5]  }
0x2d: {  	s3 =	simm.s32 $0x108;
	s8 =	sld [smem:$0x3FB6]  }
0x2e: {  	s3 =	simm.s32 @!p0 $0x1082;
	s9 =	sld [smem:$0x3FB7]  }
0x2f: {  	lr =	sadd.s32 s0, s3;
	s0 =	sld [smem:$0x3FAE]  }
0x30: {  	s3 =	sld [smem:$0x3FB1]  }
0x31: {  	[smem:$0x3FBA] =	sst s10  }
0x32: {  	s10 =	sld [smem:$0x3FB8];
	_ =	sdelay $0x3  }
0x33: {  	p0 =	seq.s32 s10, $0x1;
	s10 =	sld [smem:$0x3FBA];
	_ =	sdelay $0x3  }
0x34: {  	[smem:$0x3FBA] =	sst s10  }
0x35: {  	s10 =	sld [smem:$0x3FB9];
	_ =	sdelay $0x3  }
0x36: {  	p1 =	seq.s32 s10, $0x1;
	s10 =	sld [smem:$0x3FBA];
	_ =	sdelay $0x3  }
0x37: {  	[smem:$0x3FBA] =	sst s10  }
0x38: {  	s10 =	sld [smem:$0x3FBB]  }
0x39: {  	_ = 	snop;
	(pc) =	sbr.ind lr, $3  }
0x3a: {  	_ = 	snop  }
0x3b: {  	_ = 	snop  }
0x3c: {  	p2 =	seq.s32 s10, $0x1;
	s10 =	sld [smem:$0x3FBA]  }
0x3d: {  	_ =	shalt  }
0x3e: {  	_ =	shalt  }
0x3f: {  	_ =	shalt  }
0x40: {  	_ =	shalt  }
0x41: {  	_ =	shalt  }
0x42: {  	_ =	shalt  }
0x43: {  	_ =	shalt  }
0x44: {  	_ =	shalt  }
0x45: {  	_ =	shalt  }
0x46: {  	_ =	shalt  }
0x47: {  	_ =	shalt  }
0x48: {  	_ =	shalt  }
0x49: {  	_ =	shalt  }
0x4a: {  	_ =	shalt  }
0x4b: {  	_ =	shalt  }
0x4c: {  	_ =	shalt  }
0x4d: {  	_ =	shalt  }
0x4e: {  	_ =	shalt  }
0x4f: {  	_ =	shalt  }
0x50: {  	_ =	shalt  }
0x51: {  	_ =	shalt  }
0x52: {  	_ =	shalt  }
0x53: {  	_ =	shalt  }
0x54: {  	_ =	shalt  }
0x55: {  	_ =	shalt  }
0x56: {  	_ =	shalt  }
0x57: {  	_ =	shalt  }
0x58: {  	_ =	shalt  }
0x59: {  	_ =	shalt  }
0x5a: {  	_ =	shalt  }
0x5b: {  	_ =	shalt  }
0x5c: {  	_ =	shalt  }
0x5d: {  	_ =	shalt  }
0x5e: {  	_ =	shalt  }
0x5f: {  	_ =	shalt  }
0x60: {  	_ =	shalt  }
0x61: {  	_ =	shalt  }
0x62: {  	_ =	shalt  }
0x63: {  	_ =	shalt  }
0x64: {  	_ =	shalt  }
0x65: {  	_ =	shalt  }
0x66: {  	_ =	shalt  }
0x67: {  	_ =	shalt  }
0x68: {  	_ =	shalt  }
0x69: {  	_ =	shalt  }
0x6a: {  	_ =	shalt  }
0x6b: {  	_ =	shalt  }
0x6c: {  	_ =	shalt  }
0x6d: {  	_ =	shalt  }
0x6e: {  	_ =	shalt  }
0x6f: {  	_ =	shalt  }
0x70: {  	_ =	shalt  }
0x71: {  	_ =	shalt  }
0x72: {  	_ =	shalt  }
0x73: {  	_ =	shalt  }
0x74: {  	_ =	shalt  }
0x75: {  	_ =	shalt  }
0x76: {  	_ =	shalt  }
0x77: {  	_ =	shalt  }
0x78: {  	_ =	shalt  }
0x79: {  	_ =	shalt  }
0x7a: {  	_ =	shalt  }
0x7b: {  	_ =	shalt  }
0x7c: {  	_ =	shalt  }
0x7d: {  	_ =	shalt  }
0x7e: {  	_ =	shalt  }
0x7f: {  	_ =	shalt  }
0x80: {  	_ =	shalt  }
0x81: {  	_ =	shalt  }
0x82: {  	_ =	shalt  }
0x83: {  	_ =	shalt  }
0x84: {  	_ =	shalt  }
0x85: {  	_ =	shalt  }
0x86: {  	_ =	shalt  }
0x87: {  	_ =	shalt  }
.Lfunc_end0:
.L_simem_size_0:
called_computation_lowered:
.L_overlay_start_0:
0x88: {  	s2 =	sld [smem:$0x3FD9]  }
0x89: {  	s3 =	sld [smem:$0x3FFE];
	_ =	sdelay $0x1  }
0x8a: {  	s1 =	srdreg.scid  }
0x8b: {  	s0 =	sand.u32 $0x1, s1  }
0x8c: {  	s17 =	sshll.u32 s0, $0xA;
	s2 =	sadd.s32 s3, s2  }
0x8d: {  	s2 =	sadd.s32 s2, s17  }
0x8e: {  	[smem:$0x3FC6] =	sst s2  }
0x8f: {  	_ = 	snop  }
0x90: {  	s2 =	sld [smem:$0x3FC9]  }
0x91: {  	s18 =	sld [smem:$0x3FC8]  }
0x92: {  	s4 =	sld [smem:$0x3FD0];
	(tm) =	ssettm $0x1  }
0x93: {  	s5 =	sld [smem:$0x3FFB];
	_ =	sdelay $0x3  }
0x94: {  	_ =	strace s5  }
0x95: {  	s5 =	sld [smem:$0x3FFC];
	_ =	sdelay $0x3  }
0x96: {  	_ =	strace s5  }
0x97: {  	s5 =	sld [smem:$0x3FFD];
	_ =	sdelay $0x3  }
0x98: {  	_ =	strace s5  }
0x99: {  	_ =	strace $0x8FFFFFFF  }
0x9a: {  	s19 =	sld [smem:$0x3FDB];
	_ =	sdelay $0x1  }
0x9b: {  	s6 =	simm.s32 $_scs_section_size  }
0x9c: {  	s7 =	simm.s32 $_size__tile_overlayer_lowered;
	s8 =	simm.s32 $_tile_overlayer_lowered  }
0x9d: {  	s22 =	simm.s32 $0x1BFF;
	s21 =	sshll.u32 s8, $0x1;
	s5 =	sadd.s32 s6, s19  }
0x9e: {  	s9 =	simm.s32 $0x0;
	s20 =	sshll.u32 s7, $0x1;
	s7 =	sadd.s32 s21, s5  }
0x9f: {  	[timem:s9], [sflag:s22] =	dma.local [hbm:s7], s20  }
0xa0: {  	_ =	swait.ge [sflag:s22], s20  }
0xa1: {  	s6 =	ssub.s32 $0x0, s20;
	[sflag:s22] =	ssyncset.done $0x0  }
0xa2: {  	[sflag:s22] =	ssyncadd.s32 s6;
	_ =	sdelay $0x1  }
0xa3: {  	s23 =	simm.s32 $0x1B8B  }
0xa4: {  	_ =	swait.ge [sflag:s23], $0x1  }
0xa5: {  	[sflag:s23] =	ssyncset.done $0x0  }
0xa6: {  	s25 =	simm.s32 $0x1B8E;
	s24 =	sld [smem:$0x3FFE];
	[sflag:s23] =	ssyncadd.s32 $0xFFFFFFFF  }
0xa7: {  	s26 =	simm.s32 $execute0_lowered;
	[smem:$0x3FD2] =	sst s25  }
0xa8: {  	s7 =	sshll.u32 s26, $0x1;
	_ =	strace $0x80000046;
	[dreg:$0x1] =	wrdreg $0xFFFFFFFF  }
0xa9: {  	s28 =	simm.s32 $_size_execute0_lowered;
	s5 =	sadd.s32 s5, s7;
	[dreg:$0x0] =	wrdreg $0x0  }
0xaa: {  	s7 =	sshll.u32 s28, $0x1;
	[dreg:$0x2] =	wrdreg s5  }
0xab: {  	[dreg:$0x3] =	wrdreg s7  }
0xac: {  	[dreg:$0x4] =	wrdreg $0xC0  }
0xad: {  	_ =	task [dreg:s9], $0x5FFFF  }
0xae: {  	[dreg:$0x1] =	wrdreg $0xFFFFFFFF  }
0xaf: {  	[dreg:$0x0] =	wrdreg $0x60  }
0xb0: {  	[dreg:$0x2] =	wrdreg s2  }
0xb1: {  	[dreg:$0x3] =	wrdreg s18  }
0xb2: {  	[dreg:$0x4] =	wrdreg s24  }
0xb3: {  	[dreg:$0x5] =	wrdreg s4  }
0xb4: {  	[dreg:$0x6] =	wrdreg $0x9  }
0xb5: {  	_ =	task.clear_ibuf [dreg:s9], $0x7FFFF;
	_ =	strace $0x90000046  }
0xb6: {  	s29 =	simm.s32 $0x9;
	_ =	strace $0x80000048  }
0xb7: {  	_ =	swait.ge [sflag:s29], $0x1  }
0xb8: {  	[sflag:s29] =	ssyncadd.s32 $0xFFFFFFFF  }
0xb9: {  	_ =	strace $0x90000048  }
0xba: {  	_ =	sfence  }
0xbb: {  	s30 =	sld [smem:$0x0];
	_ =	sdelay $0x2  }
0xbc: {  	s31 =	sshll.u32 s1, $0xD;
	s1 =	sshrl.u32 s1, $0x2  }
0xbd: {  	s3 =	sand.u32 $0x4000, s31;
	s1 =	sadd.s32 s1, s30  }
0xbe: {  	s0 =	sor.u32 s3, s0;
	s1 =	sshll.u32 s1, $0x11  }
0xbf: {  	s0 =	sor.u32 s1, s0  }
0xc0: {  	s0 =	sadd.s32 $0x8F2B, s0  }
0xc1: {  	[sflag:s0] =	ssyncadd.remote.s32 $0x1  }
0xc2: {  	_ =	sfence.sel $0xFFFF  }
0xc3: {  	[dreg:$0x0] =	wrdreg $0xFFFFFFFF;
	(pc) =	sbr.abs _section_cstart, $3  }
0xc4: {  	[dreg:$0x1] =	wrdreg $0xFFFFFFFF  }
0xc5: {  	_ =	task.clear_ibuf [dreg:s9], $0x2FFFF;
	_ =	strace $0x9FFFFFFF  }
0xc6: {  	(tm) =	ssettm $0x7FFFFFFF  }
0xc7: {  	_ =	shalt  }
tec
execute0_lowered:
.L_overlay_start_1:
0x0: {  	(tag) =	ssettag $0x1  }
0x1: {  	v0 =	vimm.s32 $0xB80;
	vm14 =	vcmask $0x300;
	vm13 =	vcmask $0x704  }
0x2: {  	vm12 =	vcmask $0xB08;
	vm11 =	vcmask $0xF0C;
	vm10 =	vcmask $0x1310  }
0x3: {  	vm9 =	vcmask $0x1714;
	vm8 =	vcmask $0x1B18;
	vm7 =	vcmask $0x1F1C  }
0x4: {  	vm6 =	vcmask $0x2320;
	vm5 =	vcmask $0x2724;
	vm4 =	vcmask $0x2B28  }
0x5: {  	vm2 =	vcmask $0x2F2C;
	vm3 =	vcmask $0x3330;
	vm1 =	vcmask $0x3734;
	s4 =	rddreg [dreg:$0x0]  }
0x6: {  	vm0 =	vcmask $0x3B38;
	s7 =	rddreg [dreg:$0x1];
	v4 =	vimm.s32 $0x7FFFFFF;
	v6 =	vimm.s32 $0x1B80  }
0x7: {  	s0 =	srdreg.scid;
	s15 =	rddreg [dreg:$0x2];
	v7 =	vimm.s32 $0x2B80;
	v8 =	vimm.s32 $0x3B80;
	v0 =	vsel vm14, $0x0, v0  }
0x8: {  	s1 =	stileid.u32;
	s5 =	rddreg [dreg:$0x3];
	v6 =	vsel vm14, $0x1000, v6;
	v7 =	vsel vm14, $0x2000, v7;
	v8 =	vsel vm14, $0x3000, v8  }
0x9: {  	s6 =	simm.s32 $0x0;
	s12 =	simm.s32 $0x3;
	s29 =	simm.s32 $0x4880;
	v0 =	vsel vm13, $0x80, v0;
	v6 =	vsel vm13, $0x1080, v6;
	v7 =	vsel vm13, $0x2080, v7  }
0xa: {  	s30 =	simm.s32 $0x8900;
	[smem:$0x7FF] =	sst s6;
	s18 =	sadd.s32 $0x100, s4;
	v8 =	vsel vm13, $0x3080, v8;
	v0 =	vsel vm12, $0x100, v0;
	v6 =	vsel vm12, $0x1100, v6  }
0xb: {  	s19 =	sadd.s32 $0x200, s4;
	_ =	strace $0x80000047;
	[dreg:$0xa] =	wrdreg s18;
	v7 =	vsel vm12, $0x2100, v7;
	v8 =	vsel vm12, $0x3100, v8;
	v0 =	vsel vm11, $0x180, v0  }
0xc: {  	s31 =	simm.s32 $0xC980;
	s20 =	sadd.s32 $0x300, s4;
	[dreg:$0xb] =	wrdreg s19;
	v6 =	vsel vm11, $0x1180, v6;
	v7 =	vsel vm11, $0x2180, v7;
	v8 =	vsel vm11, $0x3180, v8  }
0xd: {  	s9 =	simm.s32 $0x1CA00;
	s21 =	sadd.s32 $0x400, s4;
	[dreg:$0xc] =	wrdreg s20;
	v0 =	vsel vm10, $0x200, v0;
	v6 =	vsel vm10, $0x1200, v6;
	v7 =	vsel vm10, $0x2200, v7  }
0xe: {  	s0 =	sand.u32 $0x1, s0;
	s22 =	sadd.s32 $0x500, s4;
	[dreg:$0xd] =	wrdreg s21;
	v8 =	vsel vm10, $0x3200, v8;
	v0 =	vsel vm9, $0x280, v0;
	v6 =	vsel vm9, $0x1280, v6  }
0xf: {  	s1 =	sshll.u32 s1, $0x1;
	s23 =	sadd.s32 $0x600, s4;
	[dreg:$0xe] =	wrdreg s22;
	v7 =	vsel vm9, $0x2280, v7;
	v8 =	vsel vm9, $0x3280, v8;
	v0 =	vsel vm8, $0x300, v0  }
0x10: {  	s24 =	sadd.s32 $0x700, s4;
	s4 =	simm.s32 $0x2;
	[dreg:$0xf] =	wrdreg s23;
	v6 =	vsel vm8, $0x1300, v6;
	v7 =	vsel vm8, $0x2300, v7;
	v8 =	vsel vm8, $0x3300, v8  }
0x11: {  	s1 =	sor.u32 s0, s1;
	s0 =	ssub.s32 $0x2, s0;
	[dreg:$0x10] =	wrdreg s24;
	v0 =	vsel vm7, $0x380, v0;
	v6 =	vsel vm7, $0x1380, v6;
	v7 =	vsel vm7, $0x2380, v7  }
0x12: {  	s22 =	simm.s32 $0x800;
	s3 =	smul.u32 $0x7B00, s1;
	s16 =	sshrl.u32 s0, $0x1;
	v8 =	vsel vm7, $0x3380, v8;
	v0 =	vsel vm6, $0x800, v0;
	v6 =	vsel vm6, $0x1800, v6  }
0x13: {  	s24 =	simm.s32 $0x10A00;
	s1 =	smul.u32 $0x3D800, s1;
	s0 =	ssub.s32 s0, s16;
	v7 =	vsel vm6, $0x2800, v7;
	v8 =	vsel vm6, $0x3800, v8;
	v0 =	vsel vm5, $0x880, v0  }
0x14: {  	s2 =	smin.u32 s3, $0xEC740;
	s17 =	sadd.s32 s7, s3;
	[dreg:$0x5] =	wrdreg s3;
	v6 =	vsel vm5, $0x1880, v6;
	v7 =	vsel vm5, $0x2880, v7;
	v8 =	vsel vm5, $0x3880, v8  }
0x15: {  	s1 =	sshrl.u32 s1, $0x3;
	s25 =	sadd.s32 $0x300, s3;
	[dreg:$0x7] =	wrdreg s17;
	v1 =	vsel vm4, $0x900, v0;
	v0 =	vmov s3;
	v6 =	vsel vm4, $0x1900, v6  }
0x16: {  	s26 =	sadd.s32 $0x400, s3;
	s2 =	sadd.s32 $0x7B00, s2;
	[dreg:$0x11] =	wrdreg s25;
	v7 =	vsel vm4, $0x2900, v7;
	v8 =	vsel vm4, $0x3900, v8;
	v2 =	vsel vm2, $0x980, v1  }
0x17: {  	s28 =	sadd.s32 $0x500, s3;
	s0 =	smax.u32 s0, $0x1;
	[dreg:$0x12] =	wrdreg s26;
	v1 =	vmov s2;
	v6 =	vsel vm2, $0x1980, v6;
	v7 =	vsel vm2, $0x2980, v7  }
.Ltmp0:
0x18: {  	s1 =	sadd.s32 s7, s1;
	[dreg:$0x13] =	wrdreg s28;
	v8 =	vsel vm2, $0x3980, v8;
	v3 =	vsel vm3, $0xA00, v2;
	v2 =	vlaneseq.u32;
	(pc) =	sbr.rel .LBB2_1-.Ltmp0, $4  }
0x19: {  	[dreg:$0x14] =	wrdreg s0;
	s25 =	simm.s32 $0x14A00;
	s1 =	sadd.s32 $0x200, s1;
	v6 =	vsel vm3, $0x1A00, v6;
	v7 =	vsel vm3, $0x2A00, v7;
	v8 =	vsel vm3, $0x3A00, v8  }
0x1a: {  	s26 =	simm.s32 $0x18A00;
	[dreg:$0x9] =	wrdreg s1;
	s2 =	sadd.s32 $0x400, s15;
	v5 =	vsel vm1, $0xA80, v3;
	v3 =	vimm.s32 $0x0;
	v6 =	vsel vm1, $0x1A80, v6  }
0x1b: {  	s0 =	simm.s32 $0x1EA80;
	[dreg:$0x6] =	wrdreg s2;
	s2 =	sadd.s32 $0x100, s17;
	v7 =	vsel vm1, $0x2A80, v7;
	v8 =	vsel vm1, $0x3A80, v8;
	v5 =	vsel vm0, $0xB00, v5  }
0x1c: {  	s3 =	simm.s32 $0x0;
	[dreg:$0x8] =	wrdreg s2;
	s2 =	simm.s32 $0x1EA00;
	v6 =	vsel vm0, $0x1B00, v6;
	v7 =	vsel vm0, $0x2B00, v7;
	v8 =	vsel vm0, $0x3B00, v8  }
.LBB2_112:
0x1d: {  	[sflag:s4] =	ssyncadd.s32 $0xFFFFFFC0  }
.LBB2_113:
0x1e: {  	s3 =	sadd.s32 $0x1, s3;
	s1 =	rddreg [dreg:$0x14]  }
0x1f: {  	p0 =	sne.s32 s3, s1  }
.Ltmp1:
0x20: {  	_ = 	snop;
	(pc) =	sbr.rel @!p0 .LBB2_114-.Ltmp1, $1  }
0x21: {  	_ =	sdelay $0x3  }
.LBB2_1:
0x22: {  	[dreg:$0x15] =	wrdreg s3  }
0x23: {  	s1 =	rddreg [dreg:$0x7];
	s20 =	simm.s32 $0x7A1400  }
0x24: {  	[tilespmem:s24], [sflag:$0x1] =	stream.strided.gather [hbm4b:s1+s22], $0x4000, s20, s22, $0x38;
	[tilespmem:$0x1EB00] =	vst v63  }
0x25: {  	s21 =	rddreg [dreg:$0x8]  }
0x26: {  	[tilespmem:s25], [sflag:$0x1] =	stream.strided.gather [hbm4b:s21+s22], $0x4000, s20, s22, $0x38;
	[tilespmem:$0x1EB00] =	vst v63  }
0x27: {  	s23 =	rddreg [dreg:$0x9]  }
0x28: {  	[tilespmem:s26], [sflag:$0x1] =	stream.strided.gather [hbm4b:s23+s22], $0x4000, s20, s22, $0x38;
	[tilespmem:$0x1EB00] =	vst v63  }
0x29: {  	s28 =	rddreg [dreg:$0x0]  }
0x2a: {  	[tilespmem:s6], [sflag:$0x3] =	stream.linear.gather [hbm4b:s28+s6], $0x800, $0x38;
	[tilespmem:$0x1EB00] =	vst v63  }
0x2b: {  	_ =	swait.ge [sflag:s12], $0x800  }
0x2c: {  	[sflag:s12] =	ssyncset.done $0x0  }
0x2d: {  	[sflag:s12] =	ssyncadd.s32 $0xFFFFF800  }
0x2e: {  	v9 =	vld [tilespmem:s6+$0x0];
	_ =	sdelay $0x4  }
0x2f: {  	vm0 =	vge.s32 v9, v0;
	vm1 =	vlt.s32 v9, v1  }
0x30: {  	vm0 =	vmand vm0, vm1  }
0x31: {  	v10 =	vsel vm0, $0x1, v3  }
0x32: {  	(xrf0) =	vadd.scan.msk.s32 $0xffff, v10;
	_ =	sdelay $0x5  }
0x33: {  	v10, _, _ =	vpop (xrf0)  }
0x34: {  	v10 =	vadd.s32 s6, v10  }
0x35: {  	v11 =	vadd.s32 $0xFFFFFFFF, v10;
	v10 =	vadd.s32 $0x7FFFFFFF, v10  }
0x36: {  	(xrf0) =	vmax.scan.msk.u32 $0xffff, v10;
	_ =	sdelay $0x5  }
0x37: {  	v10, _, _ =	vpop (xrf0)  }
0x38: {  	[tilespmem:v11+s22+$0x0] =	vst.idx.msk vm0, v9;
	v9 =	vor.u32 s6, v2;
	(v2sf) =	vpush v10, $0xF  }
0x39: {  	s1 =	simm.s32 $0x10;
	[tilespmem:v11+s29+$0x0] =	vst.idx.msk vm0, v9  }
0x3a: {  	v9 =	vld [tilespmem:s1+$0x0];
	_ =	sdelay $0x4  }
0x3b: {  	vm0 =	vge.s32 v9, v0;
	vm1 =	vlt.s32 v9, v1  }
0x3c: {  	vm0 =	vmand vm0, vm1  }
0x3d: {  	v11 =	vsel vm0, $0x1, v3  }
0x3e: {  	s3 =	simm.s32 $0x20;
	s10 =	simm.s32 $0x30;
	s8 =	simm.s32 $0x10;
	(xrf0) =	vadd.scan.msk.s32 $0xffff, v11  }
.LBB2_2:
0x3f: {  	p0 =	sne.s32 s10, $0x7F0;
	_ =	sdelay $0x3  }
0x40: {  	s11 =	spop (v2sf)  }
0x41: {  	v10, _, _ =	vpop (xrf0);
	s11 =	sadd.s32 $0x80000001, s11  }
0x42: {  	v10 =	vadd.s32 s11, v10  }
0x43: {  	v11 =	vadd.s32 $0xFFFFFFFF, v10;
	v10 =	vadd.s32 $0x7FFFFFFF, v10  }
0x44: {  	(xrf0) =	vmax.scan.msk.u32 $0xffff, v10;
	_ =	sdelay $0x3  }
0x45: {  	v10 =	vor.u32 s1, v2;
	s1 =	smov.u32 s3;
	s3 =	smov.u32 s10;
	[tilespmem:v11+s22+$0x0] =	vst.idx.msk vm0, v9  }
0x46: {  	[tilespmem:v11+s29+$0x0] =	vst.idx.msk vm0, v10  }
0x47: {  	v9, _, _ =	vpop (xrf0)  }
0x48: {  	(v2sf) =	vpush v9, $0xF  }
0x49: {  	s8 =	sadd.s32 $0x10, s8  }
0x4a: {  	v9 =	vld [tilespmem:s8+$0x0];
	_ =	sdelay $0x3  }
.Ltmp2:
0x4b: {  	(pc) =	sbr.rel @p0 .LBB2_2-.Ltmp2, $4  }
0x4c: {  	vm0 =	vge.s32 v9, v0;
	vm1 =	vlt.s32 v9, v1  }
0x4d: {  	vm0 =	vmand vm0, vm1  }
0x4e: {  	v10 =	vsel vm0, $0x1, v3  }
0x4f: {  	s10 =	sadd.s32 $0x10, s10;
	(xrf0) =	vadd.scan.msk.s32 $0xffff, v10  }
0x50: {  	_ =	sdelay $0x3  }
0x51: {  	s10 =	spop (v2sf)  }
0x52: {  	v10, _, _ =	vpop (xrf0);
	s10 =	sadd.s32 $0x80000001, s10  }
0x53: {  	v10 =	vadd.s32 s10, v10  }
0x54: {  	v11 =	vadd.s32 $0x7FFFFFFF, v10  }
0x55: {  	(xrf0) =	vmax.scan.msk.u32 $0xffff, v11;
	_ =	sdelay $0x1  }
0x56: {  	v10 =	vadd.s32 $0xFFFFFFFF, v10;
	_ =	sdelay $0x3  }
0x57: {  	v11, _, _ =	vpop (xrf0)  }
0x58: {  	[tilespmem:v10+s22+$0x0] =	vst.idx.msk vm0, v9;
	v9 =	vor.u32 s1, v2;
	(v2sf) =	vpush v11, $0xF  }
0x59: {  	s19 =	sadd.s32 $0x10, s8;
	[tilespmem:v10+s29+$0x0] =	vst.idx.msk vm0, v9  }
0x5a: {  	v9 =	vld [tilespmem:s19+$0x0];
	_ =	sdelay $0x4  }
0x5b: {  	vm0 =	vge.s32 v9, v0;
	vm1 =	vlt.s32 v9, v1  }
0x5c: {  	vm0 =	vmand vm0, vm1  }
0x5d: {  	v10 =	vsel vm0, $0x1, v3  }
0x5e: {  	(xrf0) =	vadd.scan.msk.s32 $0xffff, v10;
	_ =	sdelay $0x4  }
0x5f: {  	s20 =	spop (v2sf)  }
0x60: {  	v10, _, _ =	vpop (xrf0);
	s1 =	sadd.s32 $0x80000001, s20  }
0x61: {  	v10 =	vadd.s32 s1, v10  }
0x62: {  	v11 =	vadd.s32 $0x7FFFFFFF, v10  }
0x63: {  	(xrf0) =	vmax.scan.msk.u32 $0xffff, v11;
	_ =	sdelay $0x5  }
0x64: {  	v11, _, _ =	vpop (xrf0)  }
0x65: {  	(v2sf) =	vpush v11, $0xF;
	_ =	sdelay $0x6  }
0x66: {  	v10 =	vadd.s32 $0xFFFFFFFF, v10;
	_ =	sdelay $0x4  }
0x67: {  	[tilespmem:v10+s22+$0x0] =	vst.idx.msk vm0, v9;
	v11 =	vor.u32 s3, v2  }
0x68: {  	s23 =	simm.s32 $0x0;
	s7 =	rddreg [dreg:$0xa];
	[tilespmem:v10+s29+$0x0] =	vst.idx.msk vm0, v11  }
0x69: {  	[tilespmem:s23], [sflag:$0x3] =	stream.linear.gather [hbm4b:s7+s23], $0x800, $0x38;
	[tilespmem:$0x1EB00] =	vst v63  }
0x6a: {  	s21 =	spop (v2sf)  }
0x6b: {  	_ =	swait.ge [sflag:s12], $0x800  }
0x6c: {  	[sflag:s12] =	ssyncset.done $0x0  }
0x6d: {  	[sflag:s12] =	ssyncadd.s32 $0xFFFFF800  }
0x6e: {  	v9 =	vld [tilespmem:s23+$0x0];
	_ =	sdelay $0x4  }
0x6f: {  	vm0 =	vge.s32 v9, v0;
	vm1 =	vlt.s32 v9, v1  }
0x70: {  	vm0 =	vmand vm0, vm1  }
0x71: {  	v10 =	vsel vm0, $0x1, v3  }
0x72: {  	(xrf0) =	vadd.scan.msk.s32 $0xffff, v10;
	_ =	sdelay $0x5  }
0x73: {  	s1 =	sadd.s32 $0x80000001, s21;
	v10, _, _ =	vpop (xrf0)  }
0x74: {  	v10 =	vadd.s32 s1, v10  }
0x75: {  	v11 =	vadd.s32 $0xFFFFFFFF, v10;
	v10 =	vadd.s32 $0x7FFFFFFF, v10  }
0x76: {  	(xrf0) =	vmax.scan.msk.u32 $0xffff, v10;
	_ =	sdelay $0x5  }
0x77: {  	s28 =	simm.s32 $0x800;
	v10, _, _ =	vpop (xrf0)  }
0x78: {  	[tilespmem:v11+s22+$0x0] =	vst.idx.msk vm0, v9;
	v9 =	vor.u32 s28, v2;
	(v2sf) =	vpush v10, $0xF  }
0x79: {  	s8 =	simm.s32 $0x10;
	[tilespmem:v11+s29+$0x0] =	vst.idx.msk vm0, v9  }
0x7a: {  	v9 =	vld [tilespmem:s8+$0x0];
	_ =	sdelay $0x4  }
0x7b: {  	vm0 =	vge.s32 v9, v0;
	vm1 =	vlt.s32 v9, v1  }
0x7c: {  	vm0 =	vmand vm0, vm1  }
0x7d: {  	v11 =	vsel vm0, $0x1, v3  }
0x7e: {  	s10 =	simm.s32 $0x830;
	s3 =	simm.s32 $0x820;
	s1 =	simm.s32 $0x810;
	(xrf0) =	vadd.scan.msk.s32 $0xffff, v11  }
.LBB2_4:
0x7f: {  	p0 =	sne.s32 s10, $0xFF0;
	_ =	sdelay $0x3  }
0x80: {  	s11 =	spop (v2sf)  }
0x81: {  	v10, _, _ =	vpop (xrf0);
	s11 =	sadd.s32 $0x80000001, s11  }
0x82: {  	v10 =	vadd.s32 s11, v10  }
0x83: {  	v11 =	vadd.s32 $0xFFFFFFFF, v10;
	v10 =	vadd.s32 $0x7FFFFFFF, v10  }
0x84: {  	(xrf0) =	vmax.scan.msk.u32 $0xffff, v10;
	_ =	sdelay $0x3  }
0x85: {  	v10 =	vor.u32 s1, v2;
	s1 =	smov.u32 s3;
	s3 =	smov.u32 s10;
	[tilespmem:v11+s22+$0x0] =	vst.idx.msk vm0, v9  }
0x86: {  	[tilespmem:v11+s29+$0x0] =	vst.idx.msk vm0, v10  }
0x87: {  	v9, _, _ =	vpop (xrf0)  }
0x88: {  	(v2sf) =	vpush v9, $0xF  }
0x89: {  	s8 =	sadd.s32 $0x10, s8  }
0x8a: {  	v9 =	vld [tilespmem:s8+$0x0];
	_ =	sdelay $0x3  }
.Ltmp3:
0x8b: {  	(pc) =	sbr.rel @p0 .LBB2_4-.Ltmp3, $4  }
0x8c: {  	vm0 =	vge.s32 v9, v0;
	vm1 =	vlt.s32 v9, v1  }
0x8d: {  	vm0 =	vmand vm0, vm1  }
0x8e: {  	v10 =	vsel vm0, $0x1, v3  }
0x8f: {  	s10 =	sadd.s32 $0x10, s10;
	(xrf0) =	vadd.scan.msk.s32 $0xffff, v10  }
0x90: {  	_ =	sdelay $0x3  }
0x91: {  	s10 =	spop (v2sf)  }
0x92: {  	v10, _, _ =	vpop (xrf0);
	s10 =	sadd.s32 $0x80000001, s10  }
0x93: {  	v10 =	vadd.s32 s10, v10  }
0x94: {  	v11 =	vadd.s32 $0x7FFFFFFF, v10  }
0x95: {  	(xrf0) =	vmax.scan.msk.u32 $0xffff, v11;
	_ =	sdelay $0x1  }
0x96: {  	v10 =	vadd.s32 $0xFFFFFFFF, v10;
	_ =	sdelay $0x3  }
0x97: {  	v11, _, _ =	vpop (xrf0)  }
0x98: {  	[tilespmem:v10+s22+$0x0] =	vst.idx.msk vm0, v9;
	v9 =	vor.u32 s1, v2;
	(v2sf) =	vpush v11, $0xF  }
0x99: {  	s19 =	sadd.s32 $0x10, s8;
	[tilespmem:v10+s29+$0x0] =	vst.idx.msk vm0, v9  }
0x9a: {  	v9 =	vld [tilespmem:s19+$0x0];
	_ =	sdelay $0x4  }
0x9b: {  	vm0 =	vge.s32 v9, v0;
	vm1 =	vlt.s32 v9, v1  }
0x9c: {  	vm0 =	vmand vm0, vm1  }
0x9d: {  	v10 =	vsel vm0, $0x1, v3  }
0x9e: {  	(xrf0) =	vadd.scan.msk.s32 $0xffff, v10;
	_ =	sdelay $0x4  }
0x9f: {  	s20 =	spop (v2sf)  }
0xa0: {  	v10, _, _ =	vpop (xrf0);
	s1 =	sadd.s32 $0x80000001, s20  }
0xa1: {  	v10 =	vadd.s32 s1, v10  }
0xa2: {  	v11 =	vadd.s32 $0x7FFFFFFF, v10  }
0xa3: {  	(xrf0) =	vmax.scan.msk.u32 $0xffff, v11;
	_ =	sdelay $0x5  }
0xa4: {  	v11, _, _ =	vpop (xrf0)  }
0xa5: {  	(v2sf) =	vpush v11, $0xF;
	_ =	sdelay $0x6  }
0xa6: {  	v10 =	vadd.s32 $0xFFFFFFFF, v10;
	_ =	sdelay $0x4  }
0xa7: {  	[tilespmem:v10+s22+$0x0] =	vst.idx.msk vm0, v9;
	v11 =	vor.u32 s3, v2  }
0xa8: {  	s23 =	simm.s32 $0x0;
	s7 =	rddreg [dreg:$0xb];
	[tilespmem:v10+s29+$0x0] =	vst.idx.msk vm0, v11  }
0xa9: {  	[tilespmem:s23], [sflag:$0x3] =	stream.linear.gather [hbm4b:s7+s23], $0x800, $0x38;
	[tilespmem:$0x1EB00] =	vst v63  }
0xaa: {  	s21 =	spop (v2sf)  }
0xab: {  	_ =	swait.ge [sflag:s12], $0x800  }
0xac: {  	[sflag:s12] =	ssyncset.done $0x0  }
0xad: {  	[sflag:s12] =	ssyncadd.s32 $0xFFFFF800  }
0xae: {  	v9 =	vld [tilespmem:s23+$0x0];
	_ =	sdelay $0x4  }
0xaf: {  	vm0 =	vge.s32 v9, v0;
	vm1 =	vlt.s32 v9, v1  }
0xb0: {  	vm0 =	vmand vm0, vm1  }
0xb1: {  	v10 =	vsel vm0, $0x1, v3  }
0xb2: {  	(xrf0) =	vadd.scan.msk.s32 $0xffff, v10;
	_ =	sdelay $0x5  }
0xb3: {  	s1 =	sadd.s32 $0x80000001, s21;
	v10, _, _ =	vpop (xrf0)  }
0xb4: {  	v10 =	vadd.s32 s1, v10  }
0xb5: {  	v11 =	vadd.s32 $0xFFFFFFFF, v10;
	v10 =	vadd.s32 $0x7FFFFFFF, v10  }
0xb6: {  	(xrf0) =	vmax.scan.msk.u32 $0xffff, v10;
	_ =	sdelay $0x5  }
0xb7: {  	s28 =	simm.s32 $0x1000;
	v10, _, _ =	vpop (xrf0)  }
0xb8: {  	[tilespmem:v11+s22+$0x0] =	vst.idx.msk vm0, v9;
	v9 =	vor.u32 s28, v2;
	(v2sf) =	vpush v10, $0xF  }
0xb9: {  	s8 =	simm.s32 $0x10;
	[tilespmem:v11+s29+$0x0] =	vst.idx.msk vm0, v9  }
0xba: {  	v9 =	vld [tilespmem:s8+$0x0];
	_ =	sdelay $0x4  }
0xbb: {  	vm0 =	vge.s32 v9, v0;
	vm1 =	vlt.s32 v9, v1  }
0xbc: {  	vm0 =	vmand vm0, vm1  }
0xbd: {  	v11 =	vsel vm0, $0x1, v3  }
0xbe: {  	s10 =	simm.s32 $0x1030;
	s3 =	simm.s32 $0x1020;
	s1 =	simm.s32 $0x1010;
	(xrf0) =	vadd.scan.msk.s32 $0xffff, v11  }
.LBB2_6:
0xbf: {  	p0 =	sne.s32 s10, $0x17F0;
	_ =	sdelay $0x3  }
0xc0: {  	s11 =	spop (v2sf)  }
0xc1: {  	v10, _, _ =	vpop (xrf0);
	s11 =	sadd.s32 $0x80000001, s11  }
0xc2: {  	v10 =	vadd.s32 s11, v10  }
0xc3: {  	v11 =	vadd.s32 $0xFFFFFFFF, v10;
	v10 =	vadd.s32 $0x7FFFFFFF, v10  }
0xc4: {  	(xrf0) =	vmax.scan.msk.u32 $0xffff, v10;
	_ =	sdelay $0x3  }
0xc5: {  	v10 =	vor.u32 s1, v2;
	s1 =	smov.u32 s3;
	s3 =	smov.u32 s10;
	[tilespmem:v11+s22+$0x0] =	vst.idx.msk vm0, v9  }
0xc6: {  	[tilespmem:v11+s29+$0x0] =	vst.idx.msk vm0, v10  }
0xc7: {  	v9, _, _ =	vpop (xrf0)  }
0xc8: {  	(v2sf) =	vpush v9, $0xF  }
0xc9: {  	s8 =	sadd.s32 $0x10, s8  }
0xca: {  	v9 =	vld [tilespmem:s8+$0x0];
	_ =	sdelay $0x3  }
.Ltmp4:
0xcb: {  	(pc) =	sbr.rel @p0 .LBB2_6-.Ltmp4, $4  }
0xcc: {  	vm0 =	vge.s32 v9, v0;
	vm1 =	vlt.s32 v9, v1  }
0xcd: {  	vm0 =	vmand vm0, vm1  }
0xce: {  	v10 =	vsel vm0, $0x1, v3  }
0xcf: {  	s10 =	sadd.s32 $0x10, s10;
	(xrf0) =	vadd.scan.msk.s32 $0xffff, v10  }
0xd0: {  	_ =	sdelay $0x3  }
0xd1: {  	s10 =	spop (v2sf)  }
0xd2: {  	v10, _, _ =	vpop (xrf0);
	s10 =	sadd.s32 $0x80000001, s10  }
0xd3: {  	v10 =	vadd.s32 s10, v10  }
0xd4: {  	v11 =	vadd.s32 $0x7FFFFFFF, v10  }
0xd5: {  	(xrf0) =	vmax.scan.msk.u32 $0xffff, v11;
	_ =	sdelay $0x1  }
0xd6: {  	v10 =	vadd.s32 $0xFFFFFFFF, v10;
	_ =	sdelay $0x3  }
0xd7: {  	v11, _, _ =	vpop (xrf0)  }
0xd8: {  	[tilespmem:v10+s22+$0x0] =	vst.idx.msk vm0, v9;
	v9 =	vor.u32 s1, v2;
	(v2sf) =	vpush v11, $0xF  }
0xd9: {  	s19 =	sadd.s32 $0x10, s8;
	[tilespmem:v10+s29+$0x0] =	vst.idx.msk vm0, v9  }
0xda: {  	v9 =	vld [tilespmem:s19+$0x0];
	_ =	sdelay $0x4  }
0xdb: {  	vm0 =	vge.s32 v9, v0;
	vm1 =	vlt.s32 v9, v1  }
0xdc: {  	vm0 =	vmand vm0, vm1  }
0xdd: {  	v10 =	vsel vm0, $0x1, v3  }
0xde: {  	(xrf0) =	vadd.scan.msk.s32 $0xffff, v10;
	_ =	sdelay $0x4  }
0xdf: {  	s20 =	spop (v2sf)  }
0xe0: {  	v10, _, _ =	vpop (xrf0);
	s1 =	sadd.s32 $0x80000001, s20  }
0xe1: {  	v10 =	vadd.s32 s1, v10  }
0xe2: {  	v11 =	vadd.s32 $0x7FFFFFFF, v10  }
0xe3: {  	(xrf0) =	vmax.scan.msk.u32 $0xffff, v11;
	_ =	sdelay $0x5  }
0xe4: {  	v11, _, _ =	vpop (xrf0)  }
0xe5: {  	(v2sf) =	vpush v11, $0xF;
	_ =	sdelay $0x6  }
0xe6: {  	v10 =	vadd.s32 $0xFFFFFFFF, v10;
	_ =	sdelay $0x4  }
0xe7: {  	[tilespmem:v10+s22+$0x0] =	vst.idx.msk vm0, v9;
	v11 =	vor.u32 s3, v2  }
0xe8: {  	s23 =	simm.s32 $0x0;
	s7 =	rddreg [dreg:$0xc];
	[tilespmem:v10+s29+$0x0] =	vst.idx.msk vm0, v11  }
0xe9: {  	[tilespmem:s23], [sflag:$0x3] =	stream.linear.gather [hbm4b:s7+s23], $0x800, $0x38;
	[tilespmem:$0x1EB00] =	vst v63  }
0xea: {  	s21 =	spop (v2sf)  }
0xeb: {  	_ =	swait.ge [sflag:s12], $0x800  }
0xec: {  	[sflag:s12] =	ssyncset.done $0x0  }
0xed: {  	[sflag:s12] =	ssyncadd.s32 $0xFFFFF800  }
0xee: {  	v9 =	vld [tilespmem:s23+$0x0];
	_ =	sdelay $0x4  }
0xef: {  	vm0 =	vge.s32 v9, v0;
	vm1 =	vlt.s32 v9, v1  }
0xf0: {  	vm0 =	vmand vm0, vm1  }
0xf1: {  	v10 =	vsel vm0, $0x1, v3  }
0xf2: {  	(xrf0) =	vadd.scan.msk.s32 $0xffff, v10;
	_ =	sdelay $0x5  }
0xf3: {  	s1 =	sadd.s32 $0x80000001, s21;
	v10, _, _ =	vpop (xrf0)  }
0xf4: {  	v10 =	vadd.s32 s1, v10  }
0xf5: {  	v11 =	vadd.s32 $0xFFFFFFFF, v10;
	v10 =	vadd.s32 $0x7FFFFFFF, v10  }
0xf6: {  	(xrf0) =	vmax.scan.msk.u32 $0xffff, v10;
	_ =	sdelay $0x5  }
0xf7: {  	s28 =	simm.s32 $0x1800;
	v10, _, _ =	vpop (xrf0)  }
0xf8: {  	[tilespmem:v11+s22+$0x0] =	vst.idx.msk vm0, v9;
	v9 =	vor.u32 s28, v2;
	(v2sf) =	vpush v10, $0xF  }
0xf9: {  	s8 =	simm.s32 $0x10;
	[tilespmem:v11+s29+$0x0] =	vst.idx.msk vm0, v9  }
0xfa: {  	v9 =	vld [tilespmem:s8+$0x0];
	_ =	sdelay $0x4  }
0xfb: {  	vm0 =	vge.s32 v9, v0;
	vm1 =	vlt.s32 v9, v1  }
0xfc: {  	vm0 =	vmand vm0, vm1  }
0xfd: {  	v11 =	vsel vm0, $0x1, v3  }
0xfe: {  	s10 =	simm.s32 $0x1830;
	s3 =	simm.s32 $0x1820;
	s1 =	simm.s32 $0x1810;
	(xrf0) =	vadd.scan.msk.s32 $0xffff, v11  }
.LBB2_8:
0xff: {  	p0 =	sne.s32 s10, $0x1FF0;
	_ =	sdelay $0x3  }
0x100: {  	s11 =	spop (v2sf)  }
0x101: {  	v10, _, _ =	vpop (xrf0);
	s11 =	sadd.s32 $0x80000001, s11  }
0x102: {  	v10 =	vadd.s32 s11, v10  }
0x103: {  	v11 =	vadd.s32 $0xFFFFFFFF, v10;
	v10 =	vadd.s32 $0x7FFFFFFF, v10  }
0x104: {  	(xrf0) =	vmax.scan.msk.u32 $0xffff, v10;
	_ =	sdelay $0x3  }
0x105: {  	v10 =	vor.u32 s1, v2;
	s1 =	smov.u32 s3;
	s3 =	smov.u32 s10;
	[tilespmem:v11+s22+$0x0] =	vst.idx.msk vm0, v9  }
0x106: {  	[tilespmem:v11+s29+$0x0] =	vst.idx.msk vm0, v10  }
0x107: {  	v9, _, _ =	vpop (xrf0)  }
0x108: {  	(v2sf) =	vpush v9, $0xF  }
0x109: {  	s8 =	sadd.s32 $0x10, s8  }
0x10a: {  	v9 =	vld [tilespmem:s8+$0x0];
	_ =	sdelay $0x3  }
.Ltmp5:
0x10b: {  	(pc) =	sbr.rel @p0 .LBB2_8-.Ltmp5, $4  }
0x10c: {  	vm0 =	vge.s32 v9, v0;
	vm1 =	vlt.s32 v9, v1  }
0x10d: {  	vm0 =	vmand vm0, vm1  }
0x10e: {  	v10 =	vsel vm0, $0x1, v3  }
0x10f: {  	s10 =	sadd.s32 $0x10, s10;
	(xrf0) =	vadd.scan.msk.s32 $0xffff, v10  }
0x110: {  	_ =	sdelay $0x3  }
0x111: {  	s10 =	spop (v2sf)  }
0x112: {  	v10, _, _ =	vpop (xrf0);
	s10 =	sadd.s32 $0x80000001, s10  }
0x113: {  	v10 =	vadd.s32 s10, v10  }
0x114: {  	v11 =	vadd.s32 $0x7FFFFFFF, v10  }
0x115: {  	(xrf0) =	vmax.scan.msk.u32 $0xffff, v11;
	_ =	sdelay $0x1  }
0x116: {  	v10 =	vadd.s32 $0xFFFFFFFF, v10;
	_ =	sdelay $0x3  }
0x117: {  	v11, _, _ =	vpop (xrf0)  }
0x118: {  	[tilespmem:v10+s22+$0x0] =	vst.idx.msk vm0, v9;
	v9 =	vor.u32 s1, v2;
	(v2sf) =	vpush v11, $0xF  }
0x119: {  	s19 =	sadd.s32 $0x10, s8;
	[tilespmem:v10+s29+$0x0] =	vst.idx.msk vm0, v9  }
0x11a: {  	v9 =	vld [tilespmem:s19+$0x0];
	_ =	sdelay $0x4  }
0x11b: {  	vm0 =	vge.s32 v9, v0;
	vm1 =	vlt.s32 v9, v1  }
0x11c: {  	vm0 =	vmand vm0, vm1  }
0x11d: {  	v10 =	vsel vm0, $0x1, v3  }
0x11e: {  	(xrf0) =	vadd.scan.msk.s32 $0xffff, v10;
	_ =	sdelay $0x4  }
0x11f: {  	s20 =	spop (v2sf)  }
0x120: {  	v10, _, _ =	vpop (xrf0);
	s1 =	sadd.s32 $0x80000001, s20  }
0x121: {  	v10 =	vadd.s32 s1, v10  }
0x122: {  	v11 =	vadd.s32 $0x7FFFFFFF, v10  }
0x123: {  	(xrf0) =	vmax.scan.msk.u32 $0xffff, v11;
	_ =	sdelay $0x5  }
0x124: {  	v11, _, _ =	vpop (xrf0)  }
0x125: {  	(v2sf) =	vpush v11, $0xF;
	_ =	sdelay $0x6  }
0x126: {  	v10 =	vadd.s32 $0xFFFFFFFF, v10;
	_ =	sdelay $0x4  }
0x127: {  	[tilespmem:v10+s22+$0x0] =	vst.idx.msk vm0, v9;
	v11 =	vor.u32 s3, v2  }
0x128: {  	s23 =	simm.s32 $0x0;
	s7 =	rddreg [dreg:$0xd];
	[tilespmem:v10+s29+$0x0] =	vst.idx.msk vm0, v11  }
0x129: {  	[tilespmem:s23], [sflag:$0x3] =	stream.linear.gather [hbm4b:s7+s23], $0x800, $0x38;
	[tilespmem:$0x1EB00] =	vst v63  }
0x12a: {  	s21 =	spop (v2sf)  }
0x12b: {  	_ =	swait.ge [sflag:s12], $0x800  }
0x12c: {  	[sflag:s12] =	ssyncset.done $0x0  }
0x12d: {  	[sflag:s12] =	ssyncadd.s32 $0xFFFFF800  }
0x12e: {  	v9 =	vld [tilespmem:s23+$0x0];
	_ =	sdelay $0x4  }
0x12f: {  	vm0 =	vge.s32 v9, v0;
	vm1 =	vlt.s32 v9, v1  }
0x130: {  	vm0 =	vmand vm0, vm1  }
0x131: {  	v10 =	vsel vm0, $0x1, v3  }
0x132: {  	(xrf0) =	vadd.scan.msk.s32 $0xffff, v10;
	_ =	sdelay $0x5  }
0x133: {  	s1 =	sadd.s32 $0x80000001, s21;
	v10, _, _ =	vpop (xrf0)  }
0x134: {  	v10 =	vadd.s32 s1, v10  }
0x135: {  	v11 =	vadd.s32 $0xFFFFFFFF, v10;
	v10 =	vadd.s32 $0x7FFFFFFF, v10  }
0x136: {  	(xrf0) =	vmax.scan.msk.u32 $0xffff, v10;
	_ =	sdelay $0x5  }
0x137: {  	s28 =	simm.s32 $0x2000;
	v10, _, _ =	vpop (xrf0)  }
0x138: {  	[tilespmem:v11+s22+$0x0] =	vst.idx.msk vm0, v9;
	v9 =	vor.u32 s28, v2;
	(v2sf) =	vpush v10, $0xF  }
0x139: {  	s8 =	simm.s32 $0x10;
	[tilespmem:v11+s29+$0x0] =	vst.idx.msk vm0, v9  }
0x13a: {  	v9 =	vld [tilespmem:s8+$0x0];
	_ =	sdelay $0x4  }
0x13b: {  	vm0 =	vge.s32 v9, v0;
	vm1 =	vlt.s32 v9, v1  }
0x13c: {  	vm0 =	vmand vm0, vm1  }
0x13d: {  	v11 =	vsel vm0, $0x1, v3  }
0x13e: {  	s10 =	simm.s32 $0x2030;
	s3 =	simm.s32 $0x2020;
	s1 =	simm.s32 $0x2010;
	(xrf0) =	vadd.scan.msk.s32 $0xffff, v11  }
.LBB2_10:
0x13f: {  	p0 =	sne.s32 s10, $0x27F0;
	_ =	sdelay $0x3  }
0x140: {  	s11 =	spop (v2sf)  }
0x141: {  	v10, _, _ =	vpop (xrf0);
	s11 =	sadd.s32 $0x80000001, s11  }
0x142: {  	v10 =	vadd.s32 s11, v10  }
0x143: {  	v11 =	vadd.s32 $0xFFFFFFFF, v10;
	v10 =	vadd.s32 $0x7FFFFFFF, v10  }
0x144: {  	(xrf0) =	vmax.scan.msk.u32 $0xffff, v10;
	_ =	sdelay $0x3  }
0x145: {  	v10 =	vor.u32 s1, v2;
	s1 =	smov.u32 s3;
	s3 =	smov.u32 s10;
	[tilespmem:v11+s22+$0x0] =	vst.idx.msk vm0, v9  }
0x146: {  	[tilespmem:v11+s29+$0x0] =	vst.idx.msk vm0, v10  }
0x147: {  	v9, _, _ =	vpop (xrf0)  }
0x148: {  	(v2sf) =	vpush v9, $0xF  }
0x149: {  	s8 =	sadd.s32 $0x10, s8  }
0x14a: {  	v9 =	vld [tilespmem:s8+$0x0];
	_ =	sdelay $0x3  }
.Ltmp6:
0x14b: {  	(pc) =	sbr.rel @p0 .LBB2_10-.Ltmp6, $4  }
0x14c: {  	vm0 =	vge.s32 v9, v0;
	vm1 =	vlt.s32 v9, v1  }
0x14d: {  	vm0 =	vmand vm0, vm1  }
0x14e: {  	v10 =	vsel vm0, $0x1, v3  }
0x14f: {  	s10 =	sadd.s32 $0x10, s10;
	(xrf0) =	vadd.scan.msk.s32 $0xffff, v10  }
0x150: {  	_ =	sdelay $0x3  }
0x151: {  	s10 =	spop (v2sf)  }
0x152: {  	v10, _, _ =	vpop (xrf0);
	s10 =	sadd.s32 $0x80000001, s10  }
0x153: {  	v10 =	vadd.s32 s10, v10  }
0x154: {  	v11 =	vadd.s32 $0x7FFFFFFF, v10  }
0x155: {  	(xrf0) =	vmax.scan.msk.u32 $0xffff, v11;
	_ =	sdelay $0x1  }
0x156: {  	v10 =	vadd.s32 $0xFFFFFFFF, v10;
	_ =	sdelay $0x3  }
0x157: {  	v11, _, _ =	vpop (xrf0)  }
0x158: {  	[tilespmem:v10+s22+$0x0] =	vst.idx.msk vm0, v9;
	v9 =	vor.u32 s1, v2;
	(v2sf) =	vpush v11, $0xF  }
0x159: {  	s19 =	sadd.s32 $0x10, s8;
	[tilespmem:v10+s29+$0x0] =	vst.idx.msk vm0, v9  }
0x15a: {  	v9 =	vld [tilespmem:s19+$0x0];
	_ =	sdelay $0x4  }
0x15b: {  	vm0 =	vge.s32 v9, v0;
	vm1 =	vlt.s32 v9, v1  }
0x15c: {  	vm0 =	vmand vm0, vm1  }
0x15d: {  	v10 =	vsel vm0, $0x1, v3  }
0x15e: {  	(xrf0) =	vadd.scan.msk.s32 $0xffff, v10;
	_ =	sdelay $0x4  }
0x15f: {  	s20 =	spop (v2sf)  }
0x160: {  	v10, _, _ =	vpop (xrf0);
	s1 =	sadd.s32 $0x80000001, s20  }
0x161: {  	v10 =	vadd.s32 s1, v10  }
0x162: {  	v11 =	vadd.s32 $0x7FFFFFFF, v10  }
0x163: {  	(xrf0) =	vmax.scan.msk.u32 $0xffff, v11;
	_ =	sdelay $0x5  }
0x164: {  	v11, _, _ =	vpop (xrf0)  }
0x165: {  	(v2sf) =	vpush v11, $0xF;
	_ =	sdelay $0x6  }
0x166: {  	v10 =	vadd.s32 $0xFFFFFFFF, v10;
	_ =	sdelay $0x4  }
0x167: {  	[tilespmem:v10+s22+$0x0] =	vst.idx.msk vm0, v9;
	v11 =	vor.u32 s3, v2  }
0x168: {  	s23 =	simm.s32 $0x0;
	s7 =	rddreg [dreg:$0xe];
	[tilespmem:v10+s29+$0x0] =	vst.idx.msk vm0, v11  }
0x169: {  	[tilespmem:s23], [sflag:$0x3] =	stream.linear.gather [hbm4b:s7+s23], $0x800, $0x38;
	[tilespmem:$0x1EB00] =	vst v63  }
0x16a: {  	s21 =	spop (v2sf)  }
0x16b: {  	_ =	swait.ge [sflag:s12], $0x800  }
0x16c: {  	[sflag:s12] =	ssyncset.done $0x0  }
0x16d: {  	[sflag:s12] =	ssyncadd.s32 $0xFFFFF800  }
0x16e: {  	v9 =	vld [tilespmem:s23+$0x0];
	_ =	sdelay $0x4  }
0x16f: {  	vm0 =	vge.s32 v9, v0;
	vm1 =	vlt.s32 v9, v1  }
0x170: {  	vm0 =	vmand vm0, vm1  }
0x171: {  	v10 =	vsel vm0, $0x1, v3  }
0x172: {  	(xrf0) =	vadd.scan.msk.s32 $0xffff, v10;
	_ =	sdelay $0x5  }
0x173: {  	s1 =	sadd.s32 $0x80000001, s21;
	v10, _, _ =	vpop (xrf0)  }
0x174: {  	v10 =	vadd.s32 s1, v10  }
0x175: {  	v11 =	vadd.s32 $0xFFFFFFFF, v10;
	v10 =	vadd.s32 $0x7FFFFFFF, v10  }
0x176: {  	(xrf0) =	vmax.scan.msk.u32 $0xffff, v10;
	_ =	sdelay $0x5  }
0x177: {  	s28 =	simm.s32 $0x2800;
	v10, _, _ =	vpop (xrf0)  }
0x178: {  	[tilespmem:v11+s22+$0x0] =	vst.idx.msk vm0, v9;
	v9 =	vor.u32 s28, v2;
	(v2sf) =	vpush v10, $0xF  }
0x179: {  	s8 =	simm.s32 $0x10;
	[tilespmem:v11+s29+$0x0] =	vst.idx.msk vm0, v9  }
0x17a: {  	v9 =	vld [tilespmem:s8+$0x0];
	_ =	sdelay $0x4  }
0x17b: {  	vm0 =	vge.s32 v9, v0;
	vm1 =	vlt.s32 v9, v1  }
0x17c: {  	vm0 =	vmand vm0, vm1  }
0x17d: {  	v11 =	vsel vm0, $0x1, v3  }
0x17e: {  	s10 =	simm.s32 $0x2830;
	s3 =	simm.s32 $0x2820;
	s1 =	simm.s32 $0x2810;
	(xrf0) =	vadd.scan.msk.s32 $0xffff, v11  }
.LBB2_12:
0x17f: {  	p0 =	sne.s32 s10, $0x2FF0;
	_ =	sdelay $0x3  }
0x180: {  	s11 =	spop (v2sf)  }
0x181: {  	v10, _, _ =	vpop (xrf0);
	s11 =	sadd.s32 $0x80000001, s11  }
0x182: {  	v10 =	vadd.s32 s11, v10  }
0x183: {  	v11 =	vadd.s32 $0xFFFFFFFF, v10;
	v10 =	vadd.s32 $0x7FFFFFFF, v10  }
0x184: {  	(xrf0) =	vmax.scan.msk.u32 $0xffff, v10;
	_ =	sdelay $0x3  }
0x185: {  	v10 =	vor.u32 s1, v2;
	s1 =	smov.u32 s3;
	s3 =	smov.u32 s10;
	[tilespmem:v11+s22+$0x0] =	vst.idx.msk vm0, v9  }
0x186: {  	[tilespmem:v11+s29+$0x0] =	vst.idx.msk vm0, v10  }
0x187: {  	v9, _, _ =	vpop (xrf0)  }
0x188: {  	(v2sf) =	vpush v9, $0xF  }
0x189: {  	s8 =	sadd.s32 $0x10, s8  }
0x18a: {  	v9 =	vld [tilespmem:s8+$0x0];
	_ =	sdelay $0x3  }
.Ltmp7:
0x18b: {  	(pc) =	sbr.rel @p0 .LBB2_12-.Ltmp7, $4  }
0x18c: {  	vm0 =	vge.s32 v9, v0;
	vm1 =	vlt.s32 v9, v1  }
0x18d: {  	vm0 =	vmand vm0, vm1  }
0x18e: {  	v10 =	vsel vm0, $0x1, v3  }
0x18f: {  	s10 =	sadd.s32 $0x10, s10;
	(xrf0) =	vadd.scan.msk.s32 $0xffff, v10  }
0x190: {  	_ =	sdelay $0x3  }
0x191: {  	s10 =	spop (v2sf)  }
0x192: {  	v10, _, _ =	vpop (xrf0);
	s10 =	sadd.s32 $0x80000001, s10  }
0x193: {  	v10 =	vadd.s32 s10, v10  }
0x194: {  	v11 =	vadd.s32 $0x7FFFFFFF, v10  }
0x195: {  	(xrf0) =	vmax.scan.msk.u32 $0xffff, v11;
	_ =	sdelay $0x1  }
0x196: {  	v10 =	vadd.s32 $0xFFFFFFFF, v10;
	_ =	sdelay $0x3  }
0x197: {  	v11, _, _ =	vpop (xrf0)  }
0x198: {  	[tilespmem:v10+s22+$0x0] =	vst.idx.msk vm0, v9;
	v9 =	vor.u32 s1, v2;
	(v2sf) =	vpush v11, $0xF  }
0x199: {  	s19 =	sadd.s32 $0x10, s8;
	[tilespmem:v10+s29+$0x0] =	vst.idx.msk vm0, v9  }
0x19a: {  	v9 =	vld [tilespmem:s19+$0x0];
	_ =	sdelay $0x4  }
0x19b: {  	vm0 =	vge.s32 v9, v0;
	vm1 =	vlt.s32 v9, v1  }
0x19c: {  	vm0 =	vmand vm0, vm1  }
0x19d: {  	v10 =	vsel vm0, $0x1, v3  }
0x19e: {  	(xrf0) =	vadd.scan.msk.s32 $0xffff, v10;
	_ =	sdelay $0x4  }
0x19f: {  	s20 =	spop (v2sf)  }
0x1a0: {  	v10, _, _ =	vpop (xrf0);
	s1 =	sadd.s32 $0x80000001, s20  }
0x1a1: {  	v10 =	vadd.s32 s1, v10  }
0x1a2: {  	v11 =	vadd.s32 $0x7FFFFFFF, v10  }
0x1a3: {  	(xrf0) =	vmax.scan.msk.u32 $0xffff, v11;
	_ =	sdelay $0x5  }
0x1a4: {  	v11, _, _ =	vpop (xrf0)  }
0x1a5: {  	(v2sf) =	vpush v11, $0xF;
	_ =	sdelay $0x6  }
0x1a6: {  	v10 =	vadd.s32 $0xFFFFFFFF, v10;
	_ =	sdelay $0x4  }
0x1a7: {  	[tilespmem:v10+s22+$0x0] =	vst.idx.msk vm0, v9;
	v11 =	vor.u32 s3, v2  }
0x1a8: {  	s23 =	simm.s32 $0x0;
	s7 =	rddreg [dreg:$0xf];
	[tilespmem:v10+s29+$0x0] =	vst.idx.msk vm0, v11  }
0x1a9: {  	[tilespmem:s23], [sflag:$0x3] =	stream.linear.gather [hbm4b:s7+s23], $0x800, $0x38;
	[tilespmem:$0x1EB00] =	vst v63  }
0x1aa: {  	s21 =	spop (v2sf)  }
0x1ab: {  	_ =	swait.ge [sflag:s12], $0x800  }
0x1ac: {  	[sflag:s12] =	ssyncset.done $0x0  }
0x1ad: {  	[sflag:s12] =	ssyncadd.s32 $0xFFFFF800  }
0x1ae: {  	v9 =	vld [tilespmem:s23+$0x0];
	_ =	sdelay $0x4  }
0x1af: {  	vm0 =	vge.s32 v9, v0;
	vm1 =	vlt.s32 v9, v1  }
0x1b0: {  	vm0 =	vmand vm0, vm1  }
0x1b1: {  	v10 =	vsel vm0, $0x1, v3  }
0x1b2: {  	(xrf0) =	vadd.scan.msk.s32 $0xffff, v10;
	_ =	sdelay $0x5  }
0x1b3: {  	s1 =	sadd.s32 $0x80000001, s21;
	v10, _, _ =	vpop (xrf0)  }
0x1b4: {  	v10 =	vadd.s32 s1, v10  }
0x1b5: {  	v11 =	vadd.s32 $0xFFFFFFFF, v10;
	v10 =	vadd.s32 $0x7FFFFFFF, v10  }
0x1b6: {  	(xrf0) =	vmax.scan.msk.u32 $0xffff, v10;
	_ =	sdelay $0x5  }
0x1b7: {  	s28 =	simm.s32 $0x3000;
	v10, _, _ =	vpop (xrf0)  }
0x1b8: {  	[tilespmem:v11+s22+$0x0] =	vst.idx.msk vm0, v9;
	v9 =	vor.u32 s28, v2;
	(v2sf) =	vpush v10, $0xF  }
0x1b9: {  	s8 =	simm.s32 $0x10;
	[tilespmem:v11+s29+$0x0] =	vst.idx.msk vm0, v9  }
0x1ba: {  	v9 =	vld [tilespmem:s8+$0x0];
	_ =	sdelay $0x4  }
0x1bb: {  	vm0 =	vge.s32 v9, v0;
	vm1 =	vlt.s32 v9, v1  }
0x1bc: {  	vm0 =	vmand vm0, vm1  }
0x1bd: {  	v11 =	vsel vm0, $0x1, v3  }
0x1be: {  	s10 =	simm.s32 $0x3030;
	s3 =	simm.s32 $0x3020;
	s1 =	simm.s32 $0x3010;
	(xrf0) =	vadd.scan.msk.s32 $0xffff, v11  }
.LBB2_14:
0x1bf: {  	p0 =	sne.s32 s10, $0x37F0;
	_ =	sdelay $0x3  }
0x1c0: {  	s11 =	spop (v2sf)  }
0x1c1: {  	v10, _, _ =	vpop (xrf0);
	s11 =	sadd.s32 $0x80000001, s11  }
0x1c2: {  	v10 =	vadd.s32 s11, v10  }
0x1c3: {  	v11 =	vadd.s32 $0xFFFFFFFF, v10;
	v10 =	vadd.s32 $0x7FFFFFFF, v10  }
0x1c4: {  	(xrf0) =	vmax.scan.msk.u32 $0xffff, v10;
	_ =	sdelay $0x3  }
0x1c5: {  	v10 =	vor.u32 s1, v2;
	s1 =	smov.u32 s3;
	s3 =	smov.u32 s10;
	[tilespmem:v11+s22+$0x0] =	vst.idx.msk vm0, v9  }
0x1c6: {  	[tilespmem:v11+s29+$0x0] =	vst.idx.msk vm0, v10  }
0x1c7: {  	v9, _, _ =	vpop (xrf0)  }
0x1c8: {  	(v2sf) =	vpush v9, $0xF  }
0x1c9: {  	s8 =	sadd.s32 $0x10, s8  }
0x1ca: {  	v9 =	vld [tilespmem:s8+$0x0];
	_ =	sdelay $0x3  }
.Ltmp8:
0x1cb: {  	(pc) =	sbr.rel @p0 .LBB2_14-.Ltmp8, $4  }
0x1cc: {  	vm0 =	vge.s32 v9, v0;
	vm1 =	vlt.s32 v9, v1  }
0x1cd: {  	vm0 =	vmand vm0, vm1  }
0x1ce: {  	v10 =	vsel vm0, $0x1, v3  }
0x1cf: {  	s10 =	sadd.s32 $0x10, s10;
	(xrf0) =	vadd.scan.msk.s32 $0xffff, v10  }
0x1d0: {  	_ =	sdelay $0x3  }
0x1d1: {  	s10 =	spop (v2sf)  }
0x1d2: {  	v10, _, _ =	vpop (xrf0);
	s10 =	sadd.s32 $0x80000001, s10  }
0x1d3: {  	v10 =	vadd.s32 s10, v10  }
0x1d4: {  	v11 =	vadd.s32 $0x7FFFFFFF, v10  }
0x1d5: {  	(xrf0) =	vmax.scan.msk.u32 $0xffff, v11;
	_ =	sdelay $0x1  }
0x1d6: {  	v10 =	vadd.s32 $0xFFFFFFFF, v10;
	_ =	sdelay $0x3  }
0x1d7: {  	v11, _, _ =	vpop (xrf0)  }
0x1d8: {  	[tilespmem:v10+s22+$0x0] =	vst.idx.msk vm0, v9;
	v9 =	vor.u32 s1, v2;
	(v2sf) =	vpush v11, $0xF  }
0x1d9: {  	s19 =	sadd.s32 $0x10, s8;
	[tilespmem:v10+s29+$0x0] =	vst.idx.msk vm0, v9  }
0x1da: {  	v9 =	vld [tilespmem:s19+$0x0];
	_ =	sdelay $0x4  }
0x1db: {  	vm0 =	vge.s32 v9, v0;
	vm1 =	vlt.s32 v9, v1  }
0x1dc: {  	vm0 =	vmand vm0, vm1  }
0x1dd: {  	v10 =	vsel vm0, $0x1, v3  }
0x1de: {  	(xrf0) =	vadd.scan.msk.s32 $0xffff, v10;
	_ =	sdelay $0x4  }
0x1df: {  	s20 =	spop (v2sf)  }
0x1e0: {  	v10, _, _ =	vpop (xrf0);
	s1 =	sadd.s32 $0x80000001, s20  }
0x1e1: {  	v10 =	vadd.s32 s1, v10  }
0x1e2: {  	v11 =	vadd.s32 $0x7FFFFFFF, v10  }
0x1e3: {  	(xrf0) =	vmax.scan.msk.u32 $0xffff, v11;
	_ =	sdelay $0x5  }
0x1e4: {  	v11, _, _ =	vpop (xrf0)  }
0x1e5: {  	(v2sf) =	vpush v11, $0xF;
	_ =	sdelay $0x6  }
0x1e6: {  	v10 =	vadd.s32 $0xFFFFFFFF, v10;
	_ =	sdelay $0x4  }
0x1e7: {  	[tilespmem:v10+s22+$0x0] =	vst.idx.msk vm0, v9;
	v11 =	vor.u32 s3, v2  }
0x1e8: {  	s23 =	simm.s32 $0x0;
	s7 =	rddreg [dreg:$0x10];
	[tilespmem:v10+s29+$0x0] =	vst.idx.msk vm0, v11  }
0x1e9: {  	[tilespmem:s23], [sflag:$0x3] =	stream.linear.gather [hbm4b:s7+s23], $0x800, $0x38;
	[tilespmem:$0x1EB00] =	vst v63  }
0x1ea: {  	s21 =	spop (v2sf)  }
0x1eb: {  	_ =	swait.ge [sflag:s12], $0x800  }
0x1ec: {  	[sflag:s12] =	ssyncset.done $0x0  }
0x1ed: {  	[sflag:s12] =	ssyncadd.s32 $0xFFFFF800  }
0x1ee: {  	v9 =	vld [tilespmem:s23+$0x0];
	_ =	sdelay $0x4  }
0x1ef: {  	vm0 =	vge.s32 v9, v0;
	vm1 =	vlt.s32 v9, v1  }
0x1f0: {  	vm0 =	vmand vm0, vm1  }
0x1f1: {  	v10 =	vsel vm0, $0x1, v3  }
0x1f2: {  	(xrf0) =	vadd.scan.msk.s32 $0xffff, v10;
	_ =	sdelay $0x5  }
0x1f3: {  	s1 =	sadd.s32 $0x80000001, s21;
	v10, _, _ =	vpop (xrf0)  }
0x1f4: {  	v10 =	vadd.s32 s1, v10  }
0x1f5: {  	v11 =	vadd.s32 $0xFFFFFFFF, v10;
	v10 =	vadd.s32 $0x7FFFFFFF, v10  }
0x1f6: {  	(xrf0) =	vmax.scan.msk.u32 $0xffff, v10;
	_ =	sdelay $0x5  }
0x1f7: {  	s28 =	simm.s32 $0x3800;
	v10, _, _ =	vpop (xrf0)  }
0x1f8: {  	[tilespmem:v11+s22+$0x0] =	vst.idx.msk vm0, v9;
	v9 =	vor.u32 s28, v2;
	(v2sf) =	vpush v10, $0xF  }
0x1f9: {  	s3 =	simm.s32 $0x10;
	[tilespmem:v11+s29+$0x0] =	vst.idx.msk vm0, v9  }
0x1fa: {  	v9 =	vld [tilespmem:s3+$0x0];
	_ =	sdelay $0x4  }
0x1fb: {  	vm0 =	vge.s32 v9, v0;
	vm1 =	vlt.s32 v9, v1  }
0x1fc: {  	vm0 =	vmand vm0, vm1  }
0x1fd: {  	v11 =	vsel vm0, $0x1, v3  }
0x1fe: {  	s8 =	simm.s32 $0x3820;
	s10 =	simm.s32 $0x3830;
	s1 =	simm.s32 $0x3810;
	(xrf0) =	vadd.scan.msk.s32 $0xffff, v11  }
.LBB2_16:
0x1ff: {  	p0 =	sne.s32 s10, $0x3FF0;
	_ =	sdelay $0x3  }
0x200: {  	s11 =	spop (v2sf)  }
0x201: {  	v10, _, _ =	vpop (xrf0);
	s11 =	sadd.s32 $0x80000001, s11  }
0x202: {  	v10 =	vadd.s32 s11, v10  }
0x203: {  	v11 =	vadd.s32 $0xFFFFFFFF, v10;
	v10 =	vadd.s32 $0x7FFFFFFF, v10  }
0x204: {  	(xrf0) =	vmax.scan.msk.u32 $0xffff, v10;
	_ =	sdelay $0x3  }
0x205: {  	v10 =	vor.u32 s1, v2;
	s1 =	smov.u32 s8;
	s8 =	smov.u32 s10;
	[tilespmem:v11+s22+$0x0] =	vst.idx.msk vm0, v9  }
0x206: {  	[tilespmem:v11+s29+$0x0] =	vst.idx.msk vm0, v10  }
0x207: {  	v9, _, _ =	vpop (xrf0)  }
0x208: {  	(v2sf) =	vpush v9, $0xF  }
0x209: {  	s3 =	sadd.s32 $0x10, s3  }
0x20a: {  	v9 =	vld [tilespmem:s3+$0x0];
	_ =	sdelay $0x3  }
.Ltmp9:
0x20b: {  	(pc) =	sbr.rel @p0 .LBB2_16-.Ltmp9, $4  }
0x20c: {  	vm0 =	vge.s32 v9, v0;
	vm1 =	vlt.s32 v9, v1  }
0x20d: {  	vm0 =	vmand vm0, vm1  }
0x20e: {  	v10 =	vsel vm0, $0x1, v3  }
0x20f: {  	s10 =	sadd.s32 $0x10, s10;
	(xrf0) =	vadd.scan.msk.s32 $0xffff, v10  }
0x210: {  	_ =	sdelay $0x3  }
0x211: {  	s10 =	spop (v2sf)  }
0x212: {  	v10, _, _ =	vpop (xrf0);
	s10 =	sadd.s32 $0x80000001, s10  }
0x213: {  	v10 =	vadd.s32 s10, v10  }
0x214: {  	v11 =	vadd.s32 $0x7FFFFFFF, v10  }
0x215: {  	(xrf0) =	vmax.scan.msk.u32 $0xffff, v11;
	_ =	sdelay $0x1  }
0x216: {  	v10 =	vadd.s32 $0xFFFFFFFF, v10;
	_ =	sdelay $0x3  }
0x217: {  	v11, _, _ =	vpop (xrf0)  }
0x218: {  	[tilespmem:v10+s22+$0x0] =	vst.idx.msk vm0, v9;
	v9 =	vor.u32 s1, v2;
	(v2sf) =	vpush v11, $0xF  }
0x219: {  	s18 =	sadd.s32 $0x10, s3;
	[tilespmem:v10+s29+$0x0] =	vst.idx.msk vm0, v9  }
0x21a: {  	v9 =	vld [tilespmem:s18+$0x0];
	_ =	sdelay $0x4  }
0x21b: {  	vm15 =	vge.s32 v9, v0;
	vm1 =	vlt.s32 v9, v1  }
0x21c: {  	vm0 =	vmand vm15, vm1  }
0x21d: {  	v10 =	vsel vm0, $0x1, v3  }
0x21e: {  	(xrf0) =	vadd.scan.msk.s32 $0xffff, v10;
	_ =	sdelay $0x4  }
0x21f: {  	s19 =	spop (v2sf)  }
0x220: {  	v10, _, _ =	vpop (xrf0);
	s1 =	sadd.s32 $0x80000001, s19  }
0x221: {  	v10 =	vadd.s32 s1, v10  }
0x222: {  	v11 =	vadd.s32 $0x7FFFFFFF, v10  }
0x223: {  	(xrf0) =	vmax.scan.msk.u32 $0xffff, v11;
	_ =	sdelay $0x5  }
0x224: {  	v11, _, _ =	vpop (xrf0)  }
0x225: {  	(v2sf) =	vpush v11, $0xF;
	_ =	sdelay $0xe  }
0x226: {  	s20 =	spop (v2sf)  }
0x227: {  	s23 =	sadd.s32 $0x80000010, s20;
	s1 =	sand.u32 $0xF, s20  }
0x228: {  	s11 =	sshra.s32 s23, $0x1F;
	p0 =	slt.s32 s23, $0x1;
	p1 =	sne.s32 s1, $0x0  }
0x229: {  	s28 =	sshrl.u32 s11, $0x1C;
	p0 =	por !p0, !p1  }
0x22a: {  	s3 =	simm.s32 $0x1;
	s1 =	sadd.s32 s28, s23;
	p0 =	por !p0, !p0  }
0x22b: {  	v10 =	vadd.s32 $0xFFFFFFFF, v10;
	s1 =	sshra.s32 s1, $0x4;
	s3 =	simm.s32 @!p0 $0x0  }
0x22c: {  	s21 =	sadd.s32 $0x80000001, s20;
	s11 =	ssub.s32 s1, s3  }
0x22d: {  	v11 =	vadd.s32 s21, v2;
	p0 =	slt.s32 s11, $0x1  }
.Ltmp10:
0x22e: {  	_ = 	snop;
	(pc) =	sbr.rel @p0 .LBB2_26-.Ltmp10, $4  }
0x22f: {  	_ = 	snop  }
0x230: {  	[tilespmem:v10+s22+$0x0] =	vst.idx.msk vm0, v9;
	v9 =	vor.u32 s8, v2  }
0x231: {  	s10 =	simm.s32 $0x800;
	[tilespmem:v10+s29+$0x0] =	vst.idx.msk vm0, v9  }
0x232: {  	s12 =	simm.s32 $0x0;
	s8 =	simm.s32 $0x4880;
	s23 =	simm.s32 $0x0;
	[tilespmem:v11+s10+$0x0] =	vst.idx.msk $0xffff, v4  }
0x233: {  	p3 =	sne.s32 s11, $0x1  }
.Ltmp11:
0x234: {  	_ = 	snop;
	(pc) =	sbr.rel @!p3 .LBB2_19-.Ltmp11, $2  }
0x235: {  	_ =	sdelay $0x2  }
0x236: {  	s1 =	sadd.s32 $0xFFFFFFFF, s11;
	p1 =	por $0x0, $0x0;
	p2 =	por $0x0, $0x0  }
0x237: {  	v9 =	vld [tilespmem:s10+$0x0];
	_ =	sdelay $0x2  }
0x238: {  	p3 =	sne.s32 s1, $0x1  }
.Ltmp12:
0x239: {  	_ = 	snop;
	(pc) =	sbr.rel @!p3 .LBB2_21-.Ltmp12, $4  }
0x23a: {  	v10 =	vsub.s32 v9, v0  }
0x23b: {  	vm0 =	vlt.u32 v10, $0x800  }
0x23c: {  	v10 =	vsel vm0, $0x1, v3  }
0x23d: {  	s1 =	sadd.s32 $0xFFFFFFFF, s1;
	p1 =	por $0x1, $0x1;
	(xrf0) =	vadd.scan.msk.s32 $0xffff, v10  }
0x23e: {  	_ =	sdelay $0x4  }
0x23f: {  	v10, _, _ =	vpop (xrf0)  }
0x240: {  	v10 =	vadd.s32 s12, v10  }
0x241: {  	v11 =	vadd.s32 $0xFFFFFFFF, v10  }
0x242: {  	v12 =	vld [tilespmem:s8+$0x0];
	_ =	sdelay $0x3  }
0x243: {  	[tilespmem:v11+s30+$0x0] =	vst.idx.msk vm0, v9  }
0x244: {  	s3 =	sadd.s32 $0x10, s10;
	[tilespmem:v11+s31+$0x0] =	vst.idx.msk vm0, v12  }
0x245: {  	v9 =	vld [tilespmem:s3+$0x0]  }
0x246: {  	v10 =	vadd.s32 $0x7FFFFFFF, v10  }
0x247: {  	(xrf0) =	vmax.scan.msk.u32 $0xffff, v10;
	_ =	sdelay $0x2  }
0x248: {  	v10 =	vsub.s32 v9, v0;
	_ =	sdelay $0x2  }
0x249: {  	vm0 =	vlt.u32 v10, $0x800;
	v10, _, _ =	vpop (xrf0)  }
0x24a: {  	(v2sf) =	vpush v10, $0xF;
	_ =	sdelay $0x4  }
0x24b: {  	p3 =	sne.s32 s1, $0x1  }
.Ltmp13:
0x24c: {  	_ = 	snop;
	(pc) =	sbr.rel @!p3 .LBB2_23-.Ltmp13, $3  }
0x24d: {  	_ =	sdelay $0x1  }
0x24e: {  	v11 =	vsel vm0, $0x1, v3  }
0x24f: {  	s13 =	sadd.s32 $0xFFFFFFFF, s1;
	p2 =	por $0x1, $0x1;
	s1 =	simm.s32 $0x4880;
	(xrf0) =	vadd.scan.msk.s32 $0xffff, v11  }
.LBB2_24:
0x250: {  	p3 =	sne.s32 s13, $0x1;
	_ =	sdelay $0x3  }
0x251: {  	s14 =	spop (v2sf)  }
0x252: {  	v10, _, _ =	vpop (xrf0);
	s14 =	sadd.s32 $0x80000001, s14  }
0x253: {  	v10 =	vadd.s32 s14, v10  }
0x254: {  	s1 =	sadd.s32 $0x10, s1;
	v11 =	vadd.s32 $0xFFFFFFFF, v10;
	v10 =	vadd.s32 $0x7FFFFFFF, v10  }
0x255: {  	v12 =	vld [tilespmem:s1+$0x0];
	(xrf0) =	vmax.scan.msk.u32 $0xffff, v10;
	_ =	sdelay $0x3  }
0x256: {  	[tilespmem:v11+s30+$0x0] =	vst.idx.msk vm0, v9  }
0x257: {  	[tilespmem:v11+s31+$0x0] =	vst.idx.msk vm0, v12  }
0x258: {  	v9, _, _ =	vpop (xrf0)  }
0x259: {  	(v2sf) =	vpush v9, $0xF  }
0x25a: {  	s3 =	sadd.s32 $0x10, s3  }
0x25b: {  	v9 =	vld [tilespmem:s3+$0x0];
	_ =	sdelay $0x3  }
.Ltmp14:
0x25c: {  	(pc) =	sbr.rel @p3 .LBB2_24-.Ltmp14, $4  }
0x25d: {  	v10 =	vsub.s32 v9, v0  }
0x25e: {  	vm0 =	vlt.u32 v10, $0x800  }
0x25f: {  	v10 =	vsel vm0, $0x1, v3  }
0x260: {  	s13 =	sadd.s32 $0xFFFFFFFF, s13;
	(xrf0) =	vadd.scan.msk.s32 $0xffff, v10  }
.LBB2_25:
0x261: {  	_ =	sdelay $0x3  }
0x262: {  	s13 =	spop @p2 (v2sf)  }
0x263: {  	s14 =	simm.s32 $0x0;
	s13 =	sadd.s32 @p2 $0x80000001, s13  }
0x264: {  	v10, _, _ =	vpop @p1 (xrf0);
	s14 =	smov.u32 @p2 s13  }
0x265: {  	v10 =	vadd.s32 @p1 s14, v10  }
0x266: {  	v11 =	vadd.s32 @p1 $0x7FFFFFFF, v10  }
0x267: {  	(xrf0) =	vmax.scan.msk.u32 @p1 $0xffff, v11;
	_ =	sdelay $0x1  }
0x268: {  	s1 =	sadd.s32 @p2 $0x10, s1;
	s13 =	simm.s32 $0x4880  }
0x269: {  	s13 =	smov.u32 @p2 s1;
	v10 =	vadd.s32 @p1 $0xFFFFFFFF, v10  }
0x26a: {  	v11 =	vld @p1 [tilespmem:s13+$0x0];
	_ =	sdelay $0x1  }
0x26b: {  	v12, _, _ =	vpop @p1 (xrf0)  }
0x26c: {  	(v2sf) =	vpush @p1 v12, $0xF  }
0x26d: {  	s1 =	sadd.s32 @p1 $0x10, s3;
	[tilespmem:v10+s30+$0x0] =	vst.idx.msk @p1 vm0, v9  }
0x26e: {  	s10 =	smov.u32 @p1 s1;
	[tilespmem:v10+s31+$0x0] =	vst.idx.msk @p1 vm0, v11  }
0x26f: {  	v9 =	vld [tilespmem:s10+$0x0];
	_ =	sdelay $0x4  }
0x270: {  	v10 =	vsub.s32 v9, v0  }
0x271: {  	vm15 =	vlt.u32 v10, $0x800  }
0x272: {  	v10 =	vsel vm15, $0x1, v3  }
0x273: {  	(xrf0) =	vadd.scan.msk.s32 $0xffff, v10;
	_ =	sdelay $0x3  }
0x274: {  	s1 =	spop @p1 (v2sf)  }
0x275: {  	s3 =	simm.s32 $0x0;
	s1 =	sadd.s32 @p1 $0x80000001, s1  }
0x276: {  	v10, _, _ =	vpop (xrf0);
	s3 =	smov.u32 @p1 s1  }
0x277: {  	v10 =	vadd.s32 s3, v10  }
0x278: {  	v11 =	vadd.s32 $0x7FFFFFFF, v10  }
0x279: {  	(xrf0) =	vmax.scan.msk.u32 $0xffff, v11;
	_ =	sdelay $0x5  }
0x27a: {  	v11, _, _ =	vpop (xrf0)  }
0x27b: {  	(v2sf) =	vpush v11, $0xF;
	_ =	sdelay $0x8  }
0x27c: {  	s1 =	sadd.s32 @p1 $0x10, s13  }
0x27d: {  	s8 =	smov.u32 @p1 s1;
	v10 =	vadd.s32 $0xFFFFFFFF, v10  }
0x27e: {  	v11 =	vld [tilespmem:s8+$0x0];
	_ =	sdelay $0x3  }
0x27f: {  	[tilespmem:v10+s30+$0x0] =	vst.idx.msk vm15, v9;
	s28 =	spop (v2sf)  }
0x280: {  	[tilespmem:v10+s31+$0x0] =	vst.idx.msk vm15, v11;
	s23 =	sadd.s32 $0x80000001, s28  }
.LBB2_26:
0x281: {  	v9 =	vadd.s32 s23, v2  }
.Ltmp15:
0x282: {  	_ = 	snop;
	(pc) =	sbr.rel .LBB2_27-.Ltmp15, $2  }
0x283: {  	_ =	sdelay $0x2  }
0x284: {  	v10 =	vimm.s32 $0x0;
	s13 =	simm.s32 $0x0;
	s14 =	simm.s32 $0x0;
	s15 =	simm.s32 $0x0;
	[tilespmem:v9+s30+$0x0] =	vst.idx.msk $0xffff, v4;
	v9 =	vimm.s32 $0x0  }
.LBB2_108:
0x285: {  	s1 =	rddreg [dreg:$0x13]  }
0x286: {  	s1 =	sadd.s32 s16, s1  }
0x287: {  	s3 =	sadd.s32 $0xFFF0BEBF, s1;
	p4 =	sgt.u32 @!p1 s1, $0xF4140  }
0x288: {  	p3 =	slt.u32 s3, $0xFF;
	p1 =	por p4, p1;
	s3 =	rddreg [dreg:$0x1]  }
0x289: {  	s15 =	sadd.s32 $0x1, s15;
	s1 =	sadd.s32 @!p1 s3, s1  }
0x28a: {  	s3 =	simm.s32 @!p1 $0x800;
	s7 =	simm.s32 @!p1 $0x7A1400;
	s8 =	simm.s32 @!p1 $0x18A00  }
0x28b: {  	[tilespmem:s8], [sflag:$0x1] =	stream.strided.gather @!p1 [hbm4b:s1+s3], $0x4000, s7, s3, $0x38;
	[tilespmem:$0x1EB00] =	vst v63  }
0x28c: {  	p1 =	sne.s32 s15, $0x29  }
.Ltmp16:
0x28d: {  	_ = 	snop;
	(pc) =	sbr.rel @!p1 .LBB2_109-.Ltmp16, $4  }
0x28e: {  	p2 =	por !p2, !p3  }
0x28f: {  	p2 =	por !p2, !p2  }
0x290: {  	s7 =	rddreg [dreg:$0x6];
	s1 =	simm.s32 @p2 $0x0;
	s3 =	simm.s32 @p2 $0x18A00  }
0x291: {  	[tilespmem:s3], [sflag:$0x1] =	stream.linear.gather @p2 [hbm4b:s7+s1], $0x4000, $0x38;
	[tilespmem:$0x1EB00] =	vst v63  }
.LBB2_27:
0x292: {  	s17 =	smul.u32 $0x3, s15;
	_ =	sdelay $0x1  }
0x293: {  	p1 =	seq.s32 s15, $0x28;
	s1 =	sand.u32 $0x7, s17  }
0x294: {  	p2 =	sne.s32 @!p1 s1, $0x0  }
0x295: {  	p2 =	por p1, p2  }
.Ltmp17:
0x296: {  	_ = 	snop;
	(pc) =	sbr.rel @p2 .LBB2_28-.Ltmp17, $4  }
0x297: {  	_ = 	snop  }
0x298: {  	s8 =	sshrl.u32 s17, $0x3  }
0x299: {  	s28 =	sadd.s32 $0x1, s8  }
0x29a: {  	v11 =	vmov s28  }
.Ltmp18:
0x29b: {  	(pc) =	sbr.rel @p0 .LBB2_30-.Ltmp18, $1  }
0x29c: {  	_ =	sdelay $0x3  }
0x29d: {  	p4 =	sne.s32 s11, $0x1  }
.Ltmp19:
0x29e: {  	_ = 	snop;
	(pc) =	sbr.rel @!p4 .LBB2_32-.Ltmp19, $3  }
0x29f: {  	_ =	sdelay $0x1  }
0x2a0: {  	s16 =	simm.s32 $0x800;
	s10 =	simm.s32 $0x4880  }
0x2a1: {  	s1 =	sadd.s32 $0xFFFFFFFF, s11;
	p2 =	por $0x0, $0x0;
	p3 =	por $0x0, $0x0  }
0x2a2: {  	v12 =	vld [tilespmem:s16+$0x0];
	_ =	sdelay $0x2  }
0x2a3: {  	p4 =	sne.s32 s1, $0x1  }
.Ltmp20:
0x2a4: {  	_ = 	snop;
	(pc) =	sbr.rel @!p4 .LBB2_34-.Ltmp20, $4  }
0x2a5: {  	v13 =	vsub.s32 v12, v0  }
0x2a6: {  	v13 =	vshrl.u32 v13, $0xB  }
0x2a7: {  	vm0 =	veq.s32 v13, v11  }
0x2a8: {  	s1 =	sadd.s32 $0xFFFFFFFF, s1;
	p2 =	por $0x1, $0x1;
	v13 =	vsel vm0, $0x1, v3  }
0x2a9: {  	(xrf0) =	vadd.scan.msk.s32 $0xffff, v13;
	_ =	sdelay $0x5  }
0x2aa: {  	v13, _, _ =	vpop (xrf0)  }
0x2ab: {  	v13 =	vadd.s32 s23, v13  }
0x2ac: {  	v14 =	vadd.s32 $0xFFFFFFFF, v13;
	v13 =	vadd.s32 $0x7FFFFFFF, v13  }
0x2ad: {  	(xrf0) =	vmax.scan.msk.u32 $0xffff, v13  }
0x2ae: {  	v15 =	vld [tilespmem:s10+$0x0];
	_ =	sdelay $0x3  }
0x2af: {  	[tilespmem:v14+s30+$0x0] =	vst.idx.msk vm0, v12  }
0x2b0: {  	[tilespmem:v14+s31+$0x0] =	vst.idx.msk vm0, v15;
	v14, _, _ =	vpop (xrf0)  }
0x2b1: {  	s3 =	simm.s32 $0x810;
	(v2sf) =	vpush v14, $0xF  }
0x2b2: {  	v12 =	vld [tilespmem:s3+$0x0];
	_ =	sdelay $0x2  }
0x2b3: {  	p4 =	sne.s32 s1, $0x1  }
.Ltmp21:
0x2b4: {  	_ = 	snop;
	(pc) =	sbr.rel @!p4 .LBB2_36-.Ltmp21, $4  }
0x2b5: {  	v13 =	vsub.s32 v12, v0  }
0x2b6: {  	v13 =	vshrl.u32 v13, $0xB  }
0x2b7: {  	vm0 =	veq.s32 v13, v11  }
0x2b8: {  	s18 =	sadd.s32 $0xFFFFFFFF, s1;
	p3 =	por $0x1, $0x1;
	s1 =	simm.s32 $0x4880;
	v13 =	vsel vm0, $0x1, v3  }
.LBB2_37:
0x2b9: {  	p4 =	sne.s32 s18, $0x1;
	(xrf0) =	vadd.scan.msk.s32 $0xffff, v13;
	_ =	sdelay $0x4  }
0x2ba: {  	s19 =	spop (v2sf)  }
0x2bb: {  	v13, _, _ =	vpop (xrf0);
	s19 =	sadd.s32 $0x80000001, s19  }
0x2bc: {  	v13 =	vadd.s32 s19, v13  }
0x2bd: {  	s1 =	sadd.s32 $0x10, s1;
	v14 =	vadd.s32 $0xFFFFFFFF, v13;
	v13 =	vadd.s32 $0x7FFFFFFF, v13  }
0x2be: {  	v15 =	vld [tilespmem:s1+$0x0];
	(xrf0) =	vmax.scan.msk.u32 $0xffff, v13;
	_ =	sdelay $0x3  }
0x2bf: {  	[tilespmem:v14+s30+$0x0] =	vst.idx.msk vm0, v12  }
0x2c0: {  	[tilespmem:v14+s31+$0x0] =	vst.idx.msk vm0, v15  }
0x2c1: {  	v12, _, _ =	vpop (xrf0)  }
0x2c2: {  	s3 =	sadd.s32 $0x10, s3;
	(v2sf) =	vpush v12, $0xF  }
0x2c3: {  	v12 =	vld [tilespmem:s3+$0x0];
	_ =	sdelay $0x3  }
.Ltmp22:
0x2c4: {  	(pc) =	sbr.rel @p4 .LBB2_37-.Ltmp22, $4  }
0x2c5: {  	v13 =	vsub.s32 v12, v0  }
0x2c6: {  	v13 =	vshrl.u32 v13, $0xB  }
0x2c7: {  	vm0 =	veq.s32 v13, v11  }
0x2c8: {  	s18 =	sadd.s32 $0xFFFFFFFF, s18;
	v13 =	vsel vm0, $0x1, v3  }
.LBB2_38:
0x2c9: {  	_ = 	snop  }
0x2ca: {  	(xrf0) =	vadd.scan.msk.s32 @p2 $0xffff, v13;
	_ =	sdelay $0x3  }
0x2cb: {  	s18 =	spop @p3 (v2sf)  }
0x2cc: {  	s19 =	smov.u32 s23;
	s18 =	sadd.s32 @p3 $0x80000001, s18  }
0x2cd: {  	v13, _, _ =	vpop @p2 (xrf0);
	s19 =	smov.u32 @p3 s18  }
0x2ce: {  	v13 =	vadd.s32 @p2 s19, v13  }
0x2cf: {  	v14 =	vadd.s32 @p2 $0x7FFFFFFF, v13  }
0x2d0: {  	(xrf0) =	vmax.scan.msk.u32 @p2 $0xffff, v14  }
0x2d1: {  	s1 =	sadd.s32 @p3 $0x10, s1;
	s18 =	simm.s32 $0x4880  }
0x2d2: {  	s18 =	smov.u32 @p3 s1;
	v13 =	vadd.s32 @p2 $0xFFFFFFFF, v13  }
0x2d3: {  	v14 =	vld @p2 [tilespmem:s18+$0x0];
	_ =	sdelay $0x2  }
0x2d4: {  	v15, _, _ =	vpop @p2 (xrf0)  }
0x2d5: {  	s1 =	sadd.s32 @p2 $0x10, s3;
	[tilespmem:v13+s30+$0x0] =	vst.idx.msk @p2 vm0, v12;
	(v2sf) =	vpush @p2 v15, $0xF  }
0x2d6: {  	s16 =	smov.u32 @p2 s1;
	[tilespmem:v13+s31+$0x0] =	vst.idx.msk @p2 vm0, v14  }
0x2d7: {  	v12 =	vld [tilespmem:s16+$0x0];
	_ =	sdelay $0x4  }
0x2d8: {  	v13 =	vsub.s32 v12, v0  }
0x2d9: {  	v13 =	vshrl.u32 v13, $0xB  }
0x2da: {  	vm15 =	veq.s32 v13, v11  }
0x2db: {  	v13 =	vsel vm15, $0x1, v3  }
0x2dc: {  	(xrf0) =	vadd.scan.msk.s32 $0xffff, v13;
	_ =	sdelay $0x3  }
0x2dd: {  	s1 =	spop @p2 (v2sf)  }
0x2de: {  	s3 =	smov.u32 s23;
	s1 =	sadd.s32 @p2 $0x80000001, s1  }
0x2df: {  	v13, _, _ =	vpop (xrf0);
	s3 =	smov.u32 @p2 s1  }
0x2e0: {  	v13 =	vadd.s32 s3, v13  }
0x2e1: {  	v14 =	vadd.s32 $0x7FFFFFFF, v13  }
0x2e2: {  	(xrf0) =	vmax.scan.msk.u32 $0xffff, v14;
	_ =	sdelay $0x5  }
0x2e3: {  	v14, _, _ =	vpop (xrf0)  }
0x2e4: {  	(v2sf) =	vpush v14, $0xF;
	_ =	sdelay $0x9  }
0x2e5: {  	s1 =	sadd.s32 @p2 $0x10, s18  }
0x2e6: {  	s10 =	smov.u32 @p2 s1;
	v13 =	vadd.s32 $0xFFFFFFFF, v13  }
0x2e7: {  	v14 =	vld [tilespmem:s10+$0x0]  }
.Ltmp23:
0x2e8: {  	_ = 	snop;
	(pc) =	sbr.rel .LBB2_39-.Ltmp23, $4  }
0x2e9: {  	_ = 	snop  }
0x2ea: {  	s28 =	spop (v2sf)  }
0x2eb: {  	[tilespmem:v13+s30+$0x0] =	vst.idx.msk vm15, v12;
	s21 =	sadd.s32 $0x80000001, s28  }
0x2ec: {  	[tilespmem:v13+s31+$0x0] =	vst.idx.msk vm15, v14;
	v12 =	vmov s21  }
.LBB2_28:
.Ltmp24:
0x2ed: {  	(pc) =	sbr.rel .LBB2_40-.Ltmp24, $3  }
0x2ee: {  	_ =	sdelay $0x1  }
0x2ef: {  	s23 =	smov.u32 @p1 s23  }
0x2f0: {  	v10 =	vpsel p1, v10, v10;
	s21 =	smov.u32 s23  }
.LBB2_30:
0x2f1: {  	v12 =	vmov s23;
	s21 =	smov.u32 s23  }
.LBB2_39:
0x2f2: {  	v12 =	vadd.s32 v2, v12;
	_ =	sdelay $0x3  }
0x2f3: {  	vm0 =	veq.s32 v11, v2  }
0x2f4: {  	v10 =	vsel vm0, s23, v10;
	[tilespmem:v12+s30+$0x0] =	vst.idx.msk $0xffff, v4  }
.LBB2_40:
0x2f5: {  	s16 =	smul.u32 $0x300, s15  }
0x2f6: {  	s1 =	rddreg [dreg:$0x5]  }
0x2f7: {  	s1 =	sadd.s32 s1, s16  }
0x2f8: {  	v12 =	vmov s8;
	p2 =	sgt.u32 s1, $0xF423F  }
0x2f9: {  	v63 =	vxor.u32 $0x80000000, v10;
	vm0 =	veq.s32 v12, v2;
	s3 =	simm.s32 @!p2 $0x1  }
0x2fa: {  	vm15 =	veq.s32 v11, v2;
	v13 =	vnsel vm0, $0x80000000, v63;
	_ =	swait.ge @!p2 [sflag:s3], $0x4000  }
0x2fb: {  	v11 =	vnsel vm15, $0x80000000, v63;
	(xrf0) =	vmax.scan.msk.u32 $0xffff, v13  }
0x2fc: {  	(xrf0) =	vmax.scan.msk.u32 $0xffff, v11;
	_ =	sdelay $0x4  }
0x2fd: {  	v11, _, _ =	vpop (xrf0)  }
0x2fe: {  	(v2sf) =	vpush v11, $0xF;
	v11, _, _ =	vpop (xrf0)  }
0x2ff: {  	(v2sf) =	vpush v11, $0xF;
	_ =	sdelay $0xd  }
0x300: {  	s28 =	spop (v2sf)  }
0x301: {  	s10 =	spop (v2sf)  }
0x302: {  	s10 =	sxor.u32 $0x80000000, s10  }
0x303: {  	s10 =	smov.u32 @p1 s21  }
0x304: {  	s8 =	sxor.u32 $0x80000000, s28;
	s10 =	sadd.s32 $0xF, s10  }
0x305: {  	s18 =	sshra.s32 s8, $0x1F;
	s19 =	sshra.s32 s10, $0x1F  }
0x306: {  	s18 =	sshrl.u32 s18, $0x1C;
	s19 =	sshrl.u32 s19, $0x1C  }
0x307: {  	s8 =	sadd.s32 s18, s8;
	s10 =	sadd.s32 s19, s10  }
0x308: {  	p3 =	slt.u32 s1, $0xF4240;
	s8 =	sshra.s32 s8, $0x4;
	s23 =	sshra.s32 s10, $0x4  }
0x309: {  	s8 =	simm.s32 @!p3 $0x0;
	s23 =	simm.s32 @!p3 $0x0  }
0x30a: {  	p3 =	sge.s32 s8, s23  }
.Ltmp25:
0x30b: {  	_ = 	snop;
	(pc) =	sbr.rel @p3 .LBB2_54-.Ltmp25, $3  }
0x30c: {  	_ =	sdelay $0x1  }
0x30d: {  	[sflag:s3] =	ssyncset.done @!p2 $0x0  }
0x30e: {  	[sflag:s3] =	ssyncadd.s32 @!p2 $0xFFFFC000  }
.Ltmp26:
0x30f: {  	(pc) =	sbr.rel .LBB2_42-.Ltmp26, $4  }
0x310: {  	s3 =	sadd.s32 $0xFFF0BEBF, s1;
	p2 =	slt.s32 s1, $0xF4140  }
0x311: {  	s10 =	smov.u32 s1;
	v11 =	vmov s1;
	p3 =	slt.u32 s3, $0xFF;
	s1 =	simm.s32 @!p2 $0xF4140  }
0x312: {  	s10 =	simm.s32 @p3 $0xF4140;
	s1 =	sadd.s32 $0x100, s1  }
0x313: {  	v12 =	vmov s1;
	v13 =	vmov s10  }
.LBB2_48:
0x314: {  	s18 =	smov.u32 s3  }
.LBB2_52:
0x315: {  	(v2sf) =	vpush v21, $0xF  }
0x316: {  	v14 =	vor.u32 s20, v16  }
0x317: {  	v15 =	vadd.s32 v7, v17;
	_ =	sdelay $0x3  }
0x318: {  	[tilespmem:v14+s9+$0x0] =	vst.idx.msk $0xffff, v20;
	v14 =	vor.u32 $0x20, v2  }
0x319: {  	v15 =	vld.idx.msk [tilespmem:v15+s24+$0x0], $0xffff;
	v14 =	vor.u32 s20, v14  }
0x31a: {  	v63 =	vadd.s32 v8, v17;
	_ =	sdelay $0x3  }
0x31b: {  	[tilespmem:v14+s9+$0x0] =	vst.idx.msk $0xffff, v15;
	v14 =	vor.u32 $0x30, v2  }
0x31c: {  	v15 =	vld.idx.msk [tilespmem:v63+s24+$0x0], $0xffff;
	v14 =	vor.u32 s20, v14;
	_ =	sdelay $0x1  }
0x31d: {  	s1 =	spop (v2sf)  }
0x31e: {  	s1 =	sshll.u32 s1, $0x3  }
0x31f: {  	s7 =	sadd.s32 @p2 $0x80, s18;
	s1 =	sand.u32 $0x1FFFFFF8, s1  }
0x320: {  	s3 =	smov.u32 @p2 s7;
	[tilespmem:v14+s9+$0x0] =	vst.idx.msk $0xffff, v15;
	s1 =	sadd.s32 s5, s1  }
0x321: {  	[hbm4b:s1+s6] =	stream.linear.scatter [tilespmem:s3], [sflag:$0x2], $0x40, $0x38;
	[tilespmem:$0x1EB00] =	vst v63  }
.LBB2_53:
0x322: {  	p2 =	sgt.s32 s10, $0x0;
	s8 =	sadd.s32 $0x1, s8  }
0x323: {  	s10 =	simm.s32 @!p2 $0x0;
	p2 =	sne.s32 s8, s23  }
.Ltmp27:
0x324: {  	_ = 	snop;
	(pc) =	sbr.rel @!p2 .LBB2_54-.Ltmp27, $3  }
0x325: {  	_ =	sdelay $0x1  }
0x326: {  	s13 =	sadd.s32 s13, s28  }
0x327: {  	s14 =	sadd.s32 $0x1, s14;
	v9 =	vsel vm0, s13, v9;
	s12 =	sadd.s32 s12, s10  }
.LBB2_42:
0x328: {  	s1 =	sshra.s32 s14, $0x1F  }
0x329: {  	s1 =	sshrl.u32 s1, $0x1E  }
0x32a: {  	s1 =	sadd.s32 s1, s14  }
0x32b: {  	s1 =	sand.u32 $0xFFFFFFFC, s1  }
0x32c: {  	s3 =	ssub.s32 s14, s1  }
0x32d: {  	v14 =	vmov s3  }
0x32e: {  	vm0 =	veq.s32 v14, v2;
	v14 =	vxor.u32 $0x80000000, v9  }
0x32f: {  	v14 =	vnsel vm0, $0x80000000, v14  }
0x330: {  	(xrf0) =	vmax.scan.msk.u32 $0xffff, v14;
	_ =	sdelay $0x5  }
0x331: {  	v14, _, _ =	vpop (xrf0)  }
0x332: {  	(v2sf) =	vpush v14, $0xF;
	_ =	sdelay $0xe  }
0x333: {  	s28 =	spop (v2sf)  }
0x334: {  	s1 =	sxor.u32 $0x80000000, s28  }
0x335: {  	s10 =	ssub.s32 s1, s12  }
0x336: {  	p2 =	slt.s32 s10, $0x1  }
.Ltmp28:
0x337: {  	_ = 	snop;
	(pc) =	sbr.rel @p2 .LBB2_46-.Ltmp28, $4  }
0x338: {  	_ = 	snop  }
0x339: {  	s18 =	sshll.u32 s8, $0x4  }
0x33a: {  	v15 =	vld [tilespmem:s18+$0x8900]  }
0x33b: {  	v14 =	vld [tilespmem:s18+$0xC980]  }
0x33c: {  	p2 =	sne.s32 s10, $0x1  }
.Ltmp29:
0x33d: {  	_ = 	snop;
	(pc) =	sbr.rel @!p2 .LBB2_45-.Ltmp29, $3  }
0x33e: {  	_ =	sdelay $0x1  }
0x33f: {  	_ =	swait.ge [sflag:s4], $0x40  }
0x340: {  	s1 =	sadd.s32 $0xFFFFFFFF, s10;
	[sflag:s4] =	ssyncset.done $0x0  }
.LBB2_44:
0x341: {  	p2 =	sne.s32 s1, $0x1;
	s1 =	sadd.s32 $0xFFFFFFFF, s1;
	[sflag:s4] =	ssyncadd.s32 $0xFFFFFFC0  }
.Ltmp30:
0x342: {  	(pc) =	sbr.rel @p2 .LBB2_44-.Ltmp30, $3  }
0x343: {  	_ =	sdelay $0x1  }
0x344: {  	_ =	swait.ge [sflag:s4], $0x40  }
0x345: {  	[sflag:s4] =	ssyncset.done $0x0  }
.LBB2_45:
0x346: {  	[sflag:s4] =	ssyncadd.s32 $0xFFFFFFC0  }
.LBB2_46:
0x347: {  	_ =	sdelay $0x2  }
0x348: {  	vm1 =	vge.s32 v15, v11;
	vm2 =	vlt.s32 v15, v12  }
0x349: {  	vm1 =	vmand vm1, vm2  }
0x34a: {  	v16 =	vsel vm1, $0x1, v3  }
0x34b: {  	(xrf0) =	vadd.scan.msk.s32 $0xffff, v16;
	_ =	sdelay $0x5  }
0x34c: {  	v16, _, _ =	vpop (xrf0)  }
0x34d: {  	v17 =	vxor.u32 $0x80000000, v16  }
0x34e: {  	(xrf0) =	vmax.scan.msk.u32 $0xffff, v17;
	_ =	sdelay $0x5  }
0x34f: {  	v17, _, _ =	vpop (xrf0)  }
0x350: {  	(v2sf) =	vpush v17, $0xF;
	_ =	sdelay $0xe  }
0x351: {  	v16 =	vadd.s32 $0xFFFFFFFF, v16;
	s1 =	spop (v2sf)  }
0x352: {  	v16 =	vnsel vm1, $0xF, v16;
	s28 =	sxor.u32 $0x80000000, s1  }
0x353: {  	p2 =	slt.s32 s28, $0x1  }
.Ltmp31:
0x354: {  	_ = 	snop;
	(pc) =	sbr.rel @p2 .LBB2_53-.Ltmp31, $4  }
0x355: {  	_ = 	snop  }
0x356: {  	v15 =	vsub.s32 v15, v13  }
0x357: {  	[tilespmem:v16+s0+$0x0] =	vst.idx.msk vm1, v15  }
0x358: {  	[tilespmem:v16+s2+$0x0] =	vst.idx.msk vm1, v14  }
0x359: {  	v14 =	vld [tilespmem:$0x1EA80];
	_ =	sdelay $0x2  }
0x35a: {  	s1 =	simm.s32 $0x0  }
0x35b: {  	v15 =	vmov s1  }
0x35c: {  	vm1 =	veq.s32 v15, v2;
	v14 =	vxor.u32 $0x80000000, v14  }
0x35d: {  	v15 =	vnsel vm1, $0x80000000, v14  }
0x35e: {  	(xrf0) =	vmax.scan.msk.u32 $0xffff, v15;
	_ =	sdelay $0x5  }
0x35f: {  	v15, _, _ =	vpop (xrf0)  }
0x360: {  	v15 =	vbroadcast v15, $0xF;
	_ =	sdelay $0x1  }
0x361: {  	v16 =	vshll.u32 v15, $0x3  }
0x362: {  	v18 =	vld [tilespmem:$0x1EA00];
	v15 =	vand.u32 $0x7F, v15;
	v16 =	vand.u32 $0xFFFFFC00, v16  }
0x363: {  	v17 =	vor.u32 v15, v16  }
0x364: {  	v16 =	vadd.s32 v5, v17;
	_ =	sdelay $0x1  }
0x365: {  	s19 =	sshll.u32 s3, $0x4  }
0x366: {  	s7 =	sadd.s32 $0x0, s19;
	v15 =	vxor.u32 $0x80000000, v18  }
0x367: {  	s20 =	sshll.u32 s7, $0x7;
	v18 =	vnsel vm1, $0x80000000, v15  }
0x368: {  	v19 =	vor.u32 s20, v2;
	(xrf0) =	vmax.scan.msk.u32 $0xffff, v18;
	v16 =	vld.idx.msk [tilespmem:v16+s24+$0x0], $0xffff  }
0x369: {  	p3 =	sne.s32 s28, $0x1;
	v18 =	vadd.s32 v6, v17  }
.Ltmp32:
0x36a: {  	_ = 	snop;
	(pc) =	sbr.rel @!p3 .LBB2_48-.Ltmp32, $4  }
0x36b: {  	_ = 	snop  }
0x36c: {  	s18 =	sshll.u32 s3, $0xD  }
0x36d: {  	s1 =	sshra.s32 s18, $0x2;
	[tilespmem:v19+s9+$0x0] =	vst.idx.msk $0xffff, v16  }
0x36e: {  	p2 =	por $0x0, $0x0;
	s3 =	sadd.s32 $0x1CA00, s1;
	s1 =	simm.s32 $0x1;
	v21, _, _ =	vpop (xrf0);
	v16 =	vor.u32 $0x10, v2;
	v20 =	vld.idx.msk [tilespmem:v18+s24+$0x0], $0xffff  }
0x36f: {  	(v2sf) =	vpush v21, $0xF;
	v18 =	vmov s1  }
0x370: {  	v19 =	vor.u32 s20, v16;
	vm1 =	veq.s32 v18, v2  }
0x371: {  	v21 =	vadd.s32 v7, v17;
	v18 =	vnsel vm1, $0x80000000, v14  }
0x372: {  	(xrf0) =	vmax.scan.msk.u32 $0xffff, v18;
	_ =	sdelay $0x2  }
0x373: {  	v18 =	vor.u32 $0x20, v2;
	[tilespmem:v19+s9+$0x0] =	vst.idx.msk $0xffff, v20  }
0x374: {  	v20 =	vor.u32 s20, v18;
	v19 =	vld.idx.msk [tilespmem:v21+s24+$0x0], $0xffff  }
0x375: {  	v17 =	vadd.s32 v8, v17  }
0x376: {  	v21, _, _ =	vpop (xrf0)  }
0x377: {  	v21 =	vbroadcast v21, $0xF;
	_ =	sdelay $0x1  }
0x378: {  	[tilespmem:v20+s9+$0x0] =	vst.idx.msk $0xffff, v19;
	v19 =	vor.u32 $0x30, v2;
	v20 =	vshll.u32 v21, $0x3  }
0x379: {  	v22 =	vld.idx.msk [tilespmem:v17+s24+$0x0], $0xffff;
	v23 =	vor.u32 s20, v19;
	v17 =	vand.u32 $0x7F, v21;
	v20 =	vand.u32 $0xFFFFFC00, v20  }
0x37a: {  	v17 =	vor.u32 v17, v20  }
0x37b: {  	s20 =	spop (v2sf);
	v20 =	vadd.s32 v5, v17  }
0x37c: {  	s1 =	sshll.u32 s20, $0x3  }
0x37d: {  	s18 =	sadd.s32 $0x1, s19;
	s1 =	sand.u32 $0x1FFFFFF8, s1  }
0x37e: {  	s20 =	sshll.u32 s18, $0x7;
	[tilespmem:v23+s9+$0x0] =	vst.idx.msk $0xffff, v22;
	s1 =	sadd.s32 s5, s1  }
0x37f: {  	v21 =	vnsel vm1, $0x80000000, v15;
	[hbm4b:s1+s6] =	stream.linear.scatter [tilespmem:s3], [sflag:$0x2], $0x40, $0x38;
	[tilespmem:$0x1EB00] =	vst v63  }
0x380: {  	(xrf0) =	vmax.scan.msk.u32 $0xffff, v21;
	v22 =	vor.u32 s20, v2;
	v20 =	vld.idx.msk [tilespmem:v20+s24+$0x0], $0xffff  }
0x381: {  	p3 =	sne.s32 s28, $0x2;
	v21 =	vadd.s32 v6, v17  }
.Ltmp33:
0x382: {  	_ = 	snop;
	(pc) =	sbr.rel @!p3 .LBB2_50-.Ltmp33, $3  }
0x383: {  	_ =	sdelay $0x1  }
0x384: {  	[tilespmem:v22+s9+$0x0] =	vst.idx.msk $0xffff, v20  }
0x385: {  	p2 =	por $0x1, $0x1;
	s18 =	smov.u32 s3;
	s1 =	simm.s32 $0x2;
	v20 =	vld.idx.msk [tilespmem:v21+s24+$0x0], $0xffff;
	v21, _, _ =	vpop (xrf0)  }
.LBB2_51:
0x386: {  	v22 =	vmov s1;
	v23 =	vor.u32 s20, v16;
	(v2sf) =	vpush v21, $0xF;
	s7 =	smov.u32 s1;
	s1 =	sadd.s32 $0x1, s1  }
0x387: {  	v21 =	vadd.s32 v7, v17;
	vm1 =	veq.s32 v22, v2;
	p3 =	sne.s32 s28, s1  }
0x388: {  	v22 =	vnsel vm1, $0x80000000, v14  }
0x389: {  	(xrf0) =	vmax.scan.msk.u32 $0xffff, v22;
	_ =	sdelay $0x1  }
0x38a: {  	[tilespmem:v23+s9+$0x0] =	vst.idx.msk $0xffff, v20  }
0x38b: {  	v20 =	vld.idx.msk [tilespmem:v21+s24+$0x0], $0xffff  }
0x38c: {  	v21 =	vor.u32 s20, v18  }
0x38d: {  	v17 =	vadd.s32 v8, v17  }
0x38e: {  	v22, _, _ =	vpop (xrf0)  }
0x38f: {  	v22 =	vbroadcast v22, $0xF;
	_ =	sdelay $0x1  }
0x390: {  	v23 =	vshll.u32 v22, $0x3;
	[tilespmem:v21+s9+$0x0] =	vst.idx.msk $0xffff, v20  }
0x391: {  	v20 =	vand.u32 $0x7F, v22;
	v21 =	vand.u32 $0xFFFFFC00, v23;
	v22 =	vld.idx.msk [tilespmem:v17+s24+$0x0], $0xffff  }
0x392: {  	v17 =	vor.u32 v20, v21;
	v20 =	vor.u32 s20, v19  }
0x393: {  	v21 =	vadd.s32 v5, v17;
	s20 =	spop (v2sf)  }
0x394: {  	s20 =	sshll.u32 s20, $0x3  }
0x395: {  	s20 =	sand.u32 $0x1FFFFFF8, s20  }
0x396: {  	s18 =	sadd.s32 $0x80, s18;
	s7 =	sadd.s32 s19, s7;
	s20 =	sadd.s32 s5, s20  }
0x397: {  	[tilespmem:v20+s9+$0x0] =	vst.idx.msk $0xffff, v22;
	[hbm4b:s20+s6] =	stream.linear.scatter [tilespmem:s18], [sflag:$0x2], $0x40, $0x38  }
0x398: {  	s20 =	sshll.u32 s7, $0x7;
	v20 =	vld.idx.msk [tilespmem:v21+s24+$0x0], $0xffff;
	v21 =	vnsel vm1, $0x80000000, v15  }
0x399: {  	v22 =	vor.u32 s20, v2;
	(xrf0) =	vmax.scan.msk.u32 $0xffff, v21  }
0x39a: {  	v21 =	vadd.s32 v6, v17  }
.Ltmp34:
0x39b: {  	(pc) =	sbr.rel @p3 .LBB2_51-.Ltmp34, $3  }
0x39c: {  	_ =	sdelay $0x1  }
0x39d: {  	[tilespmem:v22+s9+$0x0] =	vst.idx.msk $0xffff, v20  }
0x39e: {  	v20 =	vld.idx.msk [tilespmem:v21+s24+$0x0], $0xffff;
	v21, _, _ =	vpop (xrf0)  }
.Ltmp35:
0x39f: {  	_ = 	snop;
	(pc) =	sbr.rel .LBB2_52-.Ltmp35, $1  }
0x3a0: {  	_ =	sdelay $0x3  }
.LBB2_50:
.Ltmp36:
0x3a1: {  	(pc) =	sbr.rel .LBB2_52-.Ltmp36, $2  }
0x3a2: {  	_ =	sdelay $0x2  }
0x3a3: {  	s18 =	smov.u32 s3  }
.LBB2_54:
0x3a4: {  	s1 =	rddreg [dreg:$0x11]  }
0x3a5: {  	p2 =	sne.s32 s15, $0x28;
	s1 =	sadd.s32 s16, s1  }
0x3a6: {  	s23 =	sadd.s32 $0x1, s17;
	s3 =	sadd.s32 $0xFFF0BEBF, s1;
	p4 =	sgt.u32 @!p1 s1, $0xF4140  }
0x3a7: {  	p3 =	slt.u32 s3, $0xFF;
	p4 =	por p4, p1;
	s3 =	rddreg [dreg:$0x1]  }
0x3a8: {  	p3 =	por !p2, !p3;
	s1 =	sadd.s32 @!p4 s3, s1;
	s3 =	simm.s32 @!p4 $0x800  }
0x3a9: {  	s7 =	simm.s32 @!p4 $0x7A1400;
	s8 =	simm.s32 @!p4 $0x10A00;
	p3 =	por !p3, !p3  }
0x3aa: {  	[tilespmem:s8], [sflag:$0x1] =	stream.strided.gather @!p4 [hbm4b:s1+s3], $0x4000, s7, s3, $0x38;
	[tilespmem:$0x1EB00] =	vst v63  }
0x3ab: {  	s7 =	rddreg [dreg:$0x6];
	s1 =	simm.s32 @p3 $0x0;
	s3 =	simm.s32 @p3 $0x10A00  }
0x3ac: {  	[tilespmem:s3], [sflag:$0x1] =	stream.linear.gather @p3 [hbm4b:s7+s1], $0x4000, $0x38;
	[tilespmem:$0x1EB00] =	vst v63  }
0x3ad: {  	s1 =	sand.u32 $0x7, s23  }
0x3ae: {  	p3 =	sne.s32 @!p1 s1, $0x0  }
0x3af: {  	p3 =	por p1, p3  }
.Ltmp37:
0x3b0: {  	_ = 	snop;
	(pc) =	sbr.rel @p3 .LBB2_55-.Ltmp37, $4  }
0x3b1: {  	_ = 	snop  }
0x3b2: {  	s10 =	sshrl.u32 s23, $0x3  }
0x3b3: {  	s28 =	sadd.s32 $0x1, s10  }
0x3b4: {  	v11 =	vmov s28  }
.Ltmp38:
0x3b5: {  	(pc) =	sbr.rel @p0 .LBB2_57-.Ltmp38, $1  }
0x3b6: {  	_ =	sdelay $0x3  }
0x3b7: {  	p5 =	sne.s32 s11, $0x1  }
.Ltmp39:
0x3b8: {  	_ = 	snop;
	(pc) =	sbr.rel @!p5 .LBB2_59-.Ltmp39, $3  }
0x3b9: {  	_ =	sdelay $0x1  }
0x3ba: {  	s18 =	simm.s32 $0x800;
	s8 =	simm.s32 $0x4880  }
0x3bb: {  	s1 =	sadd.s32 $0xFFFFFFFF, s11;
	p3 =	por $0x0, $0x0;
	p4 =	por $0x0, $0x0  }
0x3bc: {  	v12 =	vld [tilespmem:s18+$0x0];
	_ =	sdelay $0x2  }
0x3bd: {  	p5 =	sne.s32 s1, $0x1  }
.Ltmp40:
0x3be: {  	_ = 	snop;
	(pc) =	sbr.rel @!p5 .LBB2_61-.Ltmp40, $4  }
0x3bf: {  	v13 =	vsub.s32 v12, v0  }
0x3c0: {  	v13 =	vshrl.u32 v13, $0xB  }
0x3c1: {  	vm0 =	veq.s32 v13, v11  }
0x3c2: {  	s1 =	sadd.s32 $0xFFFFFFFF, s1;
	p3 =	por $0x1, $0x1;
	v13 =	vsel vm0, $0x1, v3  }
0x3c3: {  	(xrf0) =	vadd.scan.msk.s32 $0xffff, v13;
	_ =	sdelay $0x5  }
0x3c4: {  	v13, _, _ =	vpop (xrf0)  }
0x3c5: {  	v13 =	vadd.s32 s21, v13  }
0x3c6: {  	v14 =	vadd.s32 $0xFFFFFFFF, v13;
	v13 =	vadd.s32 $0x7FFFFFFF, v13  }
0x3c7: {  	(xrf0) =	vmax.scan.msk.u32 $0xffff, v13  }
0x3c8: {  	v15 =	vld [tilespmem:s8+$0x0];
	_ =	sdelay $0x3  }
0x3c9: {  	[tilespmem:v14+s30+$0x0] =	vst.idx.msk vm0, v12  }
0x3ca: {  	[tilespmem:v14+s31+$0x0] =	vst.idx.msk vm0, v15;
	v14, _, _ =	vpop (xrf0)  }
0x3cb: {  	s3 =	simm.s32 $0x810;
	(v2sf) =	vpush v14, $0xF  }
0x3cc: {  	v12 =	vld [tilespmem:s3+$0x0];
	_ =	sdelay $0x2  }
0x3cd: {  	p5 =	sne.s32 s1, $0x1  }
.Ltmp41:
0x3ce: {  	_ = 	snop;
	(pc) =	sbr.rel @!p5 .LBB2_63-.Ltmp41, $4  }
0x3cf: {  	v13 =	vsub.s32 v12, v0  }
0x3d0: {  	v13 =	vshrl.u32 v13, $0xB  }
0x3d1: {  	vm0 =	veq.s32 v13, v11  }
0x3d2: {  	s19 =	sadd.s32 $0xFFFFFFFF, s1;
	p4 =	por $0x1, $0x1;
	s1 =	simm.s32 $0x4880;
	v13 =	vsel vm0, $0x1, v3  }
.LBB2_64:
0x3d3: {  	p5 =	sne.s32 s19, $0x1;
	(xrf0) =	vadd.scan.msk.s32 $0xffff, v13;
	_ =	sdelay $0x4  }
0x3d4: {  	s7 =	spop (v2sf)  }
0x3d5: {  	v13, _, _ =	vpop (xrf0);
	s7 =	sadd.s32 $0x80000001, s7  }
0x3d6: {  	v13 =	vadd.s32 s7, v13  }
0x3d7: {  	s1 =	sadd.s32 $0x10, s1;
	v14 =	vadd.s32 $0xFFFFFFFF, v13;
	v13 =	vadd.s32 $0x7FFFFFFF, v13  }
0x3d8: {  	v15 =	vld [tilespmem:s1+$0x0];
	(xrf0) =	vmax.scan.msk.u32 $0xffff, v13;
	_ =	sdelay $0x3  }
0x3d9: {  	[tilespmem:v14+s30+$0x0] =	vst.idx.msk vm0, v12  }
0x3da: {  	[tilespmem:v14+s31+$0x0] =	vst.idx.msk vm0, v15  }
0x3db: {  	v12, _, _ =	vpop (xrf0)  }
0x3dc: {  	s3 =	sadd.s32 $0x10, s3;
	(v2sf) =	vpush v12, $0xF  }
0x3dd: {  	v12 =	vld [tilespmem:s3+$0x0];
	_ =	sdelay $0x3  }
.Ltmp42:
0x3de: {  	(pc) =	sbr.rel @p5 .LBB2_64-.Ltmp42, $4  }
0x3df: {  	v13 =	vsub.s32 v12, v0  }
0x3e0: {  	v13 =	vshrl.u32 v13, $0xB  }
0x3e1: {  	vm0 =	veq.s32 v13, v11  }
0x3e2: {  	s19 =	sadd.s32 $0xFFFFFFFF, s19;
	v13 =	vsel vm0, $0x1, v3  }
.LBB2_65:
0x3e3: {  	_ = 	snop  }
0x3e4: {  	(xrf0) =	vadd.scan.msk.s32 @p3 $0xffff, v13;
	_ =	sdelay $0x3  }
0x3e5: {  	s7 =	spop @p4 (v2sf)  }
0x3e6: {  	s19 =	smov.u32 s21;
	s7 =	sadd.s32 @p4 $0x80000001, s7  }
0x3e7: {  	v13, _, _ =	vpop @p3 (xrf0);
	s19 =	smov.u32 @p4 s7  }
0x3e8: {  	v13 =	vadd.s32 @p3 s19, v13  }
0x3e9: {  	v14 =	vadd.s32 @p3 $0x7FFFFFFF, v13  }
0x3ea: {  	(xrf0) =	vmax.scan.msk.u32 @p3 $0xffff, v14  }
0x3eb: {  	s1 =	sadd.s32 @p4 $0x10, s1;
	s7 =	simm.s32 $0x4880  }
0x3ec: {  	s7 =	smov.u32 @p4 s1;
	v13 =	vadd.s32 @p3 $0xFFFFFFFF, v13  }
0x3ed: {  	v14 =	vld @p3 [tilespmem:s7+$0x0];
	_ =	sdelay $0x2  }
0x3ee: {  	v15, _, _ =	vpop @p3 (xrf0)  }
0x3ef: {  	s1 =	sadd.s32 @p3 $0x10, s3;
	[tilespmem:v13+s30+$0x0] =	vst.idx.msk @p3 vm0, v12;
	(v2sf) =	vpush @p3 v15, $0xF  }
0x3f0: {  	s18 =	smov.u32 @p3 s1;
	[tilespmem:v13+s31+$0x0] =	vst.idx.msk @p3 vm0, v14  }
0x3f1: {  	v12 =	vld [tilespmem:s18+$0x0];
	_ =	sdelay $0x4  }
0x3f2: {  	v13 =	vsub.s32 v12, v0  }
0x3f3: {  	v13 =	vshrl.u32 v13, $0xB  }
0x3f4: {  	vm15 =	veq.s32 v13, v11  }
0x3f5: {  	v13 =	vsel vm15, $0x1, v3  }
0x3f6: {  	(xrf0) =	vadd.scan.msk.s32 $0xffff, v13;
	_ =	sdelay $0x3  }
0x3f7: {  	s1 =	spop @p3 (v2sf)  }
0x3f8: {  	s3 =	smov.u32 s21;
	s1 =	sadd.s32 @p3 $0x80000001, s1  }
0x3f9: {  	v13, _, _ =	vpop (xrf0);
	s3 =	smov.u32 @p3 s1  }
0x3fa: {  	v13 =	vadd.s32 s3, v13  }
0x3fb: {  	v14 =	vadd.s32 $0x7FFFFFFF, v13  }
0x3fc: {  	(xrf0) =	vmax.scan.msk.u32 $0xffff, v14;
	_ =	sdelay $0x5  }
0x3fd: {  	v14, _, _ =	vpop (xrf0)  }
0x3fe: {  	(v2sf) =	vpush v14, $0xF;
	_ =	sdelay $0x9  }
0x3ff: {  	s1 =	sadd.s32 @p3 $0x10, s7  }
0x400: {  	s8 =	smov.u32 @p3 s1;
	v13 =	vadd.s32 $0xFFFFFFFF, v13  }
0x401: {  	v14 =	vld [tilespmem:s8+$0x0]  }
.Ltmp43:
0x402: {  	_ = 	snop;
	(pc) =	sbr.rel .LBB2_66-.Ltmp43, $4  }
0x403: {  	_ = 	snop  }
0x404: {  	s28 =	spop (v2sf)  }
0x405: {  	[tilespmem:v13+s30+$0x0] =	vst.idx.msk vm15, v12;
	s8 =	sadd.s32 $0x80000001, s28  }
0x406: {  	[tilespmem:v13+s31+$0x0] =	vst.idx.msk vm15, v14;
	v12 =	vmov s8  }
.LBB2_55:
.Ltmp44:
0x407: {  	(pc) =	sbr.rel .LBB2_67-.Ltmp44, $3  }
0x408: {  	_ =	sdelay $0x1  }
0x409: {  	s21 =	smov.u32 @p1 s21  }
0x40a: {  	v10 =	vpsel p1, v10, v10;
	s8 =	smov.u32 s21  }
.LBB2_57:
0x40b: {  	v12 =	vmov s21;
	s8 =	smov.u32 s21  }
.LBB2_66:
0x40c: {  	v12 =	vadd.s32 v2, v12;
	_ =	sdelay $0x3  }
0x40d: {  	vm0 =	veq.s32 v11, v2  }
0x40e: {  	v10 =	vsel vm0, s21, v10;
	[tilespmem:v12+s30+$0x0] =	vst.idx.msk $0xffff, v4  }
.LBB2_67:
0x40f: {  	s1 =	sshll.u32 s23, $0x8;
	s3 =	rddreg [dreg:$0x5]  }
0x410: {  	s1 =	sadd.s32 s3, s1  }
0x411: {  	v12 =	vmov s10;
	p3 =	sgt.u32 s1, $0xF423F  }
0x412: {  	v63 =	vxor.u32 $0x80000000, v10;
	vm0 =	veq.s32 v12, v2;
	s3 =	simm.s32 @!p3 $0x1  }
0x413: {  	vm15 =	veq.s32 v11, v2;
	v13 =	vnsel vm0, $0x80000000, v63;
	_ =	swait.ge @!p3 [sflag:s3], $0x4000  }
0x414: {  	v11 =	vnsel vm15, $0x80000000, v63;
	(xrf0) =	vmax.scan.msk.u32 $0xffff, v13  }
0x415: {  	(xrf0) =	vmax.scan.msk.u32 $0xffff, v11;
	_ =	sdelay $0x4  }
0x416: {  	v11, _, _ =	vpop (xrf0)  }
0x417: {  	(v2sf) =	vpush v11, $0xF;
	v11, _, _ =	vpop (xrf0)  }
0x418: {  	(v2sf) =	vpush v11, $0xF;
	_ =	sdelay $0xd  }
0x419: {  	s7 =	spop (v2sf)  }
0x41a: {  	s28 =	spop (v2sf)  }
0x41b: {  	s10 =	sxor.u32 $0x80000000, s28  }
0x41c: {  	s10 =	smov.u32 @p1 s8  }
0x41d: {  	s7 =	sxor.u32 $0x80000000, s7;
	s10 =	sadd.s32 $0xF, s10  }
0x41e: {  	s18 =	sshra.s32 s7, $0x1F;
	s19 =	sshra.s32 s10, $0x1F  }
0x41f: {  	s18 =	sshrl.u32 s18, $0x1C;
	s19 =	sshrl.u32 s19, $0x1C  }
0x420: {  	s7 =	sadd.s32 s18, s7;
	s10 =	sadd.s32 s19, s10  }
0x421: {  	p4 =	slt.u32 s1, $0xF4240;
	s21 =	sshra.s32 s7, $0x4;
	s23 =	sshra.s32 s10, $0x4  }
0x422: {  	s21 =	simm.s32 @!p4 $0x0;
	s23 =	simm.s32 @!p4 $0x0  }
0x423: {  	p4 =	sge.s32 s21, s23  }
.Ltmp45:
0x424: {  	_ = 	snop;
	(pc) =	sbr.rel @p4 .LBB2_81-.Ltmp45, $3  }
0x425: {  	_ =	sdelay $0x1  }
0x426: {  	[sflag:s3] =	ssyncset.done @!p3 $0x0  }
0x427: {  	[sflag:s3] =	ssyncadd.s32 @!p3 $0xFFFFC000  }
.Ltmp46:
0x428: {  	(pc) =	sbr.rel .LBB2_69-.Ltmp46, $4  }
0x429: {  	s3 =	sadd.s32 $0xFFF0BEBF, s1  }
0x42a: {  	s7 =	smin.u32 s1, $0xF4140;
	p3 =	slt.u32 s3, $0xFF;
	s3 =	smov.u32 s1  }
0x42b: {  	s7 =	sadd.s32 $0x100, s7;
	s3 =	simm.s32 @p3 $0xF4140  }
0x42c: {  	v11 =	vmov s1;
	v12 =	vmov s7;
	v13 =	vmov s3  }
.LBB2_75:
0x42d: {  	s3 =	smov.u32 s18  }
.LBB2_79:
0x42e: {  	(v2sf) =	vpush v21, $0xF  }
0x42f: {  	v14 =	vor.u32 s20, v16  }
0x430: {  	v15 =	vadd.s32 v7, v17;
	_ =	sdelay $0x3  }
0x431: {  	[tilespmem:v14+s9+$0x0] =	vst.idx.msk $0xffff, v20;
	v14 =	vor.u32 $0x20, v2  }
0x432: {  	v15 =	vld.idx.msk [tilespmem:v15+s25+$0x0], $0xffff;
	v14 =	vor.u32 s20, v14  }
0x433: {  	v63 =	vadd.s32 v8, v17;
	_ =	sdelay $0x3  }
0x434: {  	[tilespmem:v14+s9+$0x0] =	vst.idx.msk $0xffff, v15;
	v14 =	vor.u32 $0x30, v2  }
0x435: {  	v15 =	vld.idx.msk [tilespmem:v63+s25+$0x0], $0xffff;
	v14 =	vor.u32 s20, v14;
	_ =	sdelay $0x1  }
0x436: {  	s1 =	spop (v2sf)  }
0x437: {  	s1 =	sshll.u32 s1, $0x3  }
0x438: {  	s3 =	sadd.s32 @p3 $0x80, s3;
	s1 =	sand.u32 $0x1FFFFFF8, s1  }
0x439: {  	s18 =	smov.u32 @p3 s3;
	[tilespmem:v14+s9+$0x0] =	vst.idx.msk $0xffff, v15;
	s1 =	sadd.s32 s5, s1  }
0x43a: {  	[hbm4b:s1+s6] =	stream.linear.scatter [tilespmem:s18], [sflag:$0x2], $0x40, $0x38;
	[tilespmem:$0x1EB00] =	vst v63  }
.LBB2_80:
0x43b: {  	p3 =	sgt.s32 s10, $0x0;
	s21 =	sadd.s32 $0x1, s21  }
0x43c: {  	s10 =	simm.s32 @!p3 $0x0;
	p3 =	sne.s32 s21, s23  }
.Ltmp47:
0x43d: {  	_ = 	snop;
	(pc) =	sbr.rel @!p3 .LBB2_81-.Ltmp47, $3  }
0x43e: {  	_ =	sdelay $0x1  }
0x43f: {  	s13 =	sadd.s32 s13, s28  }
0x440: {  	s14 =	sadd.s32 $0x1, s14;
	v9 =	vsel vm0, s13, v9;
	s12 =	sadd.s32 s12, s10  }
.LBB2_69:
0x441: {  	s1 =	sshra.s32 s14, $0x1F  }
0x442: {  	s1 =	sshrl.u32 s1, $0x1E  }
0x443: {  	s1 =	sadd.s32 s1, s14  }
0x444: {  	s1 =	sand.u32 $0xFFFFFFFC, s1  }
0x445: {  	s3 =	ssub.s32 s14, s1  }
0x446: {  	v14 =	vmov s3  }
0x447: {  	vm0 =	veq.s32 v14, v2;
	v14 =	vxor.u32 $0x80000000, v9  }
0x448: {  	v14 =	vnsel vm0, $0x80000000, v14  }
0x449: {  	(xrf0) =	vmax.scan.msk.u32 $0xffff, v14;
	_ =	sdelay $0x5  }
0x44a: {  	v14, _, _ =	vpop (xrf0)  }
0x44b: {  	(v2sf) =	vpush v14, $0xF;
	_ =	sdelay $0xe  }
0x44c: {  	s28 =	spop (v2sf)  }
0x44d: {  	s1 =	sxor.u32 $0x80000000, s28  }
0x44e: {  	s10 =	ssub.s32 s1, s12  }
0x44f: {  	p3 =	slt.s32 s10, $0x1  }
.Ltmp48:
0x450: {  	_ = 	snop;
	(pc) =	sbr.rel @p3 .LBB2_73-.Ltmp48, $4  }
0x451: {  	_ = 	snop  }
0x452: {  	s7 =	sshll.u32 s21, $0x4  }
0x453: {  	v15 =	vld [tilespmem:s7+$0x8900]  }
0x454: {  	v14 =	vld [tilespmem:s7+$0xC980]  }
0x455: {  	p3 =	sne.s32 s10, $0x1  }
.Ltmp49:
0x456: {  	_ = 	snop;
	(pc) =	sbr.rel @!p3 .LBB2_72-.Ltmp49, $3  }
0x457: {  	_ =	sdelay $0x1  }
0x458: {  	_ =	swait.ge [sflag:s4], $0x40  }
0x459: {  	s1 =	sadd.s32 $0xFFFFFFFF, s10;
	[sflag:s4] =	ssyncset.done $0x0  }
.LBB2_71:
0x45a: {  	p3 =	sne.s32 s1, $0x1;
	s1 =	sadd.s32 $0xFFFFFFFF, s1;
	[sflag:s4] =	ssyncadd.s32 $0xFFFFFFC0  }
.Ltmp50:
0x45b: {  	(pc) =	sbr.rel @p3 .LBB2_71-.Ltmp50, $3  }
0x45c: {  	_ =	sdelay $0x1  }
0x45d: {  	_ =	swait.ge [sflag:s4], $0x40  }
0x45e: {  	[sflag:s4] =	ssyncset.done $0x0  }
.LBB2_72:
0x45f: {  	[sflag:s4] =	ssyncadd.s32 $0xFFFFFFC0  }
.LBB2_73:
0x460: {  	_ =	sdelay $0x2  }
0x461: {  	vm1 =	vge.s32 v15, v11;
	vm2 =	vlt.s32 v15, v12  }
0x462: {  	vm1 =	vmand vm1, vm2  }
0x463: {  	v16 =	vsel vm1, $0x1, v3  }
0x464: {  	(xrf0) =	vadd.scan.msk.s32 $0xffff, v16;
	_ =	sdelay $0x5  }
0x465: {  	v16, _, _ =	vpop (xrf0)  }
0x466: {  	v17 =	vxor.u32 $0x80000000, v16  }
0x467: {  	(xrf0) =	vmax.scan.msk.u32 $0xffff, v17;
	_ =	sdelay $0x5  }
0x468: {  	v17, _, _ =	vpop (xrf0)  }
0x469: {  	(v2sf) =	vpush v17, $0xF;
	_ =	sdelay $0xe  }
0x46a: {  	v16 =	vadd.s32 $0xFFFFFFFF, v16;
	s1 =	spop (v2sf)  }
0x46b: {  	v16 =	vnsel vm1, $0xF, v16;
	s28 =	sxor.u32 $0x80000000, s1  }
0x46c: {  	p3 =	slt.s32 s28, $0x1  }
.Ltmp51:
0x46d: {  	_ = 	snop;
	(pc) =	sbr.rel @p3 .LBB2_80-.Ltmp51, $4  }
0x46e: {  	_ = 	snop  }
0x46f: {  	v15 =	vsub.s32 v15, v13  }
0x470: {  	[tilespmem:v16+s0+$0x0] =	vst.idx.msk vm1, v15  }
0x471: {  	[tilespmem:v16+s2+$0x0] =	vst.idx.msk vm1, v14  }
0x472: {  	v14 =	vld [tilespmem:$0x1EA80];
	_ =	sdelay $0x2  }
0x473: {  	s1 =	simm.s32 $0x0  }
0x474: {  	v15 =	vmov s1  }
0x475: {  	vm1 =	veq.s32 v15, v2;
	v14 =	vxor.u32 $0x80000000, v14  }
0x476: {  	v15 =	vnsel vm1, $0x80000000, v14  }
0x477: {  	(xrf0) =	vmax.scan.msk.u32 $0xffff, v15;
	_ =	sdelay $0x5  }
0x478: {  	v15, _, _ =	vpop (xrf0)  }
0x479: {  	v15 =	vbroadcast v15, $0xF;
	_ =	sdelay $0x1  }
0x47a: {  	v16 =	vshll.u32 v15, $0x3  }
0x47b: {  	v18 =	vld [tilespmem:$0x1EA00];
	v15 =	vand.u32 $0x7F, v15;
	v16 =	vand.u32 $0xFFFFFC00, v16  }
0x47c: {  	v17 =	vor.u32 v15, v16  }
0x47d: {  	v16 =	vadd.s32 v5, v17;
	_ =	sdelay $0x1  }
0x47e: {  	s19 =	sshll.u32 s3, $0x4  }
0x47f: {  	s7 =	sadd.s32 $0x0, s19;
	v15 =	vxor.u32 $0x80000000, v18  }
0x480: {  	s20 =	sshll.u32 s7, $0x7;
	v18 =	vnsel vm1, $0x80000000, v15  }
0x481: {  	v19 =	vor.u32 s20, v2;
	(xrf0) =	vmax.scan.msk.u32 $0xffff, v18;
	v16 =	vld.idx.msk [tilespmem:v16+s25+$0x0], $0xffff  }
0x482: {  	p4 =	sne.s32 s28, $0x1;
	v18 =	vadd.s32 v6, v17  }
.Ltmp52:
0x483: {  	_ = 	snop;
	(pc) =	sbr.rel @!p4 .LBB2_75-.Ltmp52, $4  }
0x484: {  	_ = 	snop  }
0x485: {  	s18 =	sshll.u32 s3, $0xD  }
0x486: {  	s1 =	sshra.s32 s18, $0x2;
	[tilespmem:v19+s9+$0x0] =	vst.idx.msk $0xffff, v16  }
0x487: {  	p3 =	por $0x0, $0x0;
	s18 =	sadd.s32 $0x1CA00, s1;
	s1 =	simm.s32 $0x1;
	v21, _, _ =	vpop (xrf0);
	v16 =	vor.u32 $0x10, v2;
	v20 =	vld.idx.msk [tilespmem:v18+s25+$0x0], $0xffff  }
0x488: {  	(v2sf) =	vpush v21, $0xF;
	v18 =	vmov s1  }
0x489: {  	v19 =	vor.u32 s20, v16;
	vm1 =	veq.s32 v18, v2  }
0x48a: {  	v21 =	vadd.s32 v7, v17;
	v18 =	vnsel vm1, $0x80000000, v14  }
0x48b: {  	(xrf0) =	vmax.scan.msk.u32 $0xffff, v18;
	_ =	sdelay $0x2  }
0x48c: {  	v18 =	vor.u32 $0x20, v2;
	[tilespmem:v19+s9+$0x0] =	vst.idx.msk $0xffff, v20  }
0x48d: {  	v20 =	vor.u32 s20, v18;
	v19 =	vld.idx.msk [tilespmem:v21+s25+$0x0], $0xffff  }
0x48e: {  	v17 =	vadd.s32 v8, v17  }
0x48f: {  	v21, _, _ =	vpop (xrf0)  }
0x490: {  	v21 =	vbroadcast v21, $0xF;
	_ =	sdelay $0x1  }
0x491: {  	[tilespmem:v20+s9+$0x0] =	vst.idx.msk $0xffff, v19;
	v19 =	vor.u32 $0x30, v2;
	v20 =	vshll.u32 v21, $0x3  }
0x492: {  	v22 =	vld.idx.msk [tilespmem:v17+s25+$0x0], $0xffff;
	v23 =	vor.u32 s20, v19;
	v17 =	vand.u32 $0x7F, v21;
	v20 =	vand.u32 $0xFFFFFC00, v20  }
0x493: {  	v17 =	vor.u32 v17, v20  }
0x494: {  	s20 =	spop (v2sf);
	v20 =	vadd.s32 v5, v17  }
0x495: {  	s1 =	sshll.u32 s20, $0x3  }
0x496: {  	s3 =	sadd.s32 $0x1, s19;
	s1 =	sand.u32 $0x1FFFFFF8, s1  }
0x497: {  	s20 =	sshll.u32 s3, $0x7;
	[tilespmem:v23+s9+$0x0] =	vst.idx.msk $0xffff, v22;
	s1 =	sadd.s32 s5, s1  }
0x498: {  	v21 =	vnsel vm1, $0x80000000, v15;
	[hbm4b:s1+s6] =	stream.linear.scatter [tilespmem:s18], [sflag:$0x2], $0x40, $0x38;
	[tilespmem:$0x1EB00] =	vst v63  }
0x499: {  	(xrf0) =	vmax.scan.msk.u32 $0xffff, v21;
	v22 =	vor.u32 s20, v2;
	v20 =	vld.idx.msk [tilespmem:v20+s25+$0x0], $0xffff  }
0x49a: {  	p4 =	sne.s32 s28, $0x2;
	v21 =	vadd.s32 v6, v17  }
.Ltmp53:
0x49b: {  	_ = 	snop;
	(pc) =	sbr.rel @!p4 .LBB2_77-.Ltmp53, $3  }
0x49c: {  	_ =	sdelay $0x1  }
0x49d: {  	[tilespmem:v22+s9+$0x0] =	vst.idx.msk $0xffff, v20  }
0x49e: {  	p3 =	por $0x1, $0x1;
	s3 =	smov.u32 s18;
	s1 =	simm.s32 $0x2;
	v20 =	vld.idx.msk [tilespmem:v21+s25+$0x0], $0xffff;
	v21, _, _ =	vpop (xrf0)  }
.LBB2_78:
0x49f: {  	v22 =	vmov s1;
	v23 =	vor.u32 s20, v16;
	(v2sf) =	vpush v21, $0xF;
	s7 =	smov.u32 s1;
	s1 =	sadd.s32 $0x1, s1  }
0x4a0: {  	v21 =	vadd.s32 v7, v17;
	vm1 =	veq.s32 v22, v2;
	p4 =	sne.s32 s28, s1  }
0x4a1: {  	v22 =	vnsel vm1, $0x80000000, v14  }
0x4a2: {  	(xrf0) =	vmax.scan.msk.u32 $0xffff, v22;
	_ =	sdelay $0x1  }
0x4a3: {  	[tilespmem:v23+s9+$0x0] =	vst.idx.msk $0xffff, v20  }
0x4a4: {  	v20 =	vld.idx.msk [tilespmem:v21+s25+$0x0], $0xffff  }
0x4a5: {  	v21 =	vor.u32 s20, v18  }
0x4a6: {  	v17 =	vadd.s32 v8, v17  }
0x4a7: {  	v22, _, _ =	vpop (xrf0)  }
0x4a8: {  	v22 =	vbroadcast v22, $0xF;
	_ =	sdelay $0x1  }
0x4a9: {  	v23 =	vshll.u32 v22, $0x3;
	[tilespmem:v21+s9+$0x0] =	vst.idx.msk $0xffff, v20  }
0x4aa: {  	v20 =	vand.u32 $0x7F, v22;
	v21 =	vand.u32 $0xFFFFFC00, v23;
	v22 =	vld.idx.msk [tilespmem:v17+s25+$0x0], $0xffff  }
0x4ab: {  	v17 =	vor.u32 v20, v21;
	v20 =	vor.u32 s20, v19  }
0x4ac: {  	v21 =	vadd.s32 v5, v17;
	s20 =	spop (v2sf)  }
0x4ad: {  	s20 =	sshll.u32 s20, $0x3  }
0x4ae: {  	s20 =	sand.u32 $0x1FFFFFF8, s20  }
0x4af: {  	s3 =	sadd.s32 $0x80, s3;
	s7 =	sadd.s32 s19, s7;
	s20 =	sadd.s32 s5, s20  }
0x4b0: {  	[tilespmem:v20+s9+$0x0] =	vst.idx.msk $0xffff, v22;
	[hbm4b:s20+s6] =	stream.linear.scatter [tilespmem:s3], [sflag:$0x2], $0x40, $0x38  }
0x4b1: {  	s20 =	sshll.u32 s7, $0x7;
	v20 =	vld.idx.msk [tilespmem:v21+s25+$0x0], $0xffff;
	v21 =	vnsel vm1, $0x80000000, v15  }
0x4b2: {  	v22 =	vor.u32 s20, v2;
	(xrf0) =	vmax.scan.msk.u32 $0xffff, v21  }
0x4b3: {  	v21 =	vadd.s32 v6, v17  }
.Ltmp54:
0x4b4: {  	(pc) =	sbr.rel @p4 .LBB2_78-.Ltmp54, $3  }
0x4b5: {  	_ =	sdelay $0x1  }
0x4b6: {  	[tilespmem:v22+s9+$0x0] =	vst.idx.msk $0xffff, v20  }
0x4b7: {  	v20 =	vld.idx.msk [tilespmem:v21+s25+$0x0], $0xffff;
	v21, _, _ =	vpop (xrf0)  }
.Ltmp55:
0x4b8: {  	_ = 	snop;
	(pc) =	sbr.rel .LBB2_79-.Ltmp55, $1  }
0x4b9: {  	_ =	sdelay $0x3  }
.LBB2_77:
.Ltmp56:
0x4ba: {  	(pc) =	sbr.rel .LBB2_79-.Ltmp56, $2  }
0x4bb: {  	_ =	sdelay $0x2  }
0x4bc: {  	s3 =	smov.u32 s18  }
.LBB2_81:
0x4bd: {  	s1 =	rddreg [dreg:$0x12]  }
0x4be: {  	s1 =	sadd.s32 s16, s1  }
0x4bf: {  	s17 =	sadd.s32 $0x2, s17;
	s3 =	sadd.s32 $0xFFF0BEBF, s1;
	p4 =	sgt.u32 @!p1 s1, $0xF4140  }
0x4c0: {  	p3 =	slt.u32 s3, $0xFF;
	p4 =	por p4, p1;
	s3 =	rddreg [dreg:$0x1]  }
0x4c1: {  	p3 =	por !p2, !p3;
	s1 =	sadd.s32 @!p4 s3, s1;
	s3 =	simm.s32 @!p4 $0x800  }
0x4c2: {  	s7 =	simm.s32 @!p4 $0x7A1400;
	s10 =	simm.s32 @!p4 $0x14A00;
	p3 =	por !p3, !p3  }
0x4c3: {  	[tilespmem:s10], [sflag:$0x1] =	stream.strided.gather @!p4 [hbm4b:s1+s3], $0x4000, s7, s3, $0x38;
	[tilespmem:$0x1EB00] =	vst v63  }
0x4c4: {  	s7 =	rddreg [dreg:$0x6];
	s1 =	simm.s32 @p3 $0x0;
	s3 =	simm.s32 @p3 $0x14A00  }
0x4c5: {  	[tilespmem:s3], [sflag:$0x1] =	stream.linear.gather @p3 [hbm4b:s7+s1], $0x4000, $0x38;
	[tilespmem:$0x1EB00] =	vst v63  }
0x4c6: {  	s1 =	sand.u32 $0x7, s17  }
0x4c7: {  	p3 =	sne.s32 @!p1 s1, $0x0  }
0x4c8: {  	p3 =	por p1, p3  }
.Ltmp57:
0x4c9: {  	_ = 	snop;
	(pc) =	sbr.rel @p3 .LBB2_82-.Ltmp57, $4  }
0x4ca: {  	_ = 	snop  }
0x4cb: {  	s10 =	sshrl.u32 s17, $0x3  }
0x4cc: {  	s28 =	sadd.s32 $0x1, s10  }
0x4cd: {  	v11 =	vmov s28  }
.Ltmp58:
0x4ce: {  	(pc) =	sbr.rel @p0 .LBB2_84-.Ltmp58, $1  }
0x4cf: {  	_ =	sdelay $0x3  }
0x4d0: {  	p5 =	sne.s32 s11, $0x1  }
.Ltmp59:
0x4d1: {  	_ = 	snop;
	(pc) =	sbr.rel @!p5 .LBB2_86-.Ltmp59, $3  }
0x4d2: {  	_ =	sdelay $0x1  }
0x4d3: {  	s19 =	simm.s32 $0x800;
	s18 =	simm.s32 $0x4880  }
0x4d4: {  	s1 =	sadd.s32 $0xFFFFFFFF, s11;
	p3 =	por $0x0, $0x0;
	p4 =	por $0x0, $0x0  }
0x4d5: {  	v12 =	vld [tilespmem:s19+$0x0];
	_ =	sdelay $0x2  }
0x4d6: {  	p5 =	sne.s32 s1, $0x1  }
.Ltmp60:
0x4d7: {  	_ = 	snop;
	(pc) =	sbr.rel @!p5 .LBB2_88-.Ltmp60, $4  }
0x4d8: {  	v13 =	vsub.s32 v12, v0  }
0x4d9: {  	v13 =	vshrl.u32 v13, $0xB  }
0x4da: {  	vm0 =	veq.s32 v13, v11  }
0x4db: {  	s1 =	sadd.s32 $0xFFFFFFFF, s1;
	p3 =	por $0x1, $0x1;
	v13 =	vsel vm0, $0x1, v3  }
0x4dc: {  	(xrf0) =	vadd.scan.msk.s32 $0xffff, v13;
	_ =	sdelay $0x5  }
0x4dd: {  	v13, _, _ =	vpop (xrf0)  }
0x4de: {  	v13 =	vadd.s32 s8, v13  }
0x4df: {  	v14 =	vadd.s32 $0xFFFFFFFF, v13;
	v13 =	vadd.s32 $0x7FFFFFFF, v13  }
0x4e0: {  	(xrf0) =	vmax.scan.msk.u32 $0xffff, v13  }
0x4e1: {  	v15 =	vld [tilespmem:s18+$0x0];
	_ =	sdelay $0x3  }
0x4e2: {  	[tilespmem:v14+s30+$0x0] =	vst.idx.msk vm0, v12  }
0x4e3: {  	[tilespmem:v14+s31+$0x0] =	vst.idx.msk vm0, v15;
	v14, _, _ =	vpop (xrf0)  }
0x4e4: {  	s3 =	simm.s32 $0x810;
	(v2sf) =	vpush v14, $0xF  }
0x4e5: {  	v12 =	vld [tilespmem:s3+$0x0];
	_ =	sdelay $0x2  }
0x4e6: {  	p5 =	sne.s32 s1, $0x1  }
.Ltmp61:
0x4e7: {  	_ = 	snop;
	(pc) =	sbr.rel @!p5 .LBB2_90-.Ltmp61, $4  }
0x4e8: {  	v13 =	vsub.s32 v12, v0  }
0x4e9: {  	v13 =	vshrl.u32 v13, $0xB  }
0x4ea: {  	vm0 =	veq.s32 v13, v11  }
0x4eb: {  	s20 =	sadd.s32 $0xFFFFFFFF, s1;
	p4 =	por $0x1, $0x1;
	s1 =	simm.s32 $0x4880;
	v13 =	vsel vm0, $0x1, v3  }
.LBB2_91:
0x4ec: {  	p5 =	sne.s32 s20, $0x1;
	(xrf0) =	vadd.scan.msk.s32 $0xffff, v13;
	_ =	sdelay $0x4  }
0x4ed: {  	s7 =	spop (v2sf)  }
0x4ee: {  	v13, _, _ =	vpop (xrf0);
	s7 =	sadd.s32 $0x80000001, s7  }
0x4ef: {  	v13 =	vadd.s32 s7, v13  }
0x4f0: {  	s1 =	sadd.s32 $0x10, s1;
	v14 =	vadd.s32 $0xFFFFFFFF, v13;
	v13 =	vadd.s32 $0x7FFFFFFF, v13  }
0x4f1: {  	v15 =	vld [tilespmem:s1+$0x0];
	(xrf0) =	vmax.scan.msk.u32 $0xffff, v13;
	_ =	sdelay $0x3  }
0x4f2: {  	[tilespmem:v14+s30+$0x0] =	vst.idx.msk vm0, v12  }
0x4f3: {  	[tilespmem:v14+s31+$0x0] =	vst.idx.msk vm0, v15  }
0x4f4: {  	v12, _, _ =	vpop (xrf0)  }
0x4f5: {  	s3 =	sadd.s32 $0x10, s3;
	(v2sf) =	vpush v12, $0xF  }
0x4f6: {  	v12 =	vld [tilespmem:s3+$0x0];
	_ =	sdelay $0x3  }
.Ltmp62:
0x4f7: {  	(pc) =	sbr.rel @p5 .LBB2_91-.Ltmp62, $4  }
0x4f8: {  	v13 =	vsub.s32 v12, v0  }
0x4f9: {  	v13 =	vshrl.u32 v13, $0xB  }
0x4fa: {  	vm0 =	veq.s32 v13, v11  }
0x4fb: {  	s20 =	sadd.s32 $0xFFFFFFFF, s20;
	v13 =	vsel vm0, $0x1, v3  }
.LBB2_92:
0x4fc: {  	_ = 	snop  }
0x4fd: {  	(xrf0) =	vadd.scan.msk.s32 @p3 $0xffff, v13;
	_ =	sdelay $0x3  }
0x4fe: {  	s7 =	spop @p4 (v2sf)  }
0x4ff: {  	s20 =	smov.u32 s8;
	s7 =	sadd.s32 @p4 $0x80000001, s7  }
0x500: {  	v13, _, _ =	vpop @p3 (xrf0);
	s20 =	smov.u32 @p4 s7  }
0x501: {  	v13 =	vadd.s32 @p3 s20, v13  }
0x502: {  	v14 =	vadd.s32 @p3 $0x7FFFFFFF, v13  }
0x503: {  	(xrf0) =	vmax.scan.msk.u32 @p3 $0xffff, v14  }
0x504: {  	s1 =	sadd.s32 @p4 $0x10, s1;
	s7 =	simm.s32 $0x4880  }
0x505: {  	s7 =	smov.u32 @p4 s1;
	v13 =	vadd.s32 @p3 $0xFFFFFFFF, v13  }
0x506: {  	v14 =	vld @p3 [tilespmem:s7+$0x0];
	_ =	sdelay $0x2  }
0x507: {  	v15, _, _ =	vpop @p3 (xrf0)  }
0x508: {  	s1 =	sadd.s32 @p3 $0x10, s3;
	[tilespmem:v13+s30+$0x0] =	vst.idx.msk @p3 vm0, v12;
	(v2sf) =	vpush @p3 v15, $0xF  }
0x509: {  	s19 =	smov.u32 @p3 s1;
	[tilespmem:v13+s31+$0x0] =	vst.idx.msk @p3 vm0, v14  }
0x50a: {  	v12 =	vld [tilespmem:s19+$0x0];
	_ =	sdelay $0x4  }
0x50b: {  	v13 =	vsub.s32 v12, v0  }
0x50c: {  	v13 =	vshrl.u32 v13, $0xB  }
0x50d: {  	vm15 =	veq.s32 v13, v11  }
0x50e: {  	v13 =	vsel vm15, $0x1, v3  }
0x50f: {  	(xrf0) =	vadd.scan.msk.s32 $0xffff, v13;
	_ =	sdelay $0x3  }
0x510: {  	s1 =	spop @p3 (v2sf)  }
0x511: {  	s3 =	smov.u32 s8;
	s1 =	sadd.s32 @p3 $0x80000001, s1  }
0x512: {  	v13, _, _ =	vpop (xrf0);
	s3 =	smov.u32 @p3 s1  }
0x513: {  	v13 =	vadd.s32 s3, v13  }
0x514: {  	v14 =	vadd.s32 $0x7FFFFFFF, v13  }
0x515: {  	(xrf0) =	vmax.scan.msk.u32 $0xffff, v14;
	_ =	sdelay $0x5  }
0x516: {  	v14, _, _ =	vpop (xrf0)  }
0x517: {  	(v2sf) =	vpush v14, $0xF;
	_ =	sdelay $0x9  }
0x518: {  	s1 =	sadd.s32 @p3 $0x10, s7  }
0x519: {  	s18 =	smov.u32 @p3 s1;
	v13 =	vadd.s32 $0xFFFFFFFF, v13  }
0x51a: {  	v14 =	vld [tilespmem:s18+$0x0]  }
.Ltmp63:
0x51b: {  	_ = 	snop;
	(pc) =	sbr.rel .LBB2_93-.Ltmp63, $4  }
0x51c: {  	_ = 	snop  }
0x51d: {  	s28 =	spop (v2sf)  }
0x51e: {  	[tilespmem:v13+s30+$0x0] =	vst.idx.msk vm15, v12;
	s23 =	sadd.s32 $0x80000001, s28  }
0x51f: {  	[tilespmem:v13+s31+$0x0] =	vst.idx.msk vm15, v14;
	v12 =	vmov s23  }
.LBB2_82:
.Ltmp64:
0x520: {  	(pc) =	sbr.rel .LBB2_94-.Ltmp64, $3  }
0x521: {  	_ =	sdelay $0x1  }
0x522: {  	s8 =	smov.u32 @p1 s8  }
0x523: {  	v10 =	vpsel p1, v10, v10;
	s23 =	smov.u32 s8  }
.LBB2_84:
0x524: {  	v12 =	vmov s8;
	s23 =	smov.u32 s8  }
.LBB2_93:
0x525: {  	v12 =	vadd.s32 v2, v12;
	_ =	sdelay $0x3  }
0x526: {  	vm0 =	veq.s32 v11, v2  }
0x527: {  	v10 =	vsel vm0, s8, v10;
	[tilespmem:v12+s30+$0x0] =	vst.idx.msk $0xffff, v4  }
.LBB2_94:
0x528: {  	s1 =	sshll.u32 s17, $0x8;
	s3 =	rddreg [dreg:$0x5]  }
0x529: {  	s1 =	sadd.s32 s3, s1  }
0x52a: {  	v12 =	vmov s10;
	p3 =	sgt.u32 s1, $0xF423F  }
0x52b: {  	v63 =	vxor.u32 $0x80000000, v10;
	vm0 =	veq.s32 v12, v2;
	s3 =	simm.s32 @!p3 $0x1  }
0x52c: {  	vm15 =	veq.s32 v11, v2;
	v13 =	vnsel vm0, $0x80000000, v63;
	_ =	swait.ge @!p3 [sflag:s3], $0x4000  }
0x52d: {  	v11 =	vnsel vm15, $0x80000000, v63;
	(xrf0) =	vmax.scan.msk.u32 $0xffff, v13  }
0x52e: {  	(xrf0) =	vmax.scan.msk.u32 $0xffff, v11;
	_ =	sdelay $0x4  }
0x52f: {  	v11, _, _ =	vpop (xrf0)  }
0x530: {  	(v2sf) =	vpush v11, $0xF;
	v11, _, _ =	vpop (xrf0)  }
0x531: {  	(v2sf) =	vpush v11, $0xF;
	_ =	sdelay $0xd  }
0x532: {  	s7 =	spop (v2sf)  }
0x533: {  	s8 =	spop (v2sf)  }
0x534: {  	s8 =	sxor.u32 $0x80000000, s8  }
0x535: {  	s8 =	smov.u32 @p1 s23  }
0x536: {  	s7 =	sxor.u32 $0x80000000, s7;
	s8 =	sadd.s32 $0xF, s8  }
0x537: {  	s20 =	sshra.s32 s7, $0x1F;
	s21 =	sshra.s32 s8, $0x1F  }
0x538: {  	s10 =	sshrl.u32 s20, $0x1C;
	s17 =	sshrl.u32 s21, $0x1C  }
0x539: {  	s7 =	sadd.s32 s10, s7;
	s28 =	sadd.s32 s17, s8  }
0x53a: {  	p4 =	slt.u32 s1, $0xF4240;
	s8 =	sshra.s32 s7, $0x4;
	s17 =	sshra.s32 s28, $0x4  }
0x53b: {  	s8 =	simm.s32 @!p4 $0x0;
	s17 =	simm.s32 @!p4 $0x0  }
0x53c: {  	p4 =	sge.s32 s8, s17  }
.Ltmp65:
0x53d: {  	_ = 	snop;
	(pc) =	sbr.rel @p4 .LBB2_108-.Ltmp65, $3  }
0x53e: {  	_ =	sdelay $0x1  }
0x53f: {  	[sflag:s3] =	ssyncset.done @!p3 $0x0  }
0x540: {  	[sflag:s3] =	ssyncadd.s32 @!p3 $0xFFFFC000  }
.Ltmp66:
0x541: {  	(pc) =	sbr.rel .LBB2_96-.Ltmp66, $4  }
0x542: {  	s3 =	sadd.s32 $0xFFF0BEBF, s1  }
0x543: {  	s7 =	smin.u32 s1, $0xF4140;
	p3 =	slt.u32 s3, $0xFF;
	s3 =	smov.u32 s1  }
0x544: {  	s7 =	sadd.s32 $0x100, s7;
	s3 =	simm.s32 @p3 $0xF4140  }
0x545: {  	v11 =	vmov s1;
	v12 =	vmov s7;
	v13 =	vmov s3  }
.LBB2_102:
0x546: {  	s3 =	smov.u32 s18  }
.LBB2_106:
0x547: {  	(v2sf) =	vpush v21, $0xF  }
0x548: {  	v14 =	vor.u32 s20, v16  }
0x549: {  	v15 =	vadd.s32 v7, v17;
	_ =	sdelay $0x3  }
0x54a: {  	[tilespmem:v14+s9+$0x0] =	vst.idx.msk $0xffff, v20;
	v14 =	vor.u32 $0x20, v2  }
0x54b: {  	v15 =	vld.idx.msk [tilespmem:v15+s26+$0x0], $0xffff;
	v14 =	vor.u32 s20, v14  }
0x54c: {  	v63 =	vadd.s32 v8, v17;
	_ =	sdelay $0x3  }
0x54d: {  	[tilespmem:v14+s9+$0x0] =	vst.idx.msk $0xffff, v15;
	v14 =	vor.u32 $0x30, v2  }
0x54e: {  	v15 =	vld.idx.msk [tilespmem:v63+s26+$0x0], $0xffff;
	v14 =	vor.u32 s20, v14;
	_ =	sdelay $0x1  }
0x54f: {  	s1 =	spop (v2sf)  }
0x550: {  	s1 =	sshll.u32 s1, $0x3  }
0x551: {  	s3 =	sadd.s32 @p3 $0x80, s3;
	s1 =	sand.u32 $0x1FFFFFF8, s1  }
0x552: {  	s18 =	smov.u32 @p3 s3;
	[tilespmem:v14+s9+$0x0] =	vst.idx.msk $0xffff, v15;
	s1 =	sadd.s32 s5, s1  }
0x553: {  	[hbm4b:s1+s6] =	stream.linear.scatter [tilespmem:s18], [sflag:$0x2], $0x40, $0x38;
	[tilespmem:$0x1EB00] =	vst v63  }
.LBB2_107:
0x554: {  	p3 =	sgt.s32 s10, $0x0;
	s8 =	sadd.s32 $0x1, s8  }
0x555: {  	s10 =	simm.s32 @!p3 $0x0;
	p3 =	sne.s32 s8, s17  }
.Ltmp67:
0x556: {  	_ = 	snop;
	(pc) =	sbr.rel @!p3 .LBB2_108-.Ltmp67, $3  }
0x557: {  	_ =	sdelay $0x1  }
0x558: {  	s13 =	sadd.s32 s13, s21  }
0x559: {  	s14 =	sadd.s32 $0x1, s14;
	v9 =	vsel vm0, s13, v9;
	s12 =	sadd.s32 s12, s10  }
.LBB2_96:
0x55a: {  	s1 =	sshra.s32 s14, $0x1F  }
0x55b: {  	s1 =	sshrl.u32 s1, $0x1E  }
0x55c: {  	s1 =	sadd.s32 s1, s14  }
0x55d: {  	s1 =	sand.u32 $0xFFFFFFFC, s1  }
0x55e: {  	s3 =	ssub.s32 s14, s1  }
0x55f: {  	v14 =	vmov s3  }
0x560: {  	vm0 =	veq.s32 v14, v2;
	v14 =	vxor.u32 $0x80000000, v9  }
0x561: {  	v14 =	vnsel vm0, $0x80000000, v14  }
0x562: {  	(xrf0) =	vmax.scan.msk.u32 $0xffff, v14;
	_ =	sdelay $0x5  }
0x563: {  	v14, _, _ =	vpop (xrf0)  }
0x564: {  	(v2sf) =	vpush v14, $0xF;
	_ =	sdelay $0xe  }
0x565: {  	s28 =	spop (v2sf)  }
0x566: {  	s1 =	sxor.u32 $0x80000000, s28  }
0x567: {  	s10 =	ssub.s32 s1, s12  }
0x568: {  	p3 =	slt.s32 s10, $0x1  }
.Ltmp68:
0x569: {  	_ = 	snop;
	(pc) =	sbr.rel @p3 .LBB2_100-.Ltmp68, $4  }
0x56a: {  	_ = 	snop  }
0x56b: {  	s7 =	sshll.u32 s8, $0x4  }
0x56c: {  	v15 =	vld [tilespmem:s7+$0x8900]  }
0x56d: {  	v14 =	vld [tilespmem:s7+$0xC980]  }
0x56e: {  	p3 =	sne.s32 s10, $0x1  }
.Ltmp69:
0x56f: {  	_ = 	snop;
	(pc) =	sbr.rel @!p3 .LBB2_99-.Ltmp69, $3  }
0x570: {  	_ =	sdelay $0x1  }
0x571: {  	_ =	swait.ge [sflag:s4], $0x40  }
0x572: {  	s1 =	sadd.s32 $0xFFFFFFFF, s10;
	[sflag:s4] =	ssyncset.done $0x0  }
.LBB2_98:
0x573: {  	p3 =	sne.s32 s1, $0x1;
	s1 =	sadd.s32 $0xFFFFFFFF, s1;
	[sflag:s4] =	ssyncadd.s32 $0xFFFFFFC0  }
.Ltmp70:
0x574: {  	(pc) =	sbr.rel @p3 .LBB2_98-.Ltmp70, $3  }
0x575: {  	_ =	sdelay $0x1  }
0x576: {  	_ =	swait.ge [sflag:s4], $0x40  }
0x577: {  	[sflag:s4] =	ssyncset.done $0x0  }
.LBB2_99:
0x578: {  	[sflag:s4] =	ssyncadd.s32 $0xFFFFFFC0  }
.LBB2_100:
0x579: {  	_ =	sdelay $0x2  }
0x57a: {  	vm1 =	vge.s32 v15, v11;
	vm2 =	vlt.s32 v15, v12  }
0x57b: {  	vm1 =	vmand vm1, vm2  }
0x57c: {  	v16 =	vsel vm1, $0x1, v3  }
0x57d: {  	(xrf0) =	vadd.scan.msk.s32 $0xffff, v16;
	_ =	sdelay $0x5  }
0x57e: {  	v16, _, _ =	vpop (xrf0)  }
0x57f: {  	v17 =	vxor.u32 $0x80000000, v16  }
0x580: {  	(xrf0) =	vmax.scan.msk.u32 $0xffff, v17;
	_ =	sdelay $0x5  }
0x581: {  	v17, _, _ =	vpop (xrf0)  }
0x582: {  	(v2sf) =	vpush v17, $0xF;
	_ =	sdelay $0xe  }
0x583: {  	v16 =	vadd.s32 $0xFFFFFFFF, v16;
	s1 =	spop (v2sf)  }
0x584: {  	v16 =	vnsel vm1, $0xF, v16;
	s21 =	sxor.u32 $0x80000000, s1  }
0x585: {  	p3 =	slt.s32 s21, $0x1  }
.Ltmp71:
0x586: {  	_ = 	snop;
	(pc) =	sbr.rel @p3 .LBB2_107-.Ltmp71, $4  }
0x587: {  	_ = 	snop  }
0x588: {  	v15 =	vsub.s32 v15, v13  }
0x589: {  	[tilespmem:v16+s0+$0x0] =	vst.idx.msk vm1, v15  }
0x58a: {  	[tilespmem:v16+s2+$0x0] =	vst.idx.msk vm1, v14  }
0x58b: {  	v14 =	vld [tilespmem:$0x1EA80];
	_ =	sdelay $0x2  }
0x58c: {  	s1 =	simm.s32 $0x0  }
0x58d: {  	v15 =	vmov s1  }
0x58e: {  	vm1 =	veq.s32 v15, v2;
	v14 =	vxor.u32 $0x80000000, v14  }
0x58f: {  	v15 =	vnsel vm1, $0x80000000, v14  }
0x590: {  	(xrf0) =	vmax.scan.msk.u32 $0xffff, v15;
	_ =	sdelay $0x5  }
0x591: {  	v15, _, _ =	vpop (xrf0)  }
0x592: {  	v15 =	vbroadcast v15, $0xF;
	_ =	sdelay $0x1  }
0x593: {  	v16 =	vshll.u32 v15, $0x3  }
0x594: {  	v18 =	vld [tilespmem:$0x1EA00];
	v15 =	vand.u32 $0x7F, v15;
	v16 =	vand.u32 $0xFFFFFC00, v16  }
0x595: {  	v17 =	vor.u32 v15, v16  }
0x596: {  	v16 =	vadd.s32 v5, v17;
	_ =	sdelay $0x1  }
0x597: {  	s19 =	sshll.u32 s3, $0x4  }
0x598: {  	s20 =	sadd.s32 $0x0, s19;
	v15 =	vxor.u32 $0x80000000, v18  }
0x599: {  	s20 =	sshll.u32 s20, $0x7;
	v18 =	vnsel vm1, $0x80000000, v15  }
0x59a: {  	v19 =	vor.u32 s20, v2;
	(xrf0) =	vmax.scan.msk.u32 $0xffff, v18;
	v16 =	vld.idx.msk [tilespmem:v16+s26+$0x0], $0xffff  }
0x59b: {  	p4 =	sne.s32 s21, $0x1;
	v18 =	vadd.s32 v6, v17  }
.Ltmp72:
0x59c: {  	_ = 	snop;
	(pc) =	sbr.rel @!p4 .LBB2_102-.Ltmp72, $4  }
0x59d: {  	_ = 	snop  }
0x59e: {  	s28 =	sshll.u32 s3, $0xD  }
0x59f: {  	s1 =	sshra.s32 s28, $0x2;
	[tilespmem:v19+s9+$0x0] =	vst.idx.msk $0xffff, v16  }
0x5a0: {  	p3 =	por $0x0, $0x0;
	s18 =	sadd.s32 $0x1CA00, s1;
	s1 =	simm.s32 $0x1;
	v21, _, _ =	vpop (xrf0);
	v16 =	vor.u32 $0x10, v2;
	v20 =	vld.idx.msk [tilespmem:v18+s26+$0x0], $0xffff  }
0x5a1: {  	(v2sf) =	vpush v21, $0xF;
	v18 =	vmov s1  }
0x5a2: {  	v19 =	vor.u32 s20, v16;
	vm1 =	veq.s32 v18, v2  }
0x5a3: {  	v21 =	vadd.s32 v7, v17;
	v18 =	vnsel vm1, $0x80000000, v14  }
0x5a4: {  	(xrf0) =	vmax.scan.msk.u32 $0xffff, v18;
	_ =	sdelay $0x2  }
0x5a5: {  	v18 =	vor.u32 $0x20, v2;
	[tilespmem:v19+s9+$0x0] =	vst.idx.msk $0xffff, v20  }
0x5a6: {  	v20 =	vor.u32 s20, v18;
	v19 =	vld.idx.msk [tilespmem:v21+s26+$0x0], $0xffff  }
0x5a7: {  	v17 =	vadd.s32 v8, v17  }
0x5a8: {  	v21, _, _ =	vpop (xrf0)  }
0x5a9: {  	v21 =	vbroadcast v21, $0xF;
	_ =	sdelay $0x1  }
0x5aa: {  	[tilespmem:v20+s9+$0x0] =	vst.idx.msk $0xffff, v19;
	v19 =	vor.u32 $0x30, v2;
	v20 =	vshll.u32 v21, $0x3  }
0x5ab: {  	v22 =	vld.idx.msk [tilespmem:v17+s26+$0x0], $0xffff;
	v23 =	vor.u32 s20, v19;
	v17 =	vand.u32 $0x7F, v21;
	v20 =	vand.u32 $0xFFFFFC00, v20  }
0x5ac: {  	v17 =	vor.u32 v17, v20  }
0x5ad: {  	s28 =	spop (v2sf);
	v20 =	vadd.s32 v5, v17  }
0x5ae: {  	s1 =	sshll.u32 s28, $0x3  }
0x5af: {  	s3 =	sadd.s32 $0x1, s19;
	s1 =	sand.u32 $0x1FFFFFF8, s1  }
0x5b0: {  	s20 =	sshll.u32 s3, $0x7;
	[tilespmem:v23+s9+$0x0] =	vst.idx.msk $0xffff, v22;
	s1 =	sadd.s32 s5, s1  }
0x5b1: {  	v21 =	vnsel vm1, $0x80000000, v15;
	[hbm4b:s1+s6] =	stream.linear.scatter [tilespmem:s18], [sflag:$0x2], $0x40, $0x38;
	[tilespmem:$0x1EB00] =	vst v63  }
0x5b2: {  	(xrf0) =	vmax.scan.msk.u32 $0xffff, v21;
	v22 =	vor.u32 s20, v2;
	v20 =	vld.idx.msk [tilespmem:v20+s26+$0x0], $0xffff  }
0x5b3: {  	p4 =	sne.s32 s21, $0x2;
	v21 =	vadd.s32 v6, v17  }
.Ltmp73:
0x5b4: {  	_ = 	snop;
	(pc) =	sbr.rel @!p4 .LBB2_104-.Ltmp73, $3  }
0x5b5: {  	_ =	sdelay $0x1  }
0x5b6: {  	[tilespmem:v22+s9+$0x0] =	vst.idx.msk $0xffff, v20  }
0x5b7: {  	p3 =	por $0x1, $0x1;
	s3 =	smov.u32 s18;
	s1 =	simm.s32 $0x2;
	v20 =	vld.idx.msk [tilespmem:v21+s26+$0x0], $0xffff;
	v21, _, _ =	vpop (xrf0)  }
.LBB2_105:
0x5b8: {  	v22 =	vmov s1;
	v23 =	vor.u32 s20, v16;
	(v2sf) =	vpush v21, $0xF;
	s7 =	smov.u32 s1;
	s1 =	sadd.s32 $0x1, s1  }
0x5b9: {  	v21 =	vadd.s32 v7, v17;
	vm1 =	veq.s32 v22, v2;
	p4 =	sne.s32 s21, s1  }
0x5ba: {  	v22 =	vnsel vm1, $0x80000000, v14  }
0x5bb: {  	(xrf0) =	vmax.scan.msk.u32 $0xffff, v22;
	_ =	sdelay $0x1  }
0x5bc: {  	[tilespmem:v23+s9+$0x0] =	vst.idx.msk $0xffff, v20  }
0x5bd: {  	v20 =	vld.idx.msk [tilespmem:v21+s26+$0x0], $0xffff  }
0x5be: {  	v21 =	vor.u32 s20, v18  }
0x5bf: {  	v17 =	vadd.s32 v8, v17  }
0x5c0: {  	v22, _, _ =	vpop (xrf0)  }
0x5c1: {  	v22 =	vbroadcast v22, $0xF;
	_ =	sdelay $0x1  }
0x5c2: {  	v23 =	vshll.u32 v22, $0x3;
	[tilespmem:v21+s9+$0x0] =	vst.idx.msk $0xffff, v20  }
0x5c3: {  	v20 =	vand.u32 $0x7F, v22;
	v21 =	vand.u32 $0xFFFFFC00, v23;
	v22 =	vld.idx.msk [tilespmem:v17+s26+$0x0], $0xffff  }
0x5c4: {  	v17 =	vor.u32 v20, v21;
	v20 =	vor.u32 s20, v19  }
0x5c5: {  	v21 =	vadd.s32 v5, v17;
	s20 =	spop (v2sf)  }
0x5c6: {  	s20 =	sshll.u32 s20, $0x3  }
0x5c7: {  	s20 =	sand.u32 $0x1FFFFFF8, s20  }
0x5c8: {  	s3 =	sadd.s32 $0x80, s3;
	s7 =	sadd.s32 s19, s7;
	s20 =	sadd.s32 s5, s20  }
0x5c9: {  	[tilespmem:v20+s9+$0x0] =	vst.idx.msk $0xffff, v22;
	[hbm4b:s20+s6] =	stream.linear.scatter [tilespmem:s3], [sflag:$0x2], $0x40, $0x38  }
0x5ca: {  	s20 =	sshll.u32 s7, $0x7;
	v20 =	vld.idx.msk [tilespmem:v21+s26+$0x0], $0xffff;
	v21 =	vnsel vm1, $0x80000000, v15  }
0x5cb: {  	v22 =	vor.u32 s20, v2;
	(xrf0) =	vmax.scan.msk.u32 $0xffff, v21  }
0x5cc: {  	v21 =	vadd.s32 v6, v17  }
.Ltmp74:
0x5cd: {  	(pc) =	sbr.rel @p4 .LBB2_105-.Ltmp74, $3  }
0x5ce: {  	_ =	sdelay $0x1  }
0x5cf: {  	[tilespmem:v22+s9+$0x0] =	vst.idx.msk $0xffff, v20  }
0x5d0: {  	v20 =	vld.idx.msk [tilespmem:v21+s26+$0x0], $0xffff;
	v21, _, _ =	vpop (xrf0)  }
.Ltmp75:
0x5d1: {  	_ = 	snop;
	(pc) =	sbr.rel .LBB2_106-.Ltmp75, $1  }
0x5d2: {  	_ =	sdelay $0x3  }
.LBB2_104:
.Ltmp76:
0x5d3: {  	(pc) =	sbr.rel .LBB2_106-.Ltmp76, $2  }
0x5d4: {  	_ =	sdelay $0x2  }
0x5d5: {  	s3 =	smov.u32 s18  }
.LBB2_32:
.Ltmp77:
0x5d6: {  	(pc) =	sbr.rel .LBB2_38-.Ltmp77, $2  }
0x5d7: {  	_ =	sdelay $0x2  }
0x5d8: {  	s1 =	simm.s32 $0x4880;
	s3 =	simm.s32 $0x800  }
.LBB2_59:
.Ltmp78:
0x5d9: {  	(pc) =	sbr.rel .LBB2_65-.Ltmp78, $2  }
0x5da: {  	_ =	sdelay $0x2  }
0x5db: {  	s1 =	simm.s32 $0x4880;
	s3 =	simm.s32 $0x800  }
.LBB2_86:
.Ltmp79:
0x5dc: {  	(pc) =	sbr.rel .LBB2_92-.Ltmp79, $2  }
0x5dd: {  	_ =	sdelay $0x2  }
0x5de: {  	s1 =	simm.s32 $0x4880;
	s3 =	simm.s32 $0x800  }
.LBB2_34:
.Ltmp80:
0x5df: {  	(pc) =	sbr.rel .LBB2_38-.Ltmp80, $2  }
0x5e0: {  	_ =	sdelay $0x2  }
0x5e1: {  	s1 =	simm.s32 $0x4880;
	s3 =	simm.s32 $0x800  }
.LBB2_61:
.Ltmp81:
0x5e2: {  	(pc) =	sbr.rel .LBB2_65-.Ltmp81, $2  }
0x5e3: {  	_ =	sdelay $0x2  }
0x5e4: {  	s1 =	simm.s32 $0x4880;
	s3 =	simm.s32 $0x800  }
.LBB2_88:
.Ltmp82:
0x5e5: {  	(pc) =	sbr.rel .LBB2_92-.Ltmp82, $2  }
0x5e6: {  	_ =	sdelay $0x2  }
0x5e7: {  	s1 =	simm.s32 $0x4880;
	s3 =	simm.s32 $0x800  }
.LBB2_36:
.Ltmp83:
0x5e8: {  	(pc) =	sbr.rel .LBB2_38-.Ltmp83, $2  }
0x5e9: {  	_ =	sdelay $0x2  }
0x5ea: {  	s1 =	simm.s32 $0x4880  }
.LBB2_63:
.Ltmp84:
0x5eb: {  	(pc) =	sbr.rel .LBB2_65-.Ltmp84, $2  }
0x5ec: {  	_ =	sdelay $0x2  }
0x5ed: {  	s1 =	simm.s32 $0x4880  }
.LBB2_90:
.Ltmp85:
0x5ee: {  	(pc) =	sbr.rel .LBB2_92-.Ltmp85, $2  }
0x5ef: {  	_ =	sdelay $0x2  }
0x5f0: {  	s1 =	simm.s32 $0x4880  }
.LBB2_109:
0x5f1: {  	s1 =	ssub.s32 s13, s12  }
0x5f2: {  	p0 =	slt.s32 s1, $0x1  }
.Ltmp86:
0x5f3: {  	_ = 	snop;
	(pc) =	sbr.rel @p0 .LBB2_113-.Ltmp86, $2  }
0x5f4: {  	_ =	sdelay $0x2  }
0x5f5: {  	s12 =	simm.s32 $0x3;
	s3 =	rddreg [dreg:$0x15]  }
0x5f6: {  	p0 =	sne.s32 s1, $0x1  }
.Ltmp87:
0x5f7: {  	_ = 	snop;
	(pc) =	sbr.rel @!p0 .LBB2_112-.Ltmp87, $3  }
0x5f8: {  	_ =	sdelay $0x1  }
0x5f9: {  	_ =	swait.ge [sflag:s4], $0x40  }
0x5fa: {  	s1 =	sadd.s32 $0xFFFFFFFF, s1;
	[sflag:s4] =	ssyncset.done $0x0  }
.LBB2_111:
0x5fb: {  	p0 =	sne.s32 s1, $0x1;
	s1 =	sadd.s32 $0xFFFFFFFF, s1;
	[sflag:s4] =	ssyncadd.s32 $0xFFFFFFC0  }
.Ltmp88:
0x5fc: {  	(pc) =	sbr.rel @p0 .LBB2_111-.Ltmp88, $3  }
0x5fd: {  	_ =	sdelay $0x1  }
0x5fe: {  	_ =	swait.ge [sflag:s4], $0x40  }
0x5ff: {  	[sflag:s4] =	ssyncset.done $0x0  }
.Ltmp89:
0x600: {  	_ = 	snop;
	(pc) =	sbr.rel .LBB2_112-.Ltmp89, $1  }
0x601: {  	_ =	sdelay $0x3  }
.LBB2_19:
.Ltmp90:
0x602: {  	(pc) =	sbr.rel .LBB2_25-.Ltmp90, $2  }
0x603: {  	_ =	sdelay $0x2  }
0x604: {  	s1 =	simm.s32 $0x4880;
	s3 =	simm.s32 $0x800  }
.LBB2_21:
.Ltmp91:
0x605: {  	(pc) =	sbr.rel .LBB2_25-.Ltmp91, $2  }
0x606: {  	_ =	sdelay $0x2  }
0x607: {  	s1 =	simm.s32 $0x4880;
	s3 =	simm.s32 $0x800  }
.LBB2_23:
.Ltmp92:
0x608: {  	(pc) =	sbr.rel .LBB2_25-.Ltmp92, $2  }
0x609: {  	_ =	sdelay $0x2  }
0x60a: {  	s1 =	simm.s32 $0x4880  }
.LBB2_114:
0x60b: {  	_ =	sfence.sel $0x180000  }
0x60c: {  	[bflag:$0x0] =	sbarrier.arrive $0xFFFF  }
0x60d: {  	_ =	strace $0x90000047  }
0x60e: {  	s0 =	stileid.u32;
	[bflag:$0x2] =	sbarrier.arrive $0xFFFF  }
0x60f: {  	p0 =	sne.s32 s0, $0x0;
	s0 =	rddreg [dreg:$0x4]  }
0x610: {  	s0 =	sadd.s32 @!p0 $0x100000, s0  }
0x611: {  	[sflag:s0] =	ssyncadd.tile.s32 @!p0 $0x1;
	_ =	shalt  }
.Lfunc_end2:
_tile_overlayer_lowered:
.L_overlay_start_2:
0x612: {  	(tag) =	ssettag $0x2  }
0x613: {  	s0 =	rddreg [dreg:$0x0];
	s2 =	stileid.u32  }
0x614: {  	s1 =	rddreg [dreg:$0x1];
	p0 =	sne.s32 s2, $0x0  }
0x615: {  	s3 =	rddreg [dreg:$0x2];
	[bflag:$0x3] =	sbarrier.arrive $0xFFFF;
	s2 =	simm.s32 @!p0 $0x1C03  }
0x616: {  	[timem:s3], [sflag:s2] =	dma.local @!p0 [hbm:s0], s1  }
0x617: {  	s0 =	simm.s32 @!p0 $0x3  }
0x618: {  	_ =	swait.ge @!p0 [sflag:s0], s1  }
0x619: {  	s1 =	ssub.s32 @!p0 $0x0, s1;
	[sflag:s0] =	ssyncset.done @!p0 $0x0  }
0x61a: {  	[sflag:s0] =	ssyncadd.s32 @!p0 s1  }
0x61b: {  	[bflag:$0x3] =	sbarrier.arrive $0xFFFF  }
0x61c: {  	_ =	shalt  }

</sc_bundles>
